<compile_context>
chip_gen: v7x
topology: tpu7x:2x2x1
jax: 0.10.2.dev20260603
libtpu: 0.0.44.dev20260713+nightly
codegen_flags: <defaults>
</compile_context>

<pallas_src>
import functools

import jax
import jax.numpy as jnp
from jax import lax
from jax.experimental import pallas as pl
from jax.experimental.pallas import tpu as pltpu
from jax.experimental.pallas import tpu_sc as plsc

VOCAB = 100000
DIM = 64
CHUNK = 128
NBUF = 8
R = DIM // 8


def _make_lookup(batch: int, seq: int):
  info = plsc.get_sparse_core_info()
  nc, ns = info.num_cores, info.num_subcores
  nw = nc * ns
  assert batch % (nw * CHUNK) == 0 or batch == nw * CHUNK
  nchunks = batch // CHUNK
  assert nchunks == nw
  steps = seq

  mesh = plsc.VectorSubcoreMesh(core_axis_name="c", subcore_axis_name="s")

  @functools.partial(
      pl.kernel,
      mesh=mesh,
      compiler_params=pltpu.CompilerParams(use_tc_tiling_on_sc=False, needs_layout_passes=False),
      out_type=jax.ShapeDtypeStruct((steps, R, nchunks, 8, CHUNK), jnp.float32),
      scratch_types=[
          pltpu.VMEM((steps, CHUNK), jnp.int32),
          pltpu.VMEM((NBUF * CHUNK, DIM), jnp.float32),
          pltpu.VMEM((2, R, 1, 8, CHUNK), jnp.float32),
          pltpu.SemaphoreType.DMA,
          pltpu.SemaphoreType.DMA,
      ],
  )
  def lookup_kernel(xt_hbm, table_hbm, out_hbm, idx_v, rows_v, trans_v, gsem, osem):
    w = lax.axis_index("s") * nc + lax.axis_index("c")
    pltpu.sync_copy(xt_hbm.at[:, pl.ds(w * CHUNK, CHUNK)], idx_v)

    iota16 = lax.iota(jnp.int32, 16)

    def start_gather(s):
      buf = lax.rem(s, NBUF)
      pltpu.async_copy(
          table_hbm.at[idx_v.at[s]],
          rows_v.at[pl.ds(buf * CHUNK, CHUNK)],
          gsem,
      )

    def wait_gather():
      pltpu.make_async_copy(
          table_hbm.at[pl.ds(0, CHUNK)],
          rows_v.at[pl.ds(0, CHUNK)],
          gsem,
      ).wait()

    def wait_out():
      pltpu.make_async_copy(
          trans_v.at[0],
          out_hbm.at[pl.ds(0, 1), :, pl.ds(0, 1)],
          osem,
      ).wait()

    rvecs = [2 * k + iota16 // 8 for k in range(DIM // 16)]
    ddvec = iota16 % 8
    zero16 = jnp.zeros((16,), jnp.int32)
    perms = [(iota16 + c) % 16 for c in range(16)]
    cidxs = [16 * k + iota16 for k in range(DIM // 16)]

    def transpose_and_store(s):
      buf = lax.rem(s, NBUF)
      tb = lax.rem(s, 2)
      base = buf * CHUNK
      tbv = jnp.broadcast_to(tb, (16,))
      basev = jnp.broadcast_to(base, (16,))

      def per_g(g, carry):
        g16 = jnp.broadcast_to(16 * g, (16,))
        for c in range(16):
          bbv = g16 + perms[c]
          ridx = basev + bbv
          for k in range(DIM // 16):
            v = plsc.load_gather(rows_v, [ridx, cidxs[k]])
            plsc.store_scatter(trans_v, [tbv, rvecs[k], zero16, ddvec, bbv], v)
        return carry

      lax.fori_loop(0, CHUNK // 16, per_g, 0)
      pltpu.async_copy(
          trans_v.at[tb],
          out_hbm.at[s, :, pl.ds(w, 1)],
          osem,
      )

    for s in range(NBUF):
      start_gather(s)

    def step_head(s, carry):
      wait_gather()
      transpose_and_store(s)
      start_gather(s + NBUF)
      return carry

    def step_main(s, carry):
      wait_out()
      wait_gather()
      transpose_and_store(s)
      start_gather(s + NBUF)
      return carry

    def step_tail(s, carry):
      wait_out()
      wait_gather()
      transpose_and_store(s)
      return carry

    lax.fori_loop(0, 2, step_head, 0)
    lax.fori_loop(2, steps - NBUF, step_main, 0)
    lax.fori_loop(steps - NBUF, steps, step_tail, 0)
    wait_out()
    wait_out()

  return lookup_kernel


def kernel(x, table):
  b, s = x.shape
  xt = jnp.transpose(x)
  out5 = _make_lookup(b, s)(xt, table)
  return out5.transpose(2, 4, 0, 1, 3).reshape(b, s, DIM)

# --- scband reference (transcript-rebuilt; emitter-appended) ---
"""Pipeline reference for scband-embeddings-71528385348208 (READ-ONLY COPY).

The authoritative reference and input builder live on the scoring server;
editing this copy changes nothing except your own understanding.
"""

import jax, jax.numpy as jnp
import numpy as np

VOCAB = 100000
DIM = 64
PAD = 0


def setup_inputs(seed: int = 0) -> dict:
    key = jax.random.key(seed)
    k1, k2 = jax.random.split(key)
    x = jax.random.randint(k1, (4096, 50), 0, VOCAB, dtype=jnp.int32)
    table = jax.random.normal(k2, (VOCAB, DIM), dtype=jnp.float32) * 0.02
    # padding_idx row is initialized to zero in torch nn.Embedding
    table = table.at[PAD].set(0.0)
    return {"x": x, "table": table}


def reference(x, table):
    # nn.Embedding forward == row gather from the table
    return jnp.take(table, x, axis=0)

if __name__ == "__main__":
    import jax
    _d = setup_inputs()
    print(jax.jit(kernel)(*tuple(_d.values())))

</pallas_src>

<mosaic_0001>
#map = affine_map<(d0, d1) -> (0, 0)>
#map1 = affine_map<(d0, d1) -> (0, 0, 0, 0, 0)>
module attributes {stable_mosaic.version = 14 : i64} {
  func.func @lookup_kernel(%arg0: i32, %arg1: i32, %arg2: memref<50x4096xi32, #tpu.memory_space<hbm>>, %arg3: memref<100000x64xf32, #tpu.memory_space<hbm>>, %arg4: memref<50x8x32x8x128xf32, #tpu.memory_space<hbm>>, %arg5: memref<50x128xi32, #tpu.memory_space<vmem>>, %arg6: memref<1024x64xf32, #tpu.memory_space<vmem>>, %arg7: memref<2x8x1x8x128xf32, #tpu.memory_space<vmem>>, %arg8: memref<!tpu.dma_semaphore, #tpu.memory_space<semaphore_mem>>, %arg9: memref<!tpu.dma_semaphore, #tpu.memory_space<semaphore_mem>>) attributes {dimension_semantics = [#tpu.dimension_semantics<core_parallel>, #tpu.dimension_semantics<subcore_parallel>], iteration_bounds = array<i64: 2, 16>, scalar_prefetch = 0 : i64, scratch_operands = 5 : i64, tpu.core_type = #tpu.core_type<sc_vector_subcore>, window_params = [{transform_indices = #map}, {transform_indices = #map}, {transform_indices = #map1}]} {
    %mul3A = arith.constant 2 : i32
    %mul3A_0 = arith.muli %arg1, %mul3A : i32
    %add3A = arith.addi %mul3A_0, %arg0 : i32
    %mul3A_1 = arith.constant 128 : i32
    %mul3A_2 = arith.muli %add3A, %mul3A_1 : i32
    "tpu.region"() ({
      %run_scoped3A = tpu.sem_alloc : memref<!tpu.dma_semaphore, #tpu.memory_space<semaphore_mem>>
      %dma_start3A_741 = arith.constant 0 : i32
      %dma_start3A_742 = tpu.memref_slice %arg2[%dma_start3A_741, %mul3A_2] : memref<50x4096xi32, #tpu.memory_space<hbm>> -> memref<50x128xi32, #tpu.memory_space<hbm>>
      %dma_start3A_743 = arith.constant 0 : i32
      %dma_start3A_744 = tpu.memref_slice %arg2[%dma_start3A_743, %mul3A_2] : memref<50x4096xi32, #tpu.memory_space<hbm>> -> memref<50x128xi32, #tpu.memory_space<hbm>>
      tpu.enqueue_dma source(%dma_start3A_744 : memref<50x128xi32, #tpu.memory_space<hbm>>) target(%arg5 : memref<50x128xi32, #tpu.memory_space<vmem>>) target_semaphore(%run_scoped3A : memref<!tpu.dma_semaphore, #tpu.memory_space<semaphore_mem>>)
      %dma_wait3A_745 = arith.constant 0 : i32
      %dma_wait3A_746 = tpu.memref_slice %arg2[%dma_wait3A_745, %mul3A_2] : memref<50x4096xi32, #tpu.memory_space<hbm>> -> memref<50x128xi32, #tpu.memory_space<hbm>>
      %dma_wait3A_747 = arith.constant 0 : i32
      %dma_wait3A_748 = tpu.memref_slice %arg2[%dma_wait3A_747, %mul3A_2] : memref<50x4096xi32, #tpu.memory_space<hbm>> -> memref<50x128xi32, #tpu.memory_space<hbm>>
      tpu.wait_dma2 semaphore(%run_scoped3A : memref<!tpu.dma_semaphore, #tpu.memory_space<semaphore_mem>>) src(%dma_wait3A_748 : memref<50x128xi32, #tpu.memory_space<hbm>>) dst(%arg5 : memref<50x128xi32, #tpu.memory_space<vmem>>)
      tpu.yield
    }) : () -> ()
    %iota3A = tpu.iota {dimensions = array<i32: 0>} : vector<16xi32>
    %jit3A = arith.constant 8 : i32
    %div3A = vector.broadcast %jit3A : i32 to vector<16xi32>
    %div3A_3 = arith.divsi %iota3A, %div3A : vector<16xi32>
    %sign3A = arith.constant 0 : i32
    %sign3A_4 = vector.broadcast %sign3A : i32 to vector<16xi32>
    %sign3A_5 = arith.cmpi sgt, %iota3A, %sign3A_4 : vector<16xi32>
    %sign3A_6 = arith.extui %sign3A_5 : vector<16xi1> to vector<16xi32>
    %sign3A_7 = arith.constant 0 : i32
    %sign3A_8 = vector.broadcast %sign3A_7 : i32 to vector<16xi32>
    %sign3A_9 = arith.cmpi slt, %iota3A, %sign3A_8 : vector<16xi32>
    %sign3A_10 = arith.extui %sign3A_9 : vector<16xi1> to vector<16xi32>
    %sign3A_11 = arith.subi %sign3A_6, %sign3A_10 : vector<16xi32>
    %sign3A_12 = arith.constant 0 : i32
    %sign3A_13 = arith.cmpi sgt, %jit3A, %sign3A_12 : i32
    %sign3A_14 = arith.extui %sign3A_13 : i1 to i32
    %sign3A_15 = arith.constant 0 : i32
    %sign3A_16 = arith.cmpi slt, %jit3A, %sign3A_15 : i32
    %sign3A_17 = arith.extui %sign3A_16 : i1 to i32
    %sign3A_18 = arith.subi %sign3A_14, %sign3A_17 : i32
    %ne3A = vector.broadcast %sign3A_18 : i32 to vector<16xi32>
    %ne3A_19 = arith.cmpi ne, %sign3A_11, %ne3A : vector<16xi32>
    %rem3A = vector.broadcast %jit3A : i32 to vector<16xi32>
    %rem3A_20 = arith.remsi %iota3A, %rem3A : vector<16xi32>
    %ne3A_21 = arith.constant 0 : i32
    %ne3A_22 = vector.broadcast %ne3A_21 : i32 to vector<16xi32>
    %ne3A_23 = arith.cmpi ne, %rem3A_20, %ne3A_22 : vector<16xi32>
    %and3A = arith.andi %ne3A_19, %ne3A_23 : vector<16xi1>
    %sub3A = arith.constant 1 : i32
    %sub3A_24 = vector.broadcast %sub3A : i32 to vector<16xi32>
    %sub3A_25 = arith.subi %div3A_3, %sub3A_24 : vector<16xi32>
    %select_n3A = arith.select %and3A, %sub3A_25, %div3A_3 : vector<16xi1>, vector<16xi32>
    %add3A_26 = arith.constant 0 : i32
    %add3A_27 = vector.broadcast %add3A_26 : i32 to vector<16xi32>
    %add3A_28 = arith.addi %add3A_27, %select_n3A : vector<16xi32>
    %jit3A_29 = arith.constant 8 : i32
    %div3A_30 = vector.broadcast %jit3A_29 : i32 to vector<16xi32>
    %div3A_31 = arith.divsi %iota3A, %div3A_30 : vector<16xi32>
    %sign3A_32 = arith.constant 0 : i32
    %sign3A_33 = vector.broadcast %sign3A_32 : i32 to vector<16xi32>
    %sign3A_34 = arith.cmpi sgt, %iota3A, %sign3A_33 : vector<16xi32>
    %sign3A_35 = arith.extui %sign3A_34 : vector<16xi1> to vector<16xi32>
    %sign3A_36 = arith.constant 0 : i32
    %sign3A_37 = vector.broadcast %sign3A_36 : i32 to vector<16xi32>
    %sign3A_38 = arith.cmpi slt, %iota3A, %sign3A_37 : vector<16xi32>
    %sign3A_39 = arith.extui %sign3A_38 : vector<16xi1> to vector<16xi32>
    %sign3A_40 = arith.subi %sign3A_35, %sign3A_39 : vector<16xi32>
    %sign3A_41 = arith.constant 0 : i32
    %sign3A_42 = arith.cmpi sgt, %jit3A_29, %sign3A_41 : i32
    %sign3A_43 = arith.extui %sign3A_42 : i1 to i32
    %sign3A_44 = arith.constant 0 : i32
    %sign3A_45 = arith.cmpi slt, %jit3A_29, %sign3A_44 : i32
    %sign3A_46 = arith.extui %sign3A_45 : i1 to i32
    %sign3A_47 = arith.subi %sign3A_43, %sign3A_46 : i32
    %ne3A_48 = vector.broadcast %sign3A_47 : i32 to vector<16xi32>
    %ne3A_49 = arith.cmpi ne, %sign3A_40, %ne3A_48 : vector<16xi32>
    %rem3A_50 = vector.broadcast %jit3A_29 : i32 to vector<16xi32>
    %rem3A_51 = arith.remsi %iota3A, %rem3A_50 : vector<16xi32>
    %ne3A_52 = arith.constant 0 : i32
    %ne3A_53 = vector.broadcast %ne3A_52 : i32 to vector<16xi32>
    %ne3A_54 = arith.cmpi ne, %rem3A_51, %ne3A_53 : vector<16xi32>
    %and3A_55 = arith.andi %ne3A_49, %ne3A_54 : vector<16xi1>
    %sub3A_56 = arith.constant 1 : i32
    %sub3A_57 = vector.broadcast %sub3A_56 : i32 to vector<16xi32>
    %sub3A_58 = arith.subi %div3A_31, %sub3A_57 : vector<16xi32>
    %select_n3A_59 = arith.select %and3A_55, %sub3A_58, %div3A_31 : vector<16xi1>, vector<16xi32>
    %add3A_60 = arith.constant 2 : i32
    %add3A_61 = vector.broadcast %add3A_60 : i32 to vector<16xi32>
    %add3A_62 = arith.addi %add3A_61, %select_n3A_59 : vector<16xi32>
    %jit3A_63 = arith.constant 8 : i32
    %div3A_64 = vector.broadcast %jit3A_63 : i32 to vector<16xi32>
    %div3A_65 = arith.divsi %iota3A, %div3A_64 : vector<16xi32>
    %sign3A_66 = arith.constant 0 : i32
    %sign3A_67 = vector.broadcast %sign3A_66 : i32 to vector<16xi32>
    %sign3A_68 = arith.cmpi sgt, %iota3A, %sign3A_67 : vector<16xi32>
    %sign3A_69 = arith.extui %sign3A_68 : vector<16xi1> to vector<16xi32>
    %sign3A_70 = arith.constant 0 : i32
    %sign3A_71 = vector.broadcast %sign3A_70 : i32 to vector<16xi32>
    %sign3A_72 = arith.cmpi slt, %iota3A, %sign3A_71 : vector<16xi32>
    %sign3A_73 = arith.extui %sign3A_72 : vector<16xi1> to vector<16xi32>
    %sign3A_74 = arith.subi %sign3A_69, %sign3A_73 : vector<16xi32>
    %sign3A_75 = arith.constant 0 : i32
    %sign3A_76 = arith.cmpi sgt, %jit3A_63, %sign3A_75 : i32
    %sign3A_77 = arith.extui %sign3A_76 : i1 to i32
    %sign3A_78 = arith.constant 0 : i32
    %sign3A_79 = arith.cmpi slt, %jit3A_63, %sign3A_78 : i32
    %sign3A_80 = arith.extui %sign3A_79 : i1 to i32
    %sign3A_81 = arith.subi %sign3A_77, %sign3A_80 : i32
    %ne3A_82 = vector.broadcast %sign3A_81 : i32 to vector<16xi32>
    %ne3A_83 = arith.cmpi ne, %sign3A_74, %ne3A_82 : vector<16xi32>
    %rem3A_84 = vector.broadcast %jit3A_63 : i32 to vector<16xi32>
    %rem3A_85 = arith.remsi %iota3A, %rem3A_84 : vector<16xi32>
    %ne3A_86 = arith.constant 0 : i32
    %ne3A_87 = vector.broadcast %ne3A_86 : i32 to vector<16xi32>
    %ne3A_88 = arith.cmpi ne, %rem3A_85, %ne3A_87 : vector<16xi32>
    %and3A_89 = arith.andi %ne3A_83, %ne3A_88 : vector<16xi1>
    %sub3A_90 = arith.constant 1 : i32
    %sub3A_91 = vector.broadcast %sub3A_90 : i32 to vector<16xi32>
    %sub3A_92 = arith.subi %div3A_65, %sub3A_91 : vector<16xi32>
    %select_n3A_93 = arith.select %and3A_89, %sub3A_92, %div3A_65 : vector<16xi1>, vector<16xi32>
    %add3A_94 = arith.constant 4 : i32
    %add3A_95 = vector.broadcast %add3A_94 : i32 to vector<16xi32>
    %add3A_96 = arith.addi %add3A_95, %select_n3A_93 : vector<16xi32>
    %jit3A_97 = arith.constant 8 : i32
    %div3A_98 = vector.broadcast %jit3A_97 : i32 to vector<16xi32>
    %div3A_99 = arith.divsi %iota3A, %div3A_98 : vector<16xi32>
    %sign3A_100 = arith.constant 0 : i32
    %sign3A_101 = vector.broadcast %sign3A_100 : i32 to vector<16xi32>
    %sign3A_102 = arith.cmpi sgt, %iota3A, %sign3A_101 : vector<16xi32>
    %sign3A_103 = arith.extui %sign3A_102 : vector<16xi1> to vector<16xi32>
    %sign3A_104 = arith.constant 0 : i32
    %sign3A_105 = vector.broadcast %sign3A_104 : i32 to vector<16xi32>
    %sign3A_106 = arith.cmpi slt, %iota3A, %sign3A_105 : vector<16xi32>
    %sign3A_107 = arith.extui %sign3A_106 : vector<16xi1> to vector<16xi32>
    %sign3A_108 = arith.subi %sign3A_103, %sign3A_107 : vector<16xi32>
    %sign3A_109 = arith.constant 0 : i32
    %sign3A_110 = arith.cmpi sgt, %jit3A_97, %sign3A_109 : i32
    %sign3A_111 = arith.extui %sign3A_110 : i1 to i32
    %sign3A_112 = arith.constant 0 : i32
    %sign3A_113 = arith.cmpi slt, %jit3A_97, %sign3A_112 : i32
    %sign3A_114 = arith.extui %sign3A_113 : i1 to i32
    %sign3A_115 = arith.subi %sign3A_111, %sign3A_114 : i32
    %ne3A_116 = vector.broadcast %sign3A_115 : i32 to vector<16xi32>
    %ne3A_117 = arith.cmpi ne, %sign3A_108, %ne3A_116 : vector<16xi32>
    %rem3A_118 = vector.broadcast %jit3A_97 : i32 to vector<16xi32>
    %rem3A_119 = arith.remsi %iota3A, %rem3A_118 : vector<16xi32>
    %ne3A_120 = arith.constant 0 : i32
    %ne3A_121 = vector.broadcast %ne3A_120 : i32 to vector<16xi32>
    %ne3A_122 = arith.cmpi ne, %rem3A_119, %ne3A_121 : vector<16xi32>
    %and3A_123 = arith.andi %ne3A_117, %ne3A_122 : vector<16xi1>
    %sub3A_124 = arith.constant 1 : i32
    %sub3A_125 = vector.broadcast %sub3A_124 : i32 to vector<16xi32>
    %sub3A_126 = arith.subi %div3A_99, %sub3A_125 : vector<16xi32>
    %select_n3A_127 = arith.select %and3A_123, %sub3A_126, %div3A_99 : vector<16xi1>, vector<16xi32>
    %add3A_128 = arith.constant 6 : i32
    %add3A_129 = vector.broadcast %add3A_128 : i32 to vector<16xi32>
    %add3A_130 = arith.addi %add3A_129, %select_n3A_127 : vector<16xi32>
    %jit3A_131 = arith.constant 8 : i32
    %eq3A = arith.constant 0 : i32
    %eq3A_132 = arith.cmpi eq, %jit3A_131, %eq3A : i32
    %jit3A_133 = arith.constant 1 : i32
    %select_n3A_134 = arith.select %eq3A_132, %jit3A_133, %jit3A_131 : i32
    %rem3A_135 = vector.broadcast %select_n3A_134 : i32 to vector<16xi32>
    %rem3A_136 = arith.remsi %iota3A, %rem3A_135 : vector<16xi32>
    %ne3A_137 = arith.constant 0 : i32
    %ne3A_138 = vector.broadcast %ne3A_137 : i32 to vector<16xi32>
    %ne3A_139 = arith.cmpi ne, %rem3A_136, %ne3A_138 : vector<16xi32>
    %lt3A = arith.constant 0 : i32
    %lt3A_140 = vector.broadcast %lt3A : i32 to vector<16xi32>
    %lt3A_141 = arith.cmpi slt, %rem3A_136, %lt3A_140 : vector<16xi32>
    %lt3A_142 = arith.constant 0 : i32
    %lt3A_143 = arith.cmpi slt, %select_n3A_134, %lt3A_142 : i32
    %ne3A_144 = vector.broadcast %lt3A_143 : i1 to vector<16xi1>
    %ne3A_145 = vector.broadcast %ne3A_144 : vector<16xi1> to vector<16xi1>
    %ne3A_146 = arith.xori %lt3A_141, %ne3A_145 : vector<16xi1>
    %and3A_147 = arith.andi %ne3A_146, %ne3A_139 : vector<16xi1>
    %add3A_148 = vector.broadcast %select_n3A_134 : i32 to vector<16xi32>
    %add3A_149 = arith.addi %rem3A_136, %add3A_148 : vector<16xi32>
    %select_n3A_150 = arith.select %and3A_147, %add3A_149, %rem3A_136 : vector<16xi1>, vector<16xi32>
    %broadcast_in_dim3A = arith.constant 0 : i32
    %broadcast_in_dim3A_151 = vector.broadcast %broadcast_in_dim3A : i32 to vector<16xi32>
    %add3A_152 = arith.constant 0 : i32
    %add3A_153 = vector.broadcast %add3A_152 : i32 to vector<16xi32>
    %add3A_154 = arith.addi %iota3A, %add3A_153 : vector<16xi32>
    %jit3A_155 = arith.constant 16 : i32
    %eq3A_156 = arith.constant 0 : i32
    %eq3A_157 = arith.cmpi eq, %jit3A_155, %eq3A_156 : i32
    %jit3A_158 = arith.constant 1 : i32
    %select_n3A_159 = arith.select %eq3A_157, %jit3A_158, %jit3A_155 : i32
    %rem3A_160 = vector.broadcast %select_n3A_159 : i32 to vector<16xi32>
    %rem3A_161 = arith.remsi %add3A_154, %rem3A_160 : vector<16xi32>
    %ne3A_162 = arith.constant 0 : i32
    %ne3A_163 = vector.broadcast %ne3A_162 : i32 to vector<16xi32>
    %ne3A_164 = arith.cmpi ne, %rem3A_161, %ne3A_163 : vector<16xi32>
    %lt3A_165 = arith.constant 0 : i32
    %lt3A_166 = vector.broadcast %lt3A_165 : i32 to vector<16xi32>
    %lt3A_167 = arith.cmpi slt, %rem3A_161, %lt3A_166 : vector<16xi32>
    %lt3A_168 = arith.constant 0 : i32
    %lt3A_169 = arith.cmpi slt, %select_n3A_159, %lt3A_168 : i32
    %ne3A_170 = vector.broadcast %lt3A_169 : i1 to vector<16xi1>
    %ne3A_171 = vector.broadcast %ne3A_170 : vector<16xi1> to vector<16xi1>
    %ne3A_172 = arith.xori %lt3A_167, %ne3A_171 : vector<16xi1>
    %and3A_173 = arith.andi %ne3A_172, %ne3A_164 : vector<16xi1>
    %add3A_174 = vector.broadcast %select_n3A_159 : i32 to vector<16xi32>
    %add3A_175 = arith.addi %rem3A_161, %add3A_174 : vector<16xi32>
    %select_n3A_176 = arith.select %and3A_173, %add3A_175, %rem3A_161 : vector<16xi1>, vector<16xi32>
    %add3A_177 = arith.constant 1 : i32
    %add3A_178 = vector.broadcast %add3A_177 : i32 to vector<16xi32>
    %add3A_179 = arith.addi %iota3A, %add3A_178 : vector<16xi32>
    %jit3A_180 = arith.constant 16 : i32
    %eq3A_181 = arith.constant 0 : i32
    %eq3A_182 = arith.cmpi eq, %jit3A_180, %eq3A_181 : i32
    %jit3A_183 = arith.constant 1 : i32
    %select_n3A_184 = arith.select %eq3A_182, %jit3A_183, %jit3A_180 : i32
    %rem3A_185 = vector.broadcast %select_n3A_184 : i32 to vector<16xi32>
    %rem3A_186 = arith.remsi %add3A_179, %rem3A_185 : vector<16xi32>
    %ne3A_187 = arith.constant 0 : i32
    %ne3A_188 = vector.broadcast %ne3A_187 : i32 to vector<16xi32>
    %ne3A_189 = arith.cmpi ne, %rem3A_186, %ne3A_188 : vector<16xi32>
    %lt3A_190 = arith.constant 0 : i32
    %lt3A_191 = vector.broadcast %lt3A_190 : i32 to vector<16xi32>
    %lt3A_192 = arith.cmpi slt, %rem3A_186, %lt3A_191 : vector<16xi32>
    %lt3A_193 = arith.constant 0 : i32
    %lt3A_194 = arith.cmpi slt, %select_n3A_184, %lt3A_193 : i32
    %ne3A_195 = vector.broadcast %lt3A_194 : i1 to vector<16xi1>
    %ne3A_196 = vector.broadcast %ne3A_195 : vector<16xi1> to vector<16xi1>
    %ne3A_197 = arith.xori %lt3A_192, %ne3A_196 : vector<16xi1>
    %and3A_198 = arith.andi %ne3A_197, %ne3A_189 : vector<16xi1>
    %add3A_199 = vector.broadcast %select_n3A_184 : i32 to vector<16xi32>
    %add3A_200 = arith.addi %rem3A_186, %add3A_199 : vector<16xi32>
    %select_n3A_201 = arith.select %and3A_198, %add3A_200, %rem3A_186 : vector<16xi1>, vector<16xi32>
    %add3A_202 = arith.constant 2 : i32
    %add3A_203 = vector.broadcast %add3A_202 : i32 to vector<16xi32>
    %add3A_204 = arith.addi %iota3A, %add3A_203 : vector<16xi32>
    %jit3A_205 = arith.constant 16 : i32
    %eq3A_206 = arith.constant 0 : i32
    %eq3A_207 = arith.cmpi eq, %jit3A_205, %eq3A_206 : i32
    %jit3A_208 = arith.constant 1 : i32
    %select_n3A_209 = arith.select %eq3A_207, %jit3A_208, %jit3A_205 : i32
    %rem3A_210 = vector.broadcast %select_n3A_209 : i32 to vector<16xi32>
    %rem3A_211 = arith.remsi %add3A_204, %rem3A_210 : vector<16xi32>
    %ne3A_212 = arith.constant 0 : i32
    %ne3A_213 = vector.broadcast %ne3A_212 : i32 to vector<16xi32>
    %ne3A_214 = arith.cmpi ne, %rem3A_211, %ne3A_213 : vector<16xi32>
    %lt3A_215 = arith.constant 0 : i32
    %lt3A_216 = vector.broadcast %lt3A_215 : i32 to vector<16xi32>
    %lt3A_217 = arith.cmpi slt, %rem3A_211, %lt3A_216 : vector<16xi32>
    %lt3A_218 = arith.constant 0 : i32
    %lt3A_219 = arith.cmpi slt, %select_n3A_209, %lt3A_218 : i32
    %ne3A_220 = vector.broadcast %lt3A_219 : i1 to vector<16xi1>
    %ne3A_221 = vector.broadcast %ne3A_220 : vector<16xi1> to vector<16xi1>
    %ne3A_222 = arith.xori %lt3A_217, %ne3A_221 : vector<16xi1>
    %and3A_223 = arith.andi %ne3A_222, %ne3A_214 : vector<16xi1>
    %add3A_224 = vector.broadcast %select_n3A_209 : i32 to vector<16xi32>
    %add3A_225 = arith.addi %rem3A_211, %add3A_224 : vector<16xi32>
    %select_n3A_226 = arith.select %and3A_223, %add3A_225, %rem3A_211 : vector<16xi1>, vector<16xi32>
    %add3A_227 = arith.constant 3 : i32
    %add3A_228 = vector.broadcast %add3A_227 : i32 to vector<16xi32>
    %add3A_229 = arith.addi %iota3A, %add3A_228 : vector<16xi32>
    %jit3A_230 = arith.constant 16 : i32
    %eq3A_231 = arith.constant 0 : i32
    %eq3A_232 = arith.cmpi eq, %jit3A_230, %eq3A_231 : i32
    %jit3A_233 = arith.constant 1 : i32
    %select_n3A_234 = arith.select %eq3A_232, %jit3A_233, %jit3A_230 : i32
    %rem3A_235 = vector.broadcast %select_n3A_234 : i32 to vector<16xi32>
    %rem3A_236 = arith.remsi %add3A_229, %rem3A_235 : vector<16xi32>
    %ne3A_237 = arith.constant 0 : i32
    %ne3A_238 = vector.broadcast %ne3A_237 : i32 to vector<16xi32>
    %ne3A_239 = arith.cmpi ne, %rem3A_236, %ne3A_238 : vector<16xi32>
    %lt3A_240 = arith.constant 0 : i32
    %lt3A_241 = vector.broadcast %lt3A_240 : i32 to vector<16xi32>
    %lt3A_242 = arith.cmpi slt, %rem3A_236, %lt3A_241 : vector<16xi32>
    %lt3A_243 = arith.constant 0 : i32
    %lt3A_244 = arith.cmpi slt, %select_n3A_234, %lt3A_243 : i32
    %ne3A_245 = vector.broadcast %lt3A_244 : i1 to vector<16xi1>
    %ne3A_246 = vector.broadcast %ne3A_245 : vector<16xi1> to vector<16xi1>
    %ne3A_247 = arith.xori %lt3A_242, %ne3A_246 : vector<16xi1>
    %and3A_248 = arith.andi %ne3A_247, %ne3A_239 : vector<16xi1>
    %add3A_249 = vector.broadcast %select_n3A_234 : i32 to vector<16xi32>
    %add3A_250 = arith.addi %rem3A_236, %add3A_249 : vector<16xi32>
    %select_n3A_251 = arith.select %and3A_248, %add3A_250, %rem3A_236 : vector<16xi1>, vector<16xi32>
    %add3A_252 = arith.constant 4 : i32
    %add3A_253 = vector.broadcast %add3A_252 : i32 to vector<16xi32>
    %add3A_254 = arith.addi %iota3A, %add3A_253 : vector<16xi32>
    %jit3A_255 = arith.constant 16 : i32
    %eq3A_256 = arith.constant 0 : i32
    %eq3A_257 = arith.cmpi eq, %jit3A_255, %eq3A_256 : i32
    %jit3A_258 = arith.constant 1 : i32
    %select_n3A_259 = arith.select %eq3A_257, %jit3A_258, %jit3A_255 : i32
    %rem3A_260 = vector.broadcast %select_n3A_259 : i32 to vector<16xi32>
    %rem3A_261 = arith.remsi %add3A_254, %rem3A_260 : vector<16xi32>
    %ne3A_262 = arith.constant 0 : i32
    %ne3A_263 = vector.broadcast %ne3A_262 : i32 to vector<16xi32>
    %ne3A_264 = arith.cmpi ne, %rem3A_261, %ne3A_263 : vector<16xi32>
    %lt3A_265 = arith.constant 0 : i32
    %lt3A_266 = vector.broadcast %lt3A_265 : i32 to vector<16xi32>
    %lt3A_267 = arith.cmpi slt, %rem3A_261, %lt3A_266 : vector<16xi32>
    %lt3A_268 = arith.constant 0 : i32
    %lt3A_269 = arith.cmpi slt, %select_n3A_259, %lt3A_268 : i32
    %ne3A_270 = vector.broadcast %lt3A_269 : i1 to vector<16xi1>
    %ne3A_271 = vector.broadcast %ne3A_270 : vector<16xi1> to vector<16xi1>
    %ne3A_272 = arith.xori %lt3A_267, %ne3A_271 : vector<16xi1>
    %and3A_273 = arith.andi %ne3A_272, %ne3A_264 : vector<16xi1>
    %add3A_274 = vector.broadcast %select_n3A_259 : i32 to vector<16xi32>
    %add3A_275 = arith.addi %rem3A_261, %add3A_274 : vector<16xi32>
    %select_n3A_276 = arith.select %and3A_273, %add3A_275, %rem3A_261 : vector<16xi1>, vector<16xi32>
    %add3A_277 = arith.constant 5 : i32
    %add3A_278 = vector.broadcast %add3A_277 : i32 to vector<16xi32>
    %add3A_279 = arith.addi %iota3A, %add3A_278 : vector<16xi32>
    %jit3A_280 = arith.constant 16 : i32
    %eq3A_281 = arith.constant 0 : i32
    %eq3A_282 = arith.cmpi eq, %jit3A_280, %eq3A_281 : i32
    %jit3A_283 = arith.constant 1 : i32
    %select_n3A_284 = arith.select %eq3A_282, %jit3A_283, %jit3A_280 : i32
    %rem3A_285 = vector.broadcast %select_n3A_284 : i32 to vector<16xi32>
    %rem3A_286 = arith.remsi %add3A_279, %rem3A_285 : vector<16xi32>
    %ne3A_287 = arith.constant 0 : i32
    %ne3A_288 = vector.broadcast %ne3A_287 : i32 to vector<16xi32>
    %ne3A_289 = arith.cmpi ne, %rem3A_286, %ne3A_288 : vector<16xi32>
    %lt3A_290 = arith.constant 0 : i32
    %lt3A_291 = vector.broadcast %lt3A_290 : i32 to vector<16xi32>
    %lt3A_292 = arith.cmpi slt, %rem3A_286, %lt3A_291 : vector<16xi32>
    %lt3A_293 = arith.constant 0 : i32
    %lt3A_294 = arith.cmpi slt, %select_n3A_284, %lt3A_293 : i32
    %ne3A_295 = vector.broadcast %lt3A_294 : i1 to vector<16xi1>
    %ne3A_296 = vector.broadcast %ne3A_295 : vector<16xi1> to vector<16xi1>
    %ne3A_297 = arith.xori %lt3A_292, %ne3A_296 : vector<16xi1>
    %and3A_298 = arith.andi %ne3A_297, %ne3A_289 : vector<16xi1>
    %add3A_299 = vector.broadcast %select_n3A_284 : i32 to vector<16xi32>
    %add3A_300 = arith.addi %rem3A_286, %add3A_299 : vector<16xi32>
    %select_n3A_301 = arith.select %and3A_298, %add3A_300, %rem3A_286 : vector<16xi1>, vector<16xi32>
    %add3A_302 = arith.constant 6 : i32
    %add3A_303 = vector.broadcast %add3A_302 : i32 to vector<16xi32>
    %add3A_304 = arith.addi %iota3A, %add3A_303 : vector<16xi32>
    %jit3A_305 = arith.constant 16 : i32
    %eq3A_306 = arith.constant 0 : i32
    %eq3A_307 = arith.cmpi eq, %jit3A_305, %eq3A_306 : i32
    %jit3A_308 = arith.constant 1 : i32
    %select_n3A_309 = arith.select %eq3A_307, %jit3A_308, %jit3A_305 : i32
    %rem3A_310 = vector.broadcast %select_n3A_309 : i32 to vector<16xi32>
    %rem3A_311 = arith.remsi %add3A_304, %rem3A_310 : vector<16xi32>
    %ne3A_312 = arith.constant 0 : i32
    %ne3A_313 = vector.broadcast %ne3A_312 : i32 to vector<16xi32>
    %ne3A_314 = arith.cmpi ne, %rem3A_311, %ne3A_313 : vector<16xi32>
    %lt3A_315 = arith.constant 0 : i32
    %lt3A_316 = vector.broadcast %lt3A_315 : i32 to vector<16xi32>
    %lt3A_317 = arith.cmpi slt, %rem3A_311, %lt3A_316 : vector<16xi32>
    %lt3A_318 = arith.constant 0 : i32
    %lt3A_319 = arith.cmpi slt, %select_n3A_309, %lt3A_318 : i32
    %ne3A_320 = vector.broadcast %lt3A_319 : i1 to vector<16xi1>
    %ne3A_321 = vector.broadcast %ne3A_320 : vector<16xi1> to vector<16xi1>
    %ne3A_322 = arith.xori %lt3A_317, %ne3A_321 : vector<16xi1>
    %and3A_323 = arith.andi %ne3A_322, %ne3A_314 : vector<16xi1>
    %add3A_324 = vector.broadcast %select_n3A_309 : i32 to vector<16xi32>
    %add3A_325 = arith.addi %rem3A_311, %add3A_324 : vector<16xi32>
    %select_n3A_326 = arith.select %and3A_323, %add3A_325, %rem3A_311 : vector<16xi1>, vector<16xi32>
    %add3A_327 = arith.constant 7 : i32
    %add3A_328 = vector.broadcast %add3A_327 : i32 to vector<16xi32>
    %add3A_329 = arith.addi %iota3A, %add3A_328 : vector<16xi32>
    %jit3A_330 = arith.constant 16 : i32
    %eq3A_331 = arith.constant 0 : i32
    %eq3A_332 = arith.cmpi eq, %jit3A_330, %eq3A_331 : i32
    %jit3A_333 = arith.constant 1 : i32
    %select_n3A_334 = arith.select %eq3A_332, %jit3A_333, %jit3A_330 : i32
    %rem3A_335 = vector.broadcast %select_n3A_334 : i32 to vector<16xi32>
    %rem3A_336 = arith.remsi %add3A_329, %rem3A_335 : vector<16xi32>
    %ne3A_337 = arith.constant 0 : i32
    %ne3A_338 = vector.broadcast %ne3A_337 : i32 to vector<16xi32>
    %ne3A_339 = arith.cmpi ne, %rem3A_336, %ne3A_338 : vector<16xi32>
    %lt3A_340 = arith.constant 0 : i32
    %lt3A_341 = vector.broadcast %lt3A_340 : i32 to vector<16xi32>
    %lt3A_342 = arith.cmpi slt, %rem3A_336, %lt3A_341 : vector<16xi32>
    %lt3A_343 = arith.constant 0 : i32
    %lt3A_344 = arith.cmpi slt, %select_n3A_334, %lt3A_343 : i32
    %ne3A_345 = vector.broadcast %lt3A_344 : i1 to vector<16xi1>
    %ne3A_346 = vector.broadcast %ne3A_345 : vector<16xi1> to vector<16xi1>
    %ne3A_347 = arith.xori %lt3A_342, %ne3A_346 : vector<16xi1>
    %and3A_348 = arith.andi %ne3A_347, %ne3A_339 : vector<16xi1>
    %add3A_349 = vector.broadcast %select_n3A_334 : i32 to vector<16xi32>
    %add3A_350 = arith.addi %rem3A_336, %add3A_349 : vector<16xi32>
    %select_n3A_351 = arith.select %and3A_348, %add3A_350, %rem3A_336 : vector<16xi1>, vector<16xi32>
    %add3A_352 = arith.constant 8 : i32
    %add3A_353 = vector.broadcast %add3A_352 : i32 to vector<16xi32>
    %add3A_354 = arith.addi %iota3A, %add3A_353 : vector<16xi32>
    %jit3A_355 = arith.constant 16 : i32
    %eq3A_356 = arith.constant 0 : i32
    %eq3A_357 = arith.cmpi eq, %jit3A_355, %eq3A_356 : i32
    %jit3A_358 = arith.constant 1 : i32
    %select_n3A_359 = arith.select %eq3A_357, %jit3A_358, %jit3A_355 : i32
    %rem3A_360 = vector.broadcast %select_n3A_359 : i32 to vector<16xi32>
    %rem3A_361 = arith.remsi %add3A_354, %rem3A_360 : vector<16xi32>
    %ne3A_362 = arith.constant 0 : i32
    %ne3A_363 = vector.broadcast %ne3A_362 : i32 to vector<16xi32>
    %ne3A_364 = arith.cmpi ne, %rem3A_361, %ne3A_363 : vector<16xi32>
    %lt3A_365 = arith.constant 0 : i32
    %lt3A_366 = vector.broadcast %lt3A_365 : i32 to vector<16xi32>
    %lt3A_367 = arith.cmpi slt, %rem3A_361, %lt3A_366 : vector<16xi32>
    %lt3A_368 = arith.constant 0 : i32
    %lt3A_369 = arith.cmpi slt, %select_n3A_359, %lt3A_368 : i32
    %ne3A_370 = vector.broadcast %lt3A_369 : i1 to vector<16xi1>
    %ne3A_371 = vector.broadcast %ne3A_370 : vector<16xi1> to vector<16xi1>
    %ne3A_372 = arith.xori %lt3A_367, %ne3A_371 : vector<16xi1>
    %and3A_373 = arith.andi %ne3A_372, %ne3A_364 : vector<16xi1>
    %add3A_374 = vector.broadcast %select_n3A_359 : i32 to vector<16xi32>
    %add3A_375 = arith.addi %rem3A_361, %add3A_374 : vector<16xi32>
    %select_n3A_376 = arith.select %and3A_373, %add3A_375, %rem3A_361 : vector<16xi1>, vector<16xi32>
    %add3A_377 = arith.constant 9 : i32
    %add3A_378 = vector.broadcast %add3A_377 : i32 to vector<16xi32>
    %add3A_379 = arith.addi %iota3A, %add3A_378 : vector<16xi32>
    %jit3A_380 = arith.constant 16 : i32
    %eq3A_381 = arith.constant 0 : i32
    %eq3A_382 = arith.cmpi eq, %jit3A_380, %eq3A_381 : i32
    %jit3A_383 = arith.constant 1 : i32
    %select_n3A_384 = arith.select %eq3A_382, %jit3A_383, %jit3A_380 : i32
    %rem3A_385 = vector.broadcast %select_n3A_384 : i32 to vector<16xi32>
    %rem3A_386 = arith.remsi %add3A_379, %rem3A_385 : vector<16xi32>
    %ne3A_387 = arith.constant 0 : i32
    %ne3A_388 = vector.broadcast %ne3A_387 : i32 to vector<16xi32>
    %ne3A_389 = arith.cmpi ne, %rem3A_386, %ne3A_388 : vector<16xi32>
    %lt3A_390 = arith.constant 0 : i32
    %lt3A_391 = vector.broadcast %lt3A_390 : i32 to vector<16xi32>
    %lt3A_392 = arith.cmpi slt, %rem3A_386, %lt3A_391 : vector<16xi32>
    %lt3A_393 = arith.constant 0 : i32
    %lt3A_394 = arith.cmpi slt, %select_n3A_384, %lt3A_393 : i32
    %ne3A_395 = vector.broadcast %lt3A_394 : i1 to vector<16xi1>
    %ne3A_396 = vector.broadcast %ne3A_395 : vector<16xi1> to vector<16xi1>
    %ne3A_397 = arith.xori %lt3A_392, %ne3A_396 : vector<16xi1>
    %and3A_398 = arith.andi %ne3A_397, %ne3A_389 : vector<16xi1>
    %add3A_399 = vector.broadcast %select_n3A_384 : i32 to vector<16xi32>
    %add3A_400 = arith.addi %rem3A_386, %add3A_399 : vector<16xi32>
    %select_n3A_401 = arith.select %and3A_398, %add3A_400, %rem3A_386 : vector<16xi1>, vector<16xi32>
    %add3A_402 = arith.constant 10 : i32
    %add3A_403 = vector.broadcast %add3A_402 : i32 to vector<16xi32>
    %add3A_404 = arith.addi %iota3A, %add3A_403 : vector<16xi32>
    %jit3A_405 = arith.constant 16 : i32
    %eq3A_406 = arith.constant 0 : i32
    %eq3A_407 = arith.cmpi eq, %jit3A_405, %eq3A_406 : i32
    %jit3A_408 = arith.constant 1 : i32
    %select_n3A_409 = arith.select %eq3A_407, %jit3A_408, %jit3A_405 : i32
    %rem3A_410 = vector.broadcast %select_n3A_409 : i32 to vector<16xi32>
    %rem3A_411 = arith.remsi %add3A_404, %rem3A_410 : vector<16xi32>
    %ne3A_412 = arith.constant 0 : i32
    %ne3A_413 = vector.broadcast %ne3A_412 : i32 to vector<16xi32>
    %ne3A_414 = arith.cmpi ne, %rem3A_411, %ne3A_413 : vector<16xi32>
    %lt3A_415 = arith.constant 0 : i32
    %lt3A_416 = vector.broadcast %lt3A_415 : i32 to vector<16xi32>
    %lt3A_417 = arith.cmpi slt, %rem3A_411, %lt3A_416 : vector<16xi32>
    %lt3A_418 = arith.constant 0 : i32
    %lt3A_419 = arith.cmpi slt, %select_n3A_409, %lt3A_418 : i32
    %ne3A_420 = vector.broadcast %lt3A_419 : i1 to vector<16xi1>
    %ne3A_421 = vector.broadcast %ne3A_420 : vector<16xi1> to vector<16xi1>
    %ne3A_422 = arith.xori %lt3A_417, %ne3A_421 : vector<16xi1>
    %and3A_423 = arith.andi %ne3A_422, %ne3A_414 : vector<16xi1>
    %add3A_424 = vector.broadcast %select_n3A_409 : i32 to vector<16xi32>
    %add3A_425 = arith.addi %rem3A_411, %add3A_424 : vector<16xi32>
    %select_n3A_426 = arith.select %and3A_423, %add3A_425, %rem3A_411 : vector<16xi1>, vector<16xi32>
    %add3A_427 = arith.constant 11 : i32
    %add3A_428 = vector.broadcast %add3A_427 : i32 to vector<16xi32>
    %add3A_429 = arith.addi %iota3A, %add3A_428 : vector<16xi32>
    %jit3A_430 = arith.constant 16 : i32
    %eq3A_431 = arith.constant 0 : i32
    %eq3A_432 = arith.cmpi eq, %jit3A_430, %eq3A_431 : i32
    %jit3A_433 = arith.constant 1 : i32
    %select_n3A_434 = arith.select %eq3A_432, %jit3A_433, %jit3A_430 : i32
    %rem3A_435 = vector.broadcast %select_n3A_434 : i32 to vector<16xi32>
    %rem3A_436 = arith.remsi %add3A_429, %rem3A_435 : vector<16xi32>
    %ne3A_437 = arith.constant 0 : i32
    %ne3A_438 = vector.broadcast %ne3A_437 : i32 to vector<16xi32>
    %ne3A_439 = arith.cmpi ne, %rem3A_436, %ne3A_438 : vector<16xi32>
    %lt3A_440 = arith.constant 0 : i32
    %lt3A_441 = vector.broadcast %lt3A_440 : i32 to vector<16xi32>
    %lt3A_442 = arith.cmpi slt, %rem3A_436, %lt3A_441 : vector<16xi32>
    %lt3A_443 = arith.constant 0 : i32
    %lt3A_444 = arith.cmpi slt, %select_n3A_434, %lt3A_443 : i32
    %ne3A_445 = vector.broadcast %lt3A_444 : i1 to vector<16xi1>
    %ne3A_446 = vector.broadcast %ne3A_445 : vector<16xi1> to vector<16xi1>
    %ne3A_447 = arith.xori %lt3A_442, %ne3A_446 : vector<16xi1>
    %and3A_448 = arith.andi %ne3A_447, %ne3A_439 : vector<16xi1>
    %add3A_449 = vector.broadcast %select_n3A_434 : i32 to vector<16xi32>
    %add3A_450 = arith.addi %rem3A_436, %add3A_449 : vector<16xi32>
    %select_n3A_451 = arith.select %and3A_448, %add3A_450, %rem3A_436 : vector<16xi1>, vector<16xi32>
    %add3A_452 = arith.constant 12 : i32
    %add3A_453 = vector.broadcast %add3A_452 : i32 to vector<16xi32>
    %add3A_454 = arith.addi %iota3A, %add3A_453 : vector<16xi32>
    %jit3A_455 = arith.constant 16 : i32
    %eq3A_456 = arith.constant 0 : i32
    %eq3A_457 = arith.cmpi eq, %jit3A_455, %eq3A_456 : i32
    %jit3A_458 = arith.constant 1 : i32
    %select_n3A_459 = arith.select %eq3A_457, %jit3A_458, %jit3A_455 : i32
    %rem3A_460 = vector.broadcast %select_n3A_459 : i32 to vector<16xi32>
    %rem3A_461 = arith.remsi %add3A_454, %rem3A_460 : vector<16xi32>
    %ne3A_462 = arith.constant 0 : i32
    %ne3A_463 = vector.broadcast %ne3A_462 : i32 to vector<16xi32>
    %ne3A_464 = arith.cmpi ne, %rem3A_461, %ne3A_463 : vector<16xi32>
    %lt3A_465 = arith.constant 0 : i32
    %lt3A_466 = vector.broadcast %lt3A_465 : i32 to vector<16xi32>
    %lt3A_467 = arith.cmpi slt, %rem3A_461, %lt3A_466 : vector<16xi32>
    %lt3A_468 = arith.constant 0 : i32
    %lt3A_469 = arith.cmpi slt, %select_n3A_459, %lt3A_468 : i32
    %ne3A_470 = vector.broadcast %lt3A_469 : i1 to vector<16xi1>
    %ne3A_471 = vector.broadcast %ne3A_470 : vector<16xi1> to vector<16xi1>
    %ne3A_472 = arith.xori %lt3A_467, %ne3A_471 : vector<16xi1>
    %and3A_473 = arith.andi %ne3A_472, %ne3A_464 : vector<16xi1>
    %add3A_474 = vector.broadcast %select_n3A_459 : i32 to vector<16xi32>
    %add3A_475 = arith.addi %rem3A_461, %add3A_474 : vector<16xi32>
    %select_n3A_476 = arith.select %and3A_473, %add3A_475, %rem3A_461 : vector<16xi1>, vector<16xi32>
    %add3A_477 = arith.constant 13 : i32
    %add3A_478 = vector.broadcast %add3A_477 : i32 to vector<16xi32>
    %add3A_479 = arith.addi %iota3A, %add3A_478 : vector<16xi32>
    %jit3A_480 = arith.constant 16 : i32
    %eq3A_481 = arith.constant 0 : i32
    %eq3A_482 = arith.cmpi eq, %jit3A_480, %eq3A_481 : i32
    %jit3A_483 = arith.constant 1 : i32
    %select_n3A_484 = arith.select %eq3A_482, %jit3A_483, %jit3A_480 : i32
    %rem3A_485 = vector.broadcast %select_n3A_484 : i32 to vector<16xi32>
    %rem3A_486 = arith.remsi %add3A_479, %rem3A_485 : vector<16xi32>
    %ne3A_487 = arith.constant 0 : i32
    %ne3A_488 = vector.broadcast %ne3A_487 : i32 to vector<16xi32>
    %ne3A_489 = arith.cmpi ne, %rem3A_486, %ne3A_488 : vector<16xi32>
    %lt3A_490 = arith.constant 0 : i32
    %lt3A_491 = vector.broadcast %lt3A_490 : i32 to vector<16xi32>
    %lt3A_492 = arith.cmpi slt, %rem3A_486, %lt3A_491 : vector<16xi32>
    %lt3A_493 = arith.constant 0 : i32
    %lt3A_494 = arith.cmpi slt, %select_n3A_484, %lt3A_493 : i32
    %ne3A_495 = vector.broadcast %lt3A_494 : i1 to vector<16xi1>
    %ne3A_496 = vector.broadcast %ne3A_495 : vector<16xi1> to vector<16xi1>
    %ne3A_497 = arith.xori %lt3A_492, %ne3A_496 : vector<16xi1>
    %and3A_498 = arith.andi %ne3A_497, %ne3A_489 : vector<16xi1>
    %add3A_499 = vector.broadcast %select_n3A_484 : i32 to vector<16xi32>
    %add3A_500 = arith.addi %rem3A_486, %add3A_499 : vector<16xi32>
    %select_n3A_501 = arith.select %and3A_498, %add3A_500, %rem3A_486 : vector<16xi1>, vector<16xi32>
    %add3A_502 = arith.constant 14 : i32
    %add3A_503 = vector.broadcast %add3A_502 : i32 to vector<16xi32>
    %add3A_504 = arith.addi %iota3A, %add3A_503 : vector<16xi32>
    %jit3A_505 = arith.constant 16 : i32
    %eq3A_506 = arith.constant 0 : i32
    %eq3A_507 = arith.cmpi eq, %jit3A_505, %eq3A_506 : i32
    %jit3A_508 = arith.constant 1 : i32
    %select_n3A_509 = arith.select %eq3A_507, %jit3A_508, %jit3A_505 : i32
    %rem3A_510 = vector.broadcast %select_n3A_509 : i32 to vector<16xi32>
    %rem3A_511 = arith.remsi %add3A_504, %rem3A_510 : vector<16xi32>
    %ne3A_512 = arith.constant 0 : i32
    %ne3A_513 = vector.broadcast %ne3A_512 : i32 to vector<16xi32>
    %ne3A_514 = arith.cmpi ne, %rem3A_511, %ne3A_513 : vector<16xi32>
    %lt3A_515 = arith.constant 0 : i32
    %lt3A_516 = vector.broadcast %lt3A_515 : i32 to vector<16xi32>
    %lt3A_517 = arith.cmpi slt, %rem3A_511, %lt3A_516 : vector<16xi32>
    %lt3A_518 = arith.constant 0 : i32
    %lt3A_519 = arith.cmpi slt, %select_n3A_509, %lt3A_518 : i32
    %ne3A_520 = vector.broadcast %lt3A_519 : i1 to vector<16xi1>
    %ne3A_521 = vector.broadcast %ne3A_520 : vector<16xi1> to vector<16xi1>
    %ne3A_522 = arith.xori %lt3A_517, %ne3A_521 : vector<16xi1>
    %and3A_523 = arith.andi %ne3A_522, %ne3A_514 : vector<16xi1>
    %add3A_524 = vector.broadcast %select_n3A_509 : i32 to vector<16xi32>
    %add3A_525 = arith.addi %rem3A_511, %add3A_524 : vector<16xi32>
    %select_n3A_526 = arith.select %and3A_523, %add3A_525, %rem3A_511 : vector<16xi1>, vector<16xi32>
    %add3A_527 = arith.constant 15 : i32
    %add3A_528 = vector.broadcast %add3A_527 : i32 to vector<16xi32>
    %add3A_529 = arith.addi %iota3A, %add3A_528 : vector<16xi32>
    %jit3A_530 = arith.constant 16 : i32
    %eq3A_531 = arith.constant 0 : i32
    %eq3A_532 = arith.cmpi eq, %jit3A_530, %eq3A_531 : i32
    %jit3A_533 = arith.constant 1 : i32
    %select_n3A_534 = arith.select %eq3A_532, %jit3A_533, %jit3A_530 : i32
    %rem3A_535 = vector.broadcast %select_n3A_534 : i32 to vector<16xi32>
    %rem3A_536 = arith.remsi %add3A_529, %rem3A_535 : vector<16xi32>
    %ne3A_537 = arith.constant 0 : i32
    %ne3A_538 = vector.broadcast %ne3A_537 : i32 to vector<16xi32>
    %ne3A_539 = arith.cmpi ne, %rem3A_536, %ne3A_538 : vector<16xi32>
    %lt3A_540 = arith.constant 0 : i32
    %lt3A_541 = vector.broadcast %lt3A_540 : i32 to vector<16xi32>
    %lt3A_542 = arith.cmpi slt, %rem3A_536, %lt3A_541 : vector<16xi32>
    %lt3A_543 = arith.constant 0 : i32
    %lt3A_544 = arith.cmpi slt, %select_n3A_534, %lt3A_543 : i32
    %ne3A_545 = vector.broadcast %lt3A_544 : i1 to vector<16xi1>
    %ne3A_546 = vector.broadcast %ne3A_545 : vector<16xi1> to vector<16xi1>
    %ne3A_547 = arith.xori %lt3A_542, %ne3A_546 : vector<16xi1>
    %and3A_548 = arith.andi %ne3A_547, %ne3A_539 : vector<16xi1>
    %add3A_549 = vector.broadcast %select_n3A_534 : i32 to vector<16xi32>
    %add3A_550 = arith.addi %rem3A_536, %add3A_549 : vector<16xi32>
    %select_n3A_551 = arith.select %and3A_548, %add3A_550, %rem3A_536 : vector<16xi1>, vector<16xi32>
    %add3A_552 = arith.constant 0 : i32
    %add3A_553 = vector.broadcast %add3A_552 : i32 to vector<16xi32>
    %add3A_554 = arith.addi %add3A_553, %iota3A : vector<16xi32>
    %add3A_555 = arith.constant 16 : i32
    %add3A_556 = vector.broadcast %add3A_555 : i32 to vector<16xi32>
    %add3A_557 = arith.addi %add3A_556, %iota3A : vector<16xi32>
    %add3A_558 = arith.constant 32 : i32
    %add3A_559 = vector.broadcast %add3A_558 : i32 to vector<16xi32>
    %add3A_560 = arith.addi %add3A_559, %iota3A : vector<16xi32>
    %add3A_561 = arith.constant 48 : i32
    %add3A_562 = vector.broadcast %add3A_561 : i32 to vector<16xi32>
    %add3A_563 = arith.addi %add3A_562, %iota3A : vector<16xi32>
    %rem3A_564 = arith.constant 0 : i32
    %rem3A_565 = arith.constant 8 : i32
    %rem3A_566 = arith.remsi %rem3A_564, %rem3A_565 : i32
    %mul3A_567 = arith.constant 128 : i32
    %mul3A_568 = arith.muli %rem3A_566, %mul3A_567 : i32
    %dma_start3A = arith.constant 0 : i32
    %dma_start3A_569 = arith.constant 0 : i32
    %dma_start3A_570 = tpu.memref_slice %arg6[%mul3A_568, %dma_start3A_569] : memref<1024x64xf32, #tpu.memory_space<vmem>> -> memref<128x64xf32, #tpu.memory_space<vmem>>
    %dma_start3A_571 = arith.constant 0 : i32
    %dma_start3A_572 = tpu.memref_slice %arg5[%dma_start3A, %dma_start3A_571] : memref<50x128xi32, #tpu.memory_space<vmem>> -> memref<1x128xi32, #tpu.memory_space<vmem>>
    %dma_start3A_573 = tpu.memref_squeeze %dma_start3A_572 : memref<1x128xi32, #tpu.memory_space<vmem>> -> memref<128xi32, #tpu.memory_space<vmem>>
    %dma_start3A_574 = arith.constant 0 : i32
    %dma_start3A_575 = arith.constant 0 : i32
    %dma_start3A_576 = tpu.memref_slice %arg3[%dma_start3A_574, %dma_start3A_575] : memref<100000x64xf32, #tpu.memory_space<hbm>> -> memref<100000x64xf32, #tpu.memory_space<hbm>>
    tpu.enqueue_indirect_dma source(%dma_start3A_576 : memref<100000x64xf32, #tpu.memory_space<hbm>>) target(%dma_start3A_570 : memref<128x64xf32, #tpu.memory_space<vmem>>) offsets(%dma_start3A_573 : memref<128xi32, #tpu.memory_space<vmem>>) semaphore(%arg8 : memref<!tpu.dma_semaphore, #tpu.memory_space<semaphore_mem>>)
    %rem3A_577 = arith.constant 1 : i32
    %rem3A_578 = arith.constant 8 : i32
    %rem3A_579 = arith.remsi %rem3A_577, %rem3A_578 : i32
    %mul3A_580 = arith.constant 128 : i32
    %mul3A_581 = arith.muli %rem3A_579, %mul3A_580 : i32
    %dma_start3A_582 = arith.constant 1 : i32
    %dma_start3A_583 = arith.constant 0 : i32
    %dma_start3A_584 = tpu.memref_slice %arg6[%mul3A_581, %dma_start3A_583] : memref<1024x64xf32, #tpu.memory_space<vmem>> -> memref<128x64xf32, #tpu.memory_space<vmem>>
    %dma_start3A_585 = arith.constant 0 : i32
    %dma_start3A_586 = tpu.memref_slice %arg5[%dma_start3A_582, %dma_start3A_585] : memref<50x128xi32, #tpu.memory_space<vmem>> -> memref<1x128xi32, #tpu.memory_space<vmem>>
    %dma_start3A_587 = tpu.memref_squeeze %dma_start3A_586 : memref<1x128xi32, #tpu.memory_space<vmem>> -> memref<128xi32, #tpu.memory_space<vmem>>
    %dma_start3A_588 = arith.constant 0 : i32
    %dma_start3A_589 = arith.constant 0 : i32
    %dma_start3A_590 = tpu.memref_slice %arg3[%dma_start3A_588, %dma_start3A_589] : memref<100000x64xf32, #tpu.memory_space<hbm>> -> memref<100000x64xf32, #tpu.memory_space<hbm>>
    tpu.enqueue_indirect_dma source(%dma_start3A_590 : memref<100000x64xf32, #tpu.memory_space<hbm>>) target(%dma_start3A_584 : memref<128x64xf32, #tpu.memory_space<vmem>>) offsets(%dma_start3A_587 : memref<128xi32, #tpu.memory_space<vmem>>) semaphore(%arg8 : memref<!tpu.dma_semaphore, #tpu.memory_space<semaphore_mem>>)
    %rem3A_591 = arith.constant 2 : i32
    %rem3A_592 = arith.constant 8 : i32
    %rem3A_593 = arith.remsi %rem3A_591, %rem3A_592 : i32
    %mul3A_594 = arith.constant 128 : i32
    %mul3A_595 = arith.muli %rem3A_593, %mul3A_594 : i32
    %dma_start3A_596 = arith.constant 2 : i32
    %dma_start3A_597 = arith.constant 0 : i32
    %dma_start3A_598 = tpu.memref_slice %arg6[%mul3A_595, %dma_start3A_597] : memref<1024x64xf32, #tpu.memory_space<vmem>> -> memref<128x64xf32, #tpu.memory_space<vmem>>
    %dma_start3A_599 = arith.constant 0 : i32
    %dma_start3A_600 = tpu.memref_slice %arg5[%dma_start3A_596, %dma_start3A_599] : memref<50x128xi32, #tpu.memory_space<vmem>> -> memref<1x128xi32, #tpu.memory_space<vmem>>
    %dma_start3A_601 = tpu.memref_squeeze %dma_start3A_600 : memref<1x128xi32, #tpu.memory_space<vmem>> -> memref<128xi32, #tpu.memory_space<vmem>>
    %dma_start3A_602 = arith.constant 0 : i32
    %dma_start3A_603 = arith.constant 0 : i32
    %dma_start3A_604 = tpu.memref_slice %arg3[%dma_start3A_602, %dma_start3A_603] : memref<100000x64xf32, #tpu.memory_space<hbm>> -> memref<100000x64xf32, #tpu.memory_space<hbm>>
    tpu.enqueue_indirect_dma source(%dma_start3A_604 : memref<100000x64xf32, #tpu.memory_space<hbm>>) target(%dma_start3A_598 : memref<128x64xf32, #tpu.memory_space<vmem>>) offsets(%dma_start3A_601 : memref<128xi32, #tpu.memory_space<vmem>>) semaphore(%arg8 : memref<!tpu.dma_semaphore, #tpu.memory_space<semaphore_mem>>)
    %rem3A_605 = arith.constant 3 : i32
    %rem3A_606 = arith.constant 8 : i32
    %rem3A_607 = arith.remsi %rem3A_605, %rem3A_606 : i32
    %mul3A_608 = arith.constant 128 : i32
    %mul3A_609 = arith.muli %rem3A_607, %mul3A_608 : i32
    %dma_start3A_610 = arith.constant 3 : i32
    %dma_start3A_611 = arith.constant 0 : i32
    %dma_start3A_612 = tpu.memref_slice %arg6[%mul3A_609, %dma_start3A_611] : memref<1024x64xf32, #tpu.memory_space<vmem>> -> memref<128x64xf32, #tpu.memory_space<vmem>>
    %dma_start3A_613 = arith.constant 0 : i32
    %dma_start3A_614 = tpu.memref_slice %arg5[%dma_start3A_610, %dma_start3A_613] : memref<50x128xi32, #tpu.memory_space<vmem>> -> memref<1x128xi32, #tpu.memory_space<vmem>>
    %dma_start3A_615 = tpu.memref_squeeze %dma_start3A_614 : memref<1x128xi32, #tpu.memory_space<vmem>> -> memref<128xi32, #tpu.memory_space<vmem>>
    %dma_start3A_616 = arith.constant 0 : i32
    %dma_start3A_617 = arith.constant 0 : i32
    %dma_start3A_618 = tpu.memref_slice %arg3[%dma_start3A_616, %dma_start3A_617] : memref<100000x64xf32, #tpu.memory_space<hbm>> -> memref<100000x64xf32, #tpu.memory_space<hbm>>
    tpu.enqueue_indirect_dma source(%dma_start3A_618 : memref<100000x64xf32, #tpu.memory_space<hbm>>) target(%dma_start3A_612 : memref<128x64xf32, #tpu.memory_space<vmem>>) offsets(%dma_start3A_615 : memref<128xi32, #tpu.memory_space<vmem>>) semaphore(%arg8 : memref<!tpu.dma_semaphore, #tpu.memory_space<semaphore_mem>>)
    %rem3A_619 = arith.constant 4 : i32
    %rem3A_620 = arith.constant 8 : i32
    %rem3A_621 = arith.remsi %rem3A_619, %rem3A_620 : i32
    %mul3A_622 = arith.constant 128 : i32
    %mul3A_623 = arith.muli %rem3A_621, %mul3A_622 : i32
    %dma_start3A_624 = arith.constant 4 : i32
    %dma_start3A_625 = arith.constant 0 : i32
    %dma_start3A_626 = tpu.memref_slice %arg6[%mul3A_623, %dma_start3A_625] : memref<1024x64xf32, #tpu.memory_space<vmem>> -> memref<128x64xf32, #tpu.memory_space<vmem>>
    %dma_start3A_627 = arith.constant 0 : i32
    %dma_start3A_628 = tpu.memref_slice %arg5[%dma_start3A_624, %dma_start3A_627] : memref<50x128xi32, #tpu.memory_space<vmem>> -> memref<1x128xi32, #tpu.memory_space<vmem>>
    %dma_start3A_629 = tpu.memref_squeeze %dma_start3A_628 : memref<1x128xi32, #tpu.memory_space<vmem>> -> memref<128xi32, #tpu.memory_space<vmem>>
    %dma_start3A_630 = arith.constant 0 : i32
    %dma_start3A_631 = arith.constant 0 : i32
    %dma_start3A_632 = tpu.memref_slice %arg3[%dma_start3A_630, %dma_start3A_631] : memref<100000x64xf32, #tpu.memory_space<hbm>> -> memref<100000x64xf32, #tpu.memory_space<hbm>>
    tpu.enqueue_indirect_dma source(%dma_start3A_632 : memref<100000x64xf32, #tpu.memory_space<hbm>>) target(%dma_start3A_626 : memref<128x64xf32, #tpu.memory_space<vmem>>) offsets(%dma_start3A_629 : memref<128xi32, #tpu.memory_space<vmem>>) semaphore(%arg8 : memref<!tpu.dma_semaphore, #tpu.memory_space<semaphore_mem>>)
    %rem3A_633 = arith.constant 5 : i32
    %rem3A_634 = arith.constant 8 : i32
    %rem3A_635 = arith.remsi %rem3A_633, %rem3A_634 : i32
    %mul3A_636 = arith.constant 128 : i32
    %mul3A_637 = arith.muli %rem3A_635, %mul3A_636 : i32
    %dma_start3A_638 = arith.constant 5 : i32
    %dma_start3A_639 = arith.constant 0 : i32
    %dma_start3A_640 = tpu.memref_slice %arg6[%mul3A_637, %dma_start3A_639] : memref<1024x64xf32, #tpu.memory_space<vmem>> -> memref<128x64xf32, #tpu.memory_space<vmem>>
    %dma_start3A_641 = arith.constant 0 : i32
    %dma_start3A_642 = tpu.memref_slice %arg5[%dma_start3A_638, %dma_start3A_641] : memref<50x128xi32, #tpu.memory_space<vmem>> -> memref<1x128xi32, #tpu.memory_space<vmem>>
    %dma_start3A_643 = tpu.memref_squeeze %dma_start3A_642 : memref<1x128xi32, #tpu.memory_space<vmem>> -> memref<128xi32, #tpu.memory_space<vmem>>
    %dma_start3A_644 = arith.constant 0 : i32
    %dma_start3A_645 = arith.constant 0 : i32
    %dma_start3A_646 = tpu.memref_slice %arg3[%dma_start3A_644, %dma_start3A_645] : memref<100000x64xf32, #tpu.memory_space<hbm>> -> memref<100000x64xf32, #tpu.memory_space<hbm>>
    tpu.enqueue_indirect_dma source(%dma_start3A_646 : memref<100000x64xf32, #tpu.memory_space<hbm>>) target(%dma_start3A_640 : memref<128x64xf32, #tpu.memory_space<vmem>>) offsets(%dma_start3A_643 : memref<128xi32, #tpu.memory_space<vmem>>) semaphore(%arg8 : memref<!tpu.dma_semaphore, #tpu.memory_space<semaphore_mem>>)
    %rem3A_647 = arith.constant 6 : i32
    %rem3A_648 = arith.constant 8 : i32
    %rem3A_649 = arith.remsi %rem3A_647, %rem3A_648 : i32
    %mul3A_650 = arith.constant 128 : i32
    %mul3A_651 = arith.muli %rem3A_649, %mul3A_650 : i32
    %dma_start3A_652 = arith.constant 6 : i32
    %dma_start3A_653 = arith.constant 0 : i32
    %dma_start3A_654 = tpu.memref_slice %arg6[%mul3A_651, %dma_start3A_653] : memref<1024x64xf32, #tpu.memory_space<vmem>> -> memref<128x64xf32, #tpu.memory_space<vmem>>
    %dma_start3A_655 = arith.constant 0 : i32
    %dma_start3A_656 = tpu.memref_slice %arg5[%dma_start3A_652, %dma_start3A_655] : memref<50x128xi32, #tpu.memory_space<vmem>> -> memref<1x128xi32, #tpu.memory_space<vmem>>
    %dma_start3A_657 = tpu.memref_squeeze %dma_start3A_656 : memref<1x128xi32, #tpu.memory_space<vmem>> -> memref<128xi32, #tpu.memory_space<vmem>>
    %dma_start3A_658 = arith.constant 0 : i32
    %dma_start3A_659 = arith.constant 0 : i32
    %dma_start3A_660 = tpu.memref_slice %arg3[%dma_start3A_658, %dma_start3A_659] : memref<100000x64xf32, #tpu.memory_space<hbm>> -> memref<100000x64xf32, #tpu.memory_space<hbm>>
    tpu.enqueue_indirect_dma source(%dma_start3A_660 : memref<100000x64xf32, #tpu.memory_space<hbm>>) target(%dma_start3A_654 : memref<128x64xf32, #tpu.memory_space<vmem>>) offsets(%dma_start3A_657 : memref<128xi32, #tpu.memory_space<vmem>>) semaphore(%arg8 : memref<!tpu.dma_semaphore, #tpu.memory_space<semaphore_mem>>)
    %rem3A_661 = arith.constant 7 : i32
    %rem3A_662 = arith.constant 8 : i32
    %rem3A_663 = arith.remsi %rem3A_661, %rem3A_662 : i32
    %mul3A_664 = arith.constant 128 : i32
    %mul3A_665 = arith.muli %rem3A_663, %mul3A_664 : i32
    %dma_start3A_666 = arith.constant 7 : i32
    %dma_start3A_667 = arith.constant 0 : i32
    %dma_start3A_668 = tpu.memref_slice %arg6[%mul3A_665, %dma_start3A_667] : memref<1024x64xf32, #tpu.memory_space<vmem>> -> memref<128x64xf32, #tpu.memory_space<vmem>>
    %dma_start3A_669 = arith.constant 0 : i32
    %dma_start3A_670 = tpu.memref_slice %arg5[%dma_start3A_666, %dma_start3A_669] : memref<50x128xi32, #tpu.memory_space<vmem>> -> memref<1x128xi32, #tpu.memory_space<vmem>>
    %dma_start3A_671 = tpu.memref_squeeze %dma_start3A_670 : memref<1x128xi32, #tpu.memory_space<vmem>> -> memref<128xi32, #tpu.memory_space<vmem>>
    %dma_start3A_672 = arith.constant 0 : i32
    %dma_start3A_673 = arith.constant 0 : i32
    %dma_start3A_674 = tpu.memref_slice %arg3[%dma_start3A_672, %dma_start3A_673] : memref<100000x64xf32, #tpu.memory_space<hbm>> -> memref<100000x64xf32, #tpu.memory_space<hbm>>
    tpu.enqueue_indirect_dma source(%dma_start3A_674 : memref<100000x64xf32, #tpu.memory_space<hbm>>) target(%dma_start3A_668 : memref<128x64xf32, #tpu.memory_space<vmem>>) offsets(%dma_start3A_671 : memref<128xi32, #tpu.memory_space<vmem>>) semaphore(%arg8 : memref<!tpu.dma_semaphore, #tpu.memory_space<semaphore_mem>>)
    %scan3A = arith.constant 0 : i32
    %scan3A_675 = arith.constant 0 : i32
    %scan3A_676 = arith.constant 2 : i32
    %scan3A_677 = arith.addi %scan3A_675, %scan3A_676 : i32
    %scan3A_678 = arith.constant 1 : i32
    scf.for %scan3A_741 = %scan3A_675 to %scan3A_677 step %scan3A_678  : i32 {
      %dma_wait3A_742 = arith.constant 0 : i32
      %dma_wait3A_743 = arith.constant 0 : i32
      %dma_wait3A_744 = tpu.memref_slice %arg6[%dma_wait3A_742, %dma_wait3A_743] : memref<1024x64xf32, #tpu.memory_space<vmem>> -> memref<128x64xf32, #tpu.memory_space<vmem>>
      %dma_wait3A_745 = arith.constant 0 : i32
      %dma_wait3A_746 = arith.constant 0 : i32
      %dma_wait3A_747 = tpu.memref_slice %arg3[%dma_wait3A_745, %dma_wait3A_746] : memref<100000x64xf32, #tpu.memory_space<hbm>> -> memref<128x64xf32, #tpu.memory_space<hbm>>
      %dma_wait3A_748 = arith.constant 0 : i32
      %dma_wait3A_749 = arith.constant 0 : i32
      %dma_wait3A_750 = tpu.memref_slice %arg6[%dma_wait3A_748, %dma_wait3A_749] : memref<1024x64xf32, #tpu.memory_space<vmem>> -> memref<128x64xf32, #tpu.memory_space<vmem>>
      %dma_wait3A_751 = arith.constant 0 : i32
      %dma_wait3A_752 = arith.constant 0 : i32
      %dma_wait3A_753 = tpu.memref_slice %arg3[%dma_wait3A_751, %dma_wait3A_752] : memref<100000x64xf32, #tpu.memory_space<hbm>> -> memref<128x64xf32, #tpu.memory_space<hbm>>
      tpu.wait_dma2 semaphore(%arg8 : memref<!tpu.dma_semaphore, #tpu.memory_space<semaphore_mem>>) src(%dma_wait3A_753 : memref<128x64xf32, #tpu.memory_space<hbm>>) dst(%dma_wait3A_750 : memref<128x64xf32, #tpu.memory_space<vmem>>)
      %rem3A_754 = arith.constant 8 : i32
      %rem3A_755 = arith.remsi %scan3A_741, %rem3A_754 : i32
      %rem3A_756 = arith.constant 2 : i32
      %rem3A_757 = arith.remsi %scan3A_741, %rem3A_756 : i32
      %mul3A_758 = arith.constant 128 : i32
      %mul3A_759 = arith.muli %rem3A_755, %mul3A_758 : i32
      %broadcast_in_dim3A_760 = vector.broadcast %rem3A_757 : i32 to vector<16xi32>
      %broadcast_in_dim3A_761 = vector.broadcast %mul3A_759 : i32 to vector<16xi32>
      %scan3A_762 = arith.constant 0 : i32
      %scan3A_763 = arith.constant 0 : i32
      %scan3A_764 = arith.constant 8 : i32
      %scan3A_765 = arith.addi %scan3A_763, %scan3A_764 : i32
      %scan3A_766 = arith.constant 1 : i32
      scf.for %scan3A_804 = %scan3A_763 to %scan3A_765 step %scan3A_766  : i32 {
        %mul3A_805 = arith.constant 16 : i32
        %mul3A_806 = arith.muli %mul3A_805, %scan3A_804 : i32
        %broadcast_in_dim3A_807 = vector.broadcast %mul3A_806 : i32 to vector<16xi32>
        %add3A_808 = arith.addi %broadcast_in_dim3A_807, %select_n3A_176 : vector<16xi32>
        %add3A_809 = arith.addi %broadcast_in_dim3A_761, %add3A_808 : vector<16xi32>
        %gather3A = tpu.vector_load_idx %arg6[%add3A_809, %add3A_554] : memref<1024x64xf32, #tpu.memory_space<vmem>>[vector<16xi32>, vector<16xi32>], vector<16xf32>,
        tpu.vector_store_idx %arg7[%broadcast_in_dim3A_760, %add3A_28, %broadcast_in_dim3A_151, %select_n3A_150, %add3A_808], %gather3A : memref<2x8x1x8x128xf32, #tpu.memory_space<vmem>>[vector<16xi32>, vector<16xi32>, vector<16xi32>, vector<16xi32>, vector<16xi32>], vector<16xf32>,
        %gather3A_810 = tpu.vector_load_idx %arg6[%add3A_809, %add3A_557] : memref<1024x64xf32, #tpu.memory_space<vmem>>[vector<16xi32>, vector<16xi32>], vector<16xf32>,
        tpu.vector_store_idx %arg7[%broadcast_in_dim3A_760, %add3A_62, %broadcast_in_dim3A_151, %select_n3A_150, %add3A_808], %gather3A_810 : memref<2x8x1x8x128xf32, #tpu.memory_space<vmem>>[vector<16xi32>, vector<16xi32>, vector<16xi32>, vector<16xi32>, vector<16xi32>], vector<16xf32>,
        %gather3A_811 = tpu.vector_load_idx %arg6[%add3A_809, %add3A_560] : memref<1024x64xf32, #tpu.memory_space<vmem>>[vector<16xi32>, vector<16xi32>], vector<16xf32>,
        tpu.vector_store_idx %arg7[%broadcast_in_dim3A_760, %add3A_96, %broadcast_in_dim3A_151, %select_n3A_150, %add3A_808], %gather3A_811 : memref<2x8x1x8x128xf32, #tpu.memory_space<vmem>>[vector<16xi32>, vector<16xi32>, vector<16xi32>, vector<16xi32>, vector<16xi32>], vector<16xf32>,
        %gather3A_812 = tpu.vector_load_idx %arg6[%add3A_809, %add3A_563] : memref<1024x64xf32, #tpu.memory_space<vmem>>[vector<16xi32>, vector<16xi32>], vector<16xf32>,
        tpu.vector_store_idx %arg7[%broadcast_in_dim3A_760, %add3A_130, %broadcast_in_dim3A_151, %select_n3A_150, %add3A_808], %gather3A_812 : memref<2x8x1x8x128xf32, #tpu.memory_space<vmem>>[vector<16xi32>, vector<16xi32>, vector<16xi32>, vector<16xi32>, vector<16xi32>], vector<16xf32>,
        %add3A_813 = arith.addi %broadcast_in_dim3A_807, %select_n3A_201 : vector<16xi32>
        %add3A_814 = arith.addi %broadcast_in_dim3A_761, %add3A_813 : vector<16xi32>
        %gather3A_815 = tpu.vector_load_idx %arg6[%add3A_814, %add3A_554] : memref<1024x64xf32, #tpu.memory_space<vmem>>[vector<16xi32>, vector<16xi32>], vector<16xf32>,
        tpu.vector_store_idx %arg7[%broadcast_in_dim3A_760, %add3A_28, %broadcast_in_dim3A_151, %select_n3A_150, %add3A_813], %gather3A_815 : memref<2x8x1x8x128xf32, #tpu.memory_space<vmem>>[vector<16xi32>, vector<16xi32>, vector<16xi32>, vector<16xi32>, vector<16xi32>], vector<16xf32>,
        %gather3A_816 = tpu.vector_load_idx %arg6[%add3A_814, %add3A_557] : memref<1024x64xf32, #tpu.memory_space<vmem>>[vector<16xi32>, vector<16xi32>], vector<16xf32>,
        tpu.vector_store_idx %arg7[%broadcast_in_dim3A_760, %add3A_62, %broadcast_in_dim3A_151, %select_n3A_150, %add3A_813], %gather3A_816 : memref<2x8x1x8x128xf32, #tpu.memory_space<vmem>>[vector<16xi32>, vector<16xi32>, vector<16xi32>, vector<16xi32>, vector<16xi32>], vector<16xf32>,
        %gather3A_817 = tpu.vector_load_idx %arg6[%add3A_814, %add3A_560] : memref<1024x64xf32, #tpu.memory_space<vmem>>[vector<16xi32>, vector<16xi32>], vector<16xf32>,
        tpu.vector_store_idx %arg7[%broadcast_in_dim3A_760, %add3A_96, %broadcast_in_dim3A_151, %select_n3A_150, %add3A_813], %gather3A_817 : memref<2x8x1x8x128xf32, #tpu.memory_space<vmem>>[vector<16xi32>, vector<16xi32>, vector<16xi32>, vector<16xi32>, vector<16xi32>], vector<16xf32>,
        %gather3A_818 = tpu.vector_load_idx %arg6[%add3A_814, %add3A_563] : memref<1024x64xf32, #tpu.memory_space<vmem>>[vector<16xi32>, vector<16xi32>], vector<16xf32>,
        tpu.vector_store_idx %arg7[%broadcast_in_dim3A_760, %add3A_130, %broadcast_in_dim3A_151, %select_n3A_150, %add3A_813], %gather3A_818 : memref<2x8x1x8x128xf32, #tpu.memory_space<vmem>>[vector<16xi32>, vector<16xi32>, vector<16xi32>, vector<16xi32>, vector<16xi32>], vector<16xf32>,
        %add3A_819 = arith.addi %broadcast_in_dim3A_807, %select_n3A_226 : vector<16xi32>
        %add3A_820 = arith.addi %broadcast_in_dim3A_761, %add3A_819 : vector<16xi32>
        %gather3A_821 = tpu.vector_load_idx %arg6[%add3A_820, %add3A_554] : memref<1024x64xf32, #tpu.memory_space<vmem>>[vector<16xi32>, vector<16xi32>], vector<16xf32>,
        tpu.vector_store_idx %arg7[%broadcast_in_dim3A_760, %add3A_28, %broadcast_in_dim3A_151, %select_n3A_150, %add3A_819], %gather3A_821 : memref<2x8x1x8x128xf32, #tpu.memory_space<vmem>>[vector<16xi32>, vector<16xi32>, vector<16xi32>, vector<16xi32>, vector<16xi32>], vector<16xf32>,
        %gather3A_822 = tpu.vector_load_idx %arg6[%add3A_820, %add3A_557] : memref<1024x64xf32, #tpu.memory_space<vmem>>[vector<16xi32>, vector<16xi32>], vector<16xf32>,
        tpu.vector_store_idx %arg7[%broadcast_in_dim3A_760, %add3A_62, %broadcast_in_dim3A_151, %select_n3A_150, %add3A_819], %gather3A_822 : memref<2x8x1x8x128xf32, #tpu.memory_space<vmem>>[vector<16xi32>, vector<16xi32>, vector<16xi32>, vector<16xi32>, vector<16xi32>], vector<16xf32>,
        %gather3A_823 = tpu.vector_load_idx %arg6[%add3A_820, %add3A_560] : memref<1024x64xf32, #tpu.memory_space<vmem>>[vector<16xi32>, vector<16xi32>], vector<16xf32>,
        tpu.vector_store_idx %arg7[%broadcast_in_dim3A_760, %add3A_96, %broadcast_in_dim3A_151, %select_n3A_150, %add3A_819], %gather3A_823 : memref<2x8x1x8x128xf32, #tpu.memory_space<vmem>>[vector<16xi32>, vector<16xi32>, vector<16xi32>, vector<16xi32>, vector<16xi32>], vector<16xf32>,
        %gather3A_824 = tpu.vector_load_idx %arg6[%add3A_820, %add3A_563] : memref<1024x64xf32, #tpu.memory_space<vmem>>[vector<16xi32>, vector<16xi32>], vector<16xf32>,
        tpu.vector_store_idx %arg7[%broadcast_in_dim3A_760, %add3A_130, %broadcast_in_dim3A_151, %select_n3A_150, %add3A_819], %gather3A_824 : memref<2x8x1x8x128xf32, #tpu.memory_space<vmem>>[vector<16xi32>, vector<16xi32>, vector<16xi32>, vector<16xi32>, vector<16xi32>], vector<16xf32>,
        %add3A_825 = arith.addi %broadcast_in_dim3A_807, %select_n3A_251 : vector<16xi32>
        %add3A_826 = arith.addi %broadcast_in_dim3A_761, %add3A_825 : vector<16xi32>
        %gather3A_827 = tpu.vector_load_idx %arg6[%add3A_826, %add3A_554] : memref<1024x64xf32, #tpu.memory_space<vmem>>[vector<16xi32>, vector<16xi32>], vector<16xf32>,
        tpu.vector_store_idx %arg7[%broadcast_in_dim3A_760, %add3A_28, %broadcast_in_dim3A_151, %select_n3A_150, %add3A_825], %gather3A_827 : memref<2x8x1x8x128xf32, #tpu.memory_space<vmem>>[vector<16xi32>, vector<16xi32>, vector<16xi32>, vector<16xi32>, vector<16xi32>], vector<16xf32>,
        %gather3A_828 = tpu.vector_load_idx %arg6[%add3A_826, %add3A_557] : memref<1024x64xf32, #tpu.memory_space<vmem>>[vector<16xi32>, vector<16xi32>], vector<16xf32>,
        tpu.vector_store_idx %arg7[%broadcast_in_dim3A_760, %add3A_62, %broadcast_in_dim3A_151, %select_n3A_150, %add3A_825], %gather3A_828 : memref<2x8x1x8x128xf32, #tpu.memory_space<vmem>>[vector<16xi32>, vector<16xi32>, vector<16xi32>, vector<16xi32>, vector<16xi32>], vector<16xf32>,
        %gather3A_829 = tpu.vector_load_idx %arg6[%add3A_826, %add3A_560] : memref<1024x64xf32, #tpu.memory_space<vmem>>[vector<16xi32>, vector<16xi32>], vector<16xf32>,
        tpu.vector_store_idx %arg7[%broadcast_in_dim3A_760, %add3A_96, %broadcast_in_dim3A_151, %select_n3A_150, %add3A_825], %gather3A_829 : memref<2x8x1x8x128xf32, #tpu.memory_space<vmem>>[vector<16xi32>, vector<16xi32>, vector<16xi32>, vector<16xi32>, vector<16xi32>], vector<16xf32>,
        %gather3A_830 = tpu.vector_load_idx %arg6[%add3A_826, %add3A_563] : memref<1024x64xf32, #tpu.memory_space<vmem>>[vector<16xi32>, vector<16xi32>], vector<16xf32>,
        tpu.vector_store_idx %arg7[%broadcast_in_dim3A_760, %add3A_130, %broadcast_in_dim3A_151, %select_n3A_150, %add3A_825], %gather3A_830 : memref<2x8x1x8x128xf32, #tpu.memory_space<vmem>>[vector<16xi32>, vector<16xi32>, vector<16xi32>, vector<16xi32>, vector<16xi32>], vector<16xf32>,
        %add3A_831 = arith.addi %broadcast_in_dim3A_807, %select_n3A_276 : vector<16xi32>
        %add3A_832 = arith.addi %broadcast_in_dim3A_761, %add3A_831 : vector<16xi32>
        %gather3A_833 = tpu.vector_load_idx %arg6[%add3A_832, %add3A_554] : memref<1024x64xf32, #tpu.memory_space<vmem>>[vector<16xi32>, vector<16xi32>], vector<16xf32>,
        tpu.vector_store_idx %arg7[%broadcast_in_dim3A_760, %add3A_28, %broadcast_in_dim3A_151, %select_n3A_150, %add3A_831], %gather3A_833 : memref<2x8x1x8x128xf32, #tpu.memory_space<vmem>>[vector<16xi32>, vector<16xi32>, vector<16xi32>, vector<16xi32>, vector<16xi32>], vector<16xf32>,
        %gather3A_834 = tpu.vector_load_idx %arg6[%add3A_832, %add3A_557] : memref<1024x64xf32, #tpu.memory_space<vmem>>[vector<16xi32>, vector<16xi32>], vector<16xf32>,
        tpu.vector_store_idx %arg7[%broadcast_in_dim3A_760, %add3A_62, %broadcast_in_dim3A_151, %select_n3A_150, %add3A_831], %gather3A_834 : memref<2x8x1x8x128xf32, #tpu.memory_space<vmem>>[vector<16xi32>, vector<16xi32>, vector<16xi32>, vector<16xi32>, vector<16xi32>], vector<16xf32>,
        %gather3A_835 = tpu.vector_load_idx %arg6[%add3A_832, %add3A_560] : memref<1024x64xf32, #tpu.memory_space<vmem>>[vector<16xi32>, vector<16xi32>], vector<16xf32>,
        tpu.vector_store_idx %arg7[%broadcast_in_dim3A_760, %add3A_96, %broadcast_in_dim3A_151, %select_n3A_150, %add3A_831], %gather3A_835 : memref<2x8x1x8x128xf32, #tpu.memory_space<vmem>>[vector<16xi32>, vector<16xi32>, vector<16xi32>, vector<16xi32>, vector<16xi32>], vector<16xf32>,
        %gather3A_836 = tpu.vector_load_idx %arg6[%add3A_832, %add3A_563] : memref<1024x64xf32, #tpu.memory_space<vmem>>[vector<16xi32>, vector<16xi32>], vector<16xf32>,
        tpu.vector_store_idx %arg7[%broadcast_in_dim3A_760, %add3A_130, %broadcast_in_dim3A_151, %select_n3A_150, %add3A_831], %gather3A_836 : memref<2x8x1x8x128xf32, #tpu.memory_space<vmem>>[vector<16xi32>, vector<16xi32>, vector<16xi32>, vector<16xi32>, vector<16xi32>], vector<16xf32>,
        %add3A_837 = arith.addi %broadcast_in_dim3A_807, %select_n3A_301 : vector<16xi32>
        %add3A_838 = arith.addi %broadcast_in_dim3A_761, %add3A_837 : vector<16xi32>
        %gather3A_839 = tpu.vector_load_idx %arg6[%add3A_838, %add3A_554] : memref<1024x64xf32, #tpu.memory_space<vmem>>[vector<16xi32>, vector<16xi32>], vector<16xf32>,
        tpu.vector_store_idx %arg7[%broadcast_in_dim3A_760, %add3A_28, %broadcast_in_dim3A_151, %select_n3A_150, %add3A_837], %gather3A_839 : memref<2x8x1x8x128xf32, #tpu.memory_space<vmem>>[vector<16xi32>, vector<16xi32>, vector<16xi32>, vector<16xi32>, vector<16xi32>], vector<16xf32>,
        %gather3A_840 = tpu.vector_load_idx %arg6[%add3A_838, %add3A_557] : memref<1024x64xf32, #tpu.memory_space<vmem>>[vector<16xi32>, vector<16xi32>], vector<16xf32>,
        tpu.vector_store_idx %arg7[%broadcast_in_dim3A_760, %add3A_62, %broadcast_in_dim3A_151, %select_n3A_150, %add3A_837], %gather3A_840 : memref<2x8x1x8x128xf32, #tpu.memory_space<vmem>>[vector<16xi32>, vector<16xi32>, vector<16xi32>, vector<16xi32>, vector<16xi32>], vector<16xf32>,
        %gather3A_841 = tpu.vector_load_idx %arg6[%add3A_838, %add3A_560] : memref<1024x64xf32, #tpu.memory_space<vmem>>[vector<16xi32>, vector<16xi32>], vector<16xf32>,
        tpu.vector_store_idx %arg7[%broadcast_in_dim3A_760, %add3A_96, %broadcast_in_dim3A_151, %select_n3A_150, %add3A_837], %gather3A_841 : memref<2x8x1x8x128xf32, #tpu.memory_space<vmem>>[vector<16xi32>, vector<16xi32>, vector<16xi32>, vector<16xi32>, vector<16xi32>], vector<16xf32>,
        %gather3A_842 = tpu.vector_load_idx %arg6[%add3A_838, %add3A_563] : memref<1024x64xf32, #tpu.memory_space<vmem>>[vector<16xi32>, vector<16xi32>], vector<16xf32>,
        tpu.vector_store_idx %arg7[%broadcast_in_dim3A_760, %add3A_130, %broadcast_in_dim3A_151, %select_n3A_150, %add3A_837], %gather3A_842 : memref<2x8x1x8x128xf32, #tpu.memory_space<vmem>>[vector<16xi32>, vector<16xi32>, vector<16xi32>, vector<16xi32>, vector<16xi32>], vector<16xf32>,
        %add3A_843 = arith.addi %broadcast_in_dim3A_807, %select_n3A_326 : vector<16xi32>
        %add3A_844 = arith.addi %broadcast_in_dim3A_761, %add3A_843 : vector<16xi32>
        %gather3A_845 = tpu.vector_load_idx %arg6[%add3A_844, %add3A_554] : memref<1024x64xf32, #tpu.memory_space<vmem>>[vector<16xi32>, vector<16xi32>], vector<16xf32>,
        tpu.vector_store_idx %arg7[%broadcast_in_dim3A_760, %add3A_28, %broadcast_in_dim3A_151, %select_n3A_150, %add3A_843], %gather3A_845 : memref<2x8x1x8x128xf32, #tpu.memory_space<vmem>>[vector<16xi32>, vector<16xi32>, vector<16xi32>, vector<16xi32>, vector<16xi32>], vector<16xf32>,
        %gather3A_846 = tpu.vector_load_idx %arg6[%add3A_844, %add3A_557] : memref<1024x64xf32, #tpu.memory_space<vmem>>[vector<16xi32>, vector<16xi32>], vector<16xf32>,
        tpu.vector_store_idx %arg7[%broadcast_in_dim3A_760, %add3A_62, %broadcast_in_dim3A_151, %select_n3A_150, %add3A_843], %gather3A_846 : memref<2x8x1x8x128xf32, #tpu.memory_space<vmem>>[vector<16xi32>, vector<16xi32>, vector<16xi32>, vector<16xi32>, vector<16xi32>], vector<16xf32>,
        %gather3A_847 = tpu.vector_load_idx %arg6[%add3A_844, %add3A_560] : memref<1024x64xf32, #tpu.memory_space<vmem>>[vector<16xi32>, vector<16xi32>], vector<16xf32>,
        tpu.vector_store_idx %arg7[%broadcast_in_dim3A_760, %add3A_96, %broadcast_in_dim3A_151, %select_n3A_150, %add3A_843], %gather3A_847 : memref<2x8x1x8x128xf32, #tpu.memory_space<vmem>>[vector<16xi32>, vector<16xi32>, vector<16xi32>, vector<16xi32>, vector<16xi32>], vector<16xf32>,
        %gather3A_848 = tpu.vector_load_idx %arg6[%add3A_844, %add3A_563] : memref<1024x64xf32, #tpu.memory_space<vmem>>[vector<16xi32>, vector<16xi32>], vector<16xf32>,
        tpu.vector_store_idx %arg7[%broadcast_in_dim3A_760, %add3A_130, %broadcast_in_dim3A_151, %select_n3A_150, %add3A_843], %gather3A_848 : memref<2x8x1x8x128xf32, #tpu.memory_space<vmem>>[vector<16xi32>, vector<16xi32>, vector<16xi32>, vector<16xi32>, vector<16xi32>], vector<16xf32>,
        %add3A_849 = arith.addi %broadcast_in_dim3A_807, %select_n3A_351 : vector<16xi32>
        %add3A_850 = arith.addi %broadcast_in_dim3A_761, %add3A_849 : vector<16xi32>
        %gather3A_851 = tpu.vector_load_idx %arg6[%add3A_850, %add3A_554] : memref<1024x64xf32, #tpu.memory_space<vmem>>[vector<16xi32>, vector<16xi32>], vector<16xf32>,
        tpu.vector_store_idx %arg7[%broadcast_in_dim3A_760, %add3A_28, %broadcast_in_dim3A_151, %select_n3A_150, %add3A_849], %gather3A_851 : memref<2x8x1x8x128xf32, #tpu.memory_space<vmem>>[vector<16xi32>, vector<16xi32>, vector<16xi32>, vector<16xi32>, vector<16xi32>], vector<16xf32>,
        %gather3A_852 = tpu.vector_load_idx %arg6[%add3A_850, %add3A_557] : memref<1024x64xf32, #tpu.memory_space<vmem>>[vector<16xi32>, vector<16xi32>], vector<16xf32>,
        tpu.vector_store_idx %arg7[%broadcast_in_dim3A_760, %add3A_62, %broadcast_in_dim3A_151, %select_n3A_150, %add3A_849], %gather3A_852 : memref<2x8x1x8x128xf32, #tpu.memory_space<vmem>>[vector<16xi32>, vector<16xi32>, vector<16xi32>, vector<16xi32>, vector<16xi32>], vector<16xf32>,
        %gather3A_853 = tpu.vector_load_idx %arg6[%add3A_850, %add3A_560] : memref<1024x64xf32, #tpu.memory_space<vmem>>[vector<16xi32>, vector<16xi32>], vector<16xf32>,
        tpu.vector_store_idx %arg7[%broadcast_in_dim3A_760, %add3A_96, %broadcast_in_dim3A_151, %select_n3A_150, %add3A_849], %gather3A_853 : memref<2x8x1x8x128xf32, #tpu.memory_space<vmem>>[vector<16xi32>, vector<16xi32>, vector<16xi32>, vector<16xi32>, vector<16xi32>], vector<16xf32>,
        %gather3A_854 = tpu.vector_load_idx %arg6[%add3A_850, %add3A_563] : memref<1024x64xf32, #tpu.memory_space<vmem>>[vector<16xi32>, vector<16xi32>], vector<16xf32>,
        tpu.vector_store_idx %arg7[%broadcast_in_dim3A_760, %add3A_130, %broadcast_in_dim3A_151, %select_n3A_150, %add3A_849], %gather3A_854 : memref<2x8x1x8x128xf32, #tpu.memory_space<vmem>>[vector<16xi32>, vector<16xi32>, vector<16xi32>, vector<16xi32>, vector<16xi32>], vector<16xf32>,
        %add3A_855 = arith.addi %broadcast_in_dim3A_807, %select_n3A_376 : vector<16xi32>
        %add3A_856 = arith.addi %broadcast_in_dim3A_761, %add3A_855 : vector<16xi32>
        %gather3A_857 = tpu.vector_load_idx %arg6[%add3A_856, %add3A_554] : memref<1024x64xf32, #tpu.memory_space<vmem>>[vector<16xi32>, vector<16xi32>], vector<16xf32>,
        tpu.vector_store_idx %arg7[%broadcast_in_dim3A_760, %add3A_28, %broadcast_in_dim3A_151, %select_n3A_150, %add3A_855], %gather3A_857 : memref<2x8x1x8x128xf32, #tpu.memory_space<vmem>>[vector<16xi32>, vector<16xi32>, vector<16xi32>, vector<16xi32>, vector<16xi32>], vector<16xf32>,
        %gather3A_858 = tpu.vector_load_idx %arg6[%add3A_856, %add3A_557] : memref<1024x64xf32, #tpu.memory_space<vmem>>[vector<16xi32>, vector<16xi32>], vector<16xf32>,
        tpu.vector_store_idx %arg7[%broadcast_in_dim3A_760, %add3A_62, %broadcast_in_dim3A_151, %select_n3A_150, %add3A_855], %gather3A_858 : memref<2x8x1x8x128xf32, #tpu.memory_space<vmem>>[vector<16xi32>, vector<16xi32>, vector<16xi32>, vector<16xi32>, vector<16xi32>], vector<16xf32>,
        %gather3A_859 = tpu.vector_load_idx %arg6[%add3A_856, %add3A_560] : memref<1024x64xf32, #tpu.memory_space<vmem>>[vector<16xi32>, vector<16xi32>], vector<16xf32>,
        tpu.vector_store_idx %arg7[%broadcast_in_dim3A_760, %add3A_96, %broadcast_in_dim3A_151, %select_n3A_150, %add3A_855], %gather3A_859 : memref<2x8x1x8x128xf32, #tpu.memory_space<vmem>>[vector<16xi32>, vector<16xi32>, vector<16xi32>, vector<16xi32>, vector<16xi32>], vector<16xf32>,
        %gather3A_860 = tpu.vector_load_idx %arg6[%add3A_856, %add3A_563] : memref<1024x64xf32, #tpu.memory_space<vmem>>[vector<16xi32>, vector<16xi32>], vector<16xf32>,
        tpu.vector_store_idx %arg7[%broadcast_in_dim3A_760, %add3A_130, %broadcast_in_dim3A_151, %select_n3A_150, %add3A_855], %gather3A_860 : memref<2x8x1x8x128xf32, #tpu.memory_space<vmem>>[vector<16xi32>, vector<16xi32>, vector<16xi32>, vector<16xi32>, vector<16xi32>], vector<16xf32>,
        %add3A_861 = arith.addi %broadcast_in_dim3A_807, %select_n3A_401 : vector<16xi32>
        %add3A_862 = arith.addi %broadcast_in_dim3A_761, %add3A_861 : vector<16xi32>
        %gather3A_863 = tpu.vector_load_idx %arg6[%add3A_862, %add3A_554] : memref<1024x64xf32, #tpu.memory_space<vmem>>[vector<16xi32>, vector<16xi32>], vector<16xf32>,
        tpu.vector_store_idx %arg7[%broadcast_in_dim3A_760, %add3A_28, %broadcast_in_dim3A_151, %select_n3A_150, %add3A_861], %gather3A_863 : memref<2x8x1x8x128xf32, #tpu.memory_space<vmem>>[vector<16xi32>, vector<16xi32>, vector<16xi32>, vector<16xi32>, vector<16xi32>], vector<16xf32>,
        %gather3A_864 = tpu.vector_load_idx %arg6[%add3A_862, %add3A_557] : memref<1024x64xf32, #tpu.memory_space<vmem>>[vector<16xi32>, vector<16xi32>], vector<16xf32>,
        tpu.vector_store_idx %arg7[%broadcast_in_dim3A_760, %add3A_62, %broadcast_in_dim3A_151, %select_n3A_150, %add3A_861], %gather3A_864 : memref<2x8x1x8x128xf32, #tpu.memory_space<vmem>>[vector<16xi32>, vector<16xi32>, vector<16xi32>, vector<16xi32>, vector<16xi32>], vector<16xf32>,
        %gather3A_865 = tpu.vector_load_idx %arg6[%add3A_862, %add3A_560] : memref<1024x64xf32, #tpu.memory_space<vmem>>[vector<16xi32>, vector<16xi32>], vector<16xf32>,
        tpu.vector_store_idx %arg7[%broadcast_in_dim3A_760, %add3A_96, %broadcast_in_dim3A_151, %select_n3A_150, %add3A_861], %gather3A_865 : memref<2x8x1x8x128xf32, #tpu.memory_space<vmem>>[vector<16xi32>, vector<16xi32>, vector<16xi32>, vector<16xi32>, vector<16xi32>], vector<16xf32>,
        %gather3A_866 = tpu.vector_load_idx %arg6[%add3A_862, %add3A_563] : memref<1024x64xf32, #tpu.memory_space<vmem>>[vector<16xi32>, vector<16xi32>], vector<16xf32>,
        tpu.vector_store_idx %arg7[%broadcast_in_dim3A_760, %add3A_130, %broadcast_in_dim3A_151, %select_n3A_150, %add3A_861], %gather3A_866 : memref<2x8x1x8x128xf32, #tpu.memory_space<vmem>>[vector<16xi32>, vector<16xi32>, vector<16xi32>, vector<16xi32>, vector<16xi32>], vector<16xf32>,
        %add3A_867 = arith.addi %broadcast_in_dim3A_807, %select_n3A_426 : vector<16xi32>
        %add3A_868 = arith.addi %broadcast_in_dim3A_761, %add3A_867 : vector<16xi32>
        %gather3A_869 = tpu.vector_load_idx %arg6[%add3A_868, %add3A_554] : memref<1024x64xf32, #tpu.memory_space<vmem>>[vector<16xi32>, vector<16xi32>], vector<16xf32>,
        tpu.vector_store_idx %arg7[%broadcast_in_dim3A_760, %add3A_28, %broadcast_in_dim3A_151, %select_n3A_150, %add3A_867], %gather3A_869 : memref<2x8x1x8x128xf32, #tpu.memory_space<vmem>>[vector<16xi32>, vector<16xi32>, vector<16xi32>, vector<16xi32>, vector<16xi32>], vector<16xf32>,
        %gather3A_870 = tpu.vector_load_idx %arg6[%add3A_868, %add3A_557] : memref<1024x64xf32, #tpu.memory_space<vmem>>[vector<16xi32>, vector<16xi32>], vector<16xf32>,
        tpu.vector_store_idx %arg7[%broadcast_in_dim3A_760, %add3A_62, %broadcast_in_dim3A_151, %select_n3A_150, %add3A_867], %gather3A_870 : memref<2x8x1x8x128xf32, #tpu.memory_space<vmem>>[vector<16xi32>, vector<16xi32>, vector<16xi32>, vector<16xi32>, vector<16xi32>], vector<16xf32>,
        %gather3A_871 = tpu.vector_load_idx %arg6[%add3A_868, %add3A_560] : memref<1024x64xf32, #tpu.memory_space<vmem>>[vector<16xi32>, vector<16xi32>], vector<16xf32>,
        tpu.vector_store_idx %arg7[%broadcast_in_dim3A_760, %add3A_96, %broadcast_in_dim3A_151, %select_n3A_150, %add3A_867], %gather3A_871 : memref<2x8x1x8x128xf32, #tpu.memory_space<vmem>>[vector<16xi32>, vector<16xi32>, vector<16xi32>, vector<16xi32>, vector<16xi32>], vector<16xf32>,
        %gather3A_872 = tpu.vector_load_idx %arg6[%add3A_868, %add3A_563] : memref<1024x64xf32, #tpu.memory_space<vmem>>[vector<16xi32>, vector<16xi32>], vector<16xf32>,
        tpu.vector_store_idx %arg7[%broadcast_in_dim3A_760, %add3A_130, %broadcast_in_dim3A_151, %select_n3A_150, %add3A_867], %gather3A_872 : memref<2x8x1x8x128xf32, #tpu.memory_space<vmem>>[vector<16xi32>, vector<16xi32>, vector<16xi32>, vector<16xi32>, vector<16xi32>], vector<16xf32>,
        %add3A_873 = arith.addi %broadcast_in_dim3A_807, %select_n3A_451 : vector<16xi32>
        %add3A_874 = arith.addi %broadcast_in_dim3A_761, %add3A_873 : vector<16xi32>
        %gather3A_875 = tpu.vector_load_idx %arg6[%add3A_874, %add3A_554] : memref<1024x64xf32, #tpu.memory_space<vmem>>[vector<16xi32>, vector<16xi32>], vector<16xf32>,
        tpu.vector_store_idx %arg7[%broadcast_in_dim3A_760, %add3A_28, %broadcast_in_dim3A_151, %select_n3A_150, %add3A_873], %gather3A_875 : memref<2x8x1x8x128xf32, #tpu.memory_space<vmem>>[vector<16xi32>, vector<16xi32>, vector<16xi32>, vector<16xi32>, vector<16xi32>], vector<16xf32>,
        %gather3A_876 = tpu.vector_load_idx %arg6[%add3A_874, %add3A_557] : memref<1024x64xf32, #tpu.memory_space<vmem>>[vector<16xi32>, vector<16xi32>], vector<16xf32>,
        tpu.vector_store_idx %arg7[%broadcast_in_dim3A_760, %add3A_62, %broadcast_in_dim3A_151, %select_n3A_150, %add3A_873], %gather3A_876 : memref<2x8x1x8x128xf32, #tpu.memory_space<vmem>>[vector<16xi32>, vector<16xi32>, vector<16xi32>, vector<16xi32>, vector<16xi32>], vector<16xf32>,
        %gather3A_877 = tpu.vector_load_idx %arg6[%add3A_874, %add3A_560] : memref<1024x64xf32, #tpu.memory_space<vmem>>[vector<16xi32>, vector<16xi32>], vector<16xf32>,
        tpu.vector_store_idx %arg7[%broadcast_in_dim3A_760, %add3A_96, %broadcast_in_dim3A_151, %select_n3A_150, %add3A_873], %gather3A_877 : memref<2x8x1x8x128xf32, #tpu.memory_space<vmem>>[vector<16xi32>, vector<16xi32>, vector<16xi32>, vector<16xi32>, vector<16xi32>], vector<16xf32>,
        %gather3A_878 = tpu.vector_load_idx %arg6[%add3A_874, %add3A_563] : memref<1024x64xf32, #tpu.memory_space<vmem>>[vector<16xi32>, vector<16xi32>], vector<16xf32>,
        tpu.vector_store_idx %arg7[%broadcast_in_dim3A_760, %add3A_130, %broadcast_in_dim3A_151, %select_n3A_150, %add3A_873], %gather3A_878 : memref<2x8x1x8x128xf32, #tpu.memory_space<vmem>>[vector<16xi32>, vector<16xi32>, vector<16xi32>, vector<16xi32>, vector<16xi32>], vector<16xf32>,
        %add3A_879 = arith.addi %broadcast_in_dim3A_807, %select_n3A_476 : vector<16xi32>
        %add3A_880 = arith.addi %broadcast_in_dim3A_761, %add3A_879 : vector<16xi32>
        %gather3A_881 = tpu.vector_load_idx %arg6[%add3A_880, %add3A_554] : memref<1024x64xf32, #tpu.memory_space<vmem>>[vector<16xi32>, vector<16xi32>], vector<16xf32>,
        tpu.vector_store_idx %arg7[%broadcast_in_dim3A_760, %add3A_28, %broadcast_in_dim3A_151, %select_n3A_150, %add3A_879], %gather3A_881 : memref<2x8x1x8x128xf32, #tpu.memory_space<vmem>>[vector<16xi32>, vector<16xi32>, vector<16xi32>, vector<16xi32>, vector<16xi32>], vector<16xf32>,
        %gather3A_882 = tpu.vector_load_idx %arg6[%add3A_880, %add3A_557] : memref<1024x64xf32, #tpu.memory_space<vmem>>[vector<16xi32>, vector<16xi32>], vector<16xf32>,
        tpu.vector_store_idx %arg7[%broadcast_in_dim3A_760, %add3A_62, %broadcast_in_dim3A_151, %select_n3A_150, %add3A_879], %gather3A_882 : memref<2x8x1x8x128xf32, #tpu.memory_space<vmem>>[vector<16xi32>, vector<16xi32>, vector<16xi32>, vector<16xi32>, vector<16xi32>], vector<16xf32>,
        %gather3A_883 = tpu.vector_load_idx %arg6[%add3A_880, %add3A_560] : memref<1024x64xf32, #tpu.memory_space<vmem>>[vector<16xi32>, vector<16xi32>], vector<16xf32>,
        tpu.vector_store_idx %arg7[%broadcast_in_dim3A_760, %add3A_96, %broadcast_in_dim3A_151, %select_n3A_150, %add3A_879], %gather3A_883 : memref<2x8x1x8x128xf32, #tpu.memory_space<vmem>>[vector<16xi32>, vector<16xi32>, vector<16xi32>, vector<16xi32>, vector<16xi32>], vector<16xf32>,
        %gather3A_884 = tpu.vector_load_idx %arg6[%add3A_880, %add3A_563] : memref<1024x64xf32, #tpu.memory_space<vmem>>[vector<16xi32>, vector<16xi32>], vector<16xf32>,
        tpu.vector_store_idx %arg7[%broadcast_in_dim3A_760, %add3A_130, %broadcast_in_dim3A_151, %select_n3A_150, %add3A_879], %gather3A_884 : memref<2x8x1x8x128xf32, #tpu.memory_space<vmem>>[vector<16xi32>, vector<16xi32>, vector<16xi32>, vector<16xi32>, vector<16xi32>], vector<16xf32>,
        %add3A_885 = arith.addi %broadcast_in_dim3A_807, %select_n3A_501 : vector<16xi32>
        %add3A_886 = arith.addi %broadcast_in_dim3A_761, %add3A_885 : vector<16xi32>
        %gather3A_887 = tpu.vector_load_idx %arg6[%add3A_886, %add3A_554] : memref<1024x64xf32, #tpu.memory_space<vmem>>[vector<16xi32>, vector<16xi32>], vector<16xf32>,
        tpu.vector_store_idx %arg7[%broadcast_in_dim3A_760, %add3A_28, %broadcast_in_dim3A_151, %select_n3A_150, %add3A_885], %gather3A_887 : memref<2x8x1x8x128xf32, #tpu.memory_space<vmem>>[vector<16xi32>, vector<16xi32>, vector<16xi32>, vector<16xi32>, vector<16xi32>], vector<16xf32>,
        %gather3A_888 = tpu.vector_load_idx %arg6[%add3A_886, %add3A_557] : memref<1024x64xf32, #tpu.memory_space<vmem>>[vector<16xi32>, vector<16xi32>], vector<16xf32>,
        tpu.vector_store_idx %arg7[%broadcast_in_dim3A_760, %add3A_62, %broadcast_in_dim3A_151, %select_n3A_150, %add3A_885], %gather3A_888 : memref<2x8x1x8x128xf32, #tpu.memory_space<vmem>>[vector<16xi32>, vector<16xi32>, vector<16xi32>, vector<16xi32>, vector<16xi32>], vector<16xf32>,
        %gather3A_889 = tpu.vector_load_idx %arg6[%add3A_886, %add3A_560] : memref<1024x64xf32, #tpu.memory_space<vmem>>[vector<16xi32>, vector<16xi32>], vector<16xf32>,
        tpu.vector_store_idx %arg7[%broadcast_in_dim3A_760, %add3A_96, %broadcast_in_dim3A_151, %select_n3A_150, %add3A_885], %gather3A_889 : memref<2x8x1x8x128xf32, #tpu.memory_space<vmem>>[vector<16xi32>, vector<16xi32>, vector<16xi32>, vector<16xi32>, vector<16xi32>], vector<16xf32>,
        %gather3A_890 = tpu.vector_load_idx %arg6[%add3A_886, %add3A_563] : memref<1024x64xf32, #tpu.memory_space<vmem>>[vector<16xi32>, vector<16xi32>], vector<16xf32>,
        tpu.vector_store_idx %arg7[%broadcast_in_dim3A_760, %add3A_130, %broadcast_in_dim3A_151, %select_n3A_150, %add3A_885], %gather3A_890 : memref<2x8x1x8x128xf32, #tpu.memory_space<vmem>>[vector<16xi32>, vector<16xi32>, vector<16xi32>, vector<16xi32>, vector<16xi32>], vector<16xf32>,
        %add3A_891 = arith.addi %broadcast_in_dim3A_807, %select_n3A_526 : vector<16xi32>
        %add3A_892 = arith.addi %broadcast_in_dim3A_761, %add3A_891 : vector<16xi32>
        %gather3A_893 = tpu.vector_load_idx %arg6[%add3A_892, %add3A_554] : memref<1024x64xf32, #tpu.memory_space<vmem>>[vector<16xi32>, vector<16xi32>], vector<16xf32>,
        tpu.vector_store_idx %arg7[%broadcast_in_dim3A_760, %add3A_28, %broadcast_in_dim3A_151, %select_n3A_150, %add3A_891], %gather3A_893 : memref<2x8x1x8x128xf32, #tpu.memory_space<vmem>>[vector<16xi32>, vector<16xi32>, vector<16xi32>, vector<16xi32>, vector<16xi32>], vector<16xf32>,
        %gather3A_894 = tpu.vector_load_idx %arg6[%add3A_892, %add3A_557] : memref<1024x64xf32, #tpu.memory_space<vmem>>[vector<16xi32>, vector<16xi32>], vector<16xf32>,
        tpu.vector_store_idx %arg7[%broadcast_in_dim3A_760, %add3A_62, %broadcast_in_dim3A_151, %select_n3A_150, %add3A_891], %gather3A_894 : memref<2x8x1x8x128xf32, #tpu.memory_space<vmem>>[vector<16xi32>, vector<16xi32>, vector<16xi32>, vector<16xi32>, vector<16xi32>], vector<16xf32>,
        %gather3A_895 = tpu.vector_load_idx %arg6[%add3A_892, %add3A_560] : memref<1024x64xf32, #tpu.memory_space<vmem>>[vector<16xi32>, vector<16xi32>], vector<16xf32>,
        tpu.vector_store_idx %arg7[%broadcast_in_dim3A_760, %add3A_96, %broadcast_in_dim3A_151, %select_n3A_150, %add3A_891], %gather3A_895 : memref<2x8x1x8x128xf32, #tpu.memory_space<vmem>>[vector<16xi32>, vector<16xi32>, vector<16xi32>, vector<16xi32>, vector<16xi32>], vector<16xf32>,
        %gather3A_896 = tpu.vector_load_idx %arg6[%add3A_892, %add3A_563] : memref<1024x64xf32, #tpu.memory_space<vmem>>[vector<16xi32>, vector<16xi32>], vector<16xf32>,
        tpu.vector_store_idx %arg7[%broadcast_in_dim3A_760, %add3A_130, %broadcast_in_dim3A_151, %select_n3A_150, %add3A_891], %gather3A_896 : memref<2x8x1x8x128xf32, #tpu.memory_space<vmem>>[vector<16xi32>, vector<16xi32>, vector<16xi32>, vector<16xi32>, vector<16xi32>], vector<16xf32>,
        %add3A_897 = arith.addi %broadcast_in_dim3A_807, %select_n3A_551 : vector<16xi32>
        %add3A_898 = arith.addi %broadcast_in_dim3A_761, %add3A_897 : vector<16xi32>
        %gather3A_899 = tpu.vector_load_idx %arg6[%add3A_898, %add3A_554] : memref<1024x64xf32, #tpu.memory_space<vmem>>[vector<16xi32>, vector<16xi32>], vector<16xf32>,
        tpu.vector_store_idx %arg7[%broadcast_in_dim3A_760, %add3A_28, %broadcast_in_dim3A_151, %select_n3A_150, %add3A_897], %gather3A_899 : memref<2x8x1x8x128xf32, #tpu.memory_space<vmem>>[vector<16xi32>, vector<16xi32>, vector<16xi32>, vector<16xi32>, vector<16xi32>], vector<16xf32>,
        %gather3A_900 = tpu.vector_load_idx %arg6[%add3A_898, %add3A_557] : memref<1024x64xf32, #tpu.memory_space<vmem>>[vector<16xi32>, vector<16xi32>], vector<16xf32>,
        tpu.vector_store_idx %arg7[%broadcast_in_dim3A_760, %add3A_62, %broadcast_in_dim3A_151, %select_n3A_150, %add3A_897], %gather3A_900 : memref<2x8x1x8x128xf32, #tpu.memory_space<vmem>>[vector<16xi32>, vector<16xi32>, vector<16xi32>, vector<16xi32>, vector<16xi32>], vector<16xf32>,
        %gather3A_901 = tpu.vector_load_idx %arg6[%add3A_898, %add3A_560] : memref<1024x64xf32, #tpu.memory_space<vmem>>[vector<16xi32>, vector<16xi32>], vector<16xf32>,
        tpu.vector_store_idx %arg7[%broadcast_in_dim3A_760, %add3A_96, %broadcast_in_dim3A_151, %select_n3A_150, %add3A_897], %gather3A_901 : memref<2x8x1x8x128xf32, #tpu.memory_space<vmem>>[vector<16xi32>, vector<16xi32>, vector<16xi32>, vector<16xi32>, vector<16xi32>], vector<16xf32>,
        %gather3A_902 = tpu.vector_load_idx %arg6[%add3A_898, %add3A_563] : memref<1024x64xf32, #tpu.memory_space<vmem>>[vector<16xi32>, vector<16xi32>], vector<16xf32>,
        tpu.vector_store_idx %arg7[%broadcast_in_dim3A_760, %add3A_130, %broadcast_in_dim3A_151, %select_n3A_150, %add3A_897], %gather3A_902 : memref<2x8x1x8x128xf32, #tpu.memory_space<vmem>>[vector<16xi32>, vector<16xi32>, vector<16xi32>, vector<16xi32>, vector<16xi32>], vector<16xf32>,
      }
      %scan3A_767 = arith.constant 8 : i32
      %dma_start3A_768 = arith.constant 0 : i32
      %dma_start3A_769 = arith.constant 0 : i32
      %dma_start3A_770 = arith.constant 0 : i32
      %dma_start3A_771 = arith.constant 0 : i32
      %dma_start3A_772 = tpu.memref_slice %arg7[%rem3A_757, %dma_start3A_768, %dma_start3A_769, %dma_start3A_770, %dma_start3A_771] : memref<2x8x1x8x128xf32, #tpu.memory_space<vmem>> -> memref<1x8x1x8x128xf32, #tpu.memory_space<vmem>>
      %dma_start3A_773 = tpu.memref_squeeze %dma_start3A_772 : memref<1x8x1x8x128xf32, #tpu.memory_space<vmem>> -> memref<8x1x8x128xf32, #tpu.memory_space<vmem>>
      %dma_start3A_774 = arith.constant 0 : i32
      %dma_start3A_775 = arith.constant 0 : i32
      %dma_start3A_776 = arith.constant 0 : i32
      %dma_start3A_777 = tpu.memref_slice %arg4[%scan3A_741, %dma_start3A_774, %add3A, %dma_start3A_775, %dma_start3A_776] : memref<50x8x32x8x128xf32, #tpu.memory_space<hbm>> -> memref<1x8x1x8x128xf32, #tpu.memory_space<hbm>>
      %dma_start3A_778 = tpu.memref_squeeze %dma_start3A_777 : memref<1x8x1x8x128xf32, #tpu.memory_space<hbm>> -> memref<8x1x8x128xf32, #tpu.memory_space<hbm>>
      %dma_start3A_779 = arith.constant 0 : i32
      %dma_start3A_780 = arith.constant 0 : i32
      %dma_start3A_781 = arith.constant 0 : i32
      %dma_start3A_782 = tpu.memref_slice %arg4[%scan3A_741, %dma_start3A_779, %add3A, %dma_start3A_780, %dma_start3A_781] : memref<50x8x32x8x128xf32, #tpu.memory_space<hbm>> -> memref<1x8x1x8x128xf32, #tpu.memory_space<hbm>>
      %dma_start3A_783 = tpu.memref_squeeze %dma_start3A_782 : memref<1x8x1x8x128xf32, #tpu.memory_space<hbm>> -> memref<8x1x8x128xf32, #tpu.memory_space<hbm>>
      %dma_start3A_784 = arith.constant 0 : i32
      %dma_start3A_785 = arith.constant 0 : i32
      %dma_start3A_786 = arith.constant 0 : i32
      %dma_start3A_787 = arith.constant 0 : i32
      %dma_start3A_788 = tpu.memref_slice %arg7[%rem3A_757, %dma_start3A_784, %dma_start3A_785, %dma_start3A_786, %dma_start3A_787] : memref<2x8x1x8x128xf32, #tpu.memory_space<vmem>> -> memref<1x8x1x8x128xf32, #tpu.memory_space<vmem>>
      %dma_start3A_789 = tpu.memref_squeeze %dma_start3A_788 : memref<1x8x1x8x128xf32, #tpu.memory_space<vmem>> -> memref<8x1x8x128xf32, #tpu.memory_space<vmem>>
      tpu.enqueue_dma source(%dma_start3A_789 : memref<8x1x8x128xf32, #tpu.memory_space<vmem>>) target(%dma_start3A_783 : memref<8x1x8x128xf32, #tpu.memory_space<hbm>>) target_semaphore(%arg9 : memref<!tpu.dma_semaphore, #tpu.memory_space<semaphore_mem>>)
      %add3A_790 = arith.constant 8 : i32
      %add3A_791 = arith.addi %scan3A_741, %add3A_790 : i32
      %rem3A_792 = arith.constant 8 : i32
      %rem3A_793 = arith.remsi %add3A_791, %rem3A_792 : i32
      %mul3A_794 = arith.constant 128 : i32
      %mul3A_795 = arith.muli %rem3A_793, %mul3A_794 : i32
      %dma_start3A_796 = arith.constant 0 : i32
      %dma_start3A_797 = tpu.memref_slice %arg6[%mul3A_795, %dma_start3A_796] : memref<1024x64xf32, #tpu.memory_space<vmem>> -> memref<128x64xf32, #tpu.memory_space<vmem>>
      %dma_start3A_798 = arith.constant 0 : i32
      %dma_start3A_799 = tpu.memref_slice %arg5[%add3A_791, %dma_start3A_798] : memref<50x128xi32, #tpu.memory_space<vmem>> -> memref<1x128xi32, #tpu.memory_space<vmem>>
      %dma_start3A_800 = tpu.memref_squeeze %dma_start3A_799 : memref<1x128xi32, #tpu.memory_space<vmem>> -> memref<128xi32, #tpu.memory_space<vmem>>
      %dma_start3A_801 = arith.constant 0 : i32
      %dma_start3A_802 = arith.constant 0 : i32
      %dma_start3A_803 = tpu.memref_slice %arg3[%dma_start3A_801, %dma_start3A_802] : memref<100000x64xf32, #tpu.memory_space<hbm>> -> memref<100000x64xf32, #tpu.memory_space<hbm>>
      tpu.enqueue_indirect_dma source(%dma_start3A_803 : memref<100000x64xf32, #tpu.memory_space<hbm>>) target(%dma_start3A_797 : memref<128x64xf32, #tpu.memory_space<vmem>>) offsets(%dma_start3A_800 : memref<128xi32, #tpu.memory_space<vmem>>) semaphore(%arg8 : memref<!tpu.dma_semaphore, #tpu.memory_space<semaphore_mem>>)
    }
    %scan3A_679 = arith.constant 2 : i32
    %scan3A_680 = arith.constant 0 : i32
    %scan3A_681 = arith.constant 2 : i32
    %scan3A_682 = arith.constant 40 : i32
    %scan3A_683 = arith.addi %scan3A_681, %scan3A_682 : i32
    %scan3A_684 = arith.constant 1 : i32
    scf.for %scan3A_741 = %scan3A_681 to %scan3A_683 step %scan3A_684  : i32 {
      %dma_wait3A_742 = arith.constant 0 : i32
      %dma_wait3A_743 = arith.constant 0 : i32
      %dma_wait3A_744 = arith.constant 0 : i32
      %dma_wait3A_745 = arith.constant 0 : i32
      %dma_wait3A_746 = arith.constant 0 : i32
      %dma_wait3A_747 = tpu.memref_slice %arg7[%dma_wait3A_742, %dma_wait3A_743, %dma_wait3A_744, %dma_wait3A_745, %dma_wait3A_746] : memref<2x8x1x8x128xf32, #tpu.memory_space<vmem>> -> memref<1x8x1x8x128xf32, #tpu.memory_space<vmem>>
      %dma_wait3A_748 = tpu.memref_squeeze %dma_wait3A_747 : memref<1x8x1x8x128xf32, #tpu.memory_space<vmem>> -> memref<8x1x8x128xf32, #tpu.memory_space<vmem>>
      %dma_wait3A_749 = arith.constant 0 : i32
      %dma_wait3A_750 = arith.constant 0 : i32
      %dma_wait3A_751 = arith.constant 0 : i32
      %dma_wait3A_752 = arith.constant 0 : i32
      %dma_wait3A_753 = arith.constant 0 : i32
      %dma_wait3A_754 = tpu.memref_slice %arg4[%dma_wait3A_749, %dma_wait3A_750, %dma_wait3A_751, %dma_wait3A_752, %dma_wait3A_753] : memref<50x8x32x8x128xf32, #tpu.memory_space<hbm>> -> memref<1x8x1x8x128xf32, #tpu.memory_space<hbm>>
      %dma_wait3A_755 = arith.constant 0 : i32
      %dma_wait3A_756 = arith.constant 0 : i32
      %dma_wait3A_757 = arith.constant 0 : i32
      %dma_wait3A_758 = arith.constant 0 : i32
      %dma_wait3A_759 = arith.constant 0 : i32
      %dma_wait3A_760 = tpu.memref_slice %arg4[%dma_wait3A_755, %dma_wait3A_756, %dma_wait3A_757, %dma_wait3A_758, %dma_wait3A_759] : memref<50x8x32x8x128xf32, #tpu.memory_space<hbm>> -> memref<1x8x1x8x128xf32, #tpu.memory_space<hbm>>
      %dma_wait3A_761 = arith.constant 0 : i32
      %dma_wait3A_762 = arith.constant 0 : i32
      %dma_wait3A_763 = arith.constant 0 : i32
      %dma_wait3A_764 = arith.constant 0 : i32
      %dma_wait3A_765 = tpu.memref_slice %arg7[%dma_wait3A_742, %dma_wait3A_761, %dma_wait3A_762, %dma_wait3A_763, %dma_wait3A_764] : memref<2x8x1x8x128xf32, #tpu.memory_space<vmem>> -> memref<1x8x1x8x128xf32, #tpu.memory_space<vmem>>
      %dma_wait3A_766 = tpu.memref_squeeze %dma_wait3A_765 : memref<1x8x1x8x128xf32, #tpu.memory_space<vmem>> -> memref<8x1x8x128xf32, #tpu.memory_space<vmem>>
      tpu.wait_dma2 semaphore(%arg9 : memref<!tpu.dma_semaphore, #tpu.memory_space<semaphore_mem>>) src(%dma_wait3A_766 : memref<8x1x8x128xf32, #tpu.memory_space<vmem>>) dst(%dma_wait3A_760 : memref<1x8x1x8x128xf32, #tpu.memory_space<hbm>>)
      %dma_wait3A_767 = arith.constant 0 : i32
      %dma_wait3A_768 = arith.constant 0 : i32
      %dma_wait3A_769 = tpu.memref_slice %arg6[%dma_wait3A_767, %dma_wait3A_768] : memref<1024x64xf32, #tpu.memory_space<vmem>> -> memref<128x64xf32, #tpu.memory_space<vmem>>
      %dma_wait3A_770 = arith.constant 0 : i32
      %dma_wait3A_771 = arith.constant 0 : i32
      %dma_wait3A_772 = tpu.memref_slice %arg3[%dma_wait3A_770, %dma_wait3A_771] : memref<100000x64xf32, #tpu.memory_space<hbm>> -> memref<128x64xf32, #tpu.memory_space<hbm>>
      %dma_wait3A_773 = arith.constant 0 : i32
      %dma_wait3A_774 = arith.constant 0 : i32
      %dma_wait3A_775 = tpu.memref_slice %arg6[%dma_wait3A_773, %dma_wait3A_774] : memref<1024x64xf32, #tpu.memory_space<vmem>> -> memref<128x64xf32, #tpu.memory_space<vmem>>
      %dma_wait3A_776 = arith.constant 0 : i32
      %dma_wait3A_777 = arith.constant 0 : i32
      %dma_wait3A_778 = tpu.memref_slice %arg3[%dma_wait3A_776, %dma_wait3A_777] : memref<100000x64xf32, #tpu.memory_space<hbm>> -> memref<128x64xf32, #tpu.memory_space<hbm>>
      tpu.wait_dma2 semaphore(%arg8 : memref<!tpu.dma_semaphore, #tpu.memory_space<semaphore_mem>>) src(%dma_wait3A_778 : memref<128x64xf32, #tpu.memory_space<hbm>>) dst(%dma_wait3A_775 : memref<128x64xf32, #tpu.memory_space<vmem>>)
      %rem3A_779 = arith.constant 8 : i32
      %rem3A_780 = arith.remsi %scan3A_741, %rem3A_779 : i32
      %rem3A_781 = arith.constant 2 : i32
      %rem3A_782 = arith.remsi %scan3A_741, %rem3A_781 : i32
      %mul3A_783 = arith.constant 128 : i32
      %mul3A_784 = arith.muli %rem3A_780, %mul3A_783 : i32
      %broadcast_in_dim3A_785 = vector.broadcast %rem3A_782 : i32 to vector<16xi32>
      %broadcast_in_dim3A_786 = vector.broadcast %mul3A_784 : i32 to vector<16xi32>
      %scan3A_787 = arith.constant 0 : i32
      %scan3A_788 = arith.constant 0 : i32
      %scan3A_789 = arith.constant 8 : i32
      %scan3A_790 = arith.addi %scan3A_788, %scan3A_789 : i32
      %scan3A_791 = arith.constant 1 : i32
      scf.for %scan3A_829 = %scan3A_788 to %scan3A_790 step %scan3A_791  : i32 {
        %mul3A_830 = arith.constant 16 : i32
        %mul3A_831 = arith.muli %mul3A_830, %scan3A_829 : i32
        %broadcast_in_dim3A_832 = vector.broadcast %mul3A_831 : i32 to vector<16xi32>
        %add3A_833 = arith.addi %broadcast_in_dim3A_832, %select_n3A_176 : vector<16xi32>
        %add3A_834 = arith.addi %broadcast_in_dim3A_786, %add3A_833 : vector<16xi32>
        %gather3A = tpu.vector_load_idx %arg6[%add3A_834, %add3A_554] : memref<1024x64xf32, #tpu.memory_space<vmem>>[vector<16xi32>, vector<16xi32>], vector<16xf32>,
        tpu.vector_store_idx %arg7[%broadcast_in_dim3A_785, %add3A_28, %broadcast_in_dim3A_151, %select_n3A_150, %add3A_833], %gather3A : memref<2x8x1x8x128xf32, #tpu.memory_space<vmem>>[vector<16xi32>, vector<16xi32>, vector<16xi32>, vector<16xi32>, vector<16xi32>], vector<16xf32>,
        %gather3A_835 = tpu.vector_load_idx %arg6[%add3A_834, %add3A_557] : memref<1024x64xf32, #tpu.memory_space<vmem>>[vector<16xi32>, vector<16xi32>], vector<16xf32>,
        tpu.vector_store_idx %arg7[%broadcast_in_dim3A_785, %add3A_62, %broadcast_in_dim3A_151, %select_n3A_150, %add3A_833], %gather3A_835 : memref<2x8x1x8x128xf32, #tpu.memory_space<vmem>>[vector<16xi32>, vector<16xi32>, vector<16xi32>, vector<16xi32>, vector<16xi32>], vector<16xf32>,
        %gather3A_836 = tpu.vector_load_idx %arg6[%add3A_834, %add3A_560] : memref<1024x64xf32, #tpu.memory_space<vmem>>[vector<16xi32>, vector<16xi32>], vector<16xf32>,
        tpu.vector_store_idx %arg7[%broadcast_in_dim3A_785, %add3A_96, %broadcast_in_dim3A_151, %select_n3A_150, %add3A_833], %gather3A_836 : memref<2x8x1x8x128xf32, #tpu.memory_space<vmem>>[vector<16xi32>, vector<16xi32>, vector<16xi32>, vector<16xi32>, vector<16xi32>], vector<16xf32>,
        %gather3A_837 = tpu.vector_load_idx %arg6[%add3A_834, %add3A_563] : memref<1024x64xf32, #tpu.memory_space<vmem>>[vector<16xi32>, vector<16xi32>], vector<16xf32>,
        tpu.vector_store_idx %arg7[%broadcast_in_dim3A_785, %add3A_130, %broadcast_in_dim3A_151, %select_n3A_150, %add3A_833], %gather3A_837 : memref<2x8x1x8x128xf32, #tpu.memory_space<vmem>>[vector<16xi32>, vector<16xi32>, vector<16xi32>, vector<16xi32>, vector<16xi32>], vector<16xf32>,
        %add3A_838 = arith.addi %broadcast_in_dim3A_832, %select_n3A_201 : vector<16xi32>
        %add3A_839 = arith.addi %broadcast_in_dim3A_786, %add3A_838 : vector<16xi32>
        %gather3A_840 = tpu.vector_load_idx %arg6[%add3A_839, %add3A_554] : memref<1024x64xf32, #tpu.memory_space<vmem>>[vector<16xi32>, vector<16xi32>], vector<16xf32>,
        tpu.vector_store_idx %arg7[%broadcast_in_dim3A_785, %add3A_28, %broadcast_in_dim3A_151, %select_n3A_150, %add3A_838], %gather3A_840 : memref<2x8x1x8x128xf32, #tpu.memory_space<vmem>>[vector<16xi32>, vector<16xi32>, vector<16xi32>, vector<16xi32>, vector<16xi32>], vector<16xf32>,
        %gather3A_841 = tpu.vector_load_idx %arg6[%add3A_839, %add3A_557] : memref<1024x64xf32, #tpu.memory_space<vmem>>[vector<16xi32>, vector<16xi32>], vector<16xf32>,
        tpu.vector_store_idx %arg7[%broadcast_in_dim3A_785, %add3A_62, %broadcast_in_dim3A_151, %select_n3A_150, %add3A_838], %gather3A_841 : memref<2x8x1x8x128xf32, #tpu.memory_space<vmem>>[vector<16xi32>, vector<16xi32>, vector<16xi32>, vector<16xi32>, vector<16xi32>], vector<16xf32>,
        %gather3A_842 = tpu.vector_load_idx %arg6[%add3A_839, %add3A_560] : memref<1024x64xf32, #tpu.memory_space<vmem>>[vector<16xi32>, vector<16xi32>], vector<16xf32>,
        tpu.vector_store_idx %arg7[%broadcast_in_dim3A_785, %add3A_96, %broadcast_in_dim3A_151, %select_n3A_150, %add3A_838], %gather3A_842 : memref<2x8x1x8x128xf32, #tpu.memory_space<vmem>>[vector<16xi32>, vector<16xi32>, vector<16xi32>, vector<16xi32>, vector<16xi32>], vector<16xf32>,
        %gather3A_843 = tpu.vector_load_idx %arg6[%add3A_839, %add3A_563] : memref<1024x64xf32, #tpu.memory_space<vmem>>[vector<16xi32>, vector<16xi32>], vector<16xf32>,
        tpu.vector_store_idx %arg7[%broadcast_in_dim3A_785, %add3A_130, %broadcast_in_dim3A_151, %select_n3A_150, %add3A_838], %gather3A_843 : memref<2x8x1x8x128xf32, #tpu.memory_space<vmem>>[vector<16xi32>, vector<16xi32>, vector<16xi32>, vector<16xi32>, vector<16xi32>], vector<16xf32>,
        %add3A_844 = arith.addi %broadcast_in_dim3A_832, %select_n3A_226 : vector<16xi32>
        %add3A_845 = arith.addi %broadcast_in_dim3A_786, %add3A_844 : vector<16xi32>
        %gather3A_846 = tpu.vector_load_idx %arg6[%add3A_845, %add3A_554] : memref<1024x64xf32, #tpu.memory_space<vmem>>[vector<16xi32>, vector<16xi32>], vector<16xf32>,
        tpu.vector_store_idx %arg7[%broadcast_in_dim3A_785, %add3A_28, %broadcast_in_dim3A_151, %select_n3A_150, %add3A_844], %gather3A_846 : memref<2x8x1x8x128xf32, #tpu.memory_space<vmem>>[vector<16xi32>, vector<16xi32>, vector<16xi32>, vector<16xi32>, vector<16xi32>], vector<16xf32>,
        %gather3A_847 = tpu.vector_load_idx %arg6[%add3A_845, %add3A_557] : memref<1024x64xf32, #tpu.memory_space<vmem>>[vector<16xi32>, vector<16xi32>], vector<16xf32>,
        tpu.vector_store_idx %arg7[%broadcast_in_dim3A_785, %add3A_62, %broadcast_in_dim3A_151, %select_n3A_150, %add3A_844], %gather3A_847 : memref<2x8x1x8x128xf32, #tpu.memory_space<vmem>>[vector<16xi32>, vector<16xi32>, vector<16xi32>, vector<16xi32>, vector<16xi32>], vector<16xf32>,
        %gather3A_848 = tpu.vector_load_idx %arg6[%add3A_845, %add3A_560] : memref<1024x64xf32, #tpu.memory_space<vmem>>[vector<16xi32>, vector<16xi32>], vector<16xf32>,
        tpu.vector_store_idx %arg7[%broadcast_in_dim3A_785, %add3A_96, %broadcast_in_dim3A_151, %select_n3A_150, %add3A_844], %gather3A_848 : memref<2x8x1x8x128xf32, #tpu.memory_space<vmem>>[vector<16xi32>, vector<16xi32>, vector<16xi32>, vector<16xi32>, vector<16xi32>], vector<16xf32>,
        %gather3A_849 = tpu.vector_load_idx %arg6[%add3A_845, %add3A_563] : memref<1024x64xf32, #tpu.memory_space<vmem>>[vector<16xi32>, vector<16xi32>], vector<16xf32>,
        tpu.vector_store_idx %arg7[%broadcast_in_dim3A_785, %add3A_130, %broadcast_in_dim3A_151, %select_n3A_150, %add3A_844], %gather3A_849 : memref<2x8x1x8x128xf32, #tpu.memory_space<vmem>>[vector<16xi32>, vector<16xi32>, vector<16xi32>, vector<16xi32>, vector<16xi32>], vector<16xf32>,
        %add3A_850 = arith.addi %broadcast_in_dim3A_832, %select_n3A_251 : vector<16xi32>
        %add3A_851 = arith.addi %broadcast_in_dim3A_786, %add3A_850 : vector<16xi32>
        %gather3A_852 = tpu.vector_load_idx %arg6[%add3A_851, %add3A_554] : memref<1024x64xf32, #tpu.memory_space<vmem>>[vector<16xi32>, vector<16xi32>], vector<16xf32>,
        tpu.vector_store_idx %arg7[%broadcast_in_dim3A_785, %add3A_28, %broadcast_in_dim3A_151, %select_n3A_150, %add3A_850], %gather3A_852 : memref<2x8x1x8x128xf32, #tpu.memory_space<vmem>>[vector<16xi32>, vector<16xi32>, vector<16xi32>, vector<16xi32>, vector<16xi32>], vector<16xf32>,
        %gather3A_853 = tpu.vector_load_idx %arg6[%add3A_851, %add3A_557] : memref<1024x64xf32, #tpu.memory_space<vmem>>[vector<16xi32>, vector<16xi32>], vector<16xf32>,
        tpu.vector_store_idx %arg7[%broadcast_in_dim3A_785, %add3A_62, %broadcast_in_dim3A_151, %select_n3A_150, %add3A_850], %gather3A_853 : memref<2x8x1x8x128xf32, #tpu.memory_space<vmem>>[vector<16xi32>, vector<16xi32>, vector<16xi32>, vector<16xi32>, vector<16xi32>], vector<16xf32>,
        %gather3A_854 = tpu.vector_load_idx %arg6[%add3A_851, %add3A_560] : memref<1024x64xf32, #tpu.memory_space<vmem>>[vector<16xi32>, vector<16xi32>], vector<16xf32>,
        tpu.vector_store_idx %arg7[%broadcast_in_dim3A_785, %add3A_96, %broadcast_in_dim3A_151, %select_n3A_150, %add3A_850], %gather3A_854 : memref<2x8x1x8x128xf32, #tpu.memory_space<vmem>>[vector<16xi32>, vector<16xi32>, vector<16xi32>, vector<16xi32>, vector<16xi32>], vector<16xf32>,
        %gather3A_855 = tpu.vector_load_idx %arg6[%add3A_851, %add3A_563] : memref<1024x64xf32, #tpu.memory_space<vmem>>[vector<16xi32>, vector<16xi32>], vector<16xf32>,
        tpu.vector_store_idx %arg7[%broadcast_in_dim3A_785, %add3A_130, %broadcast_in_dim3A_151, %select_n3A_150, %add3A_850], %gather3A_855 : memref<2x8x1x8x128xf32, #tpu.memory_space<vmem>>[vector<16xi32>, vector<16xi32>, vector<16xi32>, vector<16xi32>, vector<16xi32>], vector<16xf32>,
        %add3A_856 = arith.addi %broadcast_in_dim3A_832, %select_n3A_276 : vector<16xi32>
        %add3A_857 = arith.addi %broadcast_in_dim3A_786, %add3A_856 : vector<16xi32>
        %gather3A_858 = tpu.vector_load_idx %arg6[%add3A_857, %add3A_554] : memref<1024x64xf32, #tpu.memory_space<vmem>>[vector<16xi32>, vector<16xi32>], vector<16xf32>,
        tpu.vector_store_idx %arg7[%broadcast_in_dim3A_785, %add3A_28, %broadcast_in_dim3A_151, %select_n3A_150, %add3A_856], %gather3A_858 : memref<2x8x1x8x128xf32, #tpu.memory_space<vmem>>[vector<16xi32>, vector<16xi32>, vector<16xi32>, vector<16xi32>, vector<16xi32>], vector<16xf32>,
        %gather3A_859 = tpu.vector_load_idx %arg6[%add3A_857, %add3A_557] : memref<1024x64xf32, #tpu.memory_space<vmem>>[vector<16xi32>, vector<16xi32>], vector<16xf32>,
        tpu.vector_store_idx %arg7[%broadcast_in_dim3A_785, %add3A_62, %broadcast_in_dim3A_151, %select_n3A_150, %add3A_856], %gather3A_859 : memref<2x8x1x8x128xf32, #tpu.memory_space<vmem>>[vector<16xi32>, vector<16xi32>, vector<16xi32>, vector<16xi32>, vector<16xi32>], vector<16xf32>,
        %gather3A_860 = tpu.vector_load_idx %arg6[%add3A_857, %add3A_560] : memref<1024x64xf32, #tpu.memory_space<vmem>>[vector<16xi32>, vector<16xi32>], vector<16xf32>,
        tpu.vector_store_idx %arg7[%broadcast_in_dim3A_785, %add3A_96, %broadcast_in_dim3A_151, %select_n3A_150, %add3A_856], %gather3A_860 : memref<2x8x1x8x128xf32, #tpu.memory_space<vmem>>[vector<16xi32>, vector<16xi32>, vector<16xi32>, vector<16xi32>, vector<16xi32>], vector<16xf32>,
        %gather3A_861 = tpu.vector_load_idx %arg6[%add3A_857, %add3A_563] : memref<1024x64xf32, #tpu.memory_space<vmem>>[vector<16xi32>, vector<16xi32>], vector<16xf32>,
        tpu.vector_store_idx %arg7[%broadcast_in_dim3A_785, %add3A_130, %broadcast_in_dim3A_151, %select_n3A_150, %add3A_856], %gather3A_861 : memref<2x8x1x8x128xf32, #tpu.memory_space<vmem>>[vector<16xi32>, vector<16xi32>, vector<16xi32>, vector<16xi32>, vector<16xi32>], vector<16xf32>,
        %add3A_862 = arith.addi %broadcast_in_dim3A_832, %select_n3A_301 : vector<16xi32>
        %add3A_863 = arith.addi %broadcast_in_dim3A_786, %add3A_862 : vector<16xi32>
        %gather3A_864 = tpu.vector_load_idx %arg6[%add3A_863, %add3A_554] : memref<1024x64xf32, #tpu.memory_space<vmem>>[vector<16xi32>, vector<16xi32>], vector<16xf32>,
        tpu.vector_store_idx %arg7[%broadcast_in_dim3A_785, %add3A_28, %broadcast_in_dim3A_151, %select_n3A_150, %add3A_862], %gather3A_864 : memref<2x8x1x8x128xf32, #tpu.memory_space<vmem>>[vector<16xi32>, vector<16xi32>, vector<16xi32>, vector<16xi32>, vector<16xi32>], vector<16xf32>,
        %gather3A_865 = tpu.vector_load_idx %arg6[%add3A_863, %add3A_557] : memref<1024x64xf32, #tpu.memory_space<vmem>>[vector<16xi32>, vector<16xi32>], vector<16xf32>,
        tpu.vector_store_idx %arg7[%broadcast_in_dim3A_785, %add3A_62, %broadcast_in_dim3A_151, %select_n3A_150, %add3A_862], %gather3A_865 : memref<2x8x1x8x128xf32, #tpu.memory_space<vmem>>[vector<16xi32>, vector<16xi32>, vector<16xi32>, vector<16xi32>, vector<16xi32>], vector<16xf32>,
        %gather3A_866 = tpu.vector_load_idx %arg6[%add3A_863, %add3A_560] : memref<1024x64xf32, #tpu.memory_space<vmem>>[vector<16xi32>, vector<16xi32>], vector<16xf32>,
        tpu.vector_store_idx %arg7[%broadcast_in_dim3A_785, %add3A_96, %broadcast_in_dim3A_151, %select_n3A_150, %add3A_862], %gather3A_866 : memref<2x8x1x8x128xf32, #tpu.memory_space<vmem>>[vector<16xi32>, vector<16xi32>, vector<16xi32>, vector<16xi32>, vector<16xi32>], vector<16xf32>,
        %gather3A_867 = tpu.vector_load_idx %arg6[%add3A_863, %add3A_563] : memref<1024x64xf32, #tpu.memory_space<vmem>>[vector<16xi32>, vector<16xi32>], vector<16xf32>,
        tpu.vector_store_idx %arg7[%broadcast_in_dim3A_785, %add3A_130, %broadcast_in_dim3A_151, %select_n3A_150, %add3A_862], %gather3A_867 : memref<2x8x1x8x128xf32, #tpu.memory_space<vmem>>[vector<16xi32>, vector<16xi32>, vector<16xi32>, vector<16xi32>, vector<16xi32>], vector<16xf32>,
        %add3A_868 = arith.addi %broadcast_in_dim3A_832, %select_n3A_326 : vector<16xi32>
        %add3A_869 = arith.addi %broadcast_in_dim3A_786, %add3A_868 : vector<16xi32>
        %gather3A_870 = tpu.vector_load_idx %arg6[%add3A_869, %add3A_554] : memref<1024x64xf32, #tpu.memory_space<vmem>>[vector<16xi32>, vector<16xi32>], vector<16xf32>,
        tpu.vector_store_idx %arg7[%broadcast_in_dim3A_785, %add3A_28, %broadcast_in_dim3A_151, %select_n3A_150, %add3A_868], %gather3A_870 : memref<2x8x1x8x128xf32, #tpu.memory_space<vmem>>[vector<16xi32>, vector<16xi32>, vector<16xi32>, vector<16xi32>, vector<16xi32>], vector<16xf32>,
        %gather3A_871 = tpu.vector_load_idx %arg6[%add3A_869, %add3A_557] : memref<1024x64xf32, #tpu.memory_space<vmem>>[vector<16xi32>, vector<16xi32>], vector<16xf32>,
        tpu.vector_store_idx %arg7[%broadcast_in_dim3A_785, %add3A_62, %broadcast_in_dim3A_151, %select_n3A_150, %add3A_868], %gather3A_871 : memref<2x8x1x8x128xf32, #tpu.memory_space<vmem>>[vector<16xi32>, vector<16xi32>, vector<16xi32>, vector<16xi32>, vector<16xi32>], vector<16xf32>,
        %gather3A_872 = tpu.vector_load_idx %arg6[%add3A_869, %add3A_560] : memref<1024x64xf32, #tpu.memory_space<vmem>>[vector<16xi32>, vector<16xi32>], vector<16xf32>,
        tpu.vector_store_idx %arg7[%broadcast_in_dim3A_785, %add3A_96, %broadcast_in_dim3A_151, %select_n3A_150, %add3A_868], %gather3A_872 : memref<2x8x1x8x128xf32, #tpu.memory_space<vmem>>[vector<16xi32>, vector<16xi32>, vector<16xi32>, vector<16xi32>, vector<16xi32>], vector<16xf32>,
        %gather3A_873 = tpu.vector_load_idx %arg6[%add3A_869, %add3A_563] : memref<1024x64xf32, #tpu.memory_space<vmem>>[vector<16xi32>, vector<16xi32>], vector<16xf32>,
        tpu.vector_store_idx %arg7[%broadcast_in_dim3A_785, %add3A_130, %broadcast_in_dim3A_151, %select_n3A_150, %add3A_868], %gather3A_873 : memref<2x8x1x8x128xf32, #tpu.memory_space<vmem>>[vector<16xi32>, vector<16xi32>, vector<16xi32>, vector<16xi32>, vector<16xi32>], vector<16xf32>,
        %add3A_874 = arith.addi %broadcast_in_dim3A_832, %select_n3A_351 : vector<16xi32>
        %add3A_875 = arith.addi %broadcast_in_dim3A_786, %add3A_874 : vector<16xi32>
        %gather3A_876 = tpu.vector_load_idx %arg6[%add3A_875, %add3A_554] : memref<1024x64xf32, #tpu.memory_space<vmem>>[vector<16xi32>, vector<16xi32>], vector<16xf32>,
        tpu.vector_store_idx %arg7[%broadcast_in_dim3A_785, %add3A_28, %broadcast_in_dim3A_151, %select_n3A_150, %add3A_874], %gather3A_876 : memref<2x8x1x8x128xf32, #tpu.memory_space<vmem>>[vector<16xi32>, vector<16xi32>, vector<16xi32>, vector<16xi32>, vector<16xi32>], vector<16xf32>,
        %gather3A_877 = tpu.vector_load_idx %arg6[%add3A_875, %add3A_557] : memref<1024x64xf32, #tpu.memory_space<vmem>>[vector<16xi32>, vector<16xi32>], vector<16xf32>,
        tpu.vector_store_idx %arg7[%broadcast_in_dim3A_785, %add3A_62, %broadcast_in_dim3A_151, %select_n3A_150, %add3A_874], %gather3A_877 : memref<2x8x1x8x128xf32, #tpu.memory_space<vmem>>[vector<16xi32>, vector<16xi32>, vector<16xi32>, vector<16xi32>, vector<16xi32>], vector<16xf32>,
        %gather3A_878 = tpu.vector_load_idx %arg6[%add3A_875, %add3A_560] : memref<1024x64xf32, #tpu.memory_space<vmem>>[vector<16xi32>, vector<16xi32>], vector<16xf32>,
        tpu.vector_store_idx %arg7[%broadcast_in_dim3A_785, %add3A_96, %broadcast_in_dim3A_151, %select_n3A_150, %add3A_874], %gather3A_878 : memref<2x8x1x8x128xf32, #tpu.memory_space<vmem>>[vector<16xi32>, vector<16xi32>, vector<16xi32>, vector<16xi32>, vector<16xi32>], vector<16xf32>,
        %gather3A_879 = tpu.vector_load_idx %arg6[%add3A_875, %add3A_563] : memref<1024x64xf32, #tpu.memory_space<vmem>>[vector<16xi32>, vector<16xi32>], vector<16xf32>,
        tpu.vector_store_idx %arg7[%broadcast_in_dim3A_785, %add3A_130, %broadcast_in_dim3A_151, %select_n3A_150, %add3A_874], %gather3A_879 : memref<2x8x1x8x128xf32, #tpu.memory_space<vmem>>[vector<16xi32>, vector<16xi32>, vector<16xi32>, vector<16xi32>, vector<16xi32>], vector<16xf32>,
        %add3A_880 = arith.addi %broadcast_in_dim3A_832, %select_n3A_376 : vector<16xi32>
        %add3A_881 = arith.addi %broadcast_in_dim3A_786, %add3A_880 : vector<16xi32>
        %gather3A_882 = tpu.vector_load_idx %arg6[%add3A_881, %add3A_554] : memref<1024x64xf32, #tpu.memory_space<vmem>>[vector<16xi32>, vector<16xi32>], vector<16xf32>,
        tpu.vector_store_idx %arg7[%broadcast_in_dim3A_785, %add3A_28, %broadcast_in_dim3A_151, %select_n3A_150, %add3A_880], %gather3A_882 : memref<2x8x1x8x128xf32, #tpu.memory_space<vmem>>[vector<16xi32>, vector<16xi32>, vector<16xi32>, vector<16xi32>, vector<16xi32>], vector<16xf32>,
        %gather3A_883 = tpu.vector_load_idx %arg6[%add3A_881, %add3A_557] : memref<1024x64xf32, #tpu.memory_space<vmem>>[vector<16xi32>, vector<16xi32>], vector<16xf32>,
        tpu.vector_store_idx %arg7[%broadcast_in_dim3A_785, %add3A_62, %broadcast_in_dim3A_151, %select_n3A_150, %add3A_880], %gather3A_883 : memref<2x8x1x8x128xf32, #tpu.memory_space<vmem>>[vector<16xi32>, vector<16xi32>, vector<16xi32>, vector<16xi32>, vector<16xi32>], vector<16xf32>,
        %gather3A_884 = tpu.vector_load_idx %arg6[%add3A_881, %add3A_560] : memref<1024x64xf32, #tpu.memory_space<vmem>>[vector<16xi32>, vector<16xi32>], vector<16xf32>,
        tpu.vector_store_idx %arg7[%broadcast_in_dim3A_785, %add3A_96, %broadcast_in_dim3A_151, %select_n3A_150, %add3A_880], %gather3A_884 : memref<2x8x1x8x128xf32, #tpu.memory_space<vmem>>[vector<16xi32>, vector<16xi32>, vector<16xi32>, vector<16xi32>, vector<16xi32>], vector<16xf32>,
        %gather3A_885 = tpu.vector_load_idx %arg6[%add3A_881, %add3A_563] : memref<1024x64xf32, #tpu.memory_space<vmem>>[vector<16xi32>, vector<16xi32>], vector<16xf32>,
        tpu.vector_store_idx %arg7[%broadcast_in_dim3A_785, %add3A_130, %broadcast_in_dim3A_151, %select_n3A_150, %add3A_880], %gather3A_885 : memref<2x8x1x8x128xf32, #tpu.memory_space<vmem>>[vector<16xi32>, vector<16xi32>, vector<16xi32>, vector<16xi32>, vector<16xi32>], vector<16xf32>,
        %add3A_886 = arith.addi %broadcast_in_dim3A_832, %select_n3A_401 : vector<16xi32>
        %add3A_887 = arith.addi %broadcast_in_dim3A_786, %add3A_886 : vector<16xi32>
        %gather3A_888 = tpu.vector_load_idx %arg6[%add3A_887, %add3A_554] : memref<1024x64xf32, #tpu.memory_space<vmem>>[vector<16xi32>, vector<16xi32>], vector<16xf32>,
        tpu.vector_store_idx %arg7[%broadcast_in_dim3A_785, %add3A_28, %broadcast_in_dim3A_151, %select_n3A_150, %add3A_886], %gather3A_888 : memref<2x8x1x8x128xf32, #tpu.memory_space<vmem>>[vector<16xi32>, vector<16xi32>, vector<16xi32>, vector<16xi32>, vector<16xi32>], vector<16xf32>,
        %gather3A_889 = tpu.vector_load_idx %arg6[%add3A_887, %add3A_557] : memref<1024x64xf32, #tpu.memory_space<vmem>>[vector<16xi32>, vector<16xi32>], vector<16xf32>,
        tpu.vector_store_idx %arg7[%broadcast_in_dim3A_785, %add3A_62, %broadcast_in_dim3A_151, %select_n3A_150, %add3A_886], %gather3A_889 : memref<2x8x1x8x128xf32, #tpu.memory_space<vmem>>[vector<16xi32>, vector<16xi32>, vector<16xi32>, vector<16xi32>, vector<16xi32>], vector<16xf32>,
        %gather3A_890 = tpu.vector_load_idx %arg6[%add3A_887, %add3A_560] : memref<1024x64xf32, #tpu.memory_space<vmem>>[vector<16xi32>, vector<16xi32>], vector<16xf32>,
        tpu.vector_store_idx %arg7[%broadcast_in_dim3A_785, %add3A_96, %broadcast_in_dim3A_151, %select_n3A_150, %add3A_886], %gather3A_890 : memref<2x8x1x8x128xf32, #tpu.memory_space<vmem>>[vector<16xi32>, vector<16xi32>, vector<16xi32>, vector<16xi32>, vector<16xi32>], vector<16xf32>,
        %gather3A_891 = tpu.vector_load_idx %arg6[%add3A_887, %add3A_563] : memref<1024x64xf32, #tpu.memory_space<vmem>>[vector<16xi32>, vector<16xi32>], vector<16xf32>,
        tpu.vector_store_idx %arg7[%broadcast_in_dim3A_785, %add3A_130, %broadcast_in_dim3A_151, %select_n3A_150, %add3A_886], %gather3A_891 : memref<2x8x1x8x128xf32, #tpu.memory_space<vmem>>[vector<16xi32>, vector<16xi32>, vector<16xi32>, vector<16xi32>, vector<16xi32>], vector<16xf32>,
        %add3A_892 = arith.addi %broadcast_in_dim3A_832, %select_n3A_426 : vector<16xi32>
        %add3A_893 = arith.addi %broadcast_in_dim3A_786, %add3A_892 : vector<16xi32>
        %gather3A_894 = tpu.vector_load_idx %arg6[%add3A_893, %add3A_554] : memref<1024x64xf32, #tpu.memory_space<vmem>>[vector<16xi32>, vector<16xi32>], vector<16xf32>,
        tpu.vector_store_idx %arg7[%broadcast_in_dim3A_785, %add3A_28, %broadcast_in_dim3A_151, %select_n3A_150, %add3A_892], %gather3A_894 : memref<2x8x1x8x128xf32, #tpu.memory_space<vmem>>[vector<16xi32>, vector<16xi32>, vector<16xi32>, vector<16xi32>, vector<16xi32>], vector<16xf32>,
        %gather3A_895 = tpu.vector_load_idx %arg6[%add3A_893, %add3A_557] : memref<1024x64xf32, #tpu.memory_space<vmem>>[vector<16xi32>, vector<16xi32>], vector<16xf32>,
        tpu.vector_store_idx %arg7[%broadcast_in_dim3A_785, %add3A_62, %broadcast_in_dim3A_151, %select_n3A_150, %add3A_892], %gather3A_895 : memref<2x8x1x8x128xf32, #tpu.memory_space<vmem>>[vector<16xi32>, vector<16xi32>, vector<16xi32>, vector<16xi32>, vector<16xi32>], vector<16xf32>,
        %gather3A_896 = tpu.vector_load_idx %arg6[%add3A_893, %add3A_560] : memref<1024x64xf32, #tpu.memory_space<vmem>>[vector<16xi32>, vector<16xi32>], vector<16xf32>,
        tpu.vector_store_idx %arg7[%broadcast_in_dim3A_785, %add3A_96, %broadcast_in_dim3A_151, %select_n3A_150, %add3A_892], %gather3A_896 : memref<2x8x1x8x128xf32, #tpu.memory_space<vmem>>[vector<16xi32>, vector<16xi32>, vector<16xi32>, vector<16xi32>, vector<16xi32>], vector<16xf32>,
        %gather3A_897 = tpu.vector_load_idx %arg6[%add3A_893, %add3A_563] : memref<1024x64xf32, #tpu.memory_space<vmem>>[vector<16xi32>, vector<16xi32>], vector<16xf32>,
        tpu.vector_store_idx %arg7[%broadcast_in_dim3A_785, %add3A_130, %broadcast_in_dim3A_151, %select_n3A_150, %add3A_892], %gather3A_897 : memref<2x8x1x8x128xf32, #tpu.memory_space<vmem>>[vector<16xi32>, vector<16xi32>, vector<16xi32>, vector<16xi32>, vector<16xi32>], vector<16xf32>,
        %add3A_898 = arith.addi %broadcast_in_dim3A_832, %select_n3A_451 : vector<16xi32>
        %add3A_899 = arith.addi %broadcast_in_dim3A_786, %add3A_898 : vector<16xi32>
        %gather3A_900 = tpu.vector_load_idx %arg6[%add3A_899, %add3A_554] : memref<1024x64xf32, #tpu.memory_space<vmem>>[vector<16xi32>, vector<16xi32>], vector<16xf32>,
        tpu.vector_store_idx %arg7[%broadcast_in_dim3A_785, %add3A_28, %broadcast_in_dim3A_151, %select_n3A_150, %add3A_898], %gather3A_900 : memref<2x8x1x8x128xf32, #tpu.memory_space<vmem>>[vector<16xi32>, vector<16xi32>, vector<16xi32>, vector<16xi32>, vector<16xi32>], vector<16xf32>,
        %gather3A_901 = tpu.vector_load_idx %arg6[%add3A_899, %add3A_557] : memref<1024x64xf32, #tpu.memory_space<vmem>>[vector<16xi32>, vector<16xi32>], vector<16xf32>,
        tpu.vector_store_idx %arg7[%broadcast_in_dim3A_785, %add3A_62, %broadcast_in_dim3A_151, %select_n3A_150, %add3A_898], %gather3A_901 : memref<2x8x1x8x128xf32, #tpu.memory_space<vmem>>[vector<16xi32>, vector<16xi32>, vector<16xi32>, vector<16xi32>, vector<16xi32>], vector<16xf32>,
        %gather3A_902 = tpu.vector_load_idx %arg6[%add3A_899, %add3A_560] : memref<1024x64xf32, #tpu.memory_space<vmem>>[vector<16xi32>, vector<16xi32>], vector<16xf32>,
        tpu.vector_store_idx %arg7[%broadcast_in_dim3A_785, %add3A_96, %broadcast_in_dim3A_151, %select_n3A_150, %add3A_898], %gather3A_902 : memref<2x8x1x8x128xf32, #tpu.memory_space<vmem>>[vector<16xi32>, vector<16xi32>, vector<16xi32>, vector<16xi32>, vector<16xi32>], vector<16xf32>,
        %gather3A_903 = tpu.vector_load_idx %arg6[%add3A_899, %add3A_563] : memref<1024x64xf32, #tpu.memory_space<vmem>>[vector<16xi32>, vector<16xi32>], vector<16xf32>,
        tpu.vector_store_idx %arg7[%broadcast_in_dim3A_785, %add3A_130, %broadcast_in_dim3A_151, %select_n3A_150, %add3A_898], %gather3A_903 : memref<2x8x1x8x128xf32, #tpu.memory_space<vmem>>[vector<16xi32>, vector<16xi32>, vector<16xi32>, vector<16xi32>, vector<16xi32>], vector<16xf32>,
        %add3A_904 = arith.addi %broadcast_in_dim3A_832, %select_n3A_476 : vector<16xi32>
        %add3A_905 = arith.addi %broadcast_in_dim3A_786, %add3A_904 : vector<16xi32>
        %gather3A_906 = tpu.vector_load_idx %arg6[%add3A_905, %add3A_554] : memref<1024x64xf32, #tpu.memory_space<vmem>>[vector<16xi32>, vector<16xi32>], vector<16xf32>,
        tpu.vector_store_idx %arg7[%broadcast_in_dim3A_785, %add3A_28, %broadcast_in_dim3A_151, %select_n3A_150, %add3A_904], %gather3A_906 : memref<2x8x1x8x128xf32, #tpu.memory_space<vmem>>[vector<16xi32>, vector<16xi32>, vector<16xi32>, vector<16xi32>, vector<16xi32>], vector<16xf32>,
        %gather3A_907 = tpu.vector_load_idx %arg6[%add3A_905, %add3A_557] : memref<1024x64xf32, #tpu.memory_space<vmem>>[vector<16xi32>, vector<16xi32>], vector<16xf32>,
        tpu.vector_store_idx %arg7[%broadcast_in_dim3A_785, %add3A_62, %broadcast_in_dim3A_151, %select_n3A_150, %add3A_904], %gather3A_907 : memref<2x8x1x8x128xf32, #tpu.memory_space<vmem>>[vector<16xi32>, vector<16xi32>, vector<16xi32>, vector<16xi32>, vector<16xi32>], vector<16xf32>,
        %gather3A_908 = tpu.vector_load_idx %arg6[%add3A_905, %add3A_560] : memref<1024x64xf32, #tpu.memory_space<vmem>>[vector<16xi32>, vector<16xi32>], vector<16xf32>,
        tpu.vector_store_idx %arg7[%broadcast_in_dim3A_785, %add3A_96, %broadcast_in_dim3A_151, %select_n3A_150, %add3A_904], %gather3A_908 : memref<2x8x1x8x128xf32, #tpu.memory_space<vmem>>[vector<16xi32>, vector<16xi32>, vector<16xi32>, vector<16xi32>, vector<16xi32>], vector<16xf32>,
        %gather3A_909 = tpu.vector_load_idx %arg6[%add3A_905, %add3A_563] : memref<1024x64xf32, #tpu.memory_space<vmem>>[vector<16xi32>, vector<16xi32>], vector<16xf32>,
        tpu.vector_store_idx %arg7[%broadcast_in_dim3A_785, %add3A_130, %broadcast_in_dim3A_151, %select_n3A_150, %add3A_904], %gather3A_909 : memref<2x8x1x8x128xf32, #tpu.memory_space<vmem>>[vector<16xi32>, vector<16xi32>, vector<16xi32>, vector<16xi32>, vector<16xi32>], vector<16xf32>,
        %add3A_910 = arith.addi %broadcast_in_dim3A_832, %select_n3A_501 : vector<16xi32>
        %add3A_911 = arith.addi %broadcast_in_dim3A_786, %add3A_910 : vector<16xi32>
        %gather3A_912 = tpu.vector_load_idx %arg6[%add3A_911, %add3A_554] : memref<1024x64xf32, #tpu.memory_space<vmem>>[vector<16xi32>, vector<16xi32>], vector<16xf32>,
        tpu.vector_store_idx %arg7[%broadcast_in_dim3A_785, %add3A_28, %broadcast_in_dim3A_151, %select_n3A_150, %add3A_910], %gather3A_912 : memref<2x8x1x8x128xf32, #tpu.memory_space<vmem>>[vector<16xi32>, vector<16xi32>, vector<16xi32>, vector<16xi32>, vector<16xi32>], vector<16xf32>,
        %gather3A_913 = tpu.vector_load_idx %arg6[%add3A_911, %add3A_557] : memref<1024x64xf32, #tpu.memory_space<vmem>>[vector<16xi32>, vector<16xi32>], vector<16xf32>,
        tpu.vector_store_idx %arg7[%broadcast_in_dim3A_785, %add3A_62, %broadcast_in_dim3A_151, %select_n3A_150, %add3A_910], %gather3A_913 : memref<2x8x1x8x128xf32, #tpu.memory_space<vmem>>[vector<16xi32>, vector<16xi32>, vector<16xi32>, vector<16xi32>, vector<16xi32>], vector<16xf32>,
        %gather3A_914 = tpu.vector_load_idx %arg6[%add3A_911, %add3A_560] : memref<1024x64xf32, #tpu.memory_space<vmem>>[vector<16xi32>, vector<16xi32>], vector<16xf32>,
        tpu.vector_store_idx %arg7[%broadcast_in_dim3A_785, %add3A_96, %broadcast_in_dim3A_151, %select_n3A_150, %add3A_910], %gather3A_914 : memref<2x8x1x8x128xf32, #tpu.memory_space<vmem>>[vector<16xi32>, vector<16xi32>, vector<16xi32>, vector<16xi32>, vector<16xi32>], vector<16xf32>,
        %gather3A_915 = tpu.vector_load_idx %arg6[%add3A_911, %add3A_563] : memref<1024x64xf32, #tpu.memory_space<vmem>>[vector<16xi32>, vector<16xi32>], vector<16xf32>,
        tpu.vector_store_idx %arg7[%broadcast_in_dim3A_785, %add3A_130, %broadcast_in_dim3A_151, %select_n3A_150, %add3A_910], %gather3A_915 : memref<2x8x1x8x128xf32, #tpu.memory_space<vmem>>[vector<16xi32>, vector<16xi32>, vector<16xi32>, vector<16xi32>, vector<16xi32>], vector<16xf32>,
        %add3A_916 = arith.addi %broadcast_in_dim3A_832, %select_n3A_526 : vector<16xi32>
        %add3A_917 = arith.addi %broadcast_in_dim3A_786, %add3A_916 : vector<16xi32>
        %gather3A_918 = tpu.vector_load_idx %arg6[%add3A_917, %add3A_554] : memref<1024x64xf32, #tpu.memory_space<vmem>>[vector<16xi32>, vector<16xi32>], vector<16xf32>,
        tpu.vector_store_idx %arg7[%broadcast_in_dim3A_785, %add3A_28, %broadcast_in_dim3A_151, %select_n3A_150, %add3A_916], %gather3A_918 : memref<2x8x1x8x128xf32, #tpu.memory_space<vmem>>[vector<16xi32>, vector<16xi32>, vector<16xi32>, vector<16xi32>, vector<16xi32>], vector<16xf32>,
        %gather3A_919 = tpu.vector_load_idx %arg6[%add3A_917, %add3A_557] : memref<1024x64xf32, #tpu.memory_space<vmem>>[vector<16xi32>, vector<16xi32>], vector<16xf32>,
        tpu.vector_store_idx %arg7[%broadcast_in_dim3A_785, %add3A_62, %broadcast_in_dim3A_151, %select_n3A_150, %add3A_916], %gather3A_919 : memref<2x8x1x8x128xf32, #tpu.memory_space<vmem>>[vector<16xi32>, vector<16xi32>, vector<16xi32>, vector<16xi32>, vector<16xi32>], vector<16xf32>,
        %gather3A_920 = tpu.vector_load_idx %arg6[%add3A_917, %add3A_560] : memref<1024x64xf32, #tpu.memory_space<vmem>>[vector<16xi32>, vector<16xi32>], vector<16xf32>,
        tpu.vector_store_idx %arg7[%broadcast_in_dim3A_785, %add3A_96, %broadcast_in_dim3A_151, %select_n3A_150, %add3A_916], %gather3A_920 : memref<2x8x1x8x128xf32, #tpu.memory_space<vmem>>[vector<16xi32>, vector<16xi32>, vector<16xi32>, vector<16xi32>, vector<16xi32>], vector<16xf32>,
        %gather3A_921 = tpu.vector_load_idx %arg6[%add3A_917, %add3A_563] : memref<1024x64xf32, #tpu.memory_space<vmem>>[vector<16xi32>, vector<16xi32>], vector<16xf32>,
        tpu.vector_store_idx %arg7[%broadcast_in_dim3A_785, %add3A_130, %broadcast_in_dim3A_151, %select_n3A_150, %add3A_916], %gather3A_921 : memref<2x8x1x8x128xf32, #tpu.memory_space<vmem>>[vector<16xi32>, vector<16xi32>, vector<16xi32>, vector<16xi32>, vector<16xi32>], vector<16xf32>,
        %add3A_922 = arith.addi %broadcast_in_dim3A_832, %select_n3A_551 : vector<16xi32>
        %add3A_923 = arith.addi %broadcast_in_dim3A_786, %add3A_922 : vector<16xi32>
        %gather3A_924 = tpu.vector_load_idx %arg6[%add3A_923, %add3A_554] : memref<1024x64xf32, #tpu.memory_space<vmem>>[vector<16xi32>, vector<16xi32>], vector<16xf32>,
        tpu.vector_store_idx %arg7[%broadcast_in_dim3A_785, %add3A_28, %broadcast_in_dim3A_151, %select_n3A_150, %add3A_922], %gather3A_924 : memref<2x8x1x8x128xf32, #tpu.memory_space<vmem>>[vector<16xi32>, vector<16xi32>, vector<16xi32>, vector<16xi32>, vector<16xi32>], vector<16xf32>,
        %gather3A_925 = tpu.vector_load_idx %arg6[%add3A_923, %add3A_557] : memref<1024x64xf32, #tpu.memory_space<vmem>>[vector<16xi32>, vector<16xi32>], vector<16xf32>,
        tpu.vector_store_idx %arg7[%broadcast_in_dim3A_785, %add3A_62, %broadcast_in_dim3A_151, %select_n3A_150, %add3A_922], %gather3A_925 : memref<2x8x1x8x128xf32, #tpu.memory_space<vmem>>[vector<16xi32>, vector<16xi32>, vector<16xi32>, vector<16xi32>, vector<16xi32>], vector<16xf32>,
        %gather3A_926 = tpu.vector_load_idx %arg6[%add3A_923, %add3A_560] : memref<1024x64xf32, #tpu.memory_space<vmem>>[vector<16xi32>, vector<16xi32>], vector<16xf32>,
        tpu.vector_store_idx %arg7[%broadcast_in_dim3A_785, %add3A_96, %broadcast_in_dim3A_151, %select_n3A_150, %add3A_922], %gather3A_926 : memref<2x8x1x8x128xf32, #tpu.memory_space<vmem>>[vector<16xi32>, vector<16xi32>, vector<16xi32>, vector<16xi32>, vector<16xi32>], vector<16xf32>,
        %gather3A_927 = tpu.vector_load_idx %arg6[%add3A_923, %add3A_563] : memref<1024x64xf32, #tpu.memory_space<vmem>>[vector<16xi32>, vector<16xi32>], vector<16xf32>,
        tpu.vector_store_idx %arg7[%broadcast_in_dim3A_785, %add3A_130, %broadcast_in_dim3A_151, %select_n3A_150, %add3A_922], %gather3A_927 : memref<2x8x1x8x128xf32, #tpu.memory_space<vmem>>[vector<16xi32>, vector<16xi32>, vector<16xi32>, vector<16xi32>, vector<16xi32>], vector<16xf32>,
      }
      %scan3A_792 = arith.constant 8 : i32
      %dma_start3A_793 = arith.constant 0 : i32
      %dma_start3A_794 = arith.constant 0 : i32
      %dma_start3A_795 = arith.constant 0 : i32
      %dma_start3A_796 = arith.constant 0 : i32
      %dma_start3A_797 = tpu.memref_slice %arg7[%rem3A_782, %dma_start3A_793, %dma_start3A_794, %dma_start3A_795, %dma_start3A_796] : memref<2x8x1x8x128xf32, #tpu.memory_space<vmem>> -> memref<1x8x1x8x128xf32, #tpu.memory_space<vmem>>
      %dma_start3A_798 = tpu.memref_squeeze %dma_start3A_797 : memref<1x8x1x8x128xf32, #tpu.memory_space<vmem>> -> memref<8x1x8x128xf32, #tpu.memory_space<vmem>>
      %dma_start3A_799 = arith.constant 0 : i32
      %dma_start3A_800 = arith.constant 0 : i32
      %dma_start3A_801 = arith.constant 0 : i32
      %dma_start3A_802 = tpu.memref_slice %arg4[%scan3A_741, %dma_start3A_799, %add3A, %dma_start3A_800, %dma_start3A_801] : memref<50x8x32x8x128xf32, #tpu.memory_space<hbm>> -> memref<1x8x1x8x128xf32, #tpu.memory_space<hbm>>
      %dma_start3A_803 = tpu.memref_squeeze %dma_start3A_802 : memref<1x8x1x8x128xf32, #tpu.memory_space<hbm>> -> memref<8x1x8x128xf32, #tpu.memory_space<hbm>>
      %dma_start3A_804 = arith.constant 0 : i32
      %dma_start3A_805 = arith.constant 0 : i32
      %dma_start3A_806 = arith.constant 0 : i32
      %dma_start3A_807 = tpu.memref_slice %arg4[%scan3A_741, %dma_start3A_804, %add3A, %dma_start3A_805, %dma_start3A_806] : memref<50x8x32x8x128xf32, #tpu.memory_space<hbm>> -> memref<1x8x1x8x128xf32, #tpu.memory_space<hbm>>
      %dma_start3A_808 = tpu.memref_squeeze %dma_start3A_807 : memref<1x8x1x8x128xf32, #tpu.memory_space<hbm>> -> memref<8x1x8x128xf32, #tpu.memory_space<hbm>>
      %dma_start3A_809 = arith.constant 0 : i32
      %dma_start3A_810 = arith.constant 0 : i32
      %dma_start3A_811 = arith.constant 0 : i32
      %dma_start3A_812 = arith.constant 0 : i32
      %dma_start3A_813 = tpu.memref_slice %arg7[%rem3A_782, %dma_start3A_809, %dma_start3A_810, %dma_start3A_811, %dma_start3A_812] : memref<2x8x1x8x128xf32, #tpu.memory_space<vmem>> -> memref<1x8x1x8x128xf32, #tpu.memory_space<vmem>>
      %dma_start3A_814 = tpu.memref_squeeze %dma_start3A_813 : memref<1x8x1x8x128xf32, #tpu.memory_space<vmem>> -> memref<8x1x8x128xf32, #tpu.memory_space<vmem>>
      tpu.enqueue_dma source(%dma_start3A_814 : memref<8x1x8x128xf32, #tpu.memory_space<vmem>>) target(%dma_start3A_808 : memref<8x1x8x128xf32, #tpu.memory_space<hbm>>) target_semaphore(%arg9 : memref<!tpu.dma_semaphore, #tpu.memory_space<semaphore_mem>>)
      %add3A_815 = arith.constant 8 : i32
      %add3A_816 = arith.addi %scan3A_741, %add3A_815 : i32
      %rem3A_817 = arith.constant 8 : i32
      %rem3A_818 = arith.remsi %add3A_816, %rem3A_817 : i32
      %mul3A_819 = arith.constant 128 : i32
      %mul3A_820 = arith.muli %rem3A_818, %mul3A_819 : i32
      %dma_start3A_821 = arith.constant 0 : i32
      %dma_start3A_822 = tpu.memref_slice %arg6[%mul3A_820, %dma_start3A_821] : memref<1024x64xf32, #tpu.memory_space<vmem>> -> memref<128x64xf32, #tpu.memory_space<vmem>>
      %dma_start3A_823 = arith.constant 0 : i32
      %dma_start3A_824 = tpu.memref_slice %arg5[%add3A_816, %dma_start3A_823] : memref<50x128xi32, #tpu.memory_space<vmem>> -> memref<1x128xi32, #tpu.memory_space<vmem>>
      %dma_start3A_825 = tpu.memref_squeeze %dma_start3A_824 : memref<1x128xi32, #tpu.memory_space<vmem>> -> memref<128xi32, #tpu.memory_space<vmem>>
      %dma_start3A_826 = arith.constant 0 : i32
      %dma_start3A_827 = arith.constant 0 : i32
      %dma_start3A_828 = tpu.memref_slice %arg3[%dma_start3A_826, %dma_start3A_827] : memref<100000x64xf32, #tpu.memory_space<hbm>> -> memref<100000x64xf32, #tpu.memory_space<hbm>>
      tpu.enqueue_indirect_dma source(%dma_start3A_828 : memref<100000x64xf32, #tpu.memory_space<hbm>>) target(%dma_start3A_822 : memref<128x64xf32, #tpu.memory_space<vmem>>) offsets(%dma_start3A_825 : memref<128xi32, #tpu.memory_space<vmem>>) semaphore(%arg8 : memref<!tpu.dma_semaphore, #tpu.memory_space<semaphore_mem>>)
    }
    %scan3A_685 = arith.constant 40 : i32
    %scan3A_686 = arith.constant 0 : i32
    %scan3A_687 = arith.constant 42 : i32
    %scan3A_688 = arith.constant 8 : i32
    %scan3A_689 = arith.addi %scan3A_687, %scan3A_688 : i32
    %scan3A_690 = arith.constant 1 : i32
    scf.for %scan3A_741 = %scan3A_687 to %scan3A_689 step %scan3A_690  : i32 {
      %dma_wait3A_742 = arith.constant 0 : i32
      %dma_wait3A_743 = arith.constant 0 : i32
      %dma_wait3A_744 = arith.constant 0 : i32
      %dma_wait3A_745 = arith.constant 0 : i32
      %dma_wait3A_746 = arith.constant 0 : i32
      %dma_wait3A_747 = tpu.memref_slice %arg7[%dma_wait3A_742, %dma_wait3A_743, %dma_wait3A_744, %dma_wait3A_745, %dma_wait3A_746] : memref<2x8x1x8x128xf32, #tpu.memory_space<vmem>> -> memref<1x8x1x8x128xf32, #tpu.memory_space<vmem>>
      %dma_wait3A_748 = tpu.memref_squeeze %dma_wait3A_747 : memref<1x8x1x8x128xf32, #tpu.memory_space<vmem>> -> memref<8x1x8x128xf32, #tpu.memory_space<vmem>>
      %dma_wait3A_749 = arith.constant 0 : i32
      %dma_wait3A_750 = arith.constant 0 : i32
      %dma_wait3A_751 = arith.constant 0 : i32
      %dma_wait3A_752 = arith.constant 0 : i32
      %dma_wait3A_753 = arith.constant 0 : i32
      %dma_wait3A_754 = tpu.memref_slice %arg4[%dma_wait3A_749, %dma_wait3A_750, %dma_wait3A_751, %dma_wait3A_752, %dma_wait3A_753] : memref<50x8x32x8x128xf32, #tpu.memory_space<hbm>> -> memref<1x8x1x8x128xf32, #tpu.memory_space<hbm>>
      %dma_wait3A_755 = arith.constant 0 : i32
      %dma_wait3A_756 = arith.constant 0 : i32
      %dma_wait3A_757 = arith.constant 0 : i32
      %dma_wait3A_758 = arith.constant 0 : i32
      %dma_wait3A_759 = arith.constant 0 : i32
      %dma_wait3A_760 = tpu.memref_slice %arg4[%dma_wait3A_755, %dma_wait3A_756, %dma_wait3A_757, %dma_wait3A_758, %dma_wait3A_759] : memref<50x8x32x8x128xf32, #tpu.memory_space<hbm>> -> memref<1x8x1x8x128xf32, #tpu.memory_space<hbm>>
      %dma_wait3A_761 = arith.constant 0 : i32
      %dma_wait3A_762 = arith.constant 0 : i32
      %dma_wait3A_763 = arith.constant 0 : i32
      %dma_wait3A_764 = arith.constant 0 : i32
      %dma_wait3A_765 = tpu.memref_slice %arg7[%dma_wait3A_742, %dma_wait3A_761, %dma_wait3A_762, %dma_wait3A_763, %dma_wait3A_764] : memref<2x8x1x8x128xf32, #tpu.memory_space<vmem>> -> memref<1x8x1x8x128xf32, #tpu.memory_space<vmem>>
      %dma_wait3A_766 = tpu.memref_squeeze %dma_wait3A_765 : memref<1x8x1x8x128xf32, #tpu.memory_space<vmem>> -> memref<8x1x8x128xf32, #tpu.memory_space<vmem>>
      tpu.wait_dma2 semaphore(%arg9 : memref<!tpu.dma_semaphore, #tpu.memory_space<semaphore_mem>>) src(%dma_wait3A_766 : memref<8x1x8x128xf32, #tpu.memory_space<vmem>>) dst(%dma_wait3A_760 : memref<1x8x1x8x128xf32, #tpu.memory_space<hbm>>)
      %dma_wait3A_767 = arith.constant 0 : i32
      %dma_wait3A_768 = arith.constant 0 : i32
      %dma_wait3A_769 = tpu.memref_slice %arg6[%dma_wait3A_767, %dma_wait3A_768] : memref<1024x64xf32, #tpu.memory_space<vmem>> -> memref<128x64xf32, #tpu.memory_space<vmem>>
      %dma_wait3A_770 = arith.constant 0 : i32
      %dma_wait3A_771 = arith.constant 0 : i32
      %dma_wait3A_772 = tpu.memref_slice %arg3[%dma_wait3A_770, %dma_wait3A_771] : memref<100000x64xf32, #tpu.memory_space<hbm>> -> memref<128x64xf32, #tpu.memory_space<hbm>>
      %dma_wait3A_773 = arith.constant 0 : i32
      %dma_wait3A_774 = arith.constant 0 : i32
      %dma_wait3A_775 = tpu.memref_slice %arg6[%dma_wait3A_773, %dma_wait3A_774] : memref<1024x64xf32, #tpu.memory_space<vmem>> -> memref<128x64xf32, #tpu.memory_space<vmem>>
      %dma_wait3A_776 = arith.constant 0 : i32
      %dma_wait3A_777 = arith.constant 0 : i32
      %dma_wait3A_778 = tpu.memref_slice %arg3[%dma_wait3A_776, %dma_wait3A_777] : memref<100000x64xf32, #tpu.memory_space<hbm>> -> memref<128x64xf32, #tpu.memory_space<hbm>>
      tpu.wait_dma2 semaphore(%arg8 : memref<!tpu.dma_semaphore, #tpu.memory_space<semaphore_mem>>) src(%dma_wait3A_778 : memref<128x64xf32, #tpu.memory_space<hbm>>) dst(%dma_wait3A_775 : memref<128x64xf32, #tpu.memory_space<vmem>>)
      %rem3A_779 = arith.constant 8 : i32
      %rem3A_780 = arith.remsi %scan3A_741, %rem3A_779 : i32
      %rem3A_781 = arith.constant 2 : i32
      %rem3A_782 = arith.remsi %scan3A_741, %rem3A_781 : i32
      %mul3A_783 = arith.constant 128 : i32
      %mul3A_784 = arith.muli %rem3A_780, %mul3A_783 : i32
      %broadcast_in_dim3A_785 = vector.broadcast %rem3A_782 : i32 to vector<16xi32>
      %broadcast_in_dim3A_786 = vector.broadcast %mul3A_784 : i32 to vector<16xi32>
      %scan3A_787 = arith.constant 0 : i32
      %scan3A_788 = arith.constant 0 : i32
      %scan3A_789 = arith.constant 8 : i32
      %scan3A_790 = arith.addi %scan3A_788, %scan3A_789 : i32
      %scan3A_791 = arith.constant 1 : i32
      scf.for %scan3A_815 = %scan3A_788 to %scan3A_790 step %scan3A_791  : i32 {
        %mul3A_816 = arith.constant 16 : i32
        %mul3A_817 = arith.muli %mul3A_816, %scan3A_815 : i32
        %broadcast_in_dim3A_818 = vector.broadcast %mul3A_817 : i32 to vector<16xi32>
        %add3A_819 = arith.addi %broadcast_in_dim3A_818, %select_n3A_176 : vector<16xi32>
        %add3A_820 = arith.addi %broadcast_in_dim3A_786, %add3A_819 : vector<16xi32>
        %gather3A = tpu.vector_load_idx %arg6[%add3A_820, %add3A_554] : memref<1024x64xf32, #tpu.memory_space<vmem>>[vector<16xi32>, vector<16xi32>], vector<16xf32>,
        tpu.vector_store_idx %arg7[%broadcast_in_dim3A_785, %add3A_28, %broadcast_in_dim3A_151, %select_n3A_150, %add3A_819], %gather3A : memref<2x8x1x8x128xf32, #tpu.memory_space<vmem>>[vector<16xi32>, vector<16xi32>, vector<16xi32>, vector<16xi32>, vector<16xi32>], vector<16xf32>,
        %gather3A_821 = tpu.vector_load_idx %arg6[%add3A_820, %add3A_557] : memref<1024x64xf32, #tpu.memory_space<vmem>>[vector<16xi32>, vector<16xi32>], vector<16xf32>,
        tpu.vector_store_idx %arg7[%broadcast_in_dim3A_785, %add3A_62, %broadcast_in_dim3A_151, %select_n3A_150, %add3A_819], %gather3A_821 : memref<2x8x1x8x128xf32, #tpu.memory_space<vmem>>[vector<16xi32>, vector<16xi32>, vector<16xi32>, vector<16xi32>, vector<16xi32>], vector<16xf32>,
        %gather3A_822 = tpu.vector_load_idx %arg6[%add3A_820, %add3A_560] : memref<1024x64xf32, #tpu.memory_space<vmem>>[vector<16xi32>, vector<16xi32>], vector<16xf32>,
        tpu.vector_store_idx %arg7[%broadcast_in_dim3A_785, %add3A_96, %broadcast_in_dim3A_151, %select_n3A_150, %add3A_819], %gather3A_822 : memref<2x8x1x8x128xf32, #tpu.memory_space<vmem>>[vector<16xi32>, vector<16xi32>, vector<16xi32>, vector<16xi32>, vector<16xi32>], vector<16xf32>,
        %gather3A_823 = tpu.vector_load_idx %arg6[%add3A_820, %add3A_563] : memref<1024x64xf32, #tpu.memory_space<vmem>>[vector<16xi32>, vector<16xi32>], vector<16xf32>,
        tpu.vector_store_idx %arg7[%broadcast_in_dim3A_785, %add3A_130, %broadcast_in_dim3A_151, %select_n3A_150, %add3A_819], %gather3A_823 : memref<2x8x1x8x128xf32, #tpu.memory_space<vmem>>[vector<16xi32>, vector<16xi32>, vector<16xi32>, vector<16xi32>, vector<16xi32>], vector<16xf32>,
        %add3A_824 = arith.addi %broadcast_in_dim3A_818, %select_n3A_201 : vector<16xi32>
        %add3A_825 = arith.addi %broadcast_in_dim3A_786, %add3A_824 : vector<16xi32>
        %gather3A_826 = tpu.vector_load_idx %arg6[%add3A_825, %add3A_554] : memref<1024x64xf32, #tpu.memory_space<vmem>>[vector<16xi32>, vector<16xi32>], vector<16xf32>,
        tpu.vector_store_idx %arg7[%broadcast_in_dim3A_785, %add3A_28, %broadcast_in_dim3A_151, %select_n3A_150, %add3A_824], %gather3A_826 : memref<2x8x1x8x128xf32, #tpu.memory_space<vmem>>[vector<16xi32>, vector<16xi32>, vector<16xi32>, vector<16xi32>, vector<16xi32>], vector<16xf32>,
        %gather3A_827 = tpu.vector_load_idx %arg6[%add3A_825, %add3A_557] : memref<1024x64xf32, #tpu.memory_space<vmem>>[vector<16xi32>, vector<16xi32>], vector<16xf32>,
        tpu.vector_store_idx %arg7[%broadcast_in_dim3A_785, %add3A_62, %broadcast_in_dim3A_151, %select_n3A_150, %add3A_824], %gather3A_827 : memref<2x8x1x8x128xf32, #tpu.memory_space<vmem>>[vector<16xi32>, vector<16xi32>, vector<16xi32>, vector<16xi32>, vector<16xi32>], vector<16xf32>,
        %gather3A_828 = tpu.vector_load_idx %arg6[%add3A_825, %add3A_560] : memref<1024x64xf32, #tpu.memory_space<vmem>>[vector<16xi32>, vector<16xi32>], vector<16xf32>,
        tpu.vector_store_idx %arg7[%broadcast_in_dim3A_785, %add3A_96, %broadcast_in_dim3A_151, %select_n3A_150, %add3A_824], %gather3A_828 : memref<2x8x1x8x128xf32, #tpu.memory_space<vmem>>[vector<16xi32>, vector<16xi32>, vector<16xi32>, vector<16xi32>, vector<16xi32>], vector<16xf32>,
        %gather3A_829 = tpu.vector_load_idx %arg6[%add3A_825, %add3A_563] : memref<1024x64xf32, #tpu.memory_space<vmem>>[vector<16xi32>, vector<16xi32>], vector<16xf32>,
        tpu.vector_store_idx %arg7[%broadcast_in_dim3A_785, %add3A_130, %broadcast_in_dim3A_151, %select_n3A_150, %add3A_824], %gather3A_829 : memref<2x8x1x8x128xf32, #tpu.memory_space<vmem>>[vector<16xi32>, vector<16xi32>, vector<16xi32>, vector<16xi32>, vector<16xi32>], vector<16xf32>,
        %add3A_830 = arith.addi %broadcast_in_dim3A_818, %select_n3A_226 : vector<16xi32>
        %add3A_831 = arith.addi %broadcast_in_dim3A_786, %add3A_830 : vector<16xi32>
        %gather3A_832 = tpu.vector_load_idx %arg6[%add3A_831, %add3A_554] : memref<1024x64xf32, #tpu.memory_space<vmem>>[vector<16xi32>, vector<16xi32>], vector<16xf32>,
        tpu.vector_store_idx %arg7[%broadcast_in_dim3A_785, %add3A_28, %broadcast_in_dim3A_151, %select_n3A_150, %add3A_830], %gather3A_832 : memref<2x8x1x8x128xf32, #tpu.memory_space<vmem>>[vector<16xi32>, vector<16xi32>, vector<16xi32>, vector<16xi32>, vector<16xi32>], vector<16xf32>,
        %gather3A_833 = tpu.vector_load_idx %arg6[%add3A_831, %add3A_557] : memref<1024x64xf32, #tpu.memory_space<vmem>>[vector<16xi32>, vector<16xi32>], vector<16xf32>,
        tpu.vector_store_idx %arg7[%broadcast_in_dim3A_785, %add3A_62, %broadcast_in_dim3A_151, %select_n3A_150, %add3A_830], %gather3A_833 : memref<2x8x1x8x128xf32, #tpu.memory_space<vmem>>[vector<16xi32>, vector<16xi32>, vector<16xi32>, vector<16xi32>, vector<16xi32>], vector<16xf32>,
        %gather3A_834 = tpu.vector_load_idx %arg6[%add3A_831, %add3A_560] : memref<1024x64xf32, #tpu.memory_space<vmem>>[vector<16xi32>, vector<16xi32>], vector<16xf32>,
        tpu.vector_store_idx %arg7[%broadcast_in_dim3A_785, %add3A_96, %broadcast_in_dim3A_151, %select_n3A_150, %add3A_830], %gather3A_834 : memref<2x8x1x8x128xf32, #tpu.memory_space<vmem>>[vector<16xi32>, vector<16xi32>, vector<16xi32>, vector<16xi32>, vector<16xi32>], vector<16xf32>,
        %gather3A_835 = tpu.vector_load_idx %arg6[%add3A_831, %add3A_563] : memref<1024x64xf32, #tpu.memory_space<vmem>>[vector<16xi32>, vector<16xi32>], vector<16xf32>,
        tpu.vector_store_idx %arg7[%broadcast_in_dim3A_785, %add3A_130, %broadcast_in_dim3A_151, %select_n3A_150, %add3A_830], %gather3A_835 : memref<2x8x1x8x128xf32, #tpu.memory_space<vmem>>[vector<16xi32>, vector<16xi32>, vector<16xi32>, vector<16xi32>, vector<16xi32>], vector<16xf32>,
        %add3A_836 = arith.addi %broadcast_in_dim3A_818, %select_n3A_251 : vector<16xi32>
        %add3A_837 = arith.addi %broadcast_in_dim3A_786, %add3A_836 : vector<16xi32>
        %gather3A_838 = tpu.vector_load_idx %arg6[%add3A_837, %add3A_554] : memref<1024x64xf32, #tpu.memory_space<vmem>>[vector<16xi32>, vector<16xi32>], vector<16xf32>,
        tpu.vector_store_idx %arg7[%broadcast_in_dim3A_785, %add3A_28, %broadcast_in_dim3A_151, %select_n3A_150, %add3A_836], %gather3A_838 : memref<2x8x1x8x128xf32, #tpu.memory_space<vmem>>[vector<16xi32>, vector<16xi32>, vector<16xi32>, vector<16xi32>, vector<16xi32>], vector<16xf32>,
        %gather3A_839 = tpu.vector_load_idx %arg6[%add3A_837, %add3A_557] : memref<1024x64xf32, #tpu.memory_space<vmem>>[vector<16xi32>, vector<16xi32>], vector<16xf32>,
        tpu.vector_store_idx %arg7[%broadcast_in_dim3A_785, %add3A_62, %broadcast_in_dim3A_151, %select_n3A_150, %add3A_836], %gather3A_839 : memref<2x8x1x8x128xf32, #tpu.memory_space<vmem>>[vector<16xi32>, vector<16xi32>, vector<16xi32>, vector<16xi32>, vector<16xi32>], vector<16xf32>,
        %gather3A_840 = tpu.vector_load_idx %arg6[%add3A_837, %add3A_560] : memref<1024x64xf32, #tpu.memory_space<vmem>>[vector<16xi32>, vector<16xi32>], vector<16xf32>,
        tpu.vector_store_idx %arg7[%broadcast_in_dim3A_785, %add3A_96, %broadcast_in_dim3A_151, %select_n3A_150, %add3A_836], %gather3A_840 : memref<2x8x1x8x128xf32, #tpu.memory_space<vmem>>[vector<16xi32>, vector<16xi32>, vector<16xi32>, vector<16xi32>, vector<16xi32>], vector<16xf32>,
        %gather3A_841 = tpu.vector_load_idx %arg6[%add3A_837, %add3A_563] : memref<1024x64xf32, #tpu.memory_space<vmem>>[vector<16xi32>, vector<16xi32>], vector<16xf32>,
        tpu.vector_store_idx %arg7[%broadcast_in_dim3A_785, %add3A_130, %broadcast_in_dim3A_151, %select_n3A_150, %add3A_836], %gather3A_841 : memref<2x8x1x8x128xf32, #tpu.memory_space<vmem>>[vector<16xi32>, vector<16xi32>, vector<16xi32>, vector<16xi32>, vector<16xi32>], vector<16xf32>,
        %add3A_842 = arith.addi %broadcast_in_dim3A_818, %select_n3A_276 : vector<16xi32>
        %add3A_843 = arith.addi %broadcast_in_dim3A_786, %add3A_842 : vector<16xi32>
        %gather3A_844 = tpu.vector_load_idx %arg6[%add3A_843, %add3A_554] : memref<1024x64xf32, #tpu.memory_space<vmem>>[vector<16xi32>, vector<16xi32>], vector<16xf32>,
        tpu.vector_store_idx %arg7[%broadcast_in_dim3A_785, %add3A_28, %broadcast_in_dim3A_151, %select_n3A_150, %add3A_842], %gather3A_844 : memref<2x8x1x8x128xf32, #tpu.memory_space<vmem>>[vector<16xi32>, vector<16xi32>, vector<16xi32>, vector<16xi32>, vector<16xi32>], vector<16xf32>,
        %gather3A_845 = tpu.vector_load_idx %arg6[%add3A_843, %add3A_557] : memref<1024x64xf32, #tpu.memory_space<vmem>>[vector<16xi32>, vector<16xi32>], vector<16xf32>,
        tpu.vector_store_idx %arg7[%broadcast_in_dim3A_785, %add3A_62, %broadcast_in_dim3A_151, %select_n3A_150, %add3A_842], %gather3A_845 : memref<2x8x1x8x128xf32, #tpu.memory_space<vmem>>[vector<16xi32>, vector<16xi32>, vector<16xi32>, vector<16xi32>, vector<16xi32>], vector<16xf32>,
        %gather3A_846 = tpu.vector_load_idx %arg6[%add3A_843, %add3A_560] : memref<1024x64xf32, #tpu.memory_space<vmem>>[vector<16xi32>, vector<16xi32>], vector<16xf32>,
        tpu.vector_store_idx %arg7[%broadcast_in_dim3A_785, %add3A_96, %broadcast_in_dim3A_151, %select_n3A_150, %add3A_842], %gather3A_846 : memref<2x8x1x8x128xf32, #tpu.memory_space<vmem>>[vector<16xi32>, vector<16xi32>, vector<16xi32>, vector<16xi32>, vector<16xi32>], vector<16xf32>,
        %gather3A_847 = tpu.vector_load_idx %arg6[%add3A_843, %add3A_563] : memref<1024x64xf32, #tpu.memory_space<vmem>>[vector<16xi32>, vector<16xi32>], vector<16xf32>,
        tpu.vector_store_idx %arg7[%broadcast_in_dim3A_785, %add3A_130, %broadcast_in_dim3A_151, %select_n3A_150, %add3A_842], %gather3A_847 : memref<2x8x1x8x128xf32, #tpu.memory_space<vmem>>[vector<16xi32>, vector<16xi32>, vector<16xi32>, vector<16xi32>, vector<16xi32>], vector<16xf32>,
        %add3A_848 = arith.addi %broadcast_in_dim3A_818, %select_n3A_301 : vector<16xi32>
        %add3A_849 = arith.addi %broadcast_in_dim3A_786, %add3A_848 : vector<16xi32>
        %gather3A_850 = tpu.vector_load_idx %arg6[%add3A_849, %add3A_554] : memref<1024x64xf32, #tpu.memory_space<vmem>>[vector<16xi32>, vector<16xi32>], vector<16xf32>,
        tpu.vector_store_idx %arg7[%broadcast_in_dim3A_785, %add3A_28, %broadcast_in_dim3A_151, %select_n3A_150, %add3A_848], %gather3A_850 : memref<2x8x1x8x128xf32, #tpu.memory_space<vmem>>[vector<16xi32>, vector<16xi32>, vector<16xi32>, vector<16xi32>, vector<16xi32>], vector<16xf32>,
        %gather3A_851 = tpu.vector_load_idx %arg6[%add3A_849, %add3A_557] : memref<1024x64xf32, #tpu.memory_space<vmem>>[vector<16xi32>, vector<16xi32>], vector<16xf32>,
        tpu.vector_store_idx %arg7[%broadcast_in_dim3A_785, %add3A_62, %broadcast_in_dim3A_151, %select_n3A_150, %add3A_848], %gather3A_851 : memref<2x8x1x8x128xf32, #tpu.memory_space<vmem>>[vector<16xi32>, vector<16xi32>, vector<16xi32>, vector<16xi32>, vector<16xi32>], vector<16xf32>,
        %gather3A_852 = tpu.vector_load_idx %arg6[%add3A_849, %add3A_560] : memref<1024x64xf32, #tpu.memory_space<vmem>>[vector<16xi32>, vector<16xi32>], vector<16xf32>,
        tpu.vector_store_idx %arg7[%broadcast_in_dim3A_785, %add3A_96, %broadcast_in_dim3A_151, %select_n3A_150, %add3A_848], %gather3A_852 : memref<2x8x1x8x128xf32, #tpu.memory_space<vmem>>[vector<16xi32>, vector<16xi32>, vector<16xi32>, vector<16xi32>, vector<16xi32>], vector<16xf32>,
        %gather3A_853 = tpu.vector_load_idx %arg6[%add3A_849, %add3A_563] : memref<1024x64xf32, #tpu.memory_space<vmem>>[vector<16xi32>, vector<16xi32>], vector<16xf32>,
        tpu.vector_store_idx %arg7[%broadcast_in_dim3A_785, %add3A_130, %broadcast_in_dim3A_151, %select_n3A_150, %add3A_848], %gather3A_853 : memref<2x8x1x8x128xf32, #tpu.memory_space<vmem>>[vector<16xi32>, vector<16xi32>, vector<16xi32>, vector<16xi32>, vector<16xi32>], vector<16xf32>,
        %add3A_854 = arith.addi %broadcast_in_dim3A_818, %select_n3A_326 : vector<16xi32>
        %add3A_855 = arith.addi %broadcast_in_dim3A_786, %add3A_854 : vector<16xi32>
        %gather3A_856 = tpu.vector_load_idx %arg6[%add3A_855, %add3A_554] : memref<1024x64xf32, #tpu.memory_space<vmem>>[vector<16xi32>, vector<16xi32>], vector<16xf32>,
        tpu.vector_store_idx %arg7[%broadcast_in_dim3A_785, %add3A_28, %broadcast_in_dim3A_151, %select_n3A_150, %add3A_854], %gather3A_856 : memref<2x8x1x8x128xf32, #tpu.memory_space<vmem>>[vector<16xi32>, vector<16xi32>, vector<16xi32>, vector<16xi32>, vector<16xi32>], vector<16xf32>,
        %gather3A_857 = tpu.vector_load_idx %arg6[%add3A_855, %add3A_557] : memref<1024x64xf32, #tpu.memory_space<vmem>>[vector<16xi32>, vector<16xi32>], vector<16xf32>,
        tpu.vector_store_idx %arg7[%broadcast_in_dim3A_785, %add3A_62, %broadcast_in_dim3A_151, %select_n3A_150, %add3A_854], %gather3A_857 : memref<2x8x1x8x128xf32, #tpu.memory_space<vmem>>[vector<16xi32>, vector<16xi32>, vector<16xi32>, vector<16xi32>, vector<16xi32>], vector<16xf32>,
        %gather3A_858 = tpu.vector_load_idx %arg6[%add3A_855, %add3A_560] : memref<1024x64xf32, #tpu.memory_space<vmem>>[vector<16xi32>, vector<16xi32>], vector<16xf32>,
        tpu.vector_store_idx %arg7[%broadcast_in_dim3A_785, %add3A_96, %broadcast_in_dim3A_151, %select_n3A_150, %add3A_854], %gather3A_858 : memref<2x8x1x8x128xf32, #tpu.memory_space<vmem>>[vector<16xi32>, vector<16xi32>, vector<16xi32>, vector<16xi32>, vector<16xi32>], vector<16xf32>,
        %gather3A_859 = tpu.vector_load_idx %arg6[%add3A_855, %add3A_563] : memref<1024x64xf32, #tpu.memory_space<vmem>>[vector<16xi32>, vector<16xi32>], vector<16xf32>,
        tpu.vector_store_idx %arg7[%broadcast_in_dim3A_785, %add3A_130, %broadcast_in_dim3A_151, %select_n3A_150, %add3A_854], %gather3A_859 : memref<2x8x1x8x128xf32, #tpu.memory_space<vmem>>[vector<16xi32>, vector<16xi32>, vector<16xi32>, vector<16xi32>, vector<16xi32>], vector<16xf32>,
        %add3A_860 = arith.addi %broadcast_in_dim3A_818, %select_n3A_351 : vector<16xi32>
        %add3A_861 = arith.addi %broadcast_in_dim3A_786, %add3A_860 : vector<16xi32>
        %gather3A_862 = tpu.vector_load_idx %arg6[%add3A_861, %add3A_554] : memref<1024x64xf32, #tpu.memory_space<vmem>>[vector<16xi32>, vector<16xi32>], vector<16xf32>,
        tpu.vector_store_idx %arg7[%broadcast_in_dim3A_785, %add3A_28, %broadcast_in_dim3A_151, %select_n3A_150, %add3A_860], %gather3A_862 : memref<2x8x1x8x128xf32, #tpu.memory_space<vmem>>[vector<16xi32>, vector<16xi32>, vector<16xi32>, vector<16xi32>, vector<16xi32>], vector<16xf32>,
        %gather3A_863 = tpu.vector_load_idx %arg6[%add3A_861, %add3A_557] : memref<1024x64xf32, #tpu.memory_space<vmem>>[vector<16xi32>, vector<16xi32>], vector<16xf32>,
        tpu.vector_store_idx %arg7[%broadcast_in_dim3A_785, %add3A_62, %broadcast_in_dim3A_151, %select_n3A_150, %add3A_860], %gather3A_863 : memref<2x8x1x8x128xf32, #tpu.memory_space<vmem>>[vector<16xi32>, vector<16xi32>, vector<16xi32>, vector<16xi32>, vector<16xi32>], vector<16xf32>,
        %gather3A_864 = tpu.vector_load_idx %arg6[%add3A_861, %add3A_560] : memref<1024x64xf32, #tpu.memory_space<vmem>>[vector<16xi32>, vector<16xi32>], vector<16xf32>,
        tpu.vector_store_idx %arg7[%broadcast_in_dim3A_785, %add3A_96, %broadcast_in_dim3A_151, %select_n3A_150, %add3A_860], %gather3A_864 : memref<2x8x1x8x128xf32, #tpu.memory_space<vmem>>[vector<16xi32>, vector<16xi32>, vector<16xi32>, vector<16xi32>, vector<16xi32>], vector<16xf32>,
        %gather3A_865 = tpu.vector_load_idx %arg6[%add3A_861, %add3A_563] : memref<1024x64xf32, #tpu.memory_space<vmem>>[vector<16xi32>, vector<16xi32>], vector<16xf32>,
        tpu.vector_store_idx %arg7[%broadcast_in_dim3A_785, %add3A_130, %broadcast_in_dim3A_151, %select_n3A_150, %add3A_860], %gather3A_865 : memref<2x8x1x8x128xf32, #tpu.memory_space<vmem>>[vector<16xi32>, vector<16xi32>, vector<16xi32>, vector<16xi32>, vector<16xi32>], vector<16xf32>,
        %add3A_866 = arith.addi %broadcast_in_dim3A_818, %select_n3A_376 : vector<16xi32>
        %add3A_867 = arith.addi %broadcast_in_dim3A_786, %add3A_866 : vector<16xi32>
        %gather3A_868 = tpu.vector_load_idx %arg6[%add3A_867, %add3A_554] : memref<1024x64xf32, #tpu.memory_space<vmem>>[vector<16xi32>, vector<16xi32>], vector<16xf32>,
        tpu.vector_store_idx %arg7[%broadcast_in_dim3A_785, %add3A_28, %broadcast_in_dim3A_151, %select_n3A_150, %add3A_866], %gather3A_868 : memref<2x8x1x8x128xf32, #tpu.memory_space<vmem>>[vector<16xi32>, vector<16xi32>, vector<16xi32>, vector<16xi32>, vector<16xi32>], vector<16xf32>,
        %gather3A_869 = tpu.vector_load_idx %arg6[%add3A_867, %add3A_557] : memref<1024x64xf32, #tpu.memory_space<vmem>>[vector<16xi32>, vector<16xi32>], vector<16xf32>,
        tpu.vector_store_idx %arg7[%broadcast_in_dim3A_785, %add3A_62, %broadcast_in_dim3A_151, %select_n3A_150, %add3A_866], %gather3A_869 : memref<2x8x1x8x128xf32, #tpu.memory_space<vmem>>[vector<16xi32>, vector<16xi32>, vector<16xi32>, vector<16xi32>, vector<16xi32>], vector<16xf32>,
        %gather3A_870 = tpu.vector_load_idx %arg6[%add3A_867, %add3A_560] : memref<1024x64xf32, #tpu.memory_space<vmem>>[vector<16xi32>, vector<16xi32>], vector<16xf32>,
        tpu.vector_store_idx %arg7[%broadcast_in_dim3A_785, %add3A_96, %broadcast_in_dim3A_151, %select_n3A_150, %add3A_866], %gather3A_870 : memref<2x8x1x8x128xf32, #tpu.memory_space<vmem>>[vector<16xi32>, vector<16xi32>, vector<16xi32>, vector<16xi32>, vector<16xi32>], vector<16xf32>,
        %gather3A_871 = tpu.vector_load_idx %arg6[%add3A_867, %add3A_563] : memref<1024x64xf32, #tpu.memory_space<vmem>>[vector<16xi32>, vector<16xi32>], vector<16xf32>,
        tpu.vector_store_idx %arg7[%broadcast_in_dim3A_785, %add3A_130, %broadcast_in_dim3A_151, %select_n3A_150, %add3A_866], %gather3A_871 : memref<2x8x1x8x128xf32, #tpu.memory_space<vmem>>[vector<16xi32>, vector<16xi32>, vector<16xi32>, vector<16xi32>, vector<16xi32>], vector<16xf32>,
        %add3A_872 = arith.addi %broadcast_in_dim3A_818, %select_n3A_401 : vector<16xi32>
        %add3A_873 = arith.addi %broadcast_in_dim3A_786, %add3A_872 : vector<16xi32>
        %gather3A_874 = tpu.vector_load_idx %arg6[%add3A_873, %add3A_554] : memref<1024x64xf32, #tpu.memory_space<vmem>>[vector<16xi32>, vector<16xi32>], vector<16xf32>,
        tpu.vector_store_idx %arg7[%broadcast_in_dim3A_785, %add3A_28, %broadcast_in_dim3A_151, %select_n3A_150, %add3A_872], %gather3A_874 : memref<2x8x1x8x128xf32, #tpu.memory_space<vmem>>[vector<16xi32>, vector<16xi32>, vector<16xi32>, vector<16xi32>, vector<16xi32>], vector<16xf32>,
        %gather3A_875 = tpu.vector_load_idx %arg6[%add3A_873, %add3A_557] : memref<1024x64xf32, #tpu.memory_space<vmem>>[vector<16xi32>, vector<16xi32>], vector<16xf32>,
        tpu.vector_store_idx %arg7[%broadcast_in_dim3A_785, %add3A_62, %broadcast_in_dim3A_151, %select_n3A_150, %add3A_872], %gather3A_875 : memref<2x8x1x8x128xf32, #tpu.memory_space<vmem>>[vector<16xi32>, vector<16xi32>, vector<16xi32>, vector<16xi32>, vector<16xi32>], vector<16xf32>,
        %gather3A_876 = tpu.vector_load_idx %arg6[%add3A_873, %add3A_560] : memref<1024x64xf32, #tpu.memory_space<vmem>>[vector<16xi32>, vector<16xi32>], vector<16xf32>,
        tpu.vector_store_idx %arg7[%broadcast_in_dim3A_785, %add3A_96, %broadcast_in_dim3A_151, %select_n3A_150, %add3A_872], %gather3A_876 : memref<2x8x1x8x128xf32, #tpu.memory_space<vmem>>[vector<16xi32>, vector<16xi32>, vector<16xi32>, vector<16xi32>, vector<16xi32>], vector<16xf32>,
        %gather3A_877 = tpu.vector_load_idx %arg6[%add3A_873, %add3A_563] : memref<1024x64xf32, #tpu.memory_space<vmem>>[vector<16xi32>, vector<16xi32>], vector<16xf32>,
        tpu.vector_store_idx %arg7[%broadcast_in_dim3A_785, %add3A_130, %broadcast_in_dim3A_151, %select_n3A_150, %add3A_872], %gather3A_877 : memref<2x8x1x8x128xf32, #tpu.memory_space<vmem>>[vector<16xi32>, vector<16xi32>, vector<16xi32>, vector<16xi32>, vector<16xi32>], vector<16xf32>,
        %add3A_878 = arith.addi %broadcast_in_dim3A_818, %select_n3A_426 : vector<16xi32>
        %add3A_879 = arith.addi %broadcast_in_dim3A_786, %add3A_878 : vector<16xi32>
        %gather3A_880 = tpu.vector_load_idx %arg6[%add3A_879, %add3A_554] : memref<1024x64xf32, #tpu.memory_space<vmem>>[vector<16xi32>, vector<16xi32>], vector<16xf32>,
        tpu.vector_store_idx %arg7[%broadcast_in_dim3A_785, %add3A_28, %broadcast_in_dim3A_151, %select_n3A_150, %add3A_878], %gather3A_880 : memref<2x8x1x8x128xf32, #tpu.memory_space<vmem>>[vector<16xi32>, vector<16xi32>, vector<16xi32>, vector<16xi32>, vector<16xi32>], vector<16xf32>,
        %gather3A_881 = tpu.vector_load_idx %arg6[%add3A_879, %add3A_557] : memref<1024x64xf32, #tpu.memory_space<vmem>>[vector<16xi32>, vector<16xi32>], vector<16xf32>,
        tpu.vector_store_idx %arg7[%broadcast_in_dim3A_785, %add3A_62, %broadcast_in_dim3A_151, %select_n3A_150, %add3A_878], %gather3A_881 : memref<2x8x1x8x128xf32, #tpu.memory_space<vmem>>[vector<16xi32>, vector<16xi32>, vector<16xi32>, vector<16xi32>, vector<16xi32>], vector<16xf32>,
        %gather3A_882 = tpu.vector_load_idx %arg6[%add3A_879, %add3A_560] : memref<1024x64xf32, #tpu.memory_space<vmem>>[vector<16xi32>, vector<16xi32>], vector<16xf32>,
        tpu.vector_store_idx %arg7[%broadcast_in_dim3A_785, %add3A_96, %broadcast_in_dim3A_151, %select_n3A_150, %add3A_878], %gather3A_882 : memref<2x8x1x8x128xf32, #tpu.memory_space<vmem>>[vector<16xi32>, vector<16xi32>, vector<16xi32>, vector<16xi32>, vector<16xi32>], vector<16xf32>,
        %gather3A_883 = tpu.vector_load_idx %arg6[%add3A_879, %add3A_563] : memref<1024x64xf32, #tpu.memory_space<vmem>>[vector<16xi32>, vector<16xi32>], vector<16xf32>,
        tpu.vector_store_idx %arg7[%broadcast_in_dim3A_785, %add3A_130, %broadcast_in_dim3A_151, %select_n3A_150, %add3A_878], %gather3A_883 : memref<2x8x1x8x128xf32, #tpu.memory_space<vmem>>[vector<16xi32>, vector<16xi32>, vector<16xi32>, vector<16xi32>, vector<16xi32>], vector<16xf32>,
        %add3A_884 = arith.addi %broadcast_in_dim3A_818, %select_n3A_451 : vector<16xi32>
        %add3A_885 = arith.addi %broadcast_in_dim3A_786, %add3A_884 : vector<16xi32>
        %gather3A_886 = tpu.vector_load_idx %arg6[%add3A_885, %add3A_554] : memref<1024x64xf32, #tpu.memory_space<vmem>>[vector<16xi32>, vector<16xi32>], vector<16xf32>,
        tpu.vector_store_idx %arg7[%broadcast_in_dim3A_785, %add3A_28, %broadcast_in_dim3A_151, %select_n3A_150, %add3A_884], %gather3A_886 : memref<2x8x1x8x128xf32, #tpu.memory_space<vmem>>[vector<16xi32>, vector<16xi32>, vector<16xi32>, vector<16xi32>, vector<16xi32>], vector<16xf32>,
        %gather3A_887 = tpu.vector_load_idx %arg6[%add3A_885, %add3A_557] : memref<1024x64xf32, #tpu.memory_space<vmem>>[vector<16xi32>, vector<16xi32>], vector<16xf32>,
        tpu.vector_store_idx %arg7[%broadcast_in_dim3A_785, %add3A_62, %broadcast_in_dim3A_151, %select_n3A_150, %add3A_884], %gather3A_887 : memref<2x8x1x8x128xf32, #tpu.memory_space<vmem>>[vector<16xi32>, vector<16xi32>, vector<16xi32>, vector<16xi32>, vector<16xi32>], vector<16xf32>,
        %gather3A_888 = tpu.vector_load_idx %arg6[%add3A_885, %add3A_560] : memref<1024x64xf32, #tpu.memory_space<vmem>>[vector<16xi32>, vector<16xi32>], vector<16xf32>,
        tpu.vector_store_idx %arg7[%broadcast_in_dim3A_785, %add3A_96, %broadcast_in_dim3A_151, %select_n3A_150, %add3A_884], %gather3A_888 : memref<2x8x1x8x128xf32, #tpu.memory_space<vmem>>[vector<16xi32>, vector<16xi32>, vector<16xi32>, vector<16xi32>, vector<16xi32>], vector<16xf32>,
        %gather3A_889 = tpu.vector_load_idx %arg6[%add3A_885, %add3A_563] : memref<1024x64xf32, #tpu.memory_space<vmem>>[vector<16xi32>, vector<16xi32>], vector<16xf32>,
        tpu.vector_store_idx %arg7[%broadcast_in_dim3A_785, %add3A_130, %broadcast_in_dim3A_151, %select_n3A_150, %add3A_884], %gather3A_889 : memref<2x8x1x8x128xf32, #tpu.memory_space<vmem>>[vector<16xi32>, vector<16xi32>, vector<16xi32>, vector<16xi32>, vector<16xi32>], vector<16xf32>,
        %add3A_890 = arith.addi %broadcast_in_dim3A_818, %select_n3A_476 : vector<16xi32>
        %add3A_891 = arith.addi %broadcast_in_dim3A_786, %add3A_890 : vector<16xi32>
        %gather3A_892 = tpu.vector_load_idx %arg6[%add3A_891, %add3A_554] : memref<1024x64xf32, #tpu.memory_space<vmem>>[vector<16xi32>, vector<16xi32>], vector<16xf32>,
        tpu.vector_store_idx %arg7[%broadcast_in_dim3A_785, %add3A_28, %broadcast_in_dim3A_151, %select_n3A_150, %add3A_890], %gather3A_892 : memref<2x8x1x8x128xf32, #tpu.memory_space<vmem>>[vector<16xi32>, vector<16xi32>, vector<16xi32>, vector<16xi32>, vector<16xi32>], vector<16xf32>,
        %gather3A_893 = tpu.vector_load_idx %arg6[%add3A_891, %add3A_557] : memref<1024x64xf32, #tpu.memory_space<vmem>>[vector<16xi32>, vector<16xi32>], vector<16xf32>,
        tpu.vector_store_idx %arg7[%broadcast_in_dim3A_785, %add3A_62, %broadcast_in_dim3A_151, %select_n3A_150, %add3A_890], %gather3A_893 : memref<2x8x1x8x128xf32, #tpu.memory_space<vmem>>[vector<16xi32>, vector<16xi32>, vector<16xi32>, vector<16xi32>, vector<16xi32>], vector<16xf32>,
        %gather3A_894 = tpu.vector_load_idx %arg6[%add3A_891, %add3A_560] : memref<1024x64xf32, #tpu.memory_space<vmem>>[vector<16xi32>, vector<16xi32>], vector<16xf32>,
        tpu.vector_store_idx %arg7[%broadcast_in_dim3A_785, %add3A_96, %broadcast_in_dim3A_151, %select_n3A_150, %add3A_890], %gather3A_894 : memref<2x8x1x8x128xf32, #tpu.memory_space<vmem>>[vector<16xi32>, vector<16xi32>, vector<16xi32>, vector<16xi32>, vector<16xi32>], vector<16xf32>,
        %gather3A_895 = tpu.vector_load_idx %arg6[%add3A_891, %add3A_563] : memref<1024x64xf32, #tpu.memory_space<vmem>>[vector<16xi32>, vector<16xi32>], vector<16xf32>,
        tpu.vector_store_idx %arg7[%broadcast_in_dim3A_785, %add3A_130, %broadcast_in_dim3A_151, %select_n3A_150, %add3A_890], %gather3A_895 : memref<2x8x1x8x128xf32, #tpu.memory_space<vmem>>[vector<16xi32>, vector<16xi32>, vector<16xi32>, vector<16xi32>, vector<16xi32>], vector<16xf32>,
        %add3A_896 = arith.addi %broadcast_in_dim3A_818, %select_n3A_501 : vector<16xi32>
        %add3A_897 = arith.addi %broadcast_in_dim3A_786, %add3A_896 : vector<16xi32>
        %gather3A_898 = tpu.vector_load_idx %arg6[%add3A_897, %add3A_554] : memref<1024x64xf32, #tpu.memory_space<vmem>>[vector<16xi32>, vector<16xi32>], vector<16xf32>,
        tpu.vector_store_idx %arg7[%broadcast_in_dim3A_785, %add3A_28, %broadcast_in_dim3A_151, %select_n3A_150, %add3A_896], %gather3A_898 : memref<2x8x1x8x128xf32, #tpu.memory_space<vmem>>[vector<16xi32>, vector<16xi32>, vector<16xi32>, vector<16xi32>, vector<16xi32>], vector<16xf32>,
        %gather3A_899 = tpu.vector_load_idx %arg6[%add3A_897, %add3A_557] : memref<1024x64xf32, #tpu.memory_space<vmem>>[vector<16xi32>, vector<16xi32>], vector<16xf32>,
        tpu.vector_store_idx %arg7[%broadcast_in_dim3A_785, %add3A_62, %broadcast_in_dim3A_151, %select_n3A_150, %add3A_896], %gather3A_899 : memref<2x8x1x8x128xf32, #tpu.memory_space<vmem>>[vector<16xi32>, vector<16xi32>, vector<16xi32>, vector<16xi32>, vector<16xi32>], vector<16xf32>,
        %gather3A_900 = tpu.vector_load_idx %arg6[%add3A_897, %add3A_560] : memref<1024x64xf32, #tpu.memory_space<vmem>>[vector<16xi32>, vector<16xi32>], vector<16xf32>,
        tpu.vector_store_idx %arg7[%broadcast_in_dim3A_785, %add3A_96, %broadcast_in_dim3A_151, %select_n3A_150, %add3A_896], %gather3A_900 : memref<2x8x1x8x128xf32, #tpu.memory_space<vmem>>[vector<16xi32>, vector<16xi32>, vector<16xi32>, vector<16xi32>, vector<16xi32>], vector<16xf32>,
        %gather3A_901 = tpu.vector_load_idx %arg6[%add3A_897, %add3A_563] : memref<1024x64xf32, #tpu.memory_space<vmem>>[vector<16xi32>, vector<16xi32>], vector<16xf32>,
        tpu.vector_store_idx %arg7[%broadcast_in_dim3A_785, %add3A_130, %broadcast_in_dim3A_151, %select_n3A_150, %add3A_896], %gather3A_901 : memref<2x8x1x8x128xf32, #tpu.memory_space<vmem>>[vector<16xi32>, vector<16xi32>, vector<16xi32>, vector<16xi32>, vector<16xi32>], vector<16xf32>,
        %add3A_902 = arith.addi %broadcast_in_dim3A_818, %select_n3A_526 : vector<16xi32>
        %add3A_903 = arith.addi %broadcast_in_dim3A_786, %add3A_902 : vector<16xi32>
        %gather3A_904 = tpu.vector_load_idx %arg6[%add3A_903, %add3A_554] : memref<1024x64xf32, #tpu.memory_space<vmem>>[vector<16xi32>, vector<16xi32>], vector<16xf32>,
        tpu.vector_store_idx %arg7[%broadcast_in_dim3A_785, %add3A_28, %broadcast_in_dim3A_151, %select_n3A_150, %add3A_902], %gather3A_904 : memref<2x8x1x8x128xf32, #tpu.memory_space<vmem>>[vector<16xi32>, vector<16xi32>, vector<16xi32>, vector<16xi32>, vector<16xi32>], vector<16xf32>,
        %gather3A_905 = tpu.vector_load_idx %arg6[%add3A_903, %add3A_557] : memref<1024x64xf32, #tpu.memory_space<vmem>>[vector<16xi32>, vector<16xi32>], vector<16xf32>,
        tpu.vector_store_idx %arg7[%broadcast_in_dim3A_785, %add3A_62, %broadcast_in_dim3A_151, %select_n3A_150, %add3A_902], %gather3A_905 : memref<2x8x1x8x128xf32, #tpu.memory_space<vmem>>[vector<16xi32>, vector<16xi32>, vector<16xi32>, vector<16xi32>, vector<16xi32>], vector<16xf32>,
        %gather3A_906 = tpu.vector_load_idx %arg6[%add3A_903, %add3A_560] : memref<1024x64xf32, #tpu.memory_space<vmem>>[vector<16xi32>, vector<16xi32>], vector<16xf32>,
        tpu.vector_store_idx %arg7[%broadcast_in_dim3A_785, %add3A_96, %broadcast_in_dim3A_151, %select_n3A_150, %add3A_902], %gather3A_906 : memref<2x8x1x8x128xf32, #tpu.memory_space<vmem>>[vector<16xi32>, vector<16xi32>, vector<16xi32>, vector<16xi32>, vector<16xi32>], vector<16xf32>,
        %gather3A_907 = tpu.vector_load_idx %arg6[%add3A_903, %add3A_563] : memref<1024x64xf32, #tpu.memory_space<vmem>>[vector<16xi32>, vector<16xi32>], vector<16xf32>,
        tpu.vector_store_idx %arg7[%broadcast_in_dim3A_785, %add3A_130, %broadcast_in_dim3A_151, %select_n3A_150, %add3A_902], %gather3A_907 : memref<2x8x1x8x128xf32, #tpu.memory_space<vmem>>[vector<16xi32>, vector<16xi32>, vector<16xi32>, vector<16xi32>, vector<16xi32>], vector<16xf32>,
        %add3A_908 = arith.addi %broadcast_in_dim3A_818, %select_n3A_551 : vector<16xi32>
        %add3A_909 = arith.addi %broadcast_in_dim3A_786, %add3A_908 : vector<16xi32>
        %gather3A_910 = tpu.vector_load_idx %arg6[%add3A_909, %add3A_554] : memref<1024x64xf32, #tpu.memory_space<vmem>>[vector<16xi32>, vector<16xi32>], vector<16xf32>,
        tpu.vector_store_idx %arg7[%broadcast_in_dim3A_785, %add3A_28, %broadcast_in_dim3A_151, %select_n3A_150, %add3A_908], %gather3A_910 : memref<2x8x1x8x128xf32, #tpu.memory_space<vmem>>[vector<16xi32>, vector<16xi32>, vector<16xi32>, vector<16xi32>, vector<16xi32>], vector<16xf32>,
        %gather3A_911 = tpu.vector_load_idx %arg6[%add3A_909, %add3A_557] : memref<1024x64xf32, #tpu.memory_space<vmem>>[vector<16xi32>, vector<16xi32>], vector<16xf32>,
        tpu.vector_store_idx %arg7[%broadcast_in_dim3A_785, %add3A_62, %broadcast_in_dim3A_151, %select_n3A_150, %add3A_908], %gather3A_911 : memref<2x8x1x8x128xf32, #tpu.memory_space<vmem>>[vector<16xi32>, vector<16xi32>, vector<16xi32>, vector<16xi32>, vector<16xi32>], vector<16xf32>,
        %gather3A_912 = tpu.vector_load_idx %arg6[%add3A_909, %add3A_560] : memref<1024x64xf32, #tpu.memory_space<vmem>>[vector<16xi32>, vector<16xi32>], vector<16xf32>,
        tpu.vector_store_idx %arg7[%broadcast_in_dim3A_785, %add3A_96, %broadcast_in_dim3A_151, %select_n3A_150, %add3A_908], %gather3A_912 : memref<2x8x1x8x128xf32, #tpu.memory_space<vmem>>[vector<16xi32>, vector<16xi32>, vector<16xi32>, vector<16xi32>, vector<16xi32>], vector<16xf32>,
        %gather3A_913 = tpu.vector_load_idx %arg6[%add3A_909, %add3A_563] : memref<1024x64xf32, #tpu.memory_space<vmem>>[vector<16xi32>, vector<16xi32>], vector<16xf32>,
        tpu.vector_store_idx %arg7[%broadcast_in_dim3A_785, %add3A_130, %broadcast_in_dim3A_151, %select_n3A_150, %add3A_908], %gather3A_913 : memref<2x8x1x8x128xf32, #tpu.memory_space<vmem>>[vector<16xi32>, vector<16xi32>, vector<16xi32>, vector<16xi32>, vector<16xi32>], vector<16xf32>,
      }
      %scan3A_792 = arith.constant 8 : i32
      %dma_start3A_793 = arith.constant 0 : i32
      %dma_start3A_794 = arith.constant 0 : i32
      %dma_start3A_795 = arith.constant 0 : i32
      %dma_start3A_796 = arith.constant 0 : i32
      %dma_start3A_797 = tpu.memref_slice %arg7[%rem3A_782, %dma_start3A_793, %dma_start3A_794, %dma_start3A_795, %dma_start3A_796] : memref<2x8x1x8x128xf32, #tpu.memory_space<vmem>> -> memref<1x8x1x8x128xf32, #tpu.memory_space<vmem>>
      %dma_start3A_798 = tpu.memref_squeeze %dma_start3A_797 : memref<1x8x1x8x128xf32, #tpu.memory_space<vmem>> -> memref<8x1x8x128xf32, #tpu.memory_space<vmem>>
      %dma_start3A_799 = arith.constant 0 : i32
      %dma_start3A_800 = arith.constant 0 : i32
      %dma_start3A_801 = arith.constant 0 : i32
      %dma_start3A_802 = tpu.memref_slice %arg4[%scan3A_741, %dma_start3A_799, %add3A, %dma_start3A_800, %dma_start3A_801] : memref<50x8x32x8x128xf32, #tpu.memory_space<hbm>> -> memref<1x8x1x8x128xf32, #tpu.memory_space<hbm>>
      %dma_start3A_803 = tpu.memref_squeeze %dma_start3A_802 : memref<1x8x1x8x128xf32, #tpu.memory_space<hbm>> -> memref<8x1x8x128xf32, #tpu.memory_space<hbm>>
      %dma_start3A_804 = arith.constant 0 : i32
      %dma_start3A_805 = arith.constant 0 : i32
      %dma_start3A_806 = arith.constant 0 : i32
      %dma_start3A_807 = tpu.memref_slice %arg4[%scan3A_741, %dma_start3A_804, %add3A, %dma_start3A_805, %dma_start3A_806] : memref<50x8x32x8x128xf32, #tpu.memory_space<hbm>> -> memref<1x8x1x8x128xf32, #tpu.memory_space<hbm>>
      %dma_start3A_808 = tpu.memref_squeeze %dma_start3A_807 : memref<1x8x1x8x128xf32, #tpu.memory_space<hbm>> -> memref<8x1x8x128xf32, #tpu.memory_space<hbm>>
      %dma_start3A_809 = arith.constant 0 : i32
      %dma_start3A_810 = arith.constant 0 : i32
      %dma_start3A_811 = arith.constant 0 : i32
      %dma_start3A_812 = arith.constant 0 : i32
      %dma_start3A_813 = tpu.memref_slice %arg7[%rem3A_782, %dma_start3A_809, %dma_start3A_810, %dma_start3A_811, %dma_start3A_812] : memref<2x8x1x8x128xf32, #tpu.memory_space<vmem>> -> memref<1x8x1x8x128xf32, #tpu.memory_space<vmem>>
      %dma_start3A_814 = tpu.memref_squeeze %dma_start3A_813 : memref<1x8x1x8x128xf32, #tpu.memory_space<vmem>> -> memref<8x1x8x128xf32, #tpu.memory_space<vmem>>
      tpu.enqueue_dma source(%dma_start3A_814 : memref<8x1x8x128xf32, #tpu.memory_space<vmem>>) target(%dma_start3A_808 : memref<8x1x8x128xf32, #tpu.memory_space<hbm>>) target_semaphore(%arg9 : memref<!tpu.dma_semaphore, #tpu.memory_space<semaphore_mem>>)
    }
    %scan3A_691 = arith.constant 8 : i32
    %dma_wait3A = arith.constant 0 : i32
    %dma_wait3A_692 = arith.constant 0 : i32
    %dma_wait3A_693 = arith.constant 0 : i32
    %dma_wait3A_694 = arith.constant 0 : i32
    %dma_wait3A_695 = arith.constant 0 : i32
    %dma_wait3A_696 = tpu.memref_slice %arg7[%dma_wait3A, %dma_wait3A_692, %dma_wait3A_693, %dma_wait3A_694, %dma_wait3A_695] : memref<2x8x1x8x128xf32, #tpu.memory_space<vmem>> -> memref<1x8x1x8x128xf32, #tpu.memory_space<vmem>>
    %dma_wait3A_697 = tpu.memref_squeeze %dma_wait3A_696 : memref<1x8x1x8x128xf32, #tpu.memory_space<vmem>> -> memref<8x1x8x128xf32, #tpu.memory_space<vmem>>
    %dma_wait3A_698 = arith.constant 0 : i32
    %dma_wait3A_699 = arith.constant 0 : i32
    %dma_wait3A_700 = arith.constant 0 : i32
    %dma_wait3A_701 = arith.constant 0 : i32
    %dma_wait3A_702 = arith.constant 0 : i32
    %dma_wait3A_703 = tpu.memref_slice %arg4[%dma_wait3A_698, %dma_wait3A_699, %dma_wait3A_700, %dma_wait3A_701, %dma_wait3A_702] : memref<50x8x32x8x128xf32, #tpu.memory_space<hbm>> -> memref<1x8x1x8x128xf32, #tpu.memory_space<hbm>>
    %dma_wait3A_704 = arith.constant 0 : i32
    %dma_wait3A_705 = arith.constant 0 : i32
    %dma_wait3A_706 = arith.constant 0 : i32
    %dma_wait3A_707 = arith.constant 0 : i32
    %dma_wait3A_708 = arith.constant 0 : i32
    %dma_wait3A_709 = tpu.memref_slice %arg4[%dma_wait3A_704, %dma_wait3A_705, %dma_wait3A_706, %dma_wait3A_707, %dma_wait3A_708] : memref<50x8x32x8x128xf32, #tpu.memory_space<hbm>> -> memref<1x8x1x8x128xf32, #tpu.memory_space<hbm>>
    %dma_wait3A_710 = arith.constant 0 : i32
    %dma_wait3A_711 = arith.constant 0 : i32
    %dma_wait3A_712 = arith.constant 0 : i32
    %dma_wait3A_713 = arith.constant 0 : i32
    %dma_wait3A_714 = tpu.memref_slice %arg7[%dma_wait3A, %dma_wait3A_710, %dma_wait3A_711, %dma_wait3A_712, %dma_wait3A_713] : memref<2x8x1x8x128xf32, #tpu.memory_space<vmem>> -> memref<1x8x1x8x128xf32, #tpu.memory_space<vmem>>
    %dma_wait3A_715 = tpu.memref_squeeze %dma_wait3A_714 : memref<1x8x1x8x128xf32, #tpu.memory_space<vmem>> -> memref<8x1x8x128xf32, #tpu.memory_space<vmem>>
    tpu.wait_dma2 semaphore(%arg9 : memref<!tpu.dma_semaphore, #tpu.memory_space<semaphore_mem>>) src(%dma_wait3A_715 : memref<8x1x8x128xf32, #tpu.memory_space<vmem>>) dst(%dma_wait3A_709 : memref<1x8x1x8x128xf32, #tpu.memory_space<hbm>>)
    %dma_wait3A_716 = arith.constant 0 : i32
    %dma_wait3A_717 = arith.constant 0 : i32
    %dma_wait3A_718 = arith.constant 0 : i32
    %dma_wait3A_719 = arith.constant 0 : i32
    %dma_wait3A_720 = arith.constant 0 : i32
    %dma_wait3A_721 = tpu.memref_slice %arg7[%dma_wait3A_716, %dma_wait3A_717, %dma_wait3A_718, %dma_wait3A_719, %dma_wait3A_720] : memref<2x8x1x8x128xf32, #tpu.memory_space<vmem>> -> memref<1x8x1x8x128xf32, #tpu.memory_space<vmem>>
    %dma_wait3A_722 = tpu.memref_squeeze %dma_wait3A_721 : memref<1x8x1x8x128xf32, #tpu.memory_space<vmem>> -> memref<8x1x8x128xf32, #tpu.memory_space<vmem>>
    %dma_wait3A_723 = arith.constant 0 : i32
    %dma_wait3A_724 = arith.constant 0 : i32
    %dma_wait3A_725 = arith.constant 0 : i32
    %dma_wait3A_726 = arith.constant 0 : i32
    %dma_wait3A_727 = arith.constant 0 : i32
    %dma_wait3A_728 = tpu.memref_slice %arg4[%dma_wait3A_723, %dma_wait3A_724, %dma_wait3A_725, %dma_wait3A_726, %dma_wait3A_727] : memref<50x8x32x8x128xf32, #tpu.memory_space<hbm>> -> memref<1x8x1x8x128xf32, #tpu.memory_space<hbm>>
    %dma_wait3A_729 = arith.constant 0 : i32
    %dma_wait3A_730 = arith.constant 0 : i32
    %dma_wait3A_731 = arith.constant 0 : i32
    %dma_wait3A_732 = arith.constant 0 : i32
    %dma_wait3A_733 = arith.constant 0 : i32
    %dma_wait3A_734 = tpu.memref_slice %arg4[%dma_wait3A_729, %dma_wait3A_730, %dma_wait3A_731, %dma_wait3A_732, %dma_wait3A_733] : memref<50x8x32x8x128xf32, #tpu.memory_space<hbm>> -> memref<1x8x1x8x128xf32, #tpu.memory_space<hbm>>
    %dma_wait3A_735 = arith.constant 0 : i32
    %dma_wait3A_736 = arith.constant 0 : i32
    %dma_wait3A_737 = arith.constant 0 : i32
    %dma_wait3A_738 = arith.constant 0 : i32
    %dma_wait3A_739 = tpu.memref_slice %arg7[%dma_wait3A_716, %dma_wait3A_735, %dma_wait3A_736, %dma_wait3A_737, %dma_wait3A_738] : memref<2x8x1x8x128xf32, #tpu.memory_space<vmem>> -> memref<1x8x1x8x128xf32, #tpu.memory_space<vmem>>
    %dma_wait3A_740 = tpu.memref_squeeze %dma_wait3A_739 : memref<1x8x1x8x128xf32, #tpu.memory_space<vmem>> -> memref<8x1x8x128xf32, #tpu.memory_space<vmem>>
    tpu.wait_dma2 semaphore(%arg9 : memref<!tpu.dma_semaphore, #tpu.memory_space<semaphore_mem>>) src(%dma_wait3A_740 : memref<8x1x8x128xf32, #tpu.memory_space<vmem>>) dst(%dma_wait3A_734 : memref<1x8x1x8x128xf32, #tpu.memory_space<hbm>>)
    return
  }
}

</mosaic_0001>

<sc_bundles>
// kernel: kernel.3.cloned.1.call-start
scs
__scs_entry_jumppad:
0x0: {  	(pc) =	sbr.rel $0x88, $3  }
0x1: {  	(tag) =	ssettag $0x0;
	lr =	simm.s32 $0x1  }
0x2: {  	[smem:$0x3F9F] =	sst lr;
	_ =	strace $0xD0000000  }
0x3: {  	_ = 	snop  }
0x4: {  	_ = 	snop  }
0x5: {  	_ = 	snop  }
0x6: {  	_ = 	snop  }
0x7: {  	_ = 	snop  }
__scs_overlays_trampoline_lowered:
0x8: {  	[smem:$0x3FAE] =	sst s0  }
0x9: {  	[smem:$0x3FAF] =	sst s1  }
0xa: {  	[smem:$0x3FB0] =	sst s2  }
0xb: {  	[smem:$0x3FB1] =	sst s3  }
0xc: {  	[smem:$0x3FB2] =	sst s4  }
0xd: {  	[smem:$0x3FB3] =	sst s5  }
0xe: {  	[smem:$0x3FB4] =	sst s6  }
0xf: {  	[smem:$0x3FB5] =	sst s7  }
0x10: {  	[smem:$0x3FB6] =	sst s8  }
0x11: {  	[smem:$0x3FB7] =	sst s9;
	s0 =	simm.s32 @!p0 $0x0  }
0x12: {  	s1 =	sld [smem:$0x3F9D];
	s0 =	simm.s32 @p0 $0x1  }
0x13: {  	[smem:$0x3FB8] =	sst s0;
	s0 =	simm.s32 @!p1 $0x0  }
0x14: {  	s2 =	sld [smem:$0x3F9C];
	s0 =	simm.s32 @p1 $0x1  }
0x15: {  	[smem:$0x3FB9] =	sst s0;
	s0 =	simm.s32 @!p2 $0x0  }
0x16: {  	s3 =	sld [smem:$0x3FDB];
	s0 =	simm.s32 @p2 $0x1  }
0x17: {  	s4 =	simm.s32 $0x1BF5;
	[smem:$0x3FBB] =	sst s0  }
0x18: {  	s0 =	sld [smem:$0x3F9E];
	_ =	swait.ge [sflag:s4], $0x0  }
0x19: {  	s7 =	sld [smem:$0x3F9F]  }
0x1a: {  	s8 =	sadd.s32 $0xFFFFE003, lr  }
0x1b: {  	s9 =	sadd.s32 $0xFFFFFEF7, lr;
	s5 =	simm.s32 $0xFFFFFFFF;
	p2 =	slt.u32 s8, $0xFFFFF086  }
0x1c: {  	p1 =	slt.u32 s9, $0xF7A;
	s5 =	simm.s32 @!p2 $0x0  }
0x1d: {  	s5 =	simm.s32 @p1 $0x1;
	p0 =	seq.s32 s7, s2  }
0x1e: {  	s7 =	smul.u32 @!p0 $0xF7A, s2;
	p2 =	seq.s32 @!p0 s5, $0x0  }
0x1f: {  	s9 =	smul.u32 $0xF7A, s1;
	s8 =	simm.s32 @!p0 $0x1BF5;
	p2 =	por !p2, p0  }
0x20: {  	[sflag:s8] =	ssyncset.s32 @!p0 $0xFFFFF086;
	s6 =	sadd.s32 @!p0 s3, s7;
	s7 =	simm.s32 @!p0 $0x108  }
0x21: {  	s3 =	sadd.s32 s3, s9;
	s6 =	sadd.s32 @!p0 $0x88, s6;
	s7 =	simm.s32 @p2 $0x1082  }
0x22: {  	[simem:s7], [sflag:s8] =	dma.local @!p0 [hbm:s6], $0xF7A  }
0x23: {  	s9 =	sor.u32 $0xD0000000, s2;
	s6 =	simm.s32 $0x108;
	_ =	swait.ge @!p0 [sflag:s8], $0x0  }
0x24: {  	s3 =	sadd.s32 $0x88, s3;
	s6 =	simm.s32 @!p1 $0x1082;
	[sflag:s4] =	ssyncset.s32 $0xFFFFF086  }
0x25: {  	[simem:s6], [sflag:s4] =	dma.local [hbm:s3], $0xF7A  }
0x26: {  	[smem:$0x3F9F] =	sst s1;
	(tag) =	ssettag s2;
	_ =	strace s9  }
0x27: {  	s1 =	sld [smem:$0x3FAF]  }
0x28: {  	s2 =	sld [smem:$0x3FB0]  }
0x29: {  	s4 =	sld [smem:$0x3FB2]  }
0x2a: {  	p0 =	seq.s32 s5, $0x0;
	s5 =	sld [smem:$0x3FB3]  }
0x2b: {  	s6 =	sld [smem:$0x3FB4]  }
0x2c: {  	s7 =	sld [smem:$0x3FB5]  }
0x2d: {  	s3 =	simm.s32 $0x108;
	s8 =	sld [smem:$0x3FB6]  }
0x2e: {  	s3 =	simm.s32 @!p0 $0x1082;
	s9 =	sld [smem:$0x3FB7]  }
0x2f: {  	lr =	sadd.s32 s0, s3;
	s0 =	sld [smem:$0x3FAE]  }
0x30: {  	s3 =	sld [smem:$0x3FB1]  }
0x31: {  	[smem:$0x3FBA] =	sst s10  }
0x32: {  	s10 =	sld [smem:$0x3FB8];
	_ =	sdelay $0x3  }
0x33: {  	p0 =	seq.s32 s10, $0x1;
	s10 =	sld [smem:$0x3FBA];
	_ =	sdelay $0x3  }
0x34: {  	[smem:$0x3FBA] =	sst s10  }
0x35: {  	s10 =	sld [smem:$0x3FB9];
	_ =	sdelay $0x3  }
0x36: {  	p1 =	seq.s32 s10, $0x1;
	s10 =	sld [smem:$0x3FBA];
	_ =	sdelay $0x3  }
0x37: {  	[smem:$0x3FBA] =	sst s10  }
0x38: {  	s10 =	sld [smem:$0x3FBB]  }
0x39: {  	_ = 	snop;
	(pc) =	sbr.ind lr, $3  }
0x3a: {  	_ = 	snop  }
0x3b: {  	_ = 	snop  }
0x3c: {  	p2 =	seq.s32 s10, $0x1;
	s10 =	sld [smem:$0x3FBA]  }
0x3d: {  	_ =	shalt  }
0x3e: {  	_ =	shalt  }
0x3f: {  	_ =	shalt  }
0x40: {  	_ =	shalt  }
0x41: {  	_ =	shalt  }
0x42: {  	_ =	shalt  }
0x43: {  	_ =	shalt  }
0x44: {  	_ =	shalt  }
0x45: {  	_ =	shalt  }
0x46: {  	_ =	shalt  }
0x47: {  	_ =	shalt  }
0x48: {  	_ =	shalt  }
0x49: {  	_ =	shalt  }
0x4a: {  	_ =	shalt  }
0x4b: {  	_ =	shalt  }
0x4c: {  	_ =	shalt  }
0x4d: {  	_ =	shalt  }
0x4e: {  	_ =	shalt  }
0x4f: {  	_ =	shalt  }
0x50: {  	_ =	shalt  }
0x51: {  	_ =	shalt  }
0x52: {  	_ =	shalt  }
0x53: {  	_ =	shalt  }
0x54: {  	_ =	shalt  }
0x55: {  	_ =	shalt  }
0x56: {  	_ =	shalt  }
0x57: {  	_ =	shalt  }
0x58: {  	_ =	shalt  }
0x59: {  	_ =	shalt  }
0x5a: {  	_ =	shalt  }
0x5b: {  	_ =	shalt  }
0x5c: {  	_ =	shalt  }
0x5d: {  	_ =	shalt  }
0x5e: {  	_ =	shalt  }
0x5f: {  	_ =	shalt  }
0x60: {  	_ =	shalt  }
0x61: {  	_ =	shalt  }
0x62: {  	_ =	shalt  }
0x63: {  	_ =	shalt  }
0x64: {  	_ =	shalt  }
0x65: {  	_ =	shalt  }
0x66: {  	_ =	shalt  }
0x67: {  	_ =	shalt  }
0x68: {  	_ =	shalt  }
0x69: {  	_ =	shalt  }
0x6a: {  	_ =	shalt  }
0x6b: {  	_ =	shalt  }
0x6c: {  	_ =	shalt  }
0x6d: {  	_ =	shalt  }
0x6e: {  	_ =	shalt  }
0x6f: {  	_ =	shalt  }
0x70: {  	_ =	shalt  }
0x71: {  	_ =	shalt  }
0x72: {  	_ =	shalt  }
0x73: {  	_ =	shalt  }
0x74: {  	_ =	shalt  }
0x75: {  	_ =	shalt  }
0x76: {  	_ =	shalt  }
0x77: {  	_ =	shalt  }
0x78: {  	_ =	shalt  }
0x79: {  	_ =	shalt  }
0x7a: {  	_ =	shalt  }
0x7b: {  	_ =	shalt  }
0x7c: {  	_ =	shalt  }
0x7d: {  	_ =	shalt  }
0x7e: {  	_ =	shalt  }
0x7f: {  	_ =	shalt  }
0x80: {  	_ =	shalt  }
0x81: {  	_ =	shalt  }
0x82: {  	_ =	shalt  }
0x83: {  	_ =	shalt  }
0x84: {  	_ =	shalt  }
0x85: {  	_ =	shalt  }
0x86: {  	_ =	shalt  }
0x87: {  	_ =	shalt  }
.Lfunc_end0:
.L_simem_size_0:
called_computation_lowered:
.L_overlay_start_0:
0x88: {  	s2 =	sld [smem:$0x3FD9]  }
0x89: {  	s3 =	sld [smem:$0x3FFE];
	_ =	sdelay $0x1  }
0x8a: {  	s1 =	srdreg.scid  }
0x8b: {  	s0 =	sand.u32 $0x1, s1  }
0x8c: {  	s17 =	sshll.u32 s0, $0xA;
	s2 =	sadd.s32 s3, s2  }
0x8d: {  	s2 =	sadd.s32 s2, s17  }
0x8e: {  	[smem:$0x3FC6] =	sst s2  }
0x8f: {  	_ = 	snop  }
0x90: {  	s2 =	sld [smem:$0x3FD0];
	(tm) =	ssettm $0x1  }
0x91: {  	s18 =	sld [smem:$0x3FFB];
	_ =	sdelay $0x3  }
0x92: {  	_ =	strace s18  }
0x93: {  	s3 =	sld [smem:$0x3FFC];
	_ =	sdelay $0x3  }
0x94: {  	_ =	strace s3  }
0x95: {  	s3 =	sld [smem:$0x3FFD];
	_ =	sdelay $0x3  }
0x96: {  	_ =	strace s3  }
0x97: {  	_ =	strace $0x8FFFFFFF  }
0x98: {  	s19 =	sld [smem:$0x3FDB];
	_ =	sdelay $0x1  }
0x99: {  	s4 =	simm.s32 $_scs_section_size  }
0x9a: {  	s5 =	simm.s32 $_size__tile_overlayer_lowered;
	s6 =	simm.s32 $_tile_overlayer_lowered  }
0x9b: {  	s22 =	simm.s32 $0x1BFF;
	s21 =	sshll.u32 s6, $0x1;
	s3 =	sadd.s32 s4, s19  }
0x9c: {  	s7 =	simm.s32 $0x0;
	s20 =	sshll.u32 s5, $0x1;
	s5 =	sadd.s32 s21, s3  }
0x9d: {  	[timem:s7], [sflag:s22] =	dma.local [hbm:s5], s20  }
0x9e: {  	_ =	swait.ge [sflag:s22], s20  }
0x9f: {  	s4 =	ssub.s32 $0x0, s20;
	[sflag:s22] =	ssyncset.done $0x0  }
0xa0: {  	[sflag:s22] =	ssyncadd.s32 s4;
	_ =	sdelay $0x1  }
0xa1: {  	s23 =	simm.s32 $0x1B8B  }
0xa2: {  	_ =	swait.ge [sflag:s23], $0x1  }
0xa3: {  	[sflag:s23] =	ssyncset.done $0x0  }
0xa4: {  	s25 =	simm.s32 $0x1B8E;
	s24 =	sld [smem:$0x3FFE];
	[sflag:s23] =	ssyncadd.s32 $0xFFFFFFFF  }
0xa5: {  	s26 =	simm.s32 $execute0_lowered;
	[smem:$0x3FD2] =	sst s25  }
0xa6: {  	s5 =	sshll.u32 s26, $0x1;
	_ =	strace $0x80000046;
	[dreg:$0x1] =	wrdreg $0xFFFFFFFF  }
0xa7: {  	s28 =	simm.s32 $_size_execute0_lowered;
	s3 =	sadd.s32 s3, s5;
	[dreg:$0x0] =	wrdreg $0x0  }
0xa8: {  	s5 =	sshll.u32 s28, $0x1;
	[dreg:$0x2] =	wrdreg s3  }
0xa9: {  	[dreg:$0x3] =	wrdreg s5  }
0xaa: {  	[dreg:$0x4] =	wrdreg $0xC0  }
0xab: {  	_ =	task [dreg:s7], $0x5FFFF  }
0xac: {  	[dreg:$0x1] =	wrdreg $0xFFFFFFFF  }
0xad: {  	[dreg:$0x0] =	wrdreg $0x60  }
0xae: {  	[dreg:$0x2] =	wrdreg s24  }
0xaf: {  	[dreg:$0x3] =	wrdreg s2  }
0xb0: {  	[dreg:$0x4] =	wrdreg $0x9  }
0xb1: {  	_ =	task.clear_ibuf [dreg:s7], $0x5FFFF;
	_ =	strace $0x90000046  }
0xb2: {  	s29 =	simm.s32 $0x9;
	_ =	strace $0x80000048  }
0xb3: {  	_ =	swait.ge [sflag:s29], $0x1  }
0xb4: {  	[sflag:s29] =	ssyncadd.s32 $0xFFFFFFFF  }
0xb5: {  	_ =	strace $0x90000048  }
0xb6: {  	_ =	sfence  }
0xb7: {  	s30 =	sld [smem:$0x0];
	_ =	sdelay $0x2  }
0xb8: {  	s31 =	sshll.u32 s1, $0xD;
	s1 =	sshrl.u32 s1, $0x2  }
0xb9: {  	s3 =	sand.u32 $0x4000, s31;
	s1 =	sadd.s32 s1, s30  }
0xba: {  	s0 =	sor.u32 s3, s0;
	s1 =	sshll.u32 s1, $0x11  }
0xbb: {  	s0 =	sor.u32 s1, s0  }
0xbc: {  	s0 =	sadd.s32 $0x8F2B, s0  }
0xbd: {  	[sflag:s0] =	ssyncadd.remote.s32 $0x1  }
0xbe: {  	_ =	sfence.sel $0xFFFF  }
0xbf: {  	[dreg:$0x0] =	wrdreg $0xFFFFFFFF;
	(pc) =	sbr.abs _section_cstart, $3  }
0xc0: {  	[dreg:$0x1] =	wrdreg $0xFFFFFFFF  }
0xc1: {  	_ =	task.clear_ibuf [dreg:s7], $0x2FFFF;
	_ =	strace $0x9FFFFFFF  }
0xc2: {  	(tm) =	ssettm $0x7FFFFFFF  }
0xc3: {  	_ =	shalt  }
tec
execute0_lowered:
.L_overlay_start_1:
0x0: {  	(tag) =	ssettag $0x1  }
0x1: {  	v0 =	vimm.s32 $0xFEDCBA9;
	v1 =	vimm.s32 $0x87654321;
	v3 =	vimm.s32 $0x10FEDCBA  }
0x2: {  	v4 =	vimm.s32 $0x98765432;
	v5 =	vimm.s32 $0x210FEDCB;
	v6 =	vimm.s32 $0xA9876543  }
0x3: {  	v8 =	vimm.s32 $0x3210FEDC;
	v9 =	vimm.s32 $0xBA987654;
	v14 =	vimm.s32 $0x6543210F  }
0x4: {  	v16 =	vimm.s32 $0xEDCBA987;
	vm14 =	vcmask $0x300;
	vm13 =	vcmask $0x704  }
0x5: {  	vm12 =	vcmask $0xB08;
	vm11 =	vcmask $0xF0C;
	vm10 =	vcmask $0x1310  }
0x6: {  	vm9 =	vcmask $0x1714;
	vm8 =	vcmask $0x1B18;
	vm7 =	vcmask $0x1F1C  }
0x7: {  	vm6 =	vcmask $0x2320;
	vm5 =	vcmask $0x2724;
	vm4 =	vcmask $0x2B28  }
0x8: {  	vm3 =	vcmask $0x2F2C;
	v2 =	vunpack.c.l.s4.s8 v0;
	v1 =	vunpack.c.l.s4.s8 v1  }
0x9: {  	vm2 =	vcmask $0x3330;
	v3 =	vunpack.c.l.s4.s8 v3;
	v4 =	vunpack.c.l.s4.s8 v4  }
0xa: {  	v5 =	vunpack.c.l.s4.s8 v5;
	v2 =	vunpack.c.0.s8.s32 v2;
	v1 =	vunpack.c.0.s8.s32 v1  }
0xb: {  	v6 =	vunpack.c.l.s4.s8 v6;
	v3 =	vunpack.c.0.s8.s32 v3;
	v4 =	vunpack.c.0.s8.s32 v4  }
0xc: {  	vm0 =	vcmask $0x3734;
	v5 =	vunpack.c.0.s8.s32 v5;
	v7 =	vcombine.low v1, v2  }
0xd: {  	v6 =	vunpack.c.0.s8.s32 v6;
	v1 =	vcombine.low v2, v1;
	v2 =	vcombine.low v3, v4  }
0xe: {  	vm1 =	vcmask $0x3B38;
	v20 =	vand.u32 $0xF, v7;
	v7 =	vcombine.low v4, v3  }
0xf: {  	v3 =	vcombine.low v5, v6;
	v45 =	vand.u32 $0xF, v2;
	v2 =	vimm.s32 $0x787  }
0x10: {  	v8 =	vunpack.c.l.s4.s8 v8;
	v9 =	vunpack.c.l.s4.s8 v9;
	v2 =	vsel vm14, $0x0, v2  }
0x11: {  	v46 =	vand.u32 $0xF, v3;
	v3 =	vimm.s32 $0xF87;
	v2 =	vsel vm13, $0x81, v2  }
0x12: {  	v14 =	vunpack.c.l.s4.s8 v14;
	v3 =	vsel vm14, $0x800, v3;
	v2 =	vsel vm12, $0x102, v2  }
0x13: {  	v16 =	vunpack.c.l.s4.s8 v16;
	v3 =	vsel vm13, $0x881, v3;
	v2 =	vsel vm11, $0x183, v2  }
0x14: {  	v8 =	vunpack.c.0.s8.s32 v8;
	v3 =	vsel vm12, $0x902, v3;
	v2 =	vsel vm10, $0x204, v2  }
0x15: {  	v9 =	vunpack.c.0.s8.s32 v9;
	v3 =	vsel vm11, $0x983, v3;
	v2 =	vsel vm9, $0x285, v2  }
0x16: {  	v61 =	vunpack.c.0.s8.s32 v14;
	v3 =	vsel vm10, $0xA04, v3;
	v2 =	vsel vm8, $0x306, v2  }
0x17: {  	v10 =	vcombine.low v6, v5;
	v3 =	vsel vm9, $0xA85, v3;
	v2 =	vsel vm7, $0x387, v2  }
0x18: {  	v16 =	vunpack.c.0.s8.s32 v16;
	v3 =	vsel vm8, $0xB06, v3;
	v2 =	vsel vm6, $0x400, v2  }
0x19: {  	v22 =	vand.u32 $0xF, v10;
	v3 =	vsel vm7, $0xB87, v3;
	v2 =	vsel vm5, $0x481, v2  }
0x1a: {  	v10 =	vcombine.low v9, v8;
	v3 =	vsel vm6, $0xC00, v3;
	v2 =	vsel vm4, $0x502, v2  }
0x1b: {  	v44 =	vand.u32 $0xF, v1;
	v3 =	vsel vm5, $0xC81, v3;
	v2 =	vsel vm3, $0x583, v2  }
0x1c: {  	v1 =	vcombine.low v61, v16;
	v3 =	vsel vm4, $0xD02, v3;
	v2 =	vsel vm2, $0x604, v2  }
0x1d: {  	v4 =	vcombine.low v8, v9;
	v3 =	vsel vm3, $0xD83, v3;
	v2 =	vsel vm0, $0x685, v2  }
0x1e: {  	v8 =	vand.u32 $0xF, v1;
	v3 =	vsel vm2, $0xE04, v3;
	v1 =	vsel vm1, $0x706, v2  }
0x1f: {  	[tilespmem:$0x1FDC0] =	vst v1;
	v1 =	vsel vm0, $0xE85, v3  }
0x20: {  	v1 =	vsel vm1, $0xF06, v1  }
0x21: {  	[tilespmem:$0x1FDD0] =	vst v1;
	v1 =	vimm.s32 $0x1787  }
0x22: {  	v2 =	vimm.s32 $0x1F87;
	v1 =	vsel vm14, $0x1000, v1  }
0x23: {  	v2 =	vsel vm14, $0x1800, v2;
	v1 =	vsel vm13, $0x1081, v1  }
0x24: {  	v3 =	vimm.s32 $0x780;
	v2 =	vsel vm13, $0x1881, v2;
	v1 =	vsel vm12, $0x1102, v1  }
0x25: {  	v3 =	vsel vm14, $0x1, v3;
	v2 =	vsel vm12, $0x1902, v2;
	v1 =	vsel vm11, $0x1183, v1  }
0x26: {  	v3 =	vsel vm13, $0x82, v3;
	v2 =	vsel vm11, $0x1983, v2;
	v1 =	vsel vm10, $0x1204, v1  }
0x27: {  	v3 =	vsel vm12, $0x103, v3;
	v2 =	vsel vm10, $0x1A04, v2;
	v1 =	vsel vm9, $0x1285, v1  }
0x28: {  	v3 =	vsel vm11, $0x184, v3;
	v2 =	vsel vm9, $0x1A85, v2;
	v1 =	vsel vm8, $0x1306, v1  }
0x29: {  	v3 =	vsel vm10, $0x205, v3;
	v2 =	vsel vm8, $0x1B06, v2;
	v1 =	vsel vm7, $0x1387, v1  }
0x2a: {  	v3 =	vsel vm9, $0x286, v3;
	v2 =	vsel vm7, $0x1B87, v2;
	v1 =	vsel vm6, $0x1400, v1  }
0x2b: {  	v3 =	vsel vm8, $0x307, v3;
	v2 =	vsel vm6, $0x1C00, v2;
	v1 =	vsel vm5, $0x1481, v1  }
0x2c: {  	v3 =	vsel vm7, $0x380, v3;
	v2 =	vsel vm5, $0x1C81, v2;
	v1 =	vsel vm4, $0x1502, v1  }
0x2d: {  	v3 =	vsel vm6, $0x401, v3;
	v2 =	vsel vm4, $0x1D02, v2;
	v1 =	vsel vm3, $0x1583, v1  }
0x2e: {  	v3 =	vsel vm5, $0x482, v3;
	v2 =	vsel vm3, $0x1D83, v2;
	v1 =	vsel vm2, $0x1604, v1  }
0x2f: {  	v3 =	vsel vm4, $0x503, v3;
	v2 =	vsel vm2, $0x1E04, v2;
	v1 =	vsel vm0, $0x1685, v1  }
0x30: {  	v3 =	vsel vm3, $0x584, v3;
	v2 =	vsel vm0, $0x1E85, v2;
	v1 =	vsel vm1, $0x1706, v1  }
0x31: {  	v3 =	vsel vm2, $0x605, v3;
	[tilespmem:$0x1FDE0] =	vst v1;
	v1 =	vsel vm1, $0x1F06, v2  }
0x32: {  	[tilespmem:$0x1FDF0] =	vst v1;
	v1 =	vsel vm0, $0x686, v3  }
0x33: {  	v1 =	vsel vm1, $0x707, v1  }
0x34: {  	[tilespmem:$0x1FE00] =	vst v1;
	v1 =	vimm.s32 $0xF80  }
0x35: {  	v2 =	vimm.s32 $0x1780;
	v1 =	vsel vm14, $0x801, v1  }
0x36: {  	v2 =	vsel vm14, $0x1001, v2;
	v1 =	vsel vm13, $0x882, v1  }
0x37: {  	v3 =	vimm.s32 $0x1F80;
	v2 =	vsel vm13, $0x1082, v2;
	v1 =	vsel vm12, $0x903, v1  }
0x38: {  	v3 =	vsel vm14, $0x1801, v3;
	v2 =	vsel vm12, $0x1103, v2;
	v1 =	vsel vm11, $0x984, v1  }
0x39: {  	v3 =	vsel vm13, $0x1882, v3;
	v2 =	vsel vm11, $0x1184, v2;
	v1 =	vsel vm10, $0xA05, v1  }
0x3a: {  	v3 =	vsel vm12, $0x1903, v3;
	v2 =	vsel vm10, $0x1205, v2;
	v1 =	vsel vm9, $0xA86, v1  }
0x3b: {  	v3 =	vsel vm11, $0x1984, v3;
	v2 =	vsel vm9, $0x1286, v2;
	v1 =	vsel vm8, $0xB07, v1  }
0x3c: {  	v3 =	vsel vm10, $0x1A05, v3;
	v2 =	vsel vm8, $0x1307, v2;
	v1 =	vsel vm7, $0xB80, v1  }
0x3d: {  	v3 =	vsel vm9, $0x1A86, v3;
	v2 =	vsel vm7, $0x1380, v2;
	v1 =	vsel vm6, $0xC01, v1  }
0x3e: {  	v3 =	vsel vm8, $0x1B07, v3;
	v2 =	vsel vm6, $0x1401, v2;
	v1 =	vsel vm5, $0xC82, v1  }
0x3f: {  	v3 =	vsel vm7, $0x1B80, v3;
	v2 =	vsel vm5, $0x1482, v2;
	v1 =	vsel vm4, $0xD03, v1  }
0x40: {  	v3 =	vsel vm6, $0x1C01, v3;
	v2 =	vsel vm4, $0x1503, v2;
	v1 =	vsel vm3, $0xD84, v1  }
0x41: {  	v3 =	vsel vm5, $0x1C82, v3;
	v2 =	vsel vm3, $0x1584, v2;
	v1 =	vsel vm2, $0xE05, v1  }
0x42: {  	v3 =	vsel vm4, $0x1D03, v3;
	v2 =	vsel vm2, $0x1605, v2;
	v1 =	vsel vm0, $0xE86, v1  }
0x43: {  	v3 =	vsel vm3, $0x1D84, v3;
	v2 =	vsel vm0, $0x1686, v2;
	v1 =	vsel vm1, $0xF07, v1  }
0x44: {  	v3 =	vsel vm2, $0x1E05, v3;
	[tilespmem:$0x1FE10] =	vst v1;
	v1 =	vsel vm1, $0x1707, v2  }
0x45: {  	[tilespmem:$0x1FE20] =	vst v1;
	v1 =	vsel vm0, $0x1E86, v3  }
0x46: {  	v1 =	vsel vm1, $0x1F07, v1  }
0x47: {  	[tilespmem:$0x1FE30] =	vst v1;
	v1 =	vimm.s32 $0x781  }
0x48: {  	v2 =	vimm.s32 $0xF81;
	v1 =	vsel vm14, $0x2, v1  }
0x49: {  	v2 =	vsel vm14, $0x802, v2;
	v1 =	vsel vm13, $0x83, v1  }
0x4a: {  	v3 =	vimm.s32 $0x1781;
	v2 =	vsel vm13, $0x883, v2;
	v1 =	vsel vm12, $0x104, v1  }
0x4b: {  	v3 =	vsel vm14, $0x1002, v3;
	v2 =	vsel vm12, $0x904, v2;
	v1 =	vsel vm11, $0x185, v1  }
0x4c: {  	v3 =	vsel vm13, $0x1083, v3;
	v2 =	vsel vm11, $0x985, v2;
	v1 =	vsel vm10, $0x206, v1  }
0x4d: {  	v3 =	vsel vm12, $0x1104, v3;
	v2 =	vsel vm10, $0xA06, v2;
	v1 =	vsel vm9, $0x287, v1  }
0x4e: {  	v3 =	vsel vm11, $0x1185, v3;
	v2 =	vsel vm9, $0xA87, v2;
	v1 =	vsel vm8, $0x300, v1  }
0x4f: {  	v3 =	vsel vm10, $0x1206, v3;
	v2 =	vsel vm8, $0xB00, v2;
	v1 =	vsel vm7, $0x381, v1  }
0x50: {  	v3 =	vsel vm9, $0x1287, v3;
	v2 =	vsel vm7, $0xB81, v2;
	v1 =	vsel vm6, $0x402, v1  }
0x51: {  	v3 =	vsel vm8, $0x1300, v3;
	v2 =	vsel vm6, $0xC02, v2;
	v1 =	vsel vm5, $0x483, v1  }
0x52: {  	v3 =	vsel vm7, $0x1381, v3;
	v2 =	vsel vm5, $0xC83, v2;
	v1 =	vsel vm4, $0x504, v1  }
0x53: {  	v3 =	vsel vm6, $0x1402, v3;
	v2 =	vsel vm4, $0xD04, v2;
	v1 =	vsel vm3, $0x585, v1  }
0x54: {  	v3 =	vsel vm5, $0x1483, v3;
	v2 =	vsel vm3, $0xD85, v2;
	v1 =	vsel vm2, $0x606, v1  }
0x55: {  	v3 =	vsel vm4, $0x1504, v3;
	v2 =	vsel vm2, $0xE06, v2;
	v1 =	vsel vm0, $0x687, v1  }
0x56: {  	v3 =	vsel vm3, $0x1585, v3;
	v2 =	vsel vm0, $0xE87, v2;
	v1 =	vsel vm1, $0x700, v1  }
0x57: {  	v3 =	vsel vm2, $0x1606, v3;
	[tilespmem:$0x1FE40] =	vst v1;
	v1 =	vsel vm1, $0xF00, v2  }
0x58: {  	[tilespmem:$0x1FE50] =	vst v1;
	v1 =	vsel vm0, $0x1687, v3  }
0x59: {  	v1 =	vsel vm1, $0x1700, v1  }
0x5a: {  	[tilespmem:$0x1FE60] =	vst v1;
	v1 =	vimm.s32 $0x1F81  }
0x5b: {  	v2 =	vimm.s32 $0x782;
	v1 =	vsel vm14, $0x1802, v1  }
0x5c: {  	v2 =	vsel vm14, $0x3, v2;
	v1 =	vsel vm13, $0x1883, v1  }
0x5d: {  	v3 =	vimm.s32 $0xF82;
	v2 =	vsel vm13, $0x84, v2;
	v1 =	vsel vm12, $0x1904, v1  }
0x5e: {  	v3 =	vsel vm14, $0x803, v3;
	v2 =	vsel vm12, $0x105, v2;
	v1 =	vsel vm11, $0x1985, v1  }
0x5f: {  	v3 =	vsel vm13, $0x884, v3;
	v2 =	vsel vm11, $0x186, v2;
	v1 =	vsel vm10, $0x1A06, v1  }
0x60: {  	v3 =	vsel vm12, $0x905, v3;
	v2 =	vsel vm10, $0x207, v2;
	v1 =	vsel vm9, $0x1A87, v1  }
0x61: {  	v3 =	vsel vm11, $0x986, v3;
	v2 =	vsel vm9, $0x280, v2;
	v1 =	vsel vm8, $0x1B00, v1  }
0x62: {  	v3 =	vsel vm10, $0xA07, v3;
	v2 =	vsel vm8, $0x301, v2;
	v1 =	vsel vm7, $0x1B81, v1  }
0x63: {  	v3 =	vsel vm9, $0xA80, v3;
	v2 =	vsel vm7, $0x382, v2;
	v1 =	vsel vm6, $0x1C02, v1  }
0x64: {  	v3 =	vsel vm8, $0xB01, v3;
	v2 =	vsel vm6, $0x403, v2;
	v1 =	vsel vm5, $0x1C83, v1  }
0x65: {  	v3 =	vsel vm7, $0xB82, v3;
	v2 =	vsel vm5, $0x484, v2;
	v1 =	vsel vm4, $0x1D04, v1  }
0x66: {  	v3 =	vsel vm6, $0xC03, v3;
	v2 =	vsel vm4, $0x505, v2;
	v1 =	vsel vm3, $0x1D85, v1  }
0x67: {  	v3 =	vsel vm5, $0xC84, v3;
	v2 =	vsel vm3, $0x586, v2;
	v1 =	vsel vm2, $0x1E06, v1  }
0x68: {  	v3 =	vsel vm4, $0xD05, v3;
	v2 =	vsel vm2, $0x607, v2;
	v1 =	vsel vm0, $0x1E87, v1  }
0x69: {  	v3 =	vsel vm3, $0xD86, v3;
	v2 =	vsel vm0, $0x680, v2;
	v1 =	vsel vm1, $0x1F00, v1  }
0x6a: {  	v3 =	vsel vm2, $0xE07, v3;
	[tilespmem:$0x1FE70] =	vst v1;
	v1 =	vsel vm1, $0x701, v2  }
0x6b: {  	[tilespmem:$0x1FE80] =	vst v1;
	v1 =	vsel vm0, $0xE80, v3  }
0x6c: {  	v1 =	vsel vm1, $0xF01, v1  }
0x6d: {  	[tilespmem:$0x1FE90] =	vst v1;
	v1 =	vimm.s32 $0x1782  }
0x6e: {  	v2 =	vimm.s32 $0x1F82;
	v1 =	vsel vm14, $0x1003, v1  }
0x6f: {  	v2 =	vsel vm14, $0x1803, v2;
	v1 =	vsel vm13, $0x1084, v1  }
0x70: {  	v3 =	vimm.s32 $0x783;
	v2 =	vsel vm13, $0x1884, v2;
	v1 =	vsel vm12, $0x1105, v1  }
0x71: {  	v3 =	vsel vm14, $0x4, v3;
	v2 =	vsel vm12, $0x1905, v2;
	v1 =	vsel vm11, $0x1186, v1  }
0x72: {  	v3 =	vsel vm13, $0x85, v3;
	v2 =	vsel vm11, $0x1986, v2;
	v1 =	vsel vm10, $0x1207, v1  }
0x73: {  	v3 =	vsel vm12, $0x106, v3;
	v2 =	vsel vm10, $0x1A07, v2;
	v1 =	vsel vm9, $0x1280, v1  }
0x74: {  	v3 =	vsel vm11, $0x187, v3;
	v2 =	vsel vm9, $0x1A80, v2;
	v1 =	vsel vm8, $0x1301, v1  }
0x75: {  	v3 =	vsel vm10, $0x200, v3;
	v2 =	vsel vm8, $0x1B01, v2;
	v1 =	vsel vm7, $0x1382, v1  }
0x76: {  	v3 =	vsel vm9, $0x281, v3;
	v2 =	vsel vm7, $0x1B82, v2;
	v1 =	vsel vm6, $0x1403, v1  }
0x77: {  	v3 =	vsel vm8, $0x302, v3;
	v2 =	vsel vm6, $0x1C03, v2;
	v1 =	vsel vm5, $0x1484, v1  }
0x78: {  	v3 =	vsel vm7, $0x383, v3;
	v2 =	vsel vm5, $0x1C84, v2;
	v1 =	vsel vm4, $0x1505, v1  }
0x79: {  	v3 =	vsel vm6, $0x404, v3;
	v2 =	vsel vm4, $0x1D05, v2;
	v1 =	vsel vm3, $0x1586, v1  }
0x7a: {  	v3 =	vsel vm5, $0x485, v3;
	v2 =	vsel vm3, $0x1D86, v2;
	v1 =	vsel vm2, $0x1607, v1  }
0x7b: {  	v3 =	vsel vm4, $0x506, v3;
	v2 =	vsel vm2, $0x1E07, v2;
	v1 =	vsel vm0, $0x1680, v1  }
0x7c: {  	v3 =	vsel vm3, $0x587, v3;
	v2 =	vsel vm0, $0x1E80, v2;
	v1 =	vsel vm1, $0x1701, v1  }
0x7d: {  	v3 =	vsel vm2, $0x600, v3;
	[tilespmem:$0x1FEA0] =	vst v1;
	v1 =	vsel vm1, $0x1F01, v2  }
0x7e: {  	[tilespmem:$0x1FEB0] =	vst v1;
	v1 =	vsel vm0, $0x681, v3  }
0x7f: {  	v1 =	vsel vm1, $0x702, v1  }
0x80: {  	[tilespmem:$0x1FEC0] =	vst v1;
	v1 =	vimm.s32 $0xF83  }
0x81: {  	v2 =	vimm.s32 $0x1783;
	v1 =	vsel vm14, $0x804, v1  }
0x82: {  	v2 =	vsel vm14, $0x1004, v2;
	v1 =	vsel vm13, $0x885, v1  }
0x83: {  	v3 =	vimm.s32 $0x1F83;
	v2 =	vsel vm13, $0x1085, v2;
	v1 =	vsel vm12, $0x906, v1  }
0x84: {  	v3 =	vsel vm14, $0x1804, v3;
	v2 =	vsel vm12, $0x1106, v2;
	v1 =	vsel vm11, $0x987, v1  }
0x85: {  	v3 =	vsel vm13, $0x1885, v3;
	v2 =	vsel vm11, $0x1187, v2;
	v1 =	vsel vm10, $0xA00, v1  }
0x86: {  	v3 =	vsel vm12, $0x1906, v3;
	v2 =	vsel vm10, $0x1200, v2;
	v1 =	vsel vm9, $0xA81, v1  }
0x87: {  	v3 =	vsel vm11, $0x1987, v3;
	v2 =	vsel vm9, $0x1281, v2;
	v1 =	vsel vm8, $0xB02, v1  }
0x88: {  	v3 =	vsel vm10, $0x1A00, v3;
	v2 =	vsel vm8, $0x1302, v2;
	v1 =	vsel vm7, $0xB83, v1  }
0x89: {  	v3 =	vsel vm9, $0x1A81, v3;
	v2 =	vsel vm7, $0x1383, v2;
	v1 =	vsel vm6, $0xC04, v1  }
0x8a: {  	v3 =	vsel vm8, $0x1B02, v3;
	v2 =	vsel vm6, $0x1404, v2;
	v1 =	vsel vm5, $0xC85, v1  }
0x8b: {  	v3 =	vsel vm7, $0x1B83, v3;
	v2 =	vsel vm5, $0x1485, v2;
	v1 =	vsel vm4, $0xD06, v1  }
0x8c: {  	v3 =	vsel vm6, $0x1C04, v3;
	v2 =	vsel vm4, $0x1506, v2;
	v1 =	vsel vm3, $0xD87, v1  }
0x8d: {  	v3 =	vsel vm5, $0x1C85, v3;
	v2 =	vsel vm3, $0x1587, v2;
	v1 =	vsel vm2, $0xE00, v1  }
0x8e: {  	v3 =	vsel vm4, $0x1D06, v3;
	v2 =	vsel vm2, $0x1600, v2;
	v1 =	vsel vm0, $0xE81, v1  }
0x8f: {  	v3 =	vsel vm3, $0x1D87, v3;
	v2 =	vsel vm0, $0x1681, v2;
	v1 =	vsel vm1, $0xF02, v1  }
0x90: {  	v3 =	vsel vm2, $0x1E00, v3;
	[tilespmem:$0x1FED0] =	vst v1;
	v1 =	vsel vm1, $0x1702, v2  }
0x91: {  	[tilespmem:$0x1FEE0] =	vst v1;
	v1 =	vsel vm0, $0x1E81, v3  }
0x92: {  	v1 =	vsel vm1, $0x1F02, v1  }
0x93: {  	[tilespmem:$0x1FEF0] =	vst v1;
	v1 =	vimm.s32 $0x784  }
0x94: {  	v2 =	vimm.s32 $0xF84;
	v1 =	vsel vm14, $0x5, v1  }
0x95: {  	v11 =	vimm.s32 $0x43210FED;
	v2 =	vsel vm14, $0x805, v2;
	v1 =	vsel vm13, $0x86, v1  }
0x96: {  	v3 =	vimm.s32 $0x1784;
	v2 =	vsel vm13, $0x886, v2;
	v1 =	vsel vm12, $0x107, v1  }
0x97: {  	v3 =	vsel vm14, $0x1005, v3;
	v2 =	vsel vm12, $0x907, v2;
	v1 =	vsel vm11, $0x180, v1  }
0x98: {  	v3 =	vsel vm13, $0x1086, v3;
	v2 =	vsel vm11, $0x980, v2;
	v1 =	vsel vm10, $0x201, v1  }
0x99: {  	v3 =	vsel vm12, $0x1107, v3;
	v2 =	vsel vm10, $0xA01, v2;
	v1 =	vsel vm9, $0x282, v1  }
0x9a: {  	v3 =	vsel vm11, $0x1180, v3;
	v2 =	vsel vm9, $0xA82, v2;
	v1 =	vsel vm8, $0x303, v1  }
0x9b: {  	v3 =	vsel vm10, $0x1201, v3;
	v2 =	vsel vm8, $0xB03, v2;
	v1 =	vsel vm7, $0x384, v1  }
0x9c: {  	v3 =	vsel vm9, $0x1282, v3;
	v2 =	vsel vm7, $0xB84, v2;
	v1 =	vsel vm6, $0x405, v1  }
0x9d: {  	v3 =	vsel vm8, $0x1303, v3;
	v2 =	vsel vm6, $0xC05, v2;
	v1 =	vsel vm5, $0x486, v1  }
0x9e: {  	v3 =	vsel vm7, $0x1384, v3;
	v2 =	vsel vm5, $0xC86, v2;
	v1 =	vsel vm4, $0x507, v1  }
0x9f: {  	v3 =	vsel vm6, $0x1405, v3;
	v2 =	vsel vm4, $0xD07, v2;
	v1 =	vsel vm3, $0x580, v1  }
0xa0: {  	v3 =	vsel vm5, $0x1486, v3;
	v2 =	vsel vm3, $0xD80, v2;
	v1 =	vsel vm2, $0x601, v1  }
0xa1: {  	v3 =	vsel vm4, $0x1507, v3;
	v2 =	vsel vm2, $0xE01, v2;
	v1 =	vsel vm0, $0x682, v1  }
0xa2: {  	v3 =	vsel vm3, $0x1580, v3;
	v2 =	vsel vm0, $0xE82, v2;
	v1 =	vsel vm1, $0x703, v1  }
0xa3: {  	v12 =	vimm.s32 $0xCBA98765;
	v3 =	vsel vm2, $0x1601, v3;
	[tilespmem:$0x1FF00] =	vst v1;
	v1 =	vsel vm1, $0xF03, v2  }
0xa4: {  	v59 =	vimm.s32 $0x543210FE;
	v60 =	vimm.s32 $0xDCBA9876;
	[tilespmem:$0x1FF10] =	vst v1;
	v1 =	vsel vm0, $0x1682, v3  }
0xa5: {  	v15 =	vimm.s32 $0xFEDCBA98;
	v17 =	vimm.s32 $0x76543210;
	v1 =	vsel vm1, $0x1703, v1  }
0xa6: {  	v0 =	vlaneseq.u32;
	v11 =	vunpack.c.l.s4.s8 v11;
	[tilespmem:$0x1FF20] =	vst v1;
	v1 =	vimm.s32 $0x1F84  }
0xa7: {  	v15 =	vunpack.c.l.s4.s8 v15;
	v2 =	vimm.s32 $0x785;
	v1 =	vsel vm14, $0x1805, v1  }
0xa8: {  	v17 =	vunpack.c.l.s4.s8 v17;
	v2 =	vsel vm14, $0x6, v2;
	v1 =	vsel vm13, $0x1886, v1  }
0xa9: {  	v3 =	vimm.s32 $0xF85;
	v2 =	vsel vm13, $0x87, v2;
	v1 =	vsel vm12, $0x1907, v1  }
0xaa: {  	v3 =	vsel vm14, $0x806, v3;
	v2 =	vsel vm12, $0x100, v2;
	v1 =	vsel vm11, $0x1980, v1  }
0xab: {  	v3 =	vsel vm13, $0x887, v3;
	v2 =	vsel vm11, $0x181, v2;
	v1 =	vsel vm10, $0x1A01, v1  }
0xac: {  	v3 =	vsel vm12, $0x900, v3;
	v2 =	vsel vm10, $0x202, v2;
	v1 =	vsel vm9, $0x1A82, v1  }
0xad: {  	v3 =	vsel vm11, $0x981, v3;
	v2 =	vsel vm9, $0x283, v2;
	v1 =	vsel vm8, $0x1B03, v1  }
0xae: {  	v3 =	vsel vm10, $0xA02, v3;
	v2 =	vsel vm8, $0x304, v2;
	v1 =	vsel vm7, $0x1B84, v1  }
0xaf: {  	v3 =	vsel vm9, $0xA83, v3;
	v2 =	vsel vm7, $0x385, v2;
	v1 =	vsel vm6, $0x1C05, v1  }
0xb0: {  	v3 =	vsel vm8, $0xB04, v3;
	v2 =	vsel vm6, $0x406, v2;
	v1 =	vsel vm5, $0x1C86, v1  }
0xb1: {  	v3 =	vsel vm7, $0xB85, v3;
	v2 =	vsel vm5, $0x487, v2;
	v1 =	vsel vm4, $0x1D07, v1  }
0xb2: {  	v3 =	vsel vm6, $0xC06, v3;
	v2 =	vsel vm4, $0x500, v2;
	v1 =	vsel vm3, $0x1D80, v1  }
0xb3: {  	v3 =	vsel vm5, $0xC87, v3;
	v2 =	vsel vm3, $0x581, v2;
	v1 =	vsel vm2, $0x1E01, v1  }
0xb4: {  	v3 =	vsel vm4, $0xD00, v3;
	v2 =	vsel vm2, $0x602, v2;
	v1 =	vsel vm0, $0x1E82, v1  }
0xb5: {  	v3 =	vsel vm3, $0xD81, v3;
	v2 =	vsel vm0, $0x683, v2;
	v1 =	vsel vm1, $0x1F03, v1  }
0xb6: {  	v48 =	vor.u32 $0x10, v0;
	v3 =	vsel vm2, $0xE02, v3;
	[tilespmem:$0x1FF30] =	vst v1;
	v1 =	vsel vm1, $0x704, v2  }
0xb7: {  	v49 =	vor.u32 $0x20, v0;
	v11 =	vunpack.c.0.s8.s32 v11;
	[tilespmem:$0x1FF40] =	vst v1;
	v1 =	vsel vm0, $0xE83, v3  }
0xb8: {  	v62 =	vunpack.c.0.s8.s32 v17;
	v21 =	vand.u32 $0xF, v7;
	v1 =	vsel vm1, $0xF04, v1  }
0xb9: {  	v7 =	vunpack.c.l.s4.s8 v12;
	v12 =	vunpack.c.l.s4.s8 v60;
	[tilespmem:$0x1FF50] =	vst v1;
	v1 =	vimm.s32 $0x1785  }
0xba: {  	v23 =	vand.u32 $0xF, v10;
	v2 =	vimm.s32 $0x1F85;
	v1 =	vsel vm14, $0x1006, v1  }
0xbb: {  	v10 =	vcombine.low v16, v61;
	v2 =	vsel vm14, $0x1806, v2;
	v1 =	vsel vm13, $0x1087, v1  }
0xbc: {  	v3 =	vimm.s32 $0x786;
	v2 =	vsel vm13, $0x1887, v2;
	v1 =	vsel vm12, $0x1100, v1  }
0xbd: {  	v3 =	vsel vm14, $0x7, v3;
	v2 =	vsel vm12, $0x1900, v2;
	v1 =	vsel vm11, $0x1181, v1  }
0xbe: {  	v3 =	vsel vm13, $0x80, v3;
	v2 =	vsel vm11, $0x1981, v2;
	v1 =	vsel vm10, $0x1202, v1  }
0xbf: {  	v3 =	vsel vm12, $0x101, v3;
	v2 =	vsel vm10, $0x1A02, v2;
	v1 =	vsel vm9, $0x1283, v1  }
0xc0: {  	v3 =	vsel vm11, $0x182, v3;
	v2 =	vsel vm9, $0x1A83, v2;
	v1 =	vsel vm8, $0x1304, v1  }
0xc1: {  	v3 =	vsel vm10, $0x203, v3;
	v2 =	vsel vm8, $0x1B04, v2;
	v1 =	vsel vm7, $0x1385, v1  }
0xc2: {  	v3 =	vsel vm9, $0x284, v3;
	v2 =	vsel vm7, $0x1B85, v2;
	v1 =	vsel vm6, $0x1406, v1  }
0xc3: {  	v3 =	vsel vm8, $0x305, v3;
	v2 =	vsel vm6, $0x1C06, v2;
	v1 =	vsel vm5, $0x1487, v1  }
0xc4: {  	v3 =	vsel vm7, $0x386, v3;
	v2 =	vsel vm5, $0x1C87, v2;
	v1 =	vsel vm4, $0x1500, v1  }
0xc5: {  	v3 =	vsel vm6, $0x407, v3;
	v2 =	vsel vm4, $0x1D00, v2;
	v1 =	vsel vm3, $0x1581, v1  }
0xc6: {  	v3 =	vsel vm5, $0x480, v3;
	v2 =	vsel vm3, $0x1D81, v2;
	v1 =	vsel vm2, $0x1602, v1  }
0xc7: {  	v3 =	vsel vm4, $0x501, v3;
	v2 =	vsel vm2, $0x1E02, v2;
	v1 =	vsel vm0, $0x1683, v1  }
0xc8: {  	v3 =	vsel vm3, $0x582, v3;
	v2 =	vsel vm0, $0x1E83, v2;
	v1 =	vsel vm1, $0x1704, v1  }
0xc9: {  	v47 =	vand.u32 $0xF, v4;
	v3 =	vsel vm2, $0x603, v3;
	[tilespmem:$0x1FF60] =	vst v1;
	v1 =	vsel vm1, $0x1F04, v2  }
0xca: {  	v13 =	vunpack.c.0.s8.s32 v7;
	v7 =	vunpack.c.l.s4.s8 v59;
	[tilespmem:$0x1FF70] =	vst v1;
	v1 =	vsel vm0, $0x684, v3  }
0xcb: {  	v12 =	vunpack.c.0.s8.s32 v12;
	v38 =	vand.u32 $0xF, v10;
	v1 =	vsel vm1, $0x705, v1  }
0xcc: {  	v18 =	vunpack.c.0.s8.s32 v7;
	v7 =	vunpack.c.0.s8.s32 v15;
	[tilespmem:$0x1FF80] =	vst v1;
	v1 =	vimm.s32 $0xF86  }
0xcd: {  	v63 =	vcombine.low v13, v11;
	v2 =	vimm.s32 $0x1786;
	v1 =	vsel vm14, $0x807, v1  }
0xce: {  	v5 =	vcombine.low v11, v13;
	v2 =	vsel vm14, $0x1007, v2;
	v1 =	vsel vm13, $0x880, v1  }
0xcf: {  	v3 =	vimm.s32 $0x1F86;
	v2 =	vsel vm13, $0x1080, v2;
	v1 =	vsel vm12, $0x901, v1  }
0xd0: {  	v3 =	vsel vm14, $0x1807, v3;
	v2 =	vsel vm12, $0x1101, v2;
	v1 =	vsel vm11, $0x982, v1  }
0xd1: {  	v3 =	vsel vm13, $0x1880, v3;
	v2 =	vsel vm11, $0x1182, v2;
	v1 =	vsel vm10, $0xA03, v1  }
0xd2: {  	s0 =	rddreg [dreg:$0x0];
	s1 =	srdreg.scid;
	v3 =	vsel vm12, $0x1901, v3;
	v2 =	vsel vm10, $0x1203, v2;
	v1 =	vsel vm9, $0xA84, v1  }
0xd3: {  	s2 =	stileid.u32;
	s5 =	rddreg [dreg:$0x1];
	s9 =	simm.s32 $0x3;
	v3 =	vsel vm11, $0x1982, v3;
	v2 =	vsel vm9, $0x1284, v2;
	v1 =	vsel vm8, $0xB05, v1  }
0xd4: {  	s10 =	simm.s32 $0x1900;
	s13 =	simm.s32 $0x5900;
	s14 =	simm.s32 $0x180;
	v3 =	vsel vm10, $0x1A03, v3;
	v2 =	vsel vm8, $0x1305, v2;
	v1 =	vsel vm7, $0xB86, v1  }
0xd5: {  	s15 =	simm.s32 $0x7900;
	s16 =	simm.s32 $0x200;
	s17 =	simm.s32 $0x9900;
	v3 =	vsel vm9, $0x1A84, v3;
	v2 =	vsel vm7, $0x1386, v2;
	v1 =	vsel vm6, $0xC07, v1  }
0xd6: {  	s18 =	simm.s32 $0x280;
	s19 =	simm.s32 $0xB900;
	s20 =	simm.s32 $0x300;
	v3 =	vsel vm8, $0x1B05, v3;
	v2 =	vsel vm6, $0x1407, v2;
	v1 =	vsel vm5, $0xC80, v1  }
0xd7: {  	s21 =	simm.s32 $0xD900;
	s3 =	sshll.u32 s2, $0x1;
	s2 =	simm.s32 $0x0;
	v3 =	vsel vm7, $0x1B86, v3;
	v2 =	vsel vm5, $0x1480, v2;
	v1 =	vsel vm4, $0xD01, v1  }
0xd8: {  	s22 =	simm.s32 $0x380;
	s23 =	simm.s32 $0xF900;
	[smem:$0x7FF] =	sst s2;
	v3 =	vsel vm6, $0x1C07, v3;
	v2 =	vsel vm4, $0x1501, v2;
	v1 =	vsel vm3, $0xD82, v1  }
0xd9: {  	s12 =	simm.s32 $0x100;
	s24 =	simm.s32 $0x1;
	_ =	strace $0x80000047;
	[tilespmem:$0x1FFC0] =	vst v20;
	v3 =	vsel vm5, $0x1C80, v3;
	v2 =	vsel vm3, $0x1582, v2;
	v1 =	vsel vm2, $0xE03, v1  }
0xda: {  	s25 =	simm.s32 $0x11900;
	s26 =	simm.s32 $0x400;
	s1 =	sand.u32 $0x1, s1;
	[tilespmem:$0x1FFD0] =	vst v21;
	v3 =	vsel vm4, $0x1D01, v3;
	v2 =	vsel vm2, $0x1603, v2;
	v1 =	vsel vm0, $0xE84, v1  }
0xdb: {  	s28 =	simm.s32 $0x8000;
	s29 =	simm.s32 $0x2;
	s4 =	sor.u32 s1, s3;
	[tilespmem:$0x1FFE0] =	vst v22;
	v3 =	vsel vm3, $0x1D82, v3;
	v2 =	vsel vm0, $0x1684, v2;
	v1 =	vsel vm1, $0xF05, v1  }
0xdc: {  	s30 =	simm.s32 $0x0;
	s1 =	ssub.s32 $0x2, s1;
	s3 =	sshll.u32 s4, $0x4;
	v19 =	vcombine.low v12, v18;
	v3 =	vsel vm2, $0x1E03, v3;
	[tilespmem:$0x1FF90] =	vst v1;
	v1 =	vsel vm1, $0x1705, v2  }
0xdd: {  	s31 =	sshrl.u32 s1, $0x1;
	s7 =	sshll.u32 s4, $0x7;
	s6 =	sadd.s32 s3, s0;
	v7 =	vand.u32 $0xF, v7;
	v6 =	vcombine.low v18, v12;
	[tilespmem:$0x1FFA0] =	vst v1;
	v1 =	vsel vm0, $0x1E84, v3  }
0xde: {  	s3 =	sadd.s32 $0x6800, s0;
	s0 =	ssub.s32 s1, s31;
	s5 =	sadd.s32 s5, s7;
	v36 =	vand.u32 $0xF, v63;
	v10 =	vand.u32 $0xF, v5;
	[tilespmem:$0x1FFF0] =	vst v23;
	v1 =	vsel vm1, $0x1F05, v1  }
0xdf: {  	s7 =	simm.s32 $0x80;
	s4 =	sadd.s32 $0x400, s6;
	s6 =	smax.u32 s0, $0x1;
	v39 =	vcombine.low v7, v62;
	v37 =	vand.u32 $0xF, v19;
	v6 =	vand.u32 $0xF, v6;
	[tilespmem:$0x1FFB0] =	vst v1  }
.LBB2_1:
0xe0: {  	s0 =	simm.s32 $0x1000  }
0xe1: {  	[tilespmem:s2], [sflag:$0x3] =	stream.strided.gather [hbm4b:s4+s7], $0x1900, s0, s7, $0x38;
	[tilespmem:$0x15900] =	vst v63  }
0xe2: {  	_ =	swait.ge [sflag:s9], $0x1900  }
0xe3: {  	[sflag:s9] =	ssyncset.done $0x0  }
0xe4: {  	[sflag:s9] =	ssyncadd.s32 $0xFFFFE700  }
0xe5: {  	[tilespmem:s10], [sflag:$0x1] =	stream.indirect.gather [hbm4b:s3+s7], $0x40, s2, s7, $0xb8;
	[tilespmem:$0x15900] =	vst v63  }
0xe6: {  	s31 =	simm.s32 $0x3900  }
0xe7: {  	[tilespmem:s31], [sflag:$0x1] =	stream.indirect.gather [hbm4b:s3+s7], $0x40, s7, s7, $0xb8;
	[tilespmem:$0x15900] =	vst v63  }
0xe8: {  	_ = 	snop  }
0xe9: {  	[tilespmem:s13], [sflag:$0x1] =	stream.indirect.gather [hbm4b:s3+s7], $0x40, s12, s7, $0xb8;
	[tilespmem:$0x15900] =	vst v63  }
0xea: {  	_ = 	snop  }
0xeb: {  	[tilespmem:s15], [sflag:$0x1] =	stream.indirect.gather [hbm4b:s3+s7], $0x40, s14, s7, $0xb8;
	[tilespmem:$0x15900] =	vst v63  }
0xec: {  	_ = 	snop  }
0xed: {  	[tilespmem:s17], [sflag:$0x1] =	stream.indirect.gather [hbm4b:s3+s7], $0x40, s16, s7, $0xb8;
	[tilespmem:$0x15900] =	vst v63  }
0xee: {  	_ = 	snop  }
0xef: {  	[tilespmem:s19], [sflag:$0x1] =	stream.indirect.gather [hbm4b:s3+s7], $0x40, s18, s7, $0xb8;
	[tilespmem:$0x15900] =	vst v63  }
0xf0: {  	_ = 	snop  }
0xf1: {  	[tilespmem:s21], [sflag:$0x1] =	stream.indirect.gather [hbm4b:s3+s7], $0x40, s20, s7, $0xb8;
	[tilespmem:$0x15900] =	vst v63  }
0xf2: {  	p1 =	por $0x1, $0x1;
	s0 =	simm.s32 $0x0  }
0xf3: {  	[tilespmem:s23], [sflag:$0x1] =	stream.indirect.gather [hbm4b:s3+s7], $0x40, s22, s7, $0xb8;
	[tilespmem:$0x15900] =	vst v63  }
.LBB2_2:
0xf4: {  	s1 =	sshll.u32 s0, $0x7  }
0xf5: {  	s8 =	simm.s32 $0x0;
	v13 =	vor.u32 s1, v0  }
0xf6: {  	_ =	swait.ge [sflag:s24], $0x2000;
	v1 =	vor.u32 s8, v13  }
0xf7: {  	v4 =	vld [tilespmem:$0x1FDC0];
	v1 =	vshll.u32 v1, $0x6  }
0xf8: {  	v2 =	vor.u32 v0, v1;
	_ =	sdelay $0x2  }
0xf9: {  	s11 =	sshll.u32 s0, $0xD;
	[sflag:s24] =	ssyncset.done $0x0;
	v3 =	vor.u32 s8, v0  }
0xfa: {  	v12 =	vld [tilespmem:$0x1FDD0];
	[sflag:s24] =	ssyncadd.s32 $0xFFFFE000;
	v3 =	vand.u32 $0x78, v3;
	v51 =	vor.u32 s11, v4  }
0xfb: {  	v4 =	vor.u32 v51, v3;
	v2 =	vld.idx.msk [tilespmem:v2+s10+$0x0], $0xffff  }
0xfc: {  	v5 =	vor.u32 v48, v1;
	_ =	sdelay $0x3  }
0xfd: {  	v52 =	vor.u32 s11, v12;
	[tilespmem:v4+s25+$0x0] =	vst.idx.msk $0xffff, v2  }
0xfe: {  	v4 =	vor.u32 v52, v3;
	v2 =	vld.idx.msk [tilespmem:v5+s10+$0x0], $0xffff  }
0xff: {  	v12 =	vld [tilespmem:$0x1FDE0];
	v5 =	vor.u32 v49, v1;
	_ =	sdelay $0x3  }
0x100: {  	[tilespmem:v4+s25+$0x0] =	vst.idx.msk $0xffff, v2  }
0x101: {  	v53 =	vor.u32 s11, v12;
	v2 =	vld.idx.msk [tilespmem:v5+s10+$0x0], $0xffff  }
0x102: {  	v50 =	vor.u32 $0x30, v0;
	v4 =	vor.u32 v53, v3;
	v5 =	vld [tilespmem:$0x1FDF0]  }
0x103: {  	v1 =	vor.u32 v50, v1;
	_ =	sdelay $0x2  }
0x104: {  	v7 =	vor.u32 s1, v20  }
0x105: {  	v12 =	vld [tilespmem:$0x1FE00];
	v54 =	vor.u32 s11, v5;
	[tilespmem:v4+s25+$0x0] =	vst.idx.msk $0xffff, v2;
	v2 =	vor.u32 s8, v7  }
0x106: {  	v1 =	vld.idx.msk [tilespmem:v1+s10+$0x0], $0xffff;
	v3 =	vor.u32 v54, v3;
	v2 =	vshll.u32 v2, $0x6  }
0x107: {  	v4 =	vor.u32 v0, v2;
	_ =	sdelay $0x2  }
0x108: {  	v5 =	vor.u32 s8, v20  }
0x109: {  	v55 =	vor.u32 s11, v12;
	v12 =	vld [tilespmem:$0x1FE10];
	[tilespmem:v3+s25+$0x0] =	vst.idx.msk $0xffff, v1;
	v1 =	vand.u32 $0x78, v5  }
0x10a: {  	v3 =	vld.idx.msk [tilespmem:v4+s10+$0x0], $0xffff;
	v4 =	vor.u32 v55, v1  }
0x10b: {  	v5 =	vor.u32 v48, v2;
	_ =	sdelay $0x3  }
0x10c: {  	v56 =	vor.u32 s11, v12;
	[tilespmem:v4+s25+$0x0] =	vst.idx.msk $0xffff, v3  }
0x10d: {  	v4 =	vor.u32 v56, v1;
	v3 =	vld.idx.msk [tilespmem:v5+s10+$0x0], $0xffff  }
0x10e: {  	v12 =	vld [tilespmem:$0x1FE20];
	v5 =	vor.u32 v49, v2;
	_ =	sdelay $0x3  }
0x10f: {  	[tilespmem:v4+s25+$0x0] =	vst.idx.msk $0xffff, v3  }
0x110: {  	v57 =	vor.u32 s11, v12;
	v3 =	vld.idx.msk [tilespmem:v5+s10+$0x0], $0xffff  }
0x111: {  	v4 =	vor.u32 v57, v1;
	v5 =	vld [tilespmem:$0x1FE30]  }
0x112: {  	v2 =	vor.u32 v50, v2;
	_ =	sdelay $0x2  }
0x113: {  	[tilespmem:$0x1FD70] =	vst v7;
	v7 =	vor.u32 s1, v21  }
0x114: {  	v12 =	vld [tilespmem:$0x1FE40];
	v58 =	vor.u32 s11, v5;
	[tilespmem:v4+s25+$0x0] =	vst.idx.msk $0xffff, v3;
	v3 =	vor.u32 s8, v7  }
0x115: {  	v2 =	vld.idx.msk [tilespmem:v2+s10+$0x0], $0xffff;
	v1 =	vor.u32 v58, v1;
	v3 =	vshll.u32 v3, $0x6  }
0x116: {  	v4 =	vor.u32 v0, v3;
	_ =	sdelay $0x2  }
0x117: {  	v5 =	vor.u32 s8, v21  }
0x118: {  	v59 =	vor.u32 s11, v12;
	v12 =	vld [tilespmem:$0x1FE50];
	[tilespmem:v1+s25+$0x0] =	vst.idx.msk $0xffff, v2;
	v1 =	vand.u32 $0x78, v5  }
0x119: {  	v2 =	vld.idx.msk [tilespmem:v4+s10+$0x0], $0xffff;
	v4 =	vor.u32 v59, v1  }
0x11a: {  	v5 =	vor.u32 v48, v3;
	_ =	sdelay $0x3  }
0x11b: {  	v60 =	vor.u32 s11, v12;
	[tilespmem:v4+s25+$0x0] =	vst.idx.msk $0xffff, v2  }
0x11c: {  	v4 =	vor.u32 v60, v1;
	v2 =	vld.idx.msk [tilespmem:v5+s10+$0x0], $0xffff  }
0x11d: {  	v12 =	vld [tilespmem:$0x1FE60];
	v5 =	vor.u32 v49, v3;
	_ =	sdelay $0x3  }
0x11e: {  	[tilespmem:v4+s25+$0x0] =	vst.idx.msk $0xffff, v2  }
0x11f: {  	v61 =	vor.u32 s11, v12;
	v2 =	vld.idx.msk [tilespmem:v5+s10+$0x0], $0xffff  }
0x120: {  	v4 =	vor.u32 v61, v1;
	v5 =	vld [tilespmem:$0x1FE70]  }
0x121: {  	v3 =	vor.u32 v50, v3;
	_ =	sdelay $0x2  }
0x122: {  	[tilespmem:$0x1FD80] =	vst v7;
	v7 =	vor.u32 s1, v22  }
0x123: {  	v12 =	vld [tilespmem:$0x1FE80];
	v62 =	vor.u32 s11, v5;
	[tilespmem:v4+s25+$0x0] =	vst.idx.msk $0xffff, v2;
	v2 =	vor.u32 s8, v7  }
0x124: {  	v3 =	vld.idx.msk [tilespmem:v3+s10+$0x0], $0xffff;
	v1 =	vor.u32 v62, v1;
	v2 =	vshll.u32 v2, $0x6  }
0x125: {  	v4 =	vor.u32 v0, v2;
	_ =	sdelay $0x2  }
0x126: {  	v5 =	vor.u32 s8, v22  }
0x127: {  	v11 =	vld [tilespmem:$0x1FE90];
	v63 =	vor.u32 s11, v12;
	[tilespmem:v1+s25+$0x0] =	vst.idx.msk $0xffff, v3;
	v1 =	vand.u32 $0x78, v5  }
0x128: {  	v3 =	vld.idx.msk [tilespmem:v4+s10+$0x0], $0xffff;
	v4 =	vor.u32 v63, v1  }
0x129: {  	v5 =	vor.u32 v48, v2;
	_ =	sdelay $0x3  }
0x12a: {  	v16 =	vor.u32 s11, v11;
	[tilespmem:v4+s25+$0x0] =	vst.idx.msk $0xffff, v3  }
0x12b: {  	v4 =	vor.u32 v16, v1;
	v3 =	vld.idx.msk [tilespmem:v5+s10+$0x0], $0xffff  }
0x12c: {  	[tilespmem:$0x1FD90] =	vst v7;
	v7 =	vmov v6;
	v6 =	vld [tilespmem:$0x1FEA0];
	v5 =	vor.u32 v49, v2;
	_ =	sdelay $0x3  }
0x12d: {  	[tilespmem:v4+s25+$0x0] =	vst.idx.msk $0xffff, v3  }
0x12e: {  	v17 =	vor.u32 s11, v6;
	v3 =	vld.idx.msk [tilespmem:v5+s10+$0x0], $0xffff  }
0x12f: {  	v4 =	vor.u32 v17, v1;
	v5 =	vld [tilespmem:$0x1FEB0]  }
0x130: {  	v2 =	vor.u32 v50, v2;
	_ =	sdelay $0x1  }
0x131: {  	v6 =	vor.u32 s1, v23  }
0x132: {  	[tilespmem:$0x1FDA0] =	vst v6  }
0x133: {  	v18 =	vor.u32 s11, v5;
	[tilespmem:v4+s25+$0x0] =	vst.idx.msk $0xffff, v3;
	v3 =	vor.u32 s8, v6;
	v6 =	vld [tilespmem:$0x1FEC0]  }
0x134: {  	v2 =	vld.idx.msk [tilespmem:v2+s10+$0x0], $0xffff;
	v1 =	vor.u32 v18, v1;
	v3 =	vshll.u32 v3, $0x6  }
0x135: {  	v4 =	vor.u32 v0, v3;
	_ =	sdelay $0x2  }
0x136: {  	v5 =	vor.u32 s8, v23  }
0x137: {  	v19 =	vor.u32 s11, v6;
	v6 =	vld [tilespmem:$0x1FED0];
	[tilespmem:v1+s25+$0x0] =	vst.idx.msk $0xffff, v2;
	v1 =	vand.u32 $0x78, v5  }
0x138: {  	v2 =	vld.idx.msk [tilespmem:v4+s10+$0x0], $0xffff;
	v4 =	vor.u32 v19, v1  }
0x139: {  	v5 =	vor.u32 v48, v3;
	_ =	sdelay $0x3  }
0x13a: {  	v20 =	vor.u32 s11, v6;
	[tilespmem:v4+s25+$0x0] =	vst.idx.msk $0xffff, v2  }
0x13b: {  	v4 =	vor.u32 v20, v1;
	v2 =	vld.idx.msk [tilespmem:v5+s10+$0x0], $0xffff  }
0x13c: {  	v6 =	vld [tilespmem:$0x1FEE0];
	v5 =	vor.u32 v49, v3;
	_ =	sdelay $0x3  }
0x13d: {  	[tilespmem:v4+s25+$0x0] =	vst.idx.msk $0xffff, v2  }
0x13e: {  	v21 =	vor.u32 s11, v6;
	v2 =	vld.idx.msk [tilespmem:v5+s10+$0x0], $0xffff  }
0x13f: {  	v4 =	vor.u32 v21, v1;
	v5 =	vld [tilespmem:$0x1FEF0]  }
0x140: {  	v3 =	vor.u32 v50, v3;
	_ =	sdelay $0x2  }
0x141: {  	v6 =	vor.u32 s1, v36  }
0x142: {  	v41 =	vmov v6;
	v22 =	vor.u32 s11, v5;
	[tilespmem:v4+s25+$0x0] =	vst.idx.msk $0xffff, v2;
	v2 =	vor.u32 s8, v6;
	v6 =	vld [tilespmem:$0x1FF00]  }
0x143: {  	v3 =	vld.idx.msk [tilespmem:v3+s10+$0x0], $0xffff;
	v1 =	vor.u32 v22, v1;
	v2 =	vshll.u32 v2, $0x6  }
0x144: {  	v4 =	vor.u32 v0, v2;
	_ =	sdelay $0x2  }
0x145: {  	v5 =	vor.u32 s8, v36  }
0x146: {  	v23 =	vor.u32 s11, v6;
	v6 =	vld [tilespmem:$0x1FF10];
	[tilespmem:v1+s25+$0x0] =	vst.idx.msk $0xffff, v3;
	v1 =	vand.u32 $0x78, v5  }
0x147: {  	v3 =	vld.idx.msk [tilespmem:v4+s10+$0x0], $0xffff;
	v4 =	vor.u32 v23, v1  }
0x148: {  	v5 =	vor.u32 v48, v2;
	_ =	sdelay $0x3  }
0x149: {  	v24 =	vor.u32 s11, v6;
	[tilespmem:v4+s25+$0x0] =	vst.idx.msk $0xffff, v3  }
0x14a: {  	v4 =	vor.u32 v24, v1;
	v3 =	vld.idx.msk [tilespmem:v5+s10+$0x0], $0xffff  }
0x14b: {  	v6 =	vld [tilespmem:$0x1FF20];
	v5 =	vor.u32 v49, v2;
	_ =	sdelay $0x3  }
0x14c: {  	[tilespmem:v4+s25+$0x0] =	vst.idx.msk $0xffff, v3  }
0x14d: {  	v25 =	vor.u32 s11, v6;
	v3 =	vld.idx.msk [tilespmem:v5+s10+$0x0], $0xffff  }
0x14e: {  	v4 =	vor.u32 v25, v1;
	v5 =	vld [tilespmem:$0x1FF30]  }
0x14f: {  	v2 =	vor.u32 v50, v2;
	_ =	sdelay $0x2  }
0x150: {  	v9 =	vor.u32 s1, v37  }
0x151: {  	v6 =	vld [tilespmem:$0x1FF40];
	v26 =	vor.u32 s11, v5;
	[tilespmem:v4+s25+$0x0] =	vst.idx.msk $0xffff, v3;
	v3 =	vor.u32 s8, v9  }
0x152: {  	v2 =	vld.idx.msk [tilespmem:v2+s10+$0x0], $0xffff;
	v1 =	vor.u32 v26, v1;
	v3 =	vshll.u32 v3, $0x6  }
0x153: {  	v4 =	vor.u32 v0, v3;
	_ =	sdelay $0x2  }
0x154: {  	v5 =	vor.u32 s8, v37  }
0x155: {  	v27 =	vor.u32 s11, v6;
	v6 =	vld [tilespmem:$0x1FF50];
	[tilespmem:v1+s25+$0x0] =	vst.idx.msk $0xffff, v2;
	v1 =	vand.u32 $0x78, v5  }
0x156: {  	v2 =	vld.idx.msk [tilespmem:v4+s10+$0x0], $0xffff;
	v4 =	vor.u32 v27, v1  }
0x157: {  	v5 =	vor.u32 v48, v3;
	_ =	sdelay $0x3  }
0x158: {  	v28 =	vor.u32 s11, v6;
	[tilespmem:v4+s25+$0x0] =	vst.idx.msk $0xffff, v2  }
0x159: {  	v4 =	vor.u32 v28, v1;
	v2 =	vld.idx.msk [tilespmem:v5+s10+$0x0], $0xffff  }
0x15a: {  	v6 =	vld [tilespmem:$0x1FF60];
	v5 =	vor.u32 v49, v3;
	_ =	sdelay $0x3  }
0x15b: {  	[tilespmem:v4+s25+$0x0] =	vst.idx.msk $0xffff, v2  }
0x15c: {  	v29 =	vor.u32 s11, v6;
	v2 =	vld.idx.msk [tilespmem:v5+s10+$0x0], $0xffff  }
0x15d: {  	v4 =	vor.u32 v29, v1;
	v5 =	vld [tilespmem:$0x1FF70]  }
0x15e: {  	v3 =	vor.u32 v50, v3;
	_ =	sdelay $0x2  }
0x15f: {  	v42 =	vor.u32 s1, v38  }
0x160: {  	v6 =	vld [tilespmem:$0x1FF80];
	v30 =	vor.u32 s11, v5;
	[tilespmem:v4+s25+$0x0] =	vst.idx.msk $0xffff, v2;
	v2 =	vor.u32 s8, v42  }
0x161: {  	v3 =	vld.idx.msk [tilespmem:v3+s10+$0x0], $0xffff;
	v1 =	vor.u32 v30, v1;
	v2 =	vshll.u32 v2, $0x6  }
0x162: {  	v4 =	vor.u32 v0, v2;
	_ =	sdelay $0x2  }
0x163: {  	v5 =	vor.u32 s8, v38  }
0x164: {  	v31 =	vor.u32 s11, v6;
	v6 =	vld [tilespmem:$0x1FF90];
	[tilespmem:v1+s25+$0x0] =	vst.idx.msk $0xffff, v3;
	v1 =	vand.u32 $0x78, v5  }
0x165: {  	v3 =	vld.idx.msk [tilespmem:v4+s10+$0x0], $0xffff;
	v4 =	vor.u32 v31, v1  }
0x166: {  	v5 =	vor.u32 v48, v2;
	_ =	sdelay $0x3  }
0x167: {  	v32 =	vor.u32 s11, v6;
	[tilespmem:v4+s25+$0x0] =	vst.idx.msk $0xffff, v3  }
0x168: {  	v4 =	vor.u32 v32, v1;
	v3 =	vld.idx.msk [tilespmem:v5+s10+$0x0], $0xffff  }
0x169: {  	v6 =	vld [tilespmem:$0x1FFA0];
	v5 =	vor.u32 v49, v2;
	_ =	sdelay $0x3  }
0x16a: {  	[tilespmem:v4+s25+$0x0] =	vst.idx.msk $0xffff, v3  }
0x16b: {  	v33 =	vor.u32 s11, v6;
	v3 =	vld.idx.msk [tilespmem:v5+s10+$0x0], $0xffff  }
0x16c: {  	v4 =	vor.u32 v33, v1;
	v5 =	vld [tilespmem:$0x1FFB0]  }
0x16d: {  	v2 =	vor.u32 v50, v2;
	_ =	sdelay $0x2  }
0x16e: {  	v43 =	vor.u32 s1, v39  }
0x16f: {  	v34 =	vor.u32 s11, v5;
	[tilespmem:v4+s25+$0x0] =	vst.idx.msk $0xffff, v3;
	v3 =	vor.u32 s8, v43  }
0x170: {  	v2 =	vld.idx.msk [tilespmem:v2+s10+$0x0], $0xffff;
	v1 =	vor.u32 v34, v1;
	v3 =	vshll.u32 v3, $0x6  }
0x171: {  	v4 =	vor.u32 v0, v3;
	_ =	sdelay $0x2  }
0x172: {  	v5 =	vor.u32 s8, v39  }
0x173: {  	[tilespmem:v1+s25+$0x0] =	vst.idx.msk $0xffff, v2;
	v1 =	vand.u32 $0x78, v5  }
0x174: {  	v2 =	vld.idx.msk [tilespmem:v4+s10+$0x0], $0xffff;
	v4 =	vor.u32 v51, v1  }
0x175: {  	v5 =	vor.u32 v48, v3;
	_ =	sdelay $0x3  }
0x176: {  	[tilespmem:v4+s25+$0x0] =	vst.idx.msk $0xffff, v2  }
0x177: {  	v4 =	vor.u32 v52, v1;
	v2 =	vld.idx.msk [tilespmem:v5+s10+$0x0], $0xffff  }
0x178: {  	v5 =	vor.u32 v49, v3;
	_ =	sdelay $0x3  }
0x179: {  	[tilespmem:v4+s25+$0x0] =	vst.idx.msk $0xffff, v2  }
0x17a: {  	v4 =	vor.u32 v53, v1;
	v2 =	vld.idx.msk [tilespmem:v5+s10+$0x0], $0xffff  }
0x17b: {  	v3 =	vor.u32 v50, v3;
	_ =	sdelay $0x2  }
0x17c: {  	v35 =	vor.u32 s1, v44  }
0x17d: {  	[tilespmem:v4+s25+$0x0] =	vst.idx.msk $0xffff, v2;
	v2 =	vor.u32 s8, v35  }
0x17e: {  	v1 =	vor.u32 v54, v1;
	v3 =	vld.idx.msk [tilespmem:v3+s10+$0x0], $0xffff;
	v2 =	vshll.u32 v2, $0x6  }
0x17f: {  	v4 =	vor.u32 v0, v2;
	_ =	sdelay $0x2  }
0x180: {  	v5 =	vor.u32 s8, v44  }
0x181: {  	[tilespmem:v1+s25+$0x0] =	vst.idx.msk $0xffff, v3;
	v1 =	vand.u32 $0x78, v5  }
0x182: {  	v3 =	vld.idx.msk [tilespmem:v4+s10+$0x0], $0xffff;
	v4 =	vor.u32 v55, v1  }
0x183: {  	v5 =	vor.u32 v48, v2;
	_ =	sdelay $0x3  }
0x184: {  	[tilespmem:v4+s25+$0x0] =	vst.idx.msk $0xffff, v3  }
0x185: {  	v4 =	vor.u32 v56, v1;
	v3 =	vld.idx.msk [tilespmem:v5+s10+$0x0], $0xffff  }
0x186: {  	v5 =	vor.u32 v49, v2;
	_ =	sdelay $0x3  }
0x187: {  	[tilespmem:v4+s25+$0x0] =	vst.idx.msk $0xffff, v3  }
0x188: {  	v4 =	vor.u32 v57, v1;
	v3 =	vld.idx.msk [tilespmem:v5+s10+$0x0], $0xffff  }
0x189: {  	v2 =	vor.u32 v50, v2;
	_ =	sdelay $0x2  }
0x18a: {  	v11 =	vor.u32 s1, v45  }
0x18b: {  	[tilespmem:v4+s25+$0x0] =	vst.idx.msk $0xffff, v3;
	v3 =	vor.u32 s8, v11  }
0x18c: {  	v1 =	vor.u32 v58, v1;
	v2 =	vld.idx.msk [tilespmem:v2+s10+$0x0], $0xffff;
	v3 =	vshll.u32 v3, $0x6  }
0x18d: {  	v4 =	vor.u32 v0, v3;
	_ =	sdelay $0x2  }
0x18e: {  	v5 =	vor.u32 s8, v45  }
0x18f: {  	[tilespmem:v1+s25+$0x0] =	vst.idx.msk $0xffff, v2;
	v1 =	vand.u32 $0x78, v5  }
0x190: {  	v2 =	vld.idx.msk [tilespmem:v4+s10+$0x0], $0xffff;
	v4 =	vor.u32 v59, v1  }
0x191: {  	v5 =	vor.u32 v48, v3;
	_ =	sdelay $0x3  }
0x192: {  	[tilespmem:v4+s25+$0x0] =	vst.idx.msk $0xffff, v2  }
0x193: {  	v4 =	vor.u32 v60, v1;
	v2 =	vld.idx.msk [tilespmem:v5+s10+$0x0], $0xffff  }
0x194: {  	v5 =	vor.u32 v49, v3;
	_ =	sdelay $0x3  }
0x195: {  	[tilespmem:v4+s25+$0x0] =	vst.idx.msk $0xffff, v2  }
0x196: {  	v4 =	vor.u32 v61, v1;
	v2 =	vld.idx.msk [tilespmem:v5+s10+$0x0], $0xffff  }
0x197: {  	v3 =	vor.u32 v50, v3;
	_ =	sdelay $0x2  }
0x198: {  	v14 =	vor.u32 s1, v46  }
0x199: {  	[tilespmem:v4+s25+$0x0] =	vst.idx.msk $0xffff, v2;
	v2 =	vor.u32 s8, v14  }
0x19a: {  	v1 =	vor.u32 v62, v1;
	v3 =	vld.idx.msk [tilespmem:v3+s10+$0x0], $0xffff;
	v2 =	vshll.u32 v2, $0x6  }
0x19b: {  	v4 =	vor.u32 v0, v2;
	_ =	sdelay $0x2  }
0x19c: {  	v5 =	vor.u32 s8, v46  }
0x19d: {  	[tilespmem:v1+s25+$0x0] =	vst.idx.msk $0xffff, v3;
	v1 =	vand.u32 $0x78, v5  }
0x19e: {  	v3 =	vld.idx.msk [tilespmem:v4+s10+$0x0], $0xffff;
	v4 =	vor.u32 v63, v1  }
0x19f: {  	v5 =	vor.u32 v48, v2;
	_ =	sdelay $0x3  }
0x1a0: {  	[tilespmem:v4+s25+$0x0] =	vst.idx.msk $0xffff, v3  }
0x1a1: {  	v4 =	vor.u32 v16, v1;
	v3 =	vld.idx.msk [tilespmem:v5+s10+$0x0], $0xffff  }
0x1a2: {  	v5 =	vor.u32 v49, v2;
	_ =	sdelay $0x3  }
0x1a3: {  	[tilespmem:v4+s25+$0x0] =	vst.idx.msk $0xffff, v3  }
0x1a4: {  	v4 =	vor.u32 v17, v1;
	v3 =	vld.idx.msk [tilespmem:v5+s10+$0x0], $0xffff  }
0x1a5: {  	v2 =	vor.u32 v50, v2;
	_ =	sdelay $0x2  }
0x1a6: {  	v40 =	vor.u32 s1, v47  }
0x1a7: {  	[tilespmem:v4+s25+$0x0] =	vst.idx.msk $0xffff, v3;
	v3 =	vor.u32 s8, v40  }
0x1a8: {  	v1 =	vor.u32 v18, v1;
	v2 =	vld.idx.msk [tilespmem:v2+s10+$0x0], $0xffff;
	v3 =	vshll.u32 v3, $0x6  }
0x1a9: {  	v4 =	vor.u32 v0, v3;
	_ =	sdelay $0x2  }
0x1aa: {  	v5 =	vor.u32 s8, v47  }
0x1ab: {  	[tilespmem:v1+s25+$0x0] =	vst.idx.msk $0xffff, v2;
	v2 =	vand.u32 $0x78, v5  }
0x1ac: {  	v1 =	vld.idx.msk [tilespmem:v4+s10+$0x0], $0xffff;
	v4 =	vor.u32 v19, v2  }
0x1ad: {  	v5 =	vor.u32 v48, v3;
	_ =	sdelay $0x3  }
0x1ae: {  	[tilespmem:v4+s25+$0x0] =	vst.idx.msk $0xffff, v1  }
0x1af: {  	v4 =	vor.u32 v20, v2;
	v1 =	vld.idx.msk [tilespmem:v5+s10+$0x0], $0xffff  }
0x1b0: {  	v5 =	vor.u32 v49, v3;
	_ =	sdelay $0x3  }
0x1b1: {  	[tilespmem:v4+s25+$0x0] =	vst.idx.msk $0xffff, v1  }
0x1b2: {  	v4 =	vld.idx.msk [tilespmem:v5+s10+$0x0], $0xffff;
	v5 =	vor.u32 v21, v2  }
0x1b3: {  	v3 =	vor.u32 v50, v3;
	_ =	sdelay $0x2  }
0x1b4: {  	v1 =	vor.u32 s1, v10  }
0x1b5: {  	[tilespmem:v5+s25+$0x0] =	vst.idx.msk $0xffff, v4;
	v4 =	vor.u32 s8, v1  }
0x1b6: {  	v2 =	vor.u32 v22, v2;
	v3 =	vld.idx.msk [tilespmem:v3+s10+$0x0], $0xffff;
	v4 =	vshll.u32 v4, $0x6  }
0x1b7: {  	v5 =	vor.u32 v0, v4;
	_ =	sdelay $0x2  }
0x1b8: {  	v6 =	vor.u32 s8, v10  }
0x1b9: {  	[tilespmem:v2+s25+$0x0] =	vst.idx.msk $0xffff, v3;
	v3 =	vand.u32 $0x78, v6  }
0x1ba: {  	v2 =	vld.idx.msk [tilespmem:v5+s10+$0x0], $0xffff;
	v5 =	vor.u32 v23, v3  }
0x1bb: {  	v6 =	vor.u32 v48, v4;
	_ =	sdelay $0x3  }
0x1bc: {  	[tilespmem:v5+s25+$0x0] =	vst.idx.msk $0xffff, v2  }
0x1bd: {  	v5 =	vor.u32 v24, v3;
	v2 =	vld.idx.msk [tilespmem:v6+s10+$0x0], $0xffff  }
0x1be: {  	v6 =	vor.u32 v49, v4;
	_ =	sdelay $0x3  }
0x1bf: {  	[tilespmem:v5+s25+$0x0] =	vst.idx.msk $0xffff, v2  }
0x1c0: {  	v5 =	vld.idx.msk [tilespmem:v6+s10+$0x0], $0xffff;
	v6 =	vor.u32 v25, v3  }
0x1c1: {  	v4 =	vor.u32 v50, v4;
	_ =	sdelay $0x2  }
0x1c2: {  	v2 =	vor.u32 s1, v7  }
0x1c3: {  	[tilespmem:v6+s25+$0x0] =	vst.idx.msk $0xffff, v5;
	v5 =	vor.u32 s8, v2  }
0x1c4: {  	v15 =	vmovc v9;
	v9 =	vmov v10;
	v10 =	vld.idx.msk [tilespmem:v4+s10+$0x0], $0xffff;
	v4 =	vor.u32 v26, v3;
	v5 =	vshll.u32 v5, $0x6  }
0x1c5: {  	v6 =	vor.u32 v0, v5;
	_ =	sdelay $0x2  }
0x1c6: {  	v3 =	vor.u32 s8, v7  }
0x1c7: {  	[tilespmem:v4+s25+$0x0] =	vst.idx.msk $0xffff, v10;
	v4 =	vand.u32 $0x78, v3  }
0x1c8: {  	v12 =	vmov v7;
	v7 =	vld.idx.msk [tilespmem:v6+s10+$0x0], $0xffff;
	v6 =	vor.u32 v27, v4  }
0x1c9: {  	v3 =	vor.u32 v48, v5;
	_ =	sdelay $0x3  }
0x1ca: {  	[tilespmem:v6+s25+$0x0] =	vst.idx.msk $0xffff, v7  }
0x1cb: {  	v6 =	vor.u32 v28, v4;
	v7 =	vld.idx.msk [tilespmem:v3+s10+$0x0], $0xffff  }
0x1cc: {  	v3 =	vor.u32 v49, v5;
	_ =	sdelay $0x3  }
0x1cd: {  	[tilespmem:v6+s25+$0x0] =	vst.idx.msk $0xffff, v7  }
0x1ce: {  	v6 =	vor.u32 v29, v4;
	v7 =	vld.idx.msk [tilespmem:v3+s10+$0x0], $0xffff  }
0x1cf: {  	v5 =	vor.u32 v50, v5;
	v4 =	vor.u32 v30, v4  }
0x1d0: {  	[tilespmem:$0x1FDB0] =	vst v4  }
0x1d1: {  	v10 =	vmov v8;
	v3 =	vor.u32 s1, v8;
	v4 =	vor.u32 s8, v8;
	v8 =	vld [tilespmem:$0x1FDB0];
	_ =	sdelay $0x1  }
0x1d2: {  	[tilespmem:v6+s25+$0x0] =	vst.idx.msk $0xffff, v7;
	v6 =	vor.u32 s8, v3  }
0x1d3: {  	v7 =	vld.idx.msk [tilespmem:v5+s10+$0x0], $0xffff;
	v6 =	vshll.u32 v6, $0x6  }
0x1d4: {  	v5 =	vor.u32 v0, v6;
	_ =	sdelay $0x3  }
0x1d5: {  	v4 =	vand.u32 $0x78, v4;
	[tilespmem:v8+s25+$0x0] =	vst.idx.msk $0xffff, v7  }
0x1d6: {  	v7 =	vld.idx.msk [tilespmem:v5+s10+$0x0], $0xffff;
	v5 =	vor.u32 v31, v4  }
0x1d7: {  	v8 =	vor.u32 v48, v6;
	_ =	sdelay $0x3  }
0x1d8: {  	[tilespmem:v5+s25+$0x0] =	vst.idx.msk $0xffff, v7  }
0x1d9: {  	v5 =	vor.u32 v32, v4;
	v7 =	vld.idx.msk [tilespmem:v8+s10+$0x0], $0xffff  }
0x1da: {  	v8 =	vor.u32 v49, v6;
	_ =	sdelay $0x3  }
0x1db: {  	[tilespmem:v5+s25+$0x0] =	vst.idx.msk $0xffff, v7  }
0x1dc: {  	v5 =	vor.u32 v33, v4;
	v8 =	vld.idx.msk [tilespmem:v8+s10+$0x0], $0xffff  }
0x1dd: {  	v7 =	vor.u32 v50, v6;
	_ =	sdelay $0x3  }
0x1de: {  	s31 =	simm.s32 $0x10;
	[tilespmem:v5+s25+$0x0] =	vst.idx.msk $0xffff, v8  }
0x1df: {  	p0 =	por p1, p1;
	s8 =	simm.s32 $0x20;
	v6 =	vor.u32 s31, v13;
	v5 =	vld.idx.msk [tilespmem:v7+s10+$0x0], $0xffff  }
.LBB2_3:
0x1e0: {  	v6 =	vshll.u32 v6, $0x6;
	v4 =	vor.u32 v34, v4  }
0x1e1: {  	v7 =	vor.u32 v0, v6;
	_ =	sdelay $0x2  }
0x1e2: {  	v8 =	vor.u32 s31, v0  }
0x1e3: {  	[tilespmem:v4+s25+$0x0] =	vst.idx.msk $0xffff, v5;
	v5 =	vand.u32 $0x78, v8  }
0x1e4: {  	v4 =	vld.idx.msk [tilespmem:v7+s10+$0x0], $0xffff;
	v7 =	vor.u32 v51, v5  }
0x1e5: {  	v8 =	vor.u32 v48, v6;
	_ =	sdelay $0x3  }
0x1e6: {  	[tilespmem:v7+s25+$0x0] =	vst.idx.msk $0xffff, v4  }
0x1e7: {  	v7 =	vor.u32 v52, v5;
	v4 =	vld.idx.msk [tilespmem:v8+s10+$0x0], $0xffff  }
0x1e8: {  	v8 =	vor.u32 v49, v6;
	_ =	sdelay $0x3  }
0x1e9: {  	[tilespmem:v7+s25+$0x0] =	vst.idx.msk $0xffff, v4  }
0x1ea: {  	v7 =	vor.u32 v53, v5;
	v4 =	vld.idx.msk [tilespmem:v8+s10+$0x0], $0xffff  }
0x1eb: {  	v6 =	vor.u32 v50, v6;
	_ =	sdelay $0x3  }
0x1ec: {  	[tilespmem:v7+s25+$0x0] =	vst.idx.msk $0xffff, v4  }
0x1ed: {  	v4 =	vld.idx.msk [tilespmem:v6+s10+$0x0], $0xffff  }
0x1ee: {  	v5 =	vor.u32 v54, v5;
	v6 =	vld [tilespmem:$0x1FD70];
	_ =	sdelay $0x4  }
0x1ef: {  	v6 =	vor.u32 s31, v6;
	[tilespmem:v5+s25+$0x0] =	vst.idx.msk $0xffff, v4;
	v4 =	vld [tilespmem:$0x1FFC0]  }
0x1f0: {  	v6 =	vshll.u32 v6, $0x6  }
0x1f1: {  	v7 =	vor.u32 v0, v6;
	_ =	sdelay $0x2  }
0x1f2: {  	v4 =	vor.u32 s31, v4  }
0x1f3: {  	v4 =	vand.u32 $0x78, v4  }
0x1f4: {  	v5 =	vld.idx.msk [tilespmem:v7+s10+$0x0], $0xffff;
	v7 =	vor.u32 v55, v4  }
0x1f5: {  	v8 =	vor.u32 v48, v6;
	_ =	sdelay $0x3  }
0x1f6: {  	[tilespmem:v7+s25+$0x0] =	vst.idx.msk $0xffff, v5  }
0x1f7: {  	v7 =	vor.u32 v56, v4;
	v5 =	vld.idx.msk [tilespmem:v8+s10+$0x0], $0xffff  }
0x1f8: {  	v8 =	vor.u32 v49, v6;
	_ =	sdelay $0x3  }
0x1f9: {  	[tilespmem:v7+s25+$0x0] =	vst.idx.msk $0xffff, v5  }
0x1fa: {  	v7 =	vor.u32 v57, v4;
	v5 =	vld.idx.msk [tilespmem:v8+s10+$0x0], $0xffff  }
0x1fb: {  	v6 =	vor.u32 v50, v6;
	_ =	sdelay $0x3  }
0x1fc: {  	[tilespmem:v7+s25+$0x0] =	vst.idx.msk $0xffff, v5  }
0x1fd: {  	v5 =	vld.idx.msk [tilespmem:v6+s10+$0x0], $0xffff  }
0x1fe: {  	v4 =	vor.u32 v58, v4;
	v6 =	vld [tilespmem:$0x1FD80];
	_ =	sdelay $0x4  }
0x1ff: {  	v6 =	vor.u32 s31, v6;
	[tilespmem:v4+s25+$0x0] =	vst.idx.msk $0xffff, v5;
	v4 =	vld [tilespmem:$0x1FFD0]  }
0x200: {  	v6 =	vshll.u32 v6, $0x6  }
0x201: {  	v7 =	vor.u32 v0, v6;
	_ =	sdelay $0x2  }
0x202: {  	v4 =	vor.u32 s31, v4  }
0x203: {  	v4 =	vand.u32 $0x78, v4  }
0x204: {  	v5 =	vld.idx.msk [tilespmem:v7+s10+$0x0], $0xffff;
	v7 =	vor.u32 v59, v4  }
0x205: {  	v8 =	vor.u32 v48, v6;
	_ =	sdelay $0x3  }
0x206: {  	[tilespmem:v7+s25+$0x0] =	vst.idx.msk $0xffff, v5  }
0x207: {  	v7 =	vor.u32 v60, v4;
	v5 =	vld.idx.msk [tilespmem:v8+s10+$0x0], $0xffff  }
0x208: {  	v8 =	vor.u32 v49, v6;
	_ =	sdelay $0x3  }
0x209: {  	[tilespmem:v7+s25+$0x0] =	vst.idx.msk $0xffff, v5  }
0x20a: {  	v7 =	vor.u32 v61, v4;
	v5 =	vld.idx.msk [tilespmem:v8+s10+$0x0], $0xffff  }
0x20b: {  	v6 =	vor.u32 v50, v6;
	_ =	sdelay $0x3  }
0x20c: {  	[tilespmem:v7+s25+$0x0] =	vst.idx.msk $0xffff, v5  }
0x20d: {  	v5 =	vld.idx.msk [tilespmem:v6+s10+$0x0], $0xffff  }
0x20e: {  	v4 =	vor.u32 v62, v4;
	v6 =	vld [tilespmem:$0x1FD90];
	_ =	sdelay $0x4  }
0x20f: {  	v6 =	vor.u32 s31, v6;
	[tilespmem:v4+s25+$0x0] =	vst.idx.msk $0xffff, v5;
	v4 =	vld [tilespmem:$0x1FFE0]  }
0x210: {  	v6 =	vshll.u32 v6, $0x6  }
0x211: {  	v7 =	vor.u32 v0, v6;
	_ =	sdelay $0x2  }
0x212: {  	v4 =	vor.u32 s31, v4  }
0x213: {  	v4 =	vand.u32 $0x78, v4  }
0x214: {  	v5 =	vld.idx.msk [tilespmem:v7+s10+$0x0], $0xffff;
	v7 =	vor.u32 v63, v4  }
0x215: {  	v8 =	vor.u32 v48, v6;
	_ =	sdelay $0x3  }
0x216: {  	[tilespmem:v7+s25+$0x0] =	vst.idx.msk $0xffff, v5  }
0x217: {  	v7 =	vor.u32 v16, v4;
	v5 =	vld.idx.msk [tilespmem:v8+s10+$0x0], $0xffff  }
0x218: {  	v8 =	vor.u32 v49, v6;
	_ =	sdelay $0x3  }
0x219: {  	[tilespmem:v7+s25+$0x0] =	vst.idx.msk $0xffff, v5  }
0x21a: {  	v7 =	vor.u32 v17, v4;
	v5 =	vld.idx.msk [tilespmem:v8+s10+$0x0], $0xffff  }
0x21b: {  	v6 =	vor.u32 v50, v6;
	_ =	sdelay $0x3  }
0x21c: {  	[tilespmem:v7+s25+$0x0] =	vst.idx.msk $0xffff, v5  }
0x21d: {  	v5 =	vld.idx.msk [tilespmem:v6+s10+$0x0], $0xffff  }
0x21e: {  	v4 =	vor.u32 v18, v4;
	v6 =	vld [tilespmem:$0x1FDA0];
	_ =	sdelay $0x4  }
0x21f: {  	v6 =	vor.u32 s31, v6;
	[tilespmem:v4+s25+$0x0] =	vst.idx.msk $0xffff, v5;
	v4 =	vld [tilespmem:$0x1FFF0]  }
0x220: {  	v6 =	vshll.u32 v6, $0x6  }
0x221: {  	v7 =	vor.u32 v0, v6;
	_ =	sdelay $0x2  }
0x222: {  	v4 =	vor.u32 s31, v4  }
0x223: {  	v4 =	vand.u32 $0x78, v4  }
0x224: {  	v5 =	vld.idx.msk [tilespmem:v7+s10+$0x0], $0xffff;
	v7 =	vor.u32 v19, v4  }
0x225: {  	v8 =	vor.u32 v48, v6;
	_ =	sdelay $0x3  }
0x226: {  	[tilespmem:v7+s25+$0x0] =	vst.idx.msk $0xffff, v5  }
0x227: {  	v7 =	vor.u32 v20, v4;
	v5 =	vld.idx.msk [tilespmem:v8+s10+$0x0], $0xffff  }
0x228: {  	v8 =	vor.u32 v49, v6;
	_ =	sdelay $0x3  }
0x229: {  	[tilespmem:v7+s25+$0x0] =	vst.idx.msk $0xffff, v5  }
0x22a: {  	v7 =	vor.u32 v21, v4;
	v5 =	vld.idx.msk [tilespmem:v8+s10+$0x0], $0xffff  }
0x22b: {  	v6 =	vor.u32 v50, v6;
	_ =	sdelay $0x3  }
0x22c: {  	[tilespmem:v7+s25+$0x0] =	vst.idx.msk $0xffff, v5  }
0x22d: {  	v4 =	vor.u32 v22, v4;
	v5 =	vld.idx.msk [tilespmem:v6+s10+$0x0], $0xffff;
	v6 =	vor.u32 s31, v41  }
0x22e: {  	v6 =	vshll.u32 v6, $0x6  }
0x22f: {  	v7 =	vor.u32 v0, v6;
	_ =	sdelay $0x2  }
0x230: {  	[tilespmem:v4+s25+$0x0] =	vst.idx.msk $0xffff, v5;
	v4 =	vor.u32 s31, v36  }
0x231: {  	v4 =	vand.u32 $0x78, v4  }
0x232: {  	v5 =	vld.idx.msk [tilespmem:v7+s10+$0x0], $0xffff;
	v7 =	vor.u32 v23, v4  }
0x233: {  	v8 =	vor.u32 v48, v6;
	_ =	sdelay $0x3  }
0x234: {  	[tilespmem:v7+s25+$0x0] =	vst.idx.msk $0xffff, v5  }
0x235: {  	v7 =	vor.u32 v24, v4;
	v5 =	vld.idx.msk [tilespmem:v8+s10+$0x0], $0xffff  }
0x236: {  	v8 =	vor.u32 v49, v6;
	_ =	sdelay $0x3  }
0x237: {  	[tilespmem:v7+s25+$0x0] =	vst.idx.msk $0xffff, v5  }
0x238: {  	v7 =	vor.u32 v25, v4;
	v5 =	vld.idx.msk [tilespmem:v8+s10+$0x0], $0xffff  }
0x239: {  	v6 =	vor.u32 v50, v6;
	_ =	sdelay $0x3  }
0x23a: {  	[tilespmem:v7+s25+$0x0] =	vst.idx.msk $0xffff, v5  }
0x23b: {  	v4 =	vor.u32 v26, v4;
	v5 =	vld.idx.msk [tilespmem:v6+s10+$0x0], $0xffff;
	v6 =	vor.u32 s31, v15  }
0x23c: {  	v6 =	vshll.u32 v6, $0x6  }
0x23d: {  	v7 =	vor.u32 v0, v6;
	_ =	sdelay $0x2  }
0x23e: {  	[tilespmem:v4+s25+$0x0] =	vst.idx.msk $0xffff, v5;
	v4 =	vor.u32 s31, v37  }
0x23f: {  	v4 =	vand.u32 $0x78, v4  }
0x240: {  	v5 =	vld.idx.msk [tilespmem:v7+s10+$0x0], $0xffff;
	v7 =	vor.u32 v27, v4  }
0x241: {  	v8 =	vor.u32 v48, v6;
	_ =	sdelay $0x3  }
0x242: {  	[tilespmem:v7+s25+$0x0] =	vst.idx.msk $0xffff, v5  }
0x243: {  	v7 =	vor.u32 v28, v4;
	v5 =	vld.idx.msk [tilespmem:v8+s10+$0x0], $0xffff  }
0x244: {  	v8 =	vor.u32 v49, v6;
	_ =	sdelay $0x3  }
0x245: {  	[tilespmem:v7+s25+$0x0] =	vst.idx.msk $0xffff, v5  }
0x246: {  	v7 =	vor.u32 v29, v4;
	v5 =	vld.idx.msk [tilespmem:v8+s10+$0x0], $0xffff  }
0x247: {  	v6 =	vor.u32 v50, v6;
	_ =	sdelay $0x3  }
0x248: {  	[tilespmem:v7+s25+$0x0] =	vst.idx.msk $0xffff, v5  }
0x249: {  	v4 =	vor.u32 v30, v4;
	v5 =	vld.idx.msk [tilespmem:v6+s10+$0x0], $0xffff;
	v6 =	vor.u32 s31, v42  }
0x24a: {  	v6 =	vshll.u32 v6, $0x6  }
0x24b: {  	v7 =	vor.u32 v0, v6;
	_ =	sdelay $0x2  }
0x24c: {  	[tilespmem:v4+s25+$0x0] =	vst.idx.msk $0xffff, v5;
	v4 =	vor.u32 s31, v38  }
0x24d: {  	v4 =	vand.u32 $0x78, v4  }
0x24e: {  	v5 =	vld.idx.msk [tilespmem:v7+s10+$0x0], $0xffff;
	v7 =	vor.u32 v31, v4  }
0x24f: {  	v8 =	vor.u32 v48, v6;
	_ =	sdelay $0x3  }
0x250: {  	[tilespmem:v7+s25+$0x0] =	vst.idx.msk $0xffff, v5  }
0x251: {  	v7 =	vor.u32 v32, v4;
	v5 =	vld.idx.msk [tilespmem:v8+s10+$0x0], $0xffff  }
0x252: {  	v8 =	vor.u32 v49, v6;
	_ =	sdelay $0x3  }
0x253: {  	[tilespmem:v7+s25+$0x0] =	vst.idx.msk $0xffff, v5  }
0x254: {  	v7 =	vor.u32 v33, v4;
	v5 =	vld.idx.msk [tilespmem:v8+s10+$0x0], $0xffff  }
0x255: {  	v6 =	vor.u32 v50, v6;
	_ =	sdelay $0x3  }
0x256: {  	[tilespmem:v7+s25+$0x0] =	vst.idx.msk $0xffff, v5  }
0x257: {  	v4 =	vor.u32 v34, v4;
	v5 =	vld.idx.msk [tilespmem:v6+s10+$0x0], $0xffff;
	v6 =	vor.u32 s31, v43  }
0x258: {  	v6 =	vshll.u32 v6, $0x6  }
0x259: {  	v7 =	vor.u32 v0, v6;
	_ =	sdelay $0x2  }
0x25a: {  	[tilespmem:v4+s25+$0x0] =	vst.idx.msk $0xffff, v5;
	v4 =	vor.u32 s31, v39  }
0x25b: {  	v4 =	vand.u32 $0x78, v4  }
0x25c: {  	v5 =	vld.idx.msk [tilespmem:v7+s10+$0x0], $0xffff;
	v7 =	vor.u32 v51, v4  }
0x25d: {  	v8 =	vor.u32 v48, v6;
	_ =	sdelay $0x3  }
0x25e: {  	[tilespmem:v7+s25+$0x0] =	vst.idx.msk $0xffff, v5  }
0x25f: {  	v7 =	vor.u32 v52, v4;
	v5 =	vld.idx.msk [tilespmem:v8+s10+$0x0], $0xffff  }
0x260: {  	v8 =	vor.u32 v49, v6;
	_ =	sdelay $0x3  }
0x261: {  	[tilespmem:v7+s25+$0x0] =	vst.idx.msk $0xffff, v5  }
0x262: {  	v7 =	vor.u32 v53, v4;
	v5 =	vld.idx.msk [tilespmem:v8+s10+$0x0], $0xffff  }
0x263: {  	v6 =	vor.u32 v50, v6;
	_ =	sdelay $0x3  }
0x264: {  	[tilespmem:v7+s25+$0x0] =	vst.idx.msk $0xffff, v5  }
0x265: {  	v4 =	vor.u32 v54, v4;
	v5 =	vld.idx.msk [tilespmem:v6+s10+$0x0], $0xffff;
	v6 =	vor.u32 s31, v35  }
0x266: {  	v6 =	vshll.u32 v6, $0x6  }
0x267: {  	v7 =	vor.u32 v0, v6;
	_ =	sdelay $0x2  }
0x268: {  	[tilespmem:v4+s25+$0x0] =	vst.idx.msk $0xffff, v5;
	v4 =	vor.u32 s31, v44  }
0x269: {  	v4 =	vand.u32 $0x78, v4  }
0x26a: {  	v5 =	vld.idx.msk [tilespmem:v7+s10+$0x0], $0xffff;
	v7 =	vor.u32 v55, v4  }
0x26b: {  	v8 =	vor.u32 v48, v6;
	_ =	sdelay $0x3  }
0x26c: {  	[tilespmem:v7+s25+$0x0] =	vst.idx.msk $0xffff, v5  }
0x26d: {  	v7 =	vor.u32 v56, v4;
	v5 =	vld.idx.msk [tilespmem:v8+s10+$0x0], $0xffff  }
0x26e: {  	v8 =	vor.u32 v49, v6;
	_ =	sdelay $0x3  }
0x26f: {  	[tilespmem:v7+s25+$0x0] =	vst.idx.msk $0xffff, v5  }
0x270: {  	v7 =	vor.u32 v57, v4;
	v5 =	vld.idx.msk [tilespmem:v8+s10+$0x0], $0xffff  }
0x271: {  	v6 =	vor.u32 v50, v6;
	_ =	sdelay $0x3  }
0x272: {  	[tilespmem:v7+s25+$0x0] =	vst.idx.msk $0xffff, v5  }
0x273: {  	v4 =	vor.u32 v58, v4;
	v5 =	vld.idx.msk [tilespmem:v6+s10+$0x0], $0xffff;
	v6 =	vor.u32 s31, v11  }
0x274: {  	v6 =	vshll.u32 v6, $0x6  }
0x275: {  	v7 =	vor.u32 v0, v6;
	_ =	sdelay $0x2  }
0x276: {  	[tilespmem:v4+s25+$0x0] =	vst.idx.msk $0xffff, v5;
	v4 =	vor.u32 s31, v45  }
0x277: {  	v4 =	vand.u32 $0x78, v4  }
0x278: {  	v5 =	vld.idx.msk [tilespmem:v7+s10+$0x0], $0xffff;
	v7 =	vor.u32 v59, v4  }
0x279: {  	v8 =	vor.u32 v48, v6;
	_ =	sdelay $0x3  }
0x27a: {  	[tilespmem:v7+s25+$0x0] =	vst.idx.msk $0xffff, v5  }
0x27b: {  	v7 =	vor.u32 v60, v4;
	v5 =	vld.idx.msk [tilespmem:v8+s10+$0x0], $0xffff  }
0x27c: {  	v8 =	vor.u32 v49, v6;
	_ =	sdelay $0x3  }
0x27d: {  	[tilespmem:v7+s25+$0x0] =	vst.idx.msk $0xffff, v5  }
0x27e: {  	v7 =	vor.u32 v61, v4;
	v5 =	vld.idx.msk [tilespmem:v8+s10+$0x0], $0xffff  }
0x27f: {  	v6 =	vor.u32 v50, v6;
	_ =	sdelay $0x3  }
0x280: {  	[tilespmem:v7+s25+$0x0] =	vst.idx.msk $0xffff, v5  }
0x281: {  	v4 =	vor.u32 v62, v4;
	v5 =	vld.idx.msk [tilespmem:v6+s10+$0x0], $0xffff;
	v6 =	vor.u32 s31, v14  }
0x282: {  	v6 =	vshll.u32 v6, $0x6  }
0x283: {  	v7 =	vor.u32 v0, v6;
	_ =	sdelay $0x2  }
0x284: {  	[tilespmem:v4+s25+$0x0] =	vst.idx.msk $0xffff, v5;
	v4 =	vor.u32 s31, v46  }
0x285: {  	v4 =	vand.u32 $0x78, v4  }
0x286: {  	v5 =	vld.idx.msk [tilespmem:v7+s10+$0x0], $0xffff;
	v7 =	vor.u32 v63, v4  }
0x287: {  	v8 =	vor.u32 v48, v6;
	_ =	sdelay $0x3  }
0x288: {  	[tilespmem:v7+s25+$0x0] =	vst.idx.msk $0xffff, v5  }
0x289: {  	v7 =	vor.u32 v16, v4;
	v5 =	vld.idx.msk [tilespmem:v8+s10+$0x0], $0xffff  }
0x28a: {  	v8 =	vor.u32 v49, v6;
	_ =	sdelay $0x3  }
0x28b: {  	[tilespmem:v7+s25+$0x0] =	vst.idx.msk $0xffff, v5  }
0x28c: {  	v7 =	vor.u32 v17, v4;
	v5 =	vld.idx.msk [tilespmem:v8+s10+$0x0], $0xffff  }
0x28d: {  	v6 =	vor.u32 v50, v6;
	_ =	sdelay $0x3  }
0x28e: {  	[tilespmem:v7+s25+$0x0] =	vst.idx.msk $0xffff, v5  }
0x28f: {  	v4 =	vor.u32 v18, v4;
	v5 =	vld.idx.msk [tilespmem:v6+s10+$0x0], $0xffff;
	v6 =	vor.u32 s31, v40  }
0x290: {  	v6 =	vshll.u32 v6, $0x6  }
0x291: {  	v7 =	vor.u32 v0, v6;
	_ =	sdelay $0x2  }
0x292: {  	[tilespmem:v4+s25+$0x0] =	vst.idx.msk $0xffff, v5;
	v4 =	vor.u32 s31, v47  }
0x293: {  	v4 =	vand.u32 $0x78, v4  }
0x294: {  	v5 =	vld.idx.msk [tilespmem:v7+s10+$0x0], $0xffff;
	v7 =	vor.u32 v19, v4  }
0x295: {  	v8 =	vor.u32 v48, v6;
	_ =	sdelay $0x3  }
0x296: {  	[tilespmem:v7+s25+$0x0] =	vst.idx.msk $0xffff, v5  }
0x297: {  	v7 =	vor.u32 v20, v4;
	v5 =	vld.idx.msk [tilespmem:v8+s10+$0x0], $0xffff  }
0x298: {  	v8 =	vor.u32 v49, v6;
	_ =	sdelay $0x3  }
0x299: {  	[tilespmem:v7+s25+$0x0] =	vst.idx.msk $0xffff, v5  }
0x29a: {  	v7 =	vor.u32 v21, v4;
	v5 =	vld.idx.msk [tilespmem:v8+s10+$0x0], $0xffff  }
0x29b: {  	v6 =	vor.u32 v50, v6;
	_ =	sdelay $0x3  }
0x29c: {  	[tilespmem:v7+s25+$0x0] =	vst.idx.msk $0xffff, v5  }
0x29d: {  	v4 =	vor.u32 v22, v4;
	v5 =	vld.idx.msk [tilespmem:v6+s10+$0x0], $0xffff;
	v6 =	vor.u32 s31, v1  }
0x29e: {  	v6 =	vshll.u32 v6, $0x6  }
0x29f: {  	v7 =	vor.u32 v0, v6;
	_ =	sdelay $0x2  }
0x2a0: {  	[tilespmem:v4+s25+$0x0] =	vst.idx.msk $0xffff, v5;
	v4 =	vor.u32 s31, v9  }
0x2a1: {  	v4 =	vand.u32 $0x78, v4  }
0x2a2: {  	v5 =	vld.idx.msk [tilespmem:v7+s10+$0x0], $0xffff;
	v7 =	vor.u32 v23, v4  }
0x2a3: {  	v8 =	vor.u32 v48, v6;
	_ =	sdelay $0x3  }
0x2a4: {  	[tilespmem:v7+s25+$0x0] =	vst.idx.msk $0xffff, v5  }
0x2a5: {  	v7 =	vor.u32 v24, v4;
	v5 =	vld.idx.msk [tilespmem:v8+s10+$0x0], $0xffff  }
0x2a6: {  	v8 =	vor.u32 v49, v6;
	_ =	sdelay $0x3  }
0x2a7: {  	[tilespmem:v7+s25+$0x0] =	vst.idx.msk $0xffff, v5  }
0x2a8: {  	v7 =	vor.u32 v25, v4;
	v5 =	vld.idx.msk [tilespmem:v8+s10+$0x0], $0xffff  }
0x2a9: {  	v6 =	vor.u32 v50, v6;
	_ =	sdelay $0x3  }
0x2aa: {  	[tilespmem:v7+s25+$0x0] =	vst.idx.msk $0xffff, v5  }
0x2ab: {  	v4 =	vor.u32 v26, v4;
	v5 =	vld.idx.msk [tilespmem:v6+s10+$0x0], $0xffff;
	v6 =	vor.u32 s31, v2  }
0x2ac: {  	v6 =	vshll.u32 v6, $0x6  }
0x2ad: {  	v7 =	vor.u32 v0, v6;
	_ =	sdelay $0x2  }
0x2ae: {  	[tilespmem:v4+s25+$0x0] =	vst.idx.msk $0xffff, v5;
	v4 =	vor.u32 s31, v12  }
0x2af: {  	v4 =	vand.u32 $0x78, v4  }
0x2b0: {  	v5 =	vld.idx.msk [tilespmem:v7+s10+$0x0], $0xffff;
	v7 =	vor.u32 v27, v4  }
0x2b1: {  	v8 =	vor.u32 v48, v6;
	_ =	sdelay $0x3  }
0x2b2: {  	[tilespmem:v7+s25+$0x0] =	vst.idx.msk $0xffff, v5  }
0x2b3: {  	v7 =	vor.u32 v28, v4;
	v5 =	vld.idx.msk [tilespmem:v8+s10+$0x0], $0xffff  }
0x2b4: {  	v8 =	vor.u32 v49, v6;
	_ =	sdelay $0x3  }
0x2b5: {  	[tilespmem:v7+s25+$0x0] =	vst.idx.msk $0xffff, v5  }
0x2b6: {  	v7 =	vor.u32 v29, v4;
	v5 =	vld.idx.msk [tilespmem:v8+s10+$0x0], $0xffff  }
0x2b7: {  	v6 =	vor.u32 v50, v6;
	_ =	sdelay $0x3  }
0x2b8: {  	[tilespmem:v7+s25+$0x0] =	vst.idx.msk $0xffff, v5  }
0x2b9: {  	v4 =	vor.u32 v30, v4;
	v5 =	vld.idx.msk [tilespmem:v6+s10+$0x0], $0xffff;
	v6 =	vor.u32 s31, v3  }
0x2ba: {  	v6 =	vshll.u32 v6, $0x6  }
0x2bb: {  	v7 =	vor.u32 v0, v6;
	_ =	sdelay $0x2  }
0x2bc: {  	[tilespmem:v4+s25+$0x0] =	vst.idx.msk $0xffff, v5;
	v4 =	vor.u32 s31, v10  }
0x2bd: {  	v4 =	vand.u32 $0x78, v4  }
0x2be: {  	v5 =	vld.idx.msk [tilespmem:v7+s10+$0x0], $0xffff;
	v7 =	vor.u32 v31, v4  }
0x2bf: {  	v8 =	vor.u32 v48, v6;
	_ =	sdelay $0x3  }
0x2c0: {  	[tilespmem:v7+s25+$0x0] =	vst.idx.msk $0xffff, v5  }
0x2c1: {  	v7 =	vor.u32 v32, v4;
	v5 =	vld.idx.msk [tilespmem:v8+s10+$0x0], $0xffff  }
0x2c2: {  	v8 =	vor.u32 v49, v6;
	_ =	sdelay $0x3  }
0x2c3: {  	[tilespmem:v7+s25+$0x0] =	vst.idx.msk $0xffff, v5  }
0x2c4: {  	v7 =	vor.u32 v33, v4;
	v5 =	vld.idx.msk [tilespmem:v8+s10+$0x0], $0xffff  }
0x2c5: {  	p1 =	sne.s32 s8, $0x70;
	v8 =	vor.u32 v50, v6  }
.Ltmp0:
0x2c6: {  	_ = 	snop;
	(pc) =	sbr.rel @p1 .LBB2_3-.Ltmp0, $3  }
0x2c7: {  	_ =	sdelay $0x1  }
0x2c8: {  	s31 =	smov.u32 s8;
	[tilespmem:v7+s25+$0x0] =	vst.idx.msk $0xffff, v5  }
0x2c9: {  	s8 =	sadd.s32 $0x10, s8;
	v6 =	vor.u32 s31, v13;
	v5 =	vld.idx.msk [tilespmem:v8+s10+$0x0], $0xffff  }
0x2ca: {  	v6 =	vshll.u32 v6, $0x6;
	v4 =	vor.u32 v34, v4  }
0x2cb: {  	v7 =	vor.u32 v0, v6;
	_ =	sdelay $0x2  }
0x2cc: {  	v8 =	vor.u32 s31, v0  }
0x2cd: {  	[tilespmem:v4+s25+$0x0] =	vst.idx.msk $0xffff, v5;
	v4 =	vand.u32 $0x78, v8  }
0x2ce: {  	v5 =	vld.idx.msk [tilespmem:v7+s10+$0x0], $0xffff;
	v7 =	vor.u32 v51, v4  }
0x2cf: {  	v8 =	vor.u32 v48, v6;
	_ =	sdelay $0x3  }
0x2d0: {  	[tilespmem:v7+s25+$0x0] =	vst.idx.msk $0xffff, v5  }
0x2d1: {  	v7 =	vor.u32 v52, v4;
	v5 =	vld.idx.msk [tilespmem:v8+s10+$0x0], $0xffff  }
0x2d2: {  	v8 =	vor.u32 v49, v6;
	_ =	sdelay $0x3  }
0x2d3: {  	[tilespmem:v7+s25+$0x0] =	vst.idx.msk $0xffff, v5  }
0x2d4: {  	v7 =	vor.u32 v53, v4;
	v5 =	vld.idx.msk [tilespmem:v8+s10+$0x0], $0xffff;
	_ =	sdelay $0x4  }
0x2d5: {  	[tilespmem:v7+s25+$0x0] =	vst.idx.msk $0xffff, v5;
	v5 =	vld [tilespmem:$0x1FD70]  }
0x2d6: {  	v6 =	vor.u32 v50, v6;
	_ =	sdelay $0x3  }
0x2d7: {  	v8 =	vld [tilespmem:$0x1FFC0];
	v5 =	vor.u32 s31, v5  }
0x2d8: {  	v4 =	vor.u32 v54, v4;
	v6 =	vld.idx.msk [tilespmem:v6+s10+$0x0], $0xffff;
	v5 =	vshll.u32 v5, $0x6  }
0x2d9: {  	v7 =	vor.u32 v0, v5;
	_ =	sdelay $0x2  }
0x2da: {  	v8 =	vor.u32 s31, v8  }
0x2db: {  	[tilespmem:v4+s25+$0x0] =	vst.idx.msk $0xffff, v6;
	v4 =	vand.u32 $0x78, v8  }
0x2dc: {  	v6 =	vld.idx.msk [tilespmem:v7+s10+$0x0], $0xffff;
	v7 =	vor.u32 v55, v4  }
0x2dd: {  	v8 =	vor.u32 v48, v5;
	_ =	sdelay $0x3  }
0x2de: {  	[tilespmem:v7+s25+$0x0] =	vst.idx.msk $0xffff, v6  }
0x2df: {  	v7 =	vor.u32 v56, v4;
	v6 =	vld.idx.msk [tilespmem:v8+s10+$0x0], $0xffff  }
0x2e0: {  	v8 =	vor.u32 v49, v5;
	_ =	sdelay $0x3  }
0x2e1: {  	[tilespmem:v7+s25+$0x0] =	vst.idx.msk $0xffff, v6  }
0x2e2: {  	v7 =	vor.u32 v57, v4;
	v6 =	vld.idx.msk [tilespmem:v8+s10+$0x0], $0xffff;
	_ =	sdelay $0x4  }
0x2e3: {  	[tilespmem:v7+s25+$0x0] =	vst.idx.msk $0xffff, v6;
	v6 =	vld [tilespmem:$0x1FD80]  }
0x2e4: {  	v5 =	vor.u32 v50, v5;
	_ =	sdelay $0x3  }
0x2e5: {  	v8 =	vld [tilespmem:$0x1FFD0];
	v6 =	vor.u32 s31, v6  }
0x2e6: {  	v4 =	vor.u32 v58, v4;
	v5 =	vld.idx.msk [tilespmem:v5+s10+$0x0], $0xffff;
	v6 =	vshll.u32 v6, $0x6  }
0x2e7: {  	v7 =	vor.u32 v0, v6;
	_ =	sdelay $0x2  }
0x2e8: {  	v8 =	vor.u32 s31, v8  }
0x2e9: {  	[tilespmem:v4+s25+$0x0] =	vst.idx.msk $0xffff, v5;
	v4 =	vand.u32 $0x78, v8  }
0x2ea: {  	v5 =	vld.idx.msk [tilespmem:v7+s10+$0x0], $0xffff;
	v7 =	vor.u32 v59, v4  }
0x2eb: {  	v8 =	vor.u32 v48, v6;
	_ =	sdelay $0x3  }
0x2ec: {  	[tilespmem:v7+s25+$0x0] =	vst.idx.msk $0xffff, v5  }
0x2ed: {  	v7 =	vor.u32 v60, v4;
	v5 =	vld.idx.msk [tilespmem:v8+s10+$0x0], $0xffff  }
0x2ee: {  	v8 =	vor.u32 v49, v6;
	_ =	sdelay $0x3  }
0x2ef: {  	[tilespmem:v7+s25+$0x0] =	vst.idx.msk $0xffff, v5  }
0x2f0: {  	v7 =	vor.u32 v61, v4;
	v5 =	vld.idx.msk [tilespmem:v8+s10+$0x0], $0xffff;
	_ =	sdelay $0x4  }
0x2f1: {  	[tilespmem:v7+s25+$0x0] =	vst.idx.msk $0xffff, v5;
	v5 =	vld [tilespmem:$0x1FD90]  }
0x2f2: {  	v6 =	vor.u32 v50, v6;
	_ =	sdelay $0x3  }
0x2f3: {  	v8 =	vld [tilespmem:$0x1FFE0];
	v5 =	vor.u32 s31, v5  }
0x2f4: {  	v4 =	vor.u32 v62, v4;
	v6 =	vld.idx.msk [tilespmem:v6+s10+$0x0], $0xffff;
	v5 =	vshll.u32 v5, $0x6  }
0x2f5: {  	v7 =	vor.u32 v0, v5;
	_ =	sdelay $0x2  }
0x2f6: {  	v8 =	vor.u32 s31, v8  }
0x2f7: {  	[tilespmem:v4+s25+$0x0] =	vst.idx.msk $0xffff, v6;
	v4 =	vand.u32 $0x78, v8  }
0x2f8: {  	v6 =	vld.idx.msk [tilespmem:v7+s10+$0x0], $0xffff;
	v7 =	vor.u32 v63, v4  }
0x2f9: {  	v8 =	vor.u32 v48, v5;
	_ =	sdelay $0x3  }
0x2fa: {  	[tilespmem:v7+s25+$0x0] =	vst.idx.msk $0xffff, v6  }
0x2fb: {  	v7 =	vor.u32 v16, v4;
	v6 =	vld.idx.msk [tilespmem:v8+s10+$0x0], $0xffff  }
0x2fc: {  	v8 =	vor.u32 v49, v5;
	_ =	sdelay $0x3  }
0x2fd: {  	[tilespmem:v7+s25+$0x0] =	vst.idx.msk $0xffff, v6  }
0x2fe: {  	v7 =	vor.u32 v17, v4;
	v6 =	vld.idx.msk [tilespmem:v8+s10+$0x0], $0xffff;
	_ =	sdelay $0x4  }
0x2ff: {  	[tilespmem:v7+s25+$0x0] =	vst.idx.msk $0xffff, v6;
	v6 =	vld [tilespmem:$0x1FDA0]  }
0x300: {  	v5 =	vor.u32 v50, v5;
	_ =	sdelay $0x3  }
0x301: {  	v13 =	vld [tilespmem:$0x1FFF0];
	v6 =	vor.u32 s31, v6  }
0x302: {  	v4 =	vor.u32 v18, v4;
	v5 =	vld.idx.msk [tilespmem:v5+s10+$0x0], $0xffff;
	v6 =	vshll.u32 v6, $0x6  }
0x303: {  	v7 =	vor.u32 v0, v6;
	_ =	sdelay $0x2  }
0x304: {  	v8 =	vor.u32 s31, v13  }
0x305: {  	[tilespmem:v4+s25+$0x0] =	vst.idx.msk $0xffff, v5;
	v4 =	vand.u32 $0x78, v8  }
0x306: {  	v5 =	vld.idx.msk [tilespmem:v7+s10+$0x0], $0xffff;
	v7 =	vor.u32 v19, v4  }
0x307: {  	v8 =	vor.u32 v48, v6;
	_ =	sdelay $0x3  }
0x308: {  	[tilespmem:v7+s25+$0x0] =	vst.idx.msk $0xffff, v5  }
0x309: {  	v7 =	vor.u32 v20, v4;
	v5 =	vld.idx.msk [tilespmem:v8+s10+$0x0], $0xffff  }
0x30a: {  	v8 =	vor.u32 v49, v6;
	_ =	sdelay $0x3  }
0x30b: {  	[tilespmem:v7+s25+$0x0] =	vst.idx.msk $0xffff, v5  }
0x30c: {  	v7 =	vor.u32 v21, v4;
	v5 =	vld.idx.msk [tilespmem:v8+s10+$0x0], $0xffff  }
0x30d: {  	v6 =	vor.u32 v50, v6;
	_ =	sdelay $0x3  }
0x30e: {  	[tilespmem:v7+s25+$0x0] =	vst.idx.msk $0xffff, v5;
	v5 =	vor.u32 s31, v41  }
0x30f: {  	v4 =	vor.u32 v22, v4;
	v6 =	vld.idx.msk [tilespmem:v6+s10+$0x0], $0xffff;
	v5 =	vshll.u32 v5, $0x6  }
0x310: {  	v7 =	vor.u32 v0, v5;
	_ =	sdelay $0x2  }
0x311: {  	v8 =	vor.u32 s31, v36  }
0x312: {  	[tilespmem:v4+s25+$0x0] =	vst.idx.msk $0xffff, v6;
	v4 =	vand.u32 $0x78, v8  }
0x313: {  	v6 =	vld.idx.msk [tilespmem:v7+s10+$0x0], $0xffff;
	v7 =	vor.u32 v23, v4  }
0x314: {  	v8 =	vor.u32 v48, v5;
	_ =	sdelay $0x3  }
0x315: {  	[tilespmem:v7+s25+$0x0] =	vst.idx.msk $0xffff, v6  }
0x316: {  	v7 =	vor.u32 v24, v4;
	v6 =	vld.idx.msk [tilespmem:v8+s10+$0x0], $0xffff  }
0x317: {  	v8 =	vor.u32 v49, v5;
	_ =	sdelay $0x3  }
0x318: {  	[tilespmem:v7+s25+$0x0] =	vst.idx.msk $0xffff, v6  }
0x319: {  	v7 =	vor.u32 v25, v4;
	v6 =	vld.idx.msk [tilespmem:v8+s10+$0x0], $0xffff  }
0x31a: {  	v5 =	vor.u32 v50, v5;
	_ =	sdelay $0x3  }
0x31b: {  	[tilespmem:v7+s25+$0x0] =	vst.idx.msk $0xffff, v6;
	v6 =	vor.u32 s31, v15  }
0x31c: {  	v4 =	vor.u32 v26, v4;
	v5 =	vld.idx.msk [tilespmem:v5+s10+$0x0], $0xffff;
	v6 =	vshll.u32 v6, $0x6  }
0x31d: {  	v7 =	vor.u32 v0, v6;
	_ =	sdelay $0x2  }
0x31e: {  	v8 =	vor.u32 s31, v37  }
0x31f: {  	[tilespmem:v4+s25+$0x0] =	vst.idx.msk $0xffff, v5;
	v4 =	vand.u32 $0x78, v8  }
0x320: {  	v5 =	vld.idx.msk [tilespmem:v7+s10+$0x0], $0xffff;
	v7 =	vor.u32 v27, v4  }
0x321: {  	v8 =	vor.u32 v48, v6;
	_ =	sdelay $0x3  }
0x322: {  	[tilespmem:v7+s25+$0x0] =	vst.idx.msk $0xffff, v5  }
0x323: {  	v7 =	vor.u32 v28, v4;
	v5 =	vld.idx.msk [tilespmem:v8+s10+$0x0], $0xffff  }
0x324: {  	v8 =	vor.u32 v49, v6;
	_ =	sdelay $0x3  }
0x325: {  	[tilespmem:v7+s25+$0x0] =	vst.idx.msk $0xffff, v5  }
0x326: {  	v7 =	vor.u32 v29, v4;
	v5 =	vld.idx.msk [tilespmem:v8+s10+$0x0], $0xffff  }
0x327: {  	v6 =	vor.u32 v50, v6;
	_ =	sdelay $0x3  }
0x328: {  	[tilespmem:v7+s25+$0x0] =	vst.idx.msk $0xffff, v5;
	v5 =	vor.u32 s31, v42  }
0x329: {  	v4 =	vor.u32 v30, v4;
	v6 =	vld.idx.msk [tilespmem:v6+s10+$0x0], $0xffff;
	v5 =	vshll.u32 v5, $0x6  }
0x32a: {  	v7 =	vor.u32 v0, v5;
	_ =	sdelay $0x2  }
0x32b: {  	v8 =	vor.u32 s31, v38  }
0x32c: {  	[tilespmem:v4+s25+$0x0] =	vst.idx.msk $0xffff, v6;
	v4 =	vand.u32 $0x78, v8  }
0x32d: {  	v6 =	vld.idx.msk [tilespmem:v7+s10+$0x0], $0xffff;
	v7 =	vor.u32 v31, v4  }
0x32e: {  	v8 =	vor.u32 v48, v5;
	_ =	sdelay $0x3  }
0x32f: {  	[tilespmem:v7+s25+$0x0] =	vst.idx.msk $0xffff, v6  }
0x330: {  	v7 =	vor.u32 v32, v4;
	v6 =	vld.idx.msk [tilespmem:v8+s10+$0x0], $0xffff  }
0x331: {  	v8 =	vor.u32 v49, v5;
	_ =	sdelay $0x3  }
0x332: {  	[tilespmem:v7+s25+$0x0] =	vst.idx.msk $0xffff, v6  }
0x333: {  	v7 =	vor.u32 v33, v4;
	v6 =	vld.idx.msk [tilespmem:v8+s10+$0x0], $0xffff  }
0x334: {  	v5 =	vor.u32 v50, v5;
	_ =	sdelay $0x3  }
0x335: {  	[tilespmem:v7+s25+$0x0] =	vst.idx.msk $0xffff, v6;
	v6 =	vor.u32 s31, v43  }
0x336: {  	v4 =	vor.u32 v34, v4;
	v5 =	vld.idx.msk [tilespmem:v5+s10+$0x0], $0xffff;
	v6 =	vshll.u32 v6, $0x6  }
0x337: {  	v7 =	vor.u32 v0, v6;
	_ =	sdelay $0x2  }
0x338: {  	v8 =	vor.u32 s31, v39  }
0x339: {  	[tilespmem:v4+s25+$0x0] =	vst.idx.msk $0xffff, v5;
	v4 =	vand.u32 $0x78, v8  }
0x33a: {  	v5 =	vld.idx.msk [tilespmem:v7+s10+$0x0], $0xffff;
	v7 =	vor.u32 v51, v4  }
0x33b: {  	v8 =	vor.u32 v48, v6;
	_ =	sdelay $0x3  }
0x33c: {  	[tilespmem:v7+s25+$0x0] =	vst.idx.msk $0xffff, v5  }
0x33d: {  	v7 =	vor.u32 v52, v4;
	v5 =	vld.idx.msk [tilespmem:v8+s10+$0x0], $0xffff  }
0x33e: {  	v8 =	vor.u32 v49, v6;
	_ =	sdelay $0x3  }
0x33f: {  	[tilespmem:v7+s25+$0x0] =	vst.idx.msk $0xffff, v5  }
0x340: {  	v7 =	vor.u32 v53, v4;
	v5 =	vld.idx.msk [tilespmem:v8+s10+$0x0], $0xffff  }
0x341: {  	v6 =	vor.u32 v50, v6;
	_ =	sdelay $0x3  }
0x342: {  	[tilespmem:v7+s25+$0x0] =	vst.idx.msk $0xffff, v5;
	v5 =	vor.u32 s31, v35  }
0x343: {  	v4 =	vor.u32 v54, v4;
	v6 =	vld.idx.msk [tilespmem:v6+s10+$0x0], $0xffff;
	v5 =	vshll.u32 v5, $0x6  }
0x344: {  	v7 =	vor.u32 v0, v5;
	_ =	sdelay $0x2  }
0x345: {  	v8 =	vor.u32 s31, v44  }
0x346: {  	[tilespmem:v4+s25+$0x0] =	vst.idx.msk $0xffff, v6;
	v4 =	vand.u32 $0x78, v8  }
0x347: {  	v6 =	vld.idx.msk [tilespmem:v7+s10+$0x0], $0xffff;
	v7 =	vor.u32 v55, v4  }
0x348: {  	v8 =	vor.u32 v48, v5;
	_ =	sdelay $0x3  }
0x349: {  	[tilespmem:v7+s25+$0x0] =	vst.idx.msk $0xffff, v6  }
0x34a: {  	v7 =	vor.u32 v56, v4;
	v6 =	vld.idx.msk [tilespmem:v8+s10+$0x0], $0xffff  }
0x34b: {  	v8 =	vor.u32 v49, v5;
	_ =	sdelay $0x3  }
0x34c: {  	[tilespmem:v7+s25+$0x0] =	vst.idx.msk $0xffff, v6  }
0x34d: {  	v7 =	vor.u32 v57, v4;
	v6 =	vld.idx.msk [tilespmem:v8+s10+$0x0], $0xffff  }
0x34e: {  	v5 =	vor.u32 v50, v5;
	_ =	sdelay $0x3  }
0x34f: {  	[tilespmem:v7+s25+$0x0] =	vst.idx.msk $0xffff, v6;
	v6 =	vor.u32 s31, v11  }
0x350: {  	v4 =	vor.u32 v58, v4;
	v5 =	vld.idx.msk [tilespmem:v5+s10+$0x0], $0xffff;
	v6 =	vshll.u32 v6, $0x6  }
0x351: {  	v7 =	vor.u32 v0, v6;
	_ =	sdelay $0x2  }
0x352: {  	v8 =	vor.u32 s31, v45  }
0x353: {  	[tilespmem:v4+s25+$0x0] =	vst.idx.msk $0xffff, v5;
	v4 =	vand.u32 $0x78, v8  }
0x354: {  	v5 =	vld.idx.msk [tilespmem:v7+s10+$0x0], $0xffff;
	v7 =	vor.u32 v59, v4  }
0x355: {  	v8 =	vor.u32 v48, v6;
	_ =	sdelay $0x3  }
0x356: {  	[tilespmem:v7+s25+$0x0] =	vst.idx.msk $0xffff, v5  }
0x357: {  	v7 =	vor.u32 v60, v4;
	v5 =	vld.idx.msk [tilespmem:v8+s10+$0x0], $0xffff  }
0x358: {  	v8 =	vor.u32 v49, v6;
	_ =	sdelay $0x3  }
0x359: {  	[tilespmem:v7+s25+$0x0] =	vst.idx.msk $0xffff, v5  }
0x35a: {  	v7 =	vor.u32 v61, v4;
	v5 =	vld.idx.msk [tilespmem:v8+s10+$0x0], $0xffff  }
0x35b: {  	v6 =	vor.u32 v50, v6;
	_ =	sdelay $0x3  }
0x35c: {  	[tilespmem:v7+s25+$0x0] =	vst.idx.msk $0xffff, v5;
	v5 =	vor.u32 s31, v14  }
0x35d: {  	v4 =	vor.u32 v62, v4;
	v6 =	vld.idx.msk [tilespmem:v6+s10+$0x0], $0xffff;
	v5 =	vshll.u32 v5, $0x6  }
0x35e: {  	v7 =	vor.u32 v0, v5;
	_ =	sdelay $0x2  }
0x35f: {  	v8 =	vor.u32 s31, v46  }
0x360: {  	[tilespmem:v4+s25+$0x0] =	vst.idx.msk $0xffff, v6;
	v4 =	vand.u32 $0x78, v8  }
0x361: {  	v6 =	vld.idx.msk [tilespmem:v7+s10+$0x0], $0xffff;
	v7 =	vor.u32 v63, v4  }
0x362: {  	v8 =	vor.u32 v48, v5;
	_ =	sdelay $0x3  }
0x363: {  	[tilespmem:v7+s25+$0x0] =	vst.idx.msk $0xffff, v6  }
0x364: {  	v7 =	vor.u32 v16, v4;
	v6 =	vld.idx.msk [tilespmem:v8+s10+$0x0], $0xffff  }
0x365: {  	v8 =	vor.u32 v49, v5;
	_ =	sdelay $0x3  }
0x366: {  	[tilespmem:v7+s25+$0x0] =	vst.idx.msk $0xffff, v6  }
0x367: {  	v7 =	vor.u32 v17, v4;
	v6 =	vld.idx.msk [tilespmem:v8+s10+$0x0], $0xffff  }
0x368: {  	v5 =	vor.u32 v50, v5;
	_ =	sdelay $0x3  }
0x369: {  	[tilespmem:v7+s25+$0x0] =	vst.idx.msk $0xffff, v6;
	v6 =	vor.u32 s31, v40  }
0x36a: {  	v4 =	vor.u32 v18, v4;
	v5 =	vld.idx.msk [tilespmem:v5+s10+$0x0], $0xffff;
	v6 =	vshll.u32 v6, $0x6  }
0x36b: {  	v7 =	vor.u32 v0, v6;
	_ =	sdelay $0x2  }
0x36c: {  	v8 =	vor.u32 s31, v47  }
0x36d: {  	[tilespmem:v4+s25+$0x0] =	vst.idx.msk $0xffff, v5;
	v4 =	vand.u32 $0x78, v8  }
0x36e: {  	v5 =	vld.idx.msk [tilespmem:v7+s10+$0x0], $0xffff;
	v7 =	vor.u32 v19, v4  }
0x36f: {  	v8 =	vor.u32 v48, v6;
	_ =	sdelay $0x3  }
0x370: {  	[tilespmem:v7+s25+$0x0] =	vst.idx.msk $0xffff, v5  }
0x371: {  	v7 =	vor.u32 v20, v4;
	v5 =	vld.idx.msk [tilespmem:v8+s10+$0x0], $0xffff  }
0x372: {  	v8 =	vor.u32 v49, v6;
	_ =	sdelay $0x3  }
0x373: {  	[tilespmem:v7+s25+$0x0] =	vst.idx.msk $0xffff, v5  }
0x374: {  	v7 =	vor.u32 v21, v4;
	v5 =	vld.idx.msk [tilespmem:v8+s10+$0x0], $0xffff  }
0x375: {  	v6 =	vor.u32 v50, v6;
	_ =	sdelay $0x3  }
0x376: {  	v1 =	vor.u32 s31, v1;
	[tilespmem:v7+s25+$0x0] =	vst.idx.msk $0xffff, v5  }
0x377: {  	v1 =	vshll.u32 v1, $0x6;
	v4 =	vor.u32 v22, v4;
	v5 =	vld.idx.msk [tilespmem:v6+s10+$0x0], $0xffff  }
0x378: {  	v6 =	vor.u32 v0, v1;
	_ =	sdelay $0x2  }
0x379: {  	v7 =	vor.u32 s31, v9  }
0x37a: {  	[tilespmem:v4+s25+$0x0] =	vst.idx.msk $0xffff, v5;
	v4 =	vand.u32 $0x78, v7  }
0x37b: {  	v5 =	vld.idx.msk [tilespmem:v6+s10+$0x0], $0xffff;
	v6 =	vor.u32 v23, v4  }
0x37c: {  	v7 =	vor.u32 v48, v1;
	_ =	sdelay $0x3  }
0x37d: {  	[tilespmem:v6+s25+$0x0] =	vst.idx.msk $0xffff, v5  }
0x37e: {  	v6 =	vor.u32 v24, v4;
	v5 =	vld.idx.msk [tilespmem:v7+s10+$0x0], $0xffff  }
0x37f: {  	v7 =	vor.u32 v49, v1;
	_ =	sdelay $0x3  }
0x380: {  	[tilespmem:v6+s25+$0x0] =	vst.idx.msk $0xffff, v5  }
0x381: {  	v6 =	vor.u32 v25, v4;
	v5 =	vld.idx.msk [tilespmem:v7+s10+$0x0], $0xffff  }
0x382: {  	v1 =	vor.u32 v50, v1;
	_ =	sdelay $0x3  }
0x383: {  	v2 =	vor.u32 s31, v2;
	[tilespmem:v6+s25+$0x0] =	vst.idx.msk $0xffff, v5  }
0x384: {  	v2 =	vshll.u32 v2, $0x6;
	v4 =	vor.u32 v26, v4;
	v1 =	vld.idx.msk [tilespmem:v1+s10+$0x0], $0xffff  }
0x385: {  	v5 =	vor.u32 v0, v2;
	_ =	sdelay $0x2  }
0x386: {  	v6 =	vor.u32 s31, v12  }
0x387: {  	[tilespmem:v4+s25+$0x0] =	vst.idx.msk $0xffff, v1;
	v1 =	vand.u32 $0x78, v6  }
0x388: {  	v4 =	vld.idx.msk [tilespmem:v5+s10+$0x0], $0xffff;
	v5 =	vor.u32 v27, v1  }
0x389: {  	v6 =	vor.u32 v48, v2;
	_ =	sdelay $0x3  }
0x38a: {  	[tilespmem:v5+s25+$0x0] =	vst.idx.msk $0xffff, v4  }
0x38b: {  	v5 =	vor.u32 v28, v1;
	v4 =	vld.idx.msk [tilespmem:v6+s10+$0x0], $0xffff  }
0x38c: {  	v6 =	vor.u32 v49, v2;
	_ =	sdelay $0x3  }
0x38d: {  	[tilespmem:v5+s25+$0x0] =	vst.idx.msk $0xffff, v4  }
0x38e: {  	v5 =	vor.u32 v29, v1;
	v4 =	vld.idx.msk [tilespmem:v6+s10+$0x0], $0xffff  }
0x38f: {  	v2 =	vor.u32 v50, v2;
	_ =	sdelay $0x3  }
0x390: {  	v3 =	vor.u32 s31, v3;
	[tilespmem:v5+s25+$0x0] =	vst.idx.msk $0xffff, v4  }
0x391: {  	v3 =	vshll.u32 v3, $0x6;
	v1 =	vor.u32 v30, v1;
	v2 =	vld.idx.msk [tilespmem:v2+s10+$0x0], $0xffff  }
0x392: {  	v4 =	vor.u32 v0, v3;
	_ =	sdelay $0x2  }
0x393: {  	v5 =	vor.u32 s31, v10  }
0x394: {  	[tilespmem:v1+s25+$0x0] =	vst.idx.msk $0xffff, v2;
	v1 =	vand.u32 $0x78, v5  }
0x395: {  	v2 =	vld.idx.msk [tilespmem:v4+s10+$0x0], $0xffff;
	v4 =	vor.u32 v31, v1  }
0x396: {  	v5 =	vor.u32 v48, v3;
	_ =	sdelay $0x3  }
0x397: {  	[tilespmem:v4+s25+$0x0] =	vst.idx.msk $0xffff, v2  }
0x398: {  	v4 =	vor.u32 v32, v1;
	v2 =	vld.idx.msk [tilespmem:v5+s10+$0x0], $0xffff  }
0x399: {  	v5 =	vor.u32 v49, v3;
	_ =	sdelay $0x3  }
0x39a: {  	[tilespmem:v4+s25+$0x0] =	vst.idx.msk $0xffff, v2  }
0x39b: {  	v4 =	vor.u32 v33, v1;
	v2 =	vld.idx.msk [tilespmem:v5+s10+$0x0], $0xffff  }
0x39c: {  	v3 =	vor.u32 v50, v3;
	_ =	sdelay $0x3  }
0x39d: {  	[tilespmem:v4+s25+$0x0] =	vst.idx.msk $0xffff, v2  }
0x39e: {  	v1 =	vor.u32 v34, v1;
	v2 =	vld.idx.msk [tilespmem:v3+s10+$0x0], $0xffff;
	_ =	sdelay $0x2  }
0x39f: {  	s0 =	sshll.u32 s0, $0xF  }
0x3a0: {  	s1 =	sand.u32 $0x3FFFFF80, s1;
	s8 =	sshrl.u32 s0, $0x2  }
.Ltmp1:
0x3a1: {  	s0 =	sadd.s32 s0, s5;
	s11 =	sadd.s32 $0x11900, s8;
	[tilespmem:v1+s25+$0x0] =	vst.idx.msk $0xffff, v2;
	(pc) =	sbr.rel @p0 .LBB2_2-.Ltmp1, $4  }
0x3a2: {  	[hbm4b:s0+s26] =	stream.strided.scatter [tilespmem:s11], [sflag:$0x2], $0x2000, s28, s26, $0x38;
	[tilespmem:$0x15900] =	vst v63  }
0x3a3: {  	v20 =	vld [tilespmem:$0x1FFC0];
	s11 =	sor.u32 $0x1900, s8;
	s0 =	sadd.s32 $0x400, s1  }
0x3a4: {  	v21 =	vld [tilespmem:$0x1FFD0];
	[tilespmem:s11], [sflag:$0x1] =	stream.indirect.gather [hbm4b:s3+s7], $0x40, s0, s7, $0xb8  }
0x3a5: {  	p1 =	por $0x0, $0x0;
	v22 =	vld [tilespmem:$0x1FFE0];
	v8 =	vmovc v10;
	v23 =	vmov v13;
	v6 =	vmov v12;
	s31 =	simm.s32 $0x2;
	v10 =	vmov v9;
	s0 =	simm.s32 $0x1  }
.LBB2_5:
0x3a6: {  	s1 =	sshll.u32 s31, $0x7;
	_ =	swait.ge [sflag:s29], $0x2000  }
0x3a7: {  	s11 =	sand.u32 $0x380, s1;
	[sflag:s29] =	ssyncset.done $0x0  }
0x3a8: {  	s8 =	simm.s32 $0x0;
	v40 =	vor.u32 s11, v0;
	[sflag:s29] =	ssyncadd.s32 $0xFFFFE000  }
0x3a9: {  	v1 =	vor.u32 s8, v40;
	_ =	swait.ge [sflag:s24], $0x2000  }
0x3aa: {  	v1 =	vshll.u32 v1, $0x6;
	v4 =	vld [tilespmem:$0x1FDC0]  }
0x3ab: {  	v2 =	vor.u32 v0, v1;
	_ =	sdelay $0x1  }
0x3ac: {  	s0 =	sand.u32 $0x1, s31  }
0x3ad: {  	s0 =	sshll.u32 s0, $0xD;
	v3 =	vor.u32 s8, v0;
	[sflag:s24] =	ssyncset.done $0x0  }
0x3ae: {  	v3 =	vand.u32 $0x78, v3;
	v12 =	vld [tilespmem:$0x1FDD0];
	[sflag:s24] =	ssyncadd.s32 $0xFFFFE000;
	v51 =	vor.u32 s0, v4  }
0x3af: {  	v2 =	vld.idx.msk [tilespmem:v2+s10+$0x0], $0xffff;
	v4 =	vor.u32 v51, v3  }
0x3b0: {  	v5 =	vor.u32 v48, v1;
	_ =	sdelay $0x3  }
0x3b1: {  	v52 =	vor.u32 s0, v12;
	[tilespmem:v4+s25+$0x0] =	vst.idx.msk $0xffff, v2  }
0x3b2: {  	v4 =	vor.u32 v52, v3;
	v2 =	vld.idx.msk [tilespmem:v5+s10+$0x0], $0xffff  }
0x3b3: {  	v12 =	vld [tilespmem:$0x1FDE0];
	v5 =	vor.u32 v49, v1;
	_ =	sdelay $0x3  }
0x3b4: {  	[tilespmem:v4+s25+$0x0] =	vst.idx.msk $0xffff, v2  }
0x3b5: {  	v53 =	vor.u32 s0, v12;
	v2 =	vld.idx.msk [tilespmem:v5+s10+$0x0], $0xffff  }
0x3b6: {  	v4 =	vor.u32 v53, v3;
	v5 =	vld [tilespmem:$0x1FDF0]  }
0x3b7: {  	v1 =	vor.u32 v50, v1;
	_ =	sdelay $0x2  }
0x3b8: {  	v7 =	vor.u32 s11, v20  }
0x3b9: {  	v12 =	vld [tilespmem:$0x1FE00];
	v54 =	vor.u32 s0, v5;
	[tilespmem:v4+s25+$0x0] =	vst.idx.msk $0xffff, v2;
	v2 =	vor.u32 s8, v7  }
0x3ba: {  	v1 =	vld.idx.msk [tilespmem:v1+s10+$0x0], $0xffff;
	v3 =	vor.u32 v54, v3;
	v2 =	vshll.u32 v2, $0x6  }
0x3bb: {  	v4 =	vor.u32 v0, v2;
	_ =	sdelay $0x2  }
0x3bc: {  	v5 =	vor.u32 s8, v20  }
0x3bd: {  	v55 =	vor.u32 s0, v12;
	v12 =	vld [tilespmem:$0x1FE10];
	[tilespmem:v3+s25+$0x0] =	vst.idx.msk $0xffff, v1;
	v1 =	vand.u32 $0x78, v5  }
0x3be: {  	v3 =	vld.idx.msk [tilespmem:v4+s10+$0x0], $0xffff;
	v4 =	vor.u32 v55, v1  }
0x3bf: {  	v5 =	vor.u32 v48, v2;
	_ =	sdelay $0x3  }
0x3c0: {  	v56 =	vor.u32 s0, v12;
	[tilespmem:v4+s25+$0x0] =	vst.idx.msk $0xffff, v3  }
0x3c1: {  	v4 =	vor.u32 v56, v1;
	v3 =	vld.idx.msk [tilespmem:v5+s10+$0x0], $0xffff  }
0x3c2: {  	v12 =	vld [tilespmem:$0x1FE20];
	v5 =	vor.u32 v49, v2;
	_ =	sdelay $0x3  }
0x3c3: {  	[tilespmem:v4+s25+$0x0] =	vst.idx.msk $0xffff, v3  }
0x3c4: {  	v57 =	vor.u32 s0, v12;
	v3 =	vld.idx.msk [tilespmem:v5+s10+$0x0], $0xffff  }
0x3c5: {  	v4 =	vor.u32 v57, v1;
	v5 =	vld [tilespmem:$0x1FE30]  }
0x3c6: {  	v2 =	vor.u32 v50, v2;
	_ =	sdelay $0x2  }
0x3c7: {  	[tilespmem:$0x1FD30] =	vst v7;
	v7 =	vor.u32 s11, v21  }
0x3c8: {  	v12 =	vld [tilespmem:$0x1FE40];
	v58 =	vor.u32 s0, v5;
	[tilespmem:v4+s25+$0x0] =	vst.idx.msk $0xffff, v3;
	v3 =	vor.u32 s8, v7  }
0x3c9: {  	v2 =	vld.idx.msk [tilespmem:v2+s10+$0x0], $0xffff;
	v1 =	vor.u32 v58, v1;
	v3 =	vshll.u32 v3, $0x6  }
0x3ca: {  	v4 =	vor.u32 v0, v3;
	_ =	sdelay $0x2  }
0x3cb: {  	v5 =	vor.u32 s8, v21  }
0x3cc: {  	v59 =	vor.u32 s0, v12;
	v12 =	vld [tilespmem:$0x1FE50];
	[tilespmem:v1+s25+$0x0] =	vst.idx.msk $0xffff, v2;
	v1 =	vand.u32 $0x78, v5  }
0x3cd: {  	v2 =	vld.idx.msk [tilespmem:v4+s10+$0x0], $0xffff;
	v4 =	vor.u32 v59, v1  }
0x3ce: {  	v5 =	vor.u32 v48, v3;
	_ =	sdelay $0x3  }
0x3cf: {  	v60 =	vor.u32 s0, v12;
	[tilespmem:v4+s25+$0x0] =	vst.idx.msk $0xffff, v2  }
0x3d0: {  	v4 =	vor.u32 v60, v1;
	v2 =	vld.idx.msk [tilespmem:v5+s10+$0x0], $0xffff  }
0x3d1: {  	v12 =	vld [tilespmem:$0x1FE60];
	v5 =	vor.u32 v49, v3;
	_ =	sdelay $0x3  }
0x3d2: {  	[tilespmem:v4+s25+$0x0] =	vst.idx.msk $0xffff, v2  }
0x3d3: {  	v61 =	vor.u32 s0, v12;
	v2 =	vld.idx.msk [tilespmem:v5+s10+$0x0], $0xffff  }
0x3d4: {  	v4 =	vor.u32 v61, v1;
	v5 =	vld [tilespmem:$0x1FE70]  }
0x3d5: {  	v3 =	vor.u32 v50, v3;
	_ =	sdelay $0x2  }
0x3d6: {  	[tilespmem:$0x1FD40] =	vst v7;
	v7 =	vor.u32 s11, v22  }
0x3d7: {  	v12 =	vld [tilespmem:$0x1FE80];
	v62 =	vor.u32 s0, v5;
	[tilespmem:v4+s25+$0x0] =	vst.idx.msk $0xffff, v2;
	v2 =	vor.u32 s8, v7  }
0x3d8: {  	v3 =	vld.idx.msk [tilespmem:v3+s10+$0x0], $0xffff;
	v1 =	vor.u32 v62, v1;
	v2 =	vshll.u32 v2, $0x6  }
0x3d9: {  	v4 =	vor.u32 v0, v2;
	_ =	sdelay $0x2  }
0x3da: {  	v5 =	vor.u32 s8, v22  }
0x3db: {  	v11 =	vld [tilespmem:$0x1FE90];
	v63 =	vor.u32 s0, v12;
	[tilespmem:v1+s25+$0x0] =	vst.idx.msk $0xffff, v3;
	v1 =	vand.u32 $0x78, v5  }
0x3dc: {  	v3 =	vld.idx.msk [tilespmem:v4+s10+$0x0], $0xffff;
	v4 =	vor.u32 v63, v1  }
0x3dd: {  	v5 =	vor.u32 v48, v2;
	_ =	sdelay $0x3  }
0x3de: {  	v16 =	vor.u32 s0, v11;
	[tilespmem:v4+s25+$0x0] =	vst.idx.msk $0xffff, v3  }
0x3df: {  	v4 =	vor.u32 v16, v1;
	v3 =	vld.idx.msk [tilespmem:v5+s10+$0x0], $0xffff  }
0x3e0: {  	v13 =	vmov v8;
	v8 =	vmov v6;
	v6 =	vld [tilespmem:$0x1FEA0];
	v5 =	vor.u32 v49, v2;
	_ =	sdelay $0x3  }
0x3e1: {  	[tilespmem:v4+s25+$0x0] =	vst.idx.msk $0xffff, v3  }
0x3e2: {  	v17 =	vor.u32 s0, v6;
	v3 =	vld.idx.msk [tilespmem:v5+s10+$0x0], $0xffff  }
0x3e3: {  	v4 =	vor.u32 v17, v1;
	v5 =	vld [tilespmem:$0x1FEB0]  }
0x3e4: {  	v2 =	vor.u32 v50, v2;
	_ =	sdelay $0x1  }
0x3e5: {  	v6 =	vor.u32 s11, v23  }
0x3e6: {  	[tilespmem:$0x1FD60] =	vst v6  }
0x3e7: {  	v18 =	vor.u32 s0, v5;
	[tilespmem:v4+s25+$0x0] =	vst.idx.msk $0xffff, v3;
	v3 =	vor.u32 s8, v6;
	v6 =	vld [tilespmem:$0x1FEC0]  }
0x3e8: {  	v2 =	vld.idx.msk [tilespmem:v2+s10+$0x0], $0xffff;
	v1 =	vor.u32 v18, v1;
	v3 =	vshll.u32 v3, $0x6  }
0x3e9: {  	v4 =	vor.u32 v0, v3;
	_ =	sdelay $0x2  }
0x3ea: {  	v5 =	vor.u32 s8, v23  }
0x3eb: {  	v19 =	vor.u32 s0, v6;
	v6 =	vld [tilespmem:$0x1FED0];
	[tilespmem:v1+s25+$0x0] =	vst.idx.msk $0xffff, v2;
	v1 =	vand.u32 $0x78, v5  }
0x3ec: {  	v2 =	vld.idx.msk [tilespmem:v4+s10+$0x0], $0xffff;
	v4 =	vor.u32 v19, v1  }
0x3ed: {  	v5 =	vor.u32 v48, v3;
	_ =	sdelay $0x3  }
0x3ee: {  	v20 =	vor.u32 s0, v6;
	[tilespmem:v4+s25+$0x0] =	vst.idx.msk $0xffff, v2  }
0x3ef: {  	v4 =	vor.u32 v20, v1;
	v2 =	vld.idx.msk [tilespmem:v5+s10+$0x0], $0xffff  }
0x3f0: {  	v6 =	vld [tilespmem:$0x1FEE0];
	v5 =	vor.u32 v49, v3;
	_ =	sdelay $0x3  }
0x3f1: {  	[tilespmem:v4+s25+$0x0] =	vst.idx.msk $0xffff, v2  }
0x3f2: {  	v21 =	vor.u32 s0, v6;
	v2 =	vld.idx.msk [tilespmem:v5+s10+$0x0], $0xffff  }
0x3f3: {  	v4 =	vor.u32 v21, v1;
	v5 =	vld [tilespmem:$0x1FEF0]  }
0x3f4: {  	v3 =	vor.u32 v50, v3;
	_ =	sdelay $0x2  }
0x3f5: {  	v6 =	vor.u32 s11, v36  }
0x3f6: {  	v41 =	vmov v6;
	v22 =	vor.u32 s0, v5;
	[tilespmem:v4+s25+$0x0] =	vst.idx.msk $0xffff, v2;
	v2 =	vor.u32 s8, v6;
	v6 =	vld [tilespmem:$0x1FF00]  }
0x3f7: {  	v3 =	vld.idx.msk [tilespmem:v3+s10+$0x0], $0xffff;
	v1 =	vor.u32 v22, v1;
	v2 =	vshll.u32 v2, $0x6  }
0x3f8: {  	v4 =	vor.u32 v0, v2;
	_ =	sdelay $0x2  }
0x3f9: {  	v5 =	vor.u32 s8, v36  }
0x3fa: {  	v23 =	vor.u32 s0, v6;
	v6 =	vld [tilespmem:$0x1FF10];
	[tilespmem:v1+s25+$0x0] =	vst.idx.msk $0xffff, v3;
	v1 =	vand.u32 $0x78, v5  }
0x3fb: {  	v3 =	vld.idx.msk [tilespmem:v4+s10+$0x0], $0xffff;
	v4 =	vor.u32 v23, v1  }
0x3fc: {  	v5 =	vor.u32 v48, v2;
	_ =	sdelay $0x3  }
0x3fd: {  	v24 =	vor.u32 s0, v6;
	[tilespmem:v4+s25+$0x0] =	vst.idx.msk $0xffff, v3  }
0x3fe: {  	v4 =	vor.u32 v24, v1;
	v3 =	vld.idx.msk [tilespmem:v5+s10+$0x0], $0xffff  }
0x3ff: {  	v6 =	vld [tilespmem:$0x1FF20];
	v5 =	vor.u32 v49, v2;
	_ =	sdelay $0x3  }
0x400: {  	[tilespmem:v4+s25+$0x0] =	vst.idx.msk $0xffff, v3  }
0x401: {  	v25 =	vor.u32 s0, v6;
	v3 =	vld.idx.msk [tilespmem:v5+s10+$0x0], $0xffff  }
0x402: {  	v4 =	vor.u32 v25, v1;
	v5 =	vld [tilespmem:$0x1FF30]  }
0x403: {  	v2 =	vor.u32 v50, v2;
	_ =	sdelay $0x2  }
0x404: {  	[tilespmem:$0x1FD50] =	vst v7;
	v7 =	vor.u32 s11, v37  }
0x405: {  	v6 =	vld [tilespmem:$0x1FF40];
	v26 =	vor.u32 s0, v5;
	[tilespmem:v4+s25+$0x0] =	vst.idx.msk $0xffff, v3;
	v3 =	vor.u32 s8, v7  }
0x406: {  	v2 =	vld.idx.msk [tilespmem:v2+s10+$0x0], $0xffff;
	v1 =	vor.u32 v26, v1;
	v3 =	vshll.u32 v3, $0x6  }
0x407: {  	v4 =	vor.u32 v0, v3;
	_ =	sdelay $0x2  }
0x408: {  	v5 =	vor.u32 s8, v37  }
0x409: {  	v27 =	vor.u32 s0, v6;
	v6 =	vld [tilespmem:$0x1FF50];
	[tilespmem:v1+s25+$0x0] =	vst.idx.msk $0xffff, v2;
	v1 =	vand.u32 $0x78, v5  }
0x40a: {  	v2 =	vld.idx.msk [tilespmem:v4+s10+$0x0], $0xffff;
	v4 =	vor.u32 v27, v1  }
0x40b: {  	v5 =	vor.u32 v48, v3;
	_ =	sdelay $0x3  }
0x40c: {  	v28 =	vor.u32 s0, v6;
	[tilespmem:v4+s25+$0x0] =	vst.idx.msk $0xffff, v2  }
0x40d: {  	v4 =	vor.u32 v28, v1;
	v2 =	vld.idx.msk [tilespmem:v5+s10+$0x0], $0xffff  }
0x40e: {  	v6 =	vld [tilespmem:$0x1FF60];
	v5 =	vor.u32 v49, v3;
	_ =	sdelay $0x3  }
0x40f: {  	[tilespmem:v4+s25+$0x0] =	vst.idx.msk $0xffff, v2  }
0x410: {  	v29 =	vor.u32 s0, v6;
	v2 =	vld.idx.msk [tilespmem:v5+s10+$0x0], $0xffff  }
0x411: {  	v4 =	vor.u32 v29, v1;
	v5 =	vld [tilespmem:$0x1FF70]  }
0x412: {  	v3 =	vor.u32 v50, v3;
	_ =	sdelay $0x2  }
0x413: {  	v42 =	vor.u32 s11, v38  }
0x414: {  	v6 =	vld [tilespmem:$0x1FF80];
	v30 =	vor.u32 s0, v5;
	[tilespmem:v4+s25+$0x0] =	vst.idx.msk $0xffff, v2;
	v2 =	vor.u32 s8, v42  }
0x415: {  	v3 =	vld.idx.msk [tilespmem:v3+s10+$0x0], $0xffff;
	v1 =	vor.u32 v30, v1;
	v2 =	vshll.u32 v2, $0x6  }
0x416: {  	v4 =	vor.u32 v0, v2;
	_ =	sdelay $0x2  }
0x417: {  	v5 =	vor.u32 s8, v38  }
0x418: {  	v31 =	vor.u32 s0, v6;
	v6 =	vld [tilespmem:$0x1FF90];
	[tilespmem:v1+s25+$0x0] =	vst.idx.msk $0xffff, v3;
	v1 =	vand.u32 $0x78, v5  }
0x419: {  	v3 =	vld.idx.msk [tilespmem:v4+s10+$0x0], $0xffff;
	v4 =	vor.u32 v31, v1  }
0x41a: {  	v5 =	vor.u32 v48, v2;
	_ =	sdelay $0x3  }
0x41b: {  	v32 =	vor.u32 s0, v6;
	[tilespmem:v4+s25+$0x0] =	vst.idx.msk $0xffff, v3  }
0x41c: {  	v4 =	vor.u32 v32, v1;
	v3 =	vld.idx.msk [tilespmem:v5+s10+$0x0], $0xffff  }
0x41d: {  	v6 =	vld [tilespmem:$0x1FFA0];
	v5 =	vor.u32 v49, v2;
	_ =	sdelay $0x3  }
0x41e: {  	[tilespmem:v4+s25+$0x0] =	vst.idx.msk $0xffff, v3  }
0x41f: {  	v33 =	vor.u32 s0, v6;
	v3 =	vld.idx.msk [tilespmem:v5+s10+$0x0], $0xffff  }
0x420: {  	v4 =	vor.u32 v33, v1;
	v5 =	vld [tilespmem:$0x1FFB0]  }
0x421: {  	v2 =	vor.u32 v50, v2;
	_ =	sdelay $0x2  }
0x422: {  	v43 =	vor.u32 s11, v39  }
0x423: {  	v34 =	vor.u32 s0, v5;
	[tilespmem:v4+s25+$0x0] =	vst.idx.msk $0xffff, v3;
	v3 =	vor.u32 s8, v43  }
0x424: {  	v2 =	vld.idx.msk [tilespmem:v2+s10+$0x0], $0xffff;
	v1 =	vor.u32 v34, v1;
	v3 =	vshll.u32 v3, $0x6  }
0x425: {  	v4 =	vor.u32 v0, v3;
	_ =	sdelay $0x2  }
0x426: {  	v5 =	vor.u32 s8, v39  }
0x427: {  	[tilespmem:v1+s25+$0x0] =	vst.idx.msk $0xffff, v2;
	v1 =	vand.u32 $0x78, v5  }
0x428: {  	v2 =	vld.idx.msk [tilespmem:v4+s10+$0x0], $0xffff;
	v4 =	vor.u32 v51, v1  }
0x429: {  	v5 =	vor.u32 v48, v3;
	_ =	sdelay $0x3  }
0x42a: {  	[tilespmem:v4+s25+$0x0] =	vst.idx.msk $0xffff, v2  }
0x42b: {  	v4 =	vor.u32 v52, v1;
	v2 =	vld.idx.msk [tilespmem:v5+s10+$0x0], $0xffff  }
0x42c: {  	v5 =	vor.u32 v49, v3;
	_ =	sdelay $0x3  }
0x42d: {  	[tilespmem:v4+s25+$0x0] =	vst.idx.msk $0xffff, v2  }
0x42e: {  	v4 =	vor.u32 v53, v1;
	v2 =	vld.idx.msk [tilespmem:v5+s10+$0x0], $0xffff  }
0x42f: {  	v3 =	vor.u32 v50, v3;
	_ =	sdelay $0x2  }
0x430: {  	v35 =	vor.u32 s11, v44  }
0x431: {  	[tilespmem:v4+s25+$0x0] =	vst.idx.msk $0xffff, v2;
	v2 =	vor.u32 s8, v35  }
0x432: {  	v1 =	vor.u32 v54, v1;
	v3 =	vld.idx.msk [tilespmem:v3+s10+$0x0], $0xffff;
	v2 =	vshll.u32 v2, $0x6  }
0x433: {  	v4 =	vor.u32 v0, v2;
	_ =	sdelay $0x2  }
0x434: {  	v5 =	vor.u32 s8, v44  }
0x435: {  	[tilespmem:v1+s25+$0x0] =	vst.idx.msk $0xffff, v3;
	v1 =	vand.u32 $0x78, v5  }
0x436: {  	v3 =	vld.idx.msk [tilespmem:v4+s10+$0x0], $0xffff;
	v4 =	vor.u32 v55, v1  }
0x437: {  	v5 =	vor.u32 v48, v2;
	_ =	sdelay $0x3  }
0x438: {  	[tilespmem:v4+s25+$0x0] =	vst.idx.msk $0xffff, v3  }
0x439: {  	v4 =	vor.u32 v56, v1;
	v3 =	vld.idx.msk [tilespmem:v5+s10+$0x0], $0xffff  }
0x43a: {  	v5 =	vor.u32 v49, v2;
	_ =	sdelay $0x3  }
0x43b: {  	[tilespmem:v4+s25+$0x0] =	vst.idx.msk $0xffff, v3  }
0x43c: {  	v4 =	vor.u32 v57, v1;
	v3 =	vld.idx.msk [tilespmem:v5+s10+$0x0], $0xffff  }
0x43d: {  	v2 =	vor.u32 v50, v2;
	_ =	sdelay $0x2  }
0x43e: {  	v14 =	vor.u32 s11, v45  }
0x43f: {  	[tilespmem:v4+s25+$0x0] =	vst.idx.msk $0xffff, v3;
	v3 =	vor.u32 s8, v14  }
0x440: {  	v1 =	vor.u32 v58, v1;
	v2 =	vld.idx.msk [tilespmem:v2+s10+$0x0], $0xffff;
	v3 =	vshll.u32 v3, $0x6  }
0x441: {  	v4 =	vor.u32 v0, v3;
	_ =	sdelay $0x2  }
0x442: {  	v5 =	vor.u32 s8, v45  }
0x443: {  	[tilespmem:v1+s25+$0x0] =	vst.idx.msk $0xffff, v2;
	v1 =	vand.u32 $0x78, v5  }
0x444: {  	v2 =	vld.idx.msk [tilespmem:v4+s10+$0x0], $0xffff;
	v4 =	vor.u32 v59, v1  }
0x445: {  	v5 =	vor.u32 v48, v3;
	_ =	sdelay $0x3  }
0x446: {  	[tilespmem:v4+s25+$0x0] =	vst.idx.msk $0xffff, v2  }
0x447: {  	v4 =	vor.u32 v60, v1;
	v2 =	vld.idx.msk [tilespmem:v5+s10+$0x0], $0xffff  }
0x448: {  	v5 =	vor.u32 v49, v3;
	_ =	sdelay $0x3  }
0x449: {  	[tilespmem:v4+s25+$0x0] =	vst.idx.msk $0xffff, v2  }
0x44a: {  	v4 =	vor.u32 v61, v1;
	v2 =	vld.idx.msk [tilespmem:v5+s10+$0x0], $0xffff  }
0x44b: {  	v3 =	vor.u32 v50, v3;
	_ =	sdelay $0x2  }
0x44c: {  	v15 =	vor.u32 s11, v46  }
0x44d: {  	[tilespmem:v4+s25+$0x0] =	vst.idx.msk $0xffff, v2;
	v2 =	vor.u32 s8, v15  }
0x44e: {  	v1 =	vor.u32 v62, v1;
	v3 =	vld.idx.msk [tilespmem:v3+s10+$0x0], $0xffff;
	v2 =	vshll.u32 v2, $0x6  }
0x44f: {  	v4 =	vor.u32 v0, v2;
	_ =	sdelay $0x2  }
0x450: {  	v5 =	vor.u32 s8, v46  }
0x451: {  	[tilespmem:v1+s25+$0x0] =	vst.idx.msk $0xffff, v3;
	v3 =	vand.u32 $0x78, v5  }
0x452: {  	v1 =	vld.idx.msk [tilespmem:v4+s10+$0x0], $0xffff;
	v4 =	vor.u32 v63, v3  }
0x453: {  	v5 =	vor.u32 v48, v2;
	_ =	sdelay $0x3  }
0x454: {  	[tilespmem:v4+s25+$0x0] =	vst.idx.msk $0xffff, v1  }
0x455: {  	v4 =	vor.u32 v16, v3;
	v1 =	vld.idx.msk [tilespmem:v5+s10+$0x0], $0xffff  }
0x456: {  	v5 =	vor.u32 v49, v2;
	_ =	sdelay $0x3  }
0x457: {  	[tilespmem:v4+s25+$0x0] =	vst.idx.msk $0xffff, v1  }
0x458: {  	v4 =	vld.idx.msk [tilespmem:v5+s10+$0x0], $0xffff;
	v5 =	vor.u32 v17, v3  }
0x459: {  	v2 =	vor.u32 v50, v2;
	_ =	sdelay $0x2  }
0x45a: {  	v1 =	vor.u32 s11, v47  }
0x45b: {  	[tilespmem:v5+s25+$0x0] =	vst.idx.msk $0xffff, v4;
	v4 =	vor.u32 s8, v1  }
0x45c: {  	v3 =	vor.u32 v18, v3;
	v2 =	vld.idx.msk [tilespmem:v2+s10+$0x0], $0xffff;
	v4 =	vshll.u32 v4, $0x6  }
0x45d: {  	v5 =	vor.u32 v0, v4;
	_ =	sdelay $0x2  }
0x45e: {  	v6 =	vor.u32 s8, v47  }
0x45f: {  	[tilespmem:v3+s25+$0x0] =	vst.idx.msk $0xffff, v2;
	v3 =	vand.u32 $0x78, v6  }
0x460: {  	v2 =	vld.idx.msk [tilespmem:v5+s10+$0x0], $0xffff;
	v5 =	vor.u32 v19, v3  }
0x461: {  	v6 =	vor.u32 v48, v4;
	_ =	sdelay $0x3  }
0x462: {  	[tilespmem:v5+s25+$0x0] =	vst.idx.msk $0xffff, v2  }
0x463: {  	v5 =	vor.u32 v20, v3;
	v2 =	vld.idx.msk [tilespmem:v6+s10+$0x0], $0xffff  }
0x464: {  	v6 =	vor.u32 v49, v4;
	_ =	sdelay $0x3  }
0x465: {  	[tilespmem:v5+s25+$0x0] =	vst.idx.msk $0xffff, v2  }
0x466: {  	v5 =	vld.idx.msk [tilespmem:v6+s10+$0x0], $0xffff;
	v6 =	vor.u32 v21, v3  }
0x467: {  	v4 =	vor.u32 v50, v4;
	_ =	sdelay $0x2  }
0x468: {  	v2 =	vor.u32 s11, v10  }
0x469: {  	[tilespmem:v6+s25+$0x0] =	vst.idx.msk $0xffff, v5;
	v5 =	vor.u32 s8, v2  }
0x46a: {  	v3 =	vor.u32 v22, v3;
	v4 =	vld.idx.msk [tilespmem:v4+s10+$0x0], $0xffff;
	v5 =	vshll.u32 v5, $0x6  }
0x46b: {  	v6 =	vor.u32 v0, v5;
	_ =	sdelay $0x2  }
0x46c: {  	v9 =	vmov v7;
	v7 =	vor.u32 s8, v10  }
0x46d: {  	[tilespmem:v3+s25+$0x0] =	vst.idx.msk $0xffff, v4;
	v4 =	vand.u32 $0x78, v7  }
0x46e: {  	v3 =	vld.idx.msk [tilespmem:v6+s10+$0x0], $0xffff;
	v6 =	vor.u32 v23, v4  }
0x46f: {  	v7 =	vor.u32 v48, v5;
	_ =	sdelay $0x3  }
0x470: {  	[tilespmem:v6+s25+$0x0] =	vst.idx.msk $0xffff, v3  }
0x471: {  	v6 =	vor.u32 v24, v4;
	v3 =	vld.idx.msk [tilespmem:v7+s10+$0x0], $0xffff  }
0x472: {  	v7 =	vor.u32 v49, v5;
	_ =	sdelay $0x3  }
0x473: {  	[tilespmem:v6+s25+$0x0] =	vst.idx.msk $0xffff, v3  }
0x474: {  	v6 =	vld.idx.msk [tilespmem:v7+s10+$0x0], $0xffff;
	v7 =	vor.u32 v25, v4  }
0x475: {  	v5 =	vor.u32 v50, v5;
	_ =	sdelay $0x2  }
0x476: {  	v3 =	vor.u32 s11, v8  }
0x477: {  	[tilespmem:v7+s25+$0x0] =	vst.idx.msk $0xffff, v6;
	v6 =	vor.u32 s8, v3  }
0x478: {  	v4 =	vor.u32 v26, v4;
	v5 =	vld.idx.msk [tilespmem:v5+s10+$0x0], $0xffff;
	v6 =	vshll.u32 v6, $0x6  }
0x479: {  	v7 =	vor.u32 v0, v6;
	_ =	sdelay $0x2  }
0x47a: {  	v12 =	vmov v8;
	v8 =	vor.u32 s8, v8  }
0x47b: {  	[tilespmem:v4+s25+$0x0] =	vst.idx.msk $0xffff, v5;
	v4 =	vand.u32 $0x78, v8  }
0x47c: {  	v5 =	vld.idx.msk [tilespmem:v7+s10+$0x0], $0xffff;
	v7 =	vor.u32 v27, v4  }
0x47d: {  	v8 =	vor.u32 v48, v6;
	_ =	sdelay $0x3  }
0x47e: {  	[tilespmem:v7+s25+$0x0] =	vst.idx.msk $0xffff, v5  }
0x47f: {  	v7 =	vor.u32 v28, v4;
	v5 =	vld.idx.msk [tilespmem:v8+s10+$0x0], $0xffff  }
0x480: {  	v8 =	vor.u32 v49, v6;
	_ =	sdelay $0x3  }
0x481: {  	[tilespmem:v7+s25+$0x0] =	vst.idx.msk $0xffff, v5  }
0x482: {  	v7 =	vor.u32 v29, v4;
	v5 =	vld.idx.msk [tilespmem:v8+s10+$0x0], $0xffff  }
0x483: {  	v6 =	vor.u32 v50, v6;
	_ =	sdelay $0x2  }
0x484: {  	v8 =	vmov v13;
	v13 =	vor.u32 s11, v13  }
0x485: {  	[tilespmem:v7+s25+$0x0] =	vst.idx.msk $0xffff, v5;
	v5 =	vor.u32 s8, v13  }
0x486: {  	v4 =	vor.u32 v30, v4;
	v6 =	vld.idx.msk [tilespmem:v6+s10+$0x0], $0xffff;
	v5 =	vshll.u32 v5, $0x6  }
0x487: {  	v7 =	vor.u32 v0, v5;
	_ =	sdelay $0x2  }
0x488: {  	v11 =	vmov v10;
	v10 =	vmov v8;
	v8 =	vor.u32 s8, v8  }
0x489: {  	[tilespmem:v4+s25+$0x0] =	vst.idx.msk $0xffff, v6;
	v4 =	vand.u32 $0x78, v8  }
0x48a: {  	v6 =	vld.idx.msk [tilespmem:v7+s10+$0x0], $0xffff;
	v7 =	vor.u32 v31, v4  }
0x48b: {  	v8 =	vor.u32 v48, v5;
	_ =	sdelay $0x3  }
0x48c: {  	[tilespmem:v7+s25+$0x0] =	vst.idx.msk $0xffff, v6  }
0x48d: {  	v7 =	vor.u32 v32, v4;
	v6 =	vld.idx.msk [tilespmem:v8+s10+$0x0], $0xffff  }
0x48e: {  	v8 =	vor.u32 v49, v5;
	_ =	sdelay $0x3  }
0x48f: {  	[tilespmem:v7+s25+$0x0] =	vst.idx.msk $0xffff, v6  }
0x490: {  	v7 =	vor.u32 v33, v4;
	v6 =	vld.idx.msk [tilespmem:v8+s10+$0x0], $0xffff  }
0x491: {  	v5 =	vor.u32 v50, v5;
	_ =	sdelay $0x3  }
0x492: {  	s8 =	simm.s32 $0x10;
	[tilespmem:v7+s25+$0x0] =	vst.idx.msk $0xffff, v6  }
0x493: {  	s11 =	simm.s32 $0x20;
	v6 =	vor.u32 s8, v40;
	v5 =	vld.idx.msk [tilespmem:v5+s10+$0x0], $0xffff  }
.LBB2_6:
0x494: {  	v6 =	vshll.u32 v6, $0x6;
	v4 =	vor.u32 v34, v4  }
0x495: {  	v7 =	vor.u32 v0, v6;
	_ =	sdelay $0x2  }
0x496: {  	v8 =	vor.u32 s8, v0  }
0x497: {  	[tilespmem:v4+s25+$0x0] =	vst.idx.msk $0xffff, v5;
	v5 =	vand.u32 $0x78, v8  }
0x498: {  	v4 =	vld.idx.msk [tilespmem:v7+s10+$0x0], $0xffff;
	v7 =	vor.u32 v51, v5  }
0x499: {  	v8 =	vor.u32 v48, v6;
	_ =	sdelay $0x3  }
0x49a: {  	[tilespmem:v7+s25+$0x0] =	vst.idx.msk $0xffff, v4  }
0x49b: {  	v7 =	vor.u32 v52, v5;
	v4 =	vld.idx.msk [tilespmem:v8+s10+$0x0], $0xffff  }
0x49c: {  	v8 =	vor.u32 v49, v6;
	_ =	sdelay $0x3  }
0x49d: {  	[tilespmem:v7+s25+$0x0] =	vst.idx.msk $0xffff, v4  }
0x49e: {  	v7 =	vor.u32 v53, v5;
	v4 =	vld.idx.msk [tilespmem:v8+s10+$0x0], $0xffff  }
0x49f: {  	v6 =	vor.u32 v50, v6;
	_ =	sdelay $0x3  }
0x4a0: {  	[tilespmem:v7+s25+$0x0] =	vst.idx.msk $0xffff, v4  }
0x4a1: {  	v4 =	vld.idx.msk [tilespmem:v6+s10+$0x0], $0xffff  }
0x4a2: {  	v5 =	vor.u32 v54, v5;
	v6 =	vld [tilespmem:$0x1FD30];
	_ =	sdelay $0x4  }
0x4a3: {  	v6 =	vor.u32 s8, v6;
	[tilespmem:v5+s25+$0x0] =	vst.idx.msk $0xffff, v4;
	v4 =	vld [tilespmem:$0x1FFC0]  }
0x4a4: {  	v6 =	vshll.u32 v6, $0x6  }
0x4a5: {  	v7 =	vor.u32 v0, v6;
	_ =	sdelay $0x2  }
0x4a6: {  	v4 =	vor.u32 s8, v4  }
0x4a7: {  	v4 =	vand.u32 $0x78, v4  }
0x4a8: {  	v5 =	vld.idx.msk [tilespmem:v7+s10+$0x0], $0xffff;
	v7 =	vor.u32 v55, v4  }
0x4a9: {  	v8 =	vor.u32 v48, v6;
	_ =	sdelay $0x3  }
0x4aa: {  	[tilespmem:v7+s25+$0x0] =	vst.idx.msk $0xffff, v5  }
0x4ab: {  	v7 =	vor.u32 v56, v4;
	v5 =	vld.idx.msk [tilespmem:v8+s10+$0x0], $0xffff  }
0x4ac: {  	v8 =	vor.u32 v49, v6;
	_ =	sdelay $0x3  }
0x4ad: {  	[tilespmem:v7+s25+$0x0] =	vst.idx.msk $0xffff, v5  }
0x4ae: {  	v7 =	vor.u32 v57, v4;
	v5 =	vld.idx.msk [tilespmem:v8+s10+$0x0], $0xffff  }
0x4af: {  	v6 =	vor.u32 v50, v6;
	_ =	sdelay $0x3  }
0x4b0: {  	[tilespmem:v7+s25+$0x0] =	vst.idx.msk $0xffff, v5  }
0x4b1: {  	v5 =	vld.idx.msk [tilespmem:v6+s10+$0x0], $0xffff  }
0x4b2: {  	v4 =	vor.u32 v58, v4;
	v6 =	vld [tilespmem:$0x1FD40];
	_ =	sdelay $0x4  }
0x4b3: {  	v6 =	vor.u32 s8, v6;
	[tilespmem:v4+s25+$0x0] =	vst.idx.msk $0xffff, v5;
	v4 =	vld [tilespmem:$0x1FFD0]  }
0x4b4: {  	v6 =	vshll.u32 v6, $0x6  }
0x4b5: {  	v7 =	vor.u32 v0, v6;
	_ =	sdelay $0x2  }
0x4b6: {  	v4 =	vor.u32 s8, v4  }
0x4b7: {  	v4 =	vand.u32 $0x78, v4  }
0x4b8: {  	v5 =	vld.idx.msk [tilespmem:v7+s10+$0x0], $0xffff;
	v7 =	vor.u32 v59, v4  }
0x4b9: {  	v8 =	vor.u32 v48, v6;
	_ =	sdelay $0x3  }
0x4ba: {  	[tilespmem:v7+s25+$0x0] =	vst.idx.msk $0xffff, v5  }
0x4bb: {  	v7 =	vor.u32 v60, v4;
	v5 =	vld.idx.msk [tilespmem:v8+s10+$0x0], $0xffff  }
0x4bc: {  	v8 =	vor.u32 v49, v6;
	_ =	sdelay $0x3  }
0x4bd: {  	[tilespmem:v7+s25+$0x0] =	vst.idx.msk $0xffff, v5  }
0x4be: {  	v7 =	vor.u32 v61, v4;
	v5 =	vld.idx.msk [tilespmem:v8+s10+$0x0], $0xffff  }
0x4bf: {  	v6 =	vor.u32 v50, v6;
	_ =	sdelay $0x3  }
0x4c0: {  	[tilespmem:v7+s25+$0x0] =	vst.idx.msk $0xffff, v5  }
0x4c1: {  	v5 =	vld.idx.msk [tilespmem:v6+s10+$0x0], $0xffff  }
0x4c2: {  	v4 =	vor.u32 v62, v4;
	v6 =	vld [tilespmem:$0x1FD50];
	_ =	sdelay $0x4  }
0x4c3: {  	v6 =	vor.u32 s8, v6;
	[tilespmem:v4+s25+$0x0] =	vst.idx.msk $0xffff, v5;
	v4 =	vld [tilespmem:$0x1FFE0]  }
0x4c4: {  	v6 =	vshll.u32 v6, $0x6  }
0x4c5: {  	v7 =	vor.u32 v0, v6;
	_ =	sdelay $0x2  }
0x4c6: {  	v4 =	vor.u32 s8, v4  }
0x4c7: {  	v4 =	vand.u32 $0x78, v4  }
0x4c8: {  	v5 =	vld.idx.msk [tilespmem:v7+s10+$0x0], $0xffff;
	v7 =	vor.u32 v63, v4  }
0x4c9: {  	v8 =	vor.u32 v48, v6;
	_ =	sdelay $0x3  }
0x4ca: {  	[tilespmem:v7+s25+$0x0] =	vst.idx.msk $0xffff, v5  }
0x4cb: {  	v7 =	vor.u32 v16, v4;
	v5 =	vld.idx.msk [tilespmem:v8+s10+$0x0], $0xffff  }
0x4cc: {  	v8 =	vor.u32 v49, v6;
	_ =	sdelay $0x3  }
0x4cd: {  	[tilespmem:v7+s25+$0x0] =	vst.idx.msk $0xffff, v5  }
0x4ce: {  	v7 =	vor.u32 v17, v4;
	v5 =	vld.idx.msk [tilespmem:v8+s10+$0x0], $0xffff  }
0x4cf: {  	v6 =	vor.u32 v50, v6;
	_ =	sdelay $0x3  }
0x4d0: {  	[tilespmem:v7+s25+$0x0] =	vst.idx.msk $0xffff, v5  }
0x4d1: {  	v5 =	vld.idx.msk [tilespmem:v6+s10+$0x0], $0xffff  }
0x4d2: {  	v4 =	vor.u32 v18, v4;
	v6 =	vld [tilespmem:$0x1FD60];
	_ =	sdelay $0x4  }
0x4d3: {  	v6 =	vor.u32 s8, v6;
	[tilespmem:v4+s25+$0x0] =	vst.idx.msk $0xffff, v5;
	v4 =	vld [tilespmem:$0x1FFF0]  }
0x4d4: {  	v6 =	vshll.u32 v6, $0x6  }
0x4d5: {  	v7 =	vor.u32 v0, v6;
	_ =	sdelay $0x2  }
0x4d6: {  	v4 =	vor.u32 s8, v4  }
0x4d7: {  	v4 =	vand.u32 $0x78, v4  }
0x4d8: {  	v5 =	vld.idx.msk [tilespmem:v7+s10+$0x0], $0xffff;
	v7 =	vor.u32 v19, v4  }
0x4d9: {  	v8 =	vor.u32 v48, v6;
	_ =	sdelay $0x3  }
0x4da: {  	[tilespmem:v7+s25+$0x0] =	vst.idx.msk $0xffff, v5  }
0x4db: {  	v7 =	vor.u32 v20, v4;
	v5 =	vld.idx.msk [tilespmem:v8+s10+$0x0], $0xffff  }
0x4dc: {  	v8 =	vor.u32 v49, v6;
	_ =	sdelay $0x3  }
0x4dd: {  	[tilespmem:v7+s25+$0x0] =	vst.idx.msk $0xffff, v5  }
0x4de: {  	v7 =	vor.u32 v21, v4;
	v5 =	vld.idx.msk [tilespmem:v8+s10+$0x0], $0xffff  }
0x4df: {  	v6 =	vor.u32 v50, v6;
	_ =	sdelay $0x3  }
0x4e0: {  	[tilespmem:v7+s25+$0x0] =	vst.idx.msk $0xffff, v5  }
0x4e1: {  	v4 =	vor.u32 v22, v4;
	v5 =	vld.idx.msk [tilespmem:v6+s10+$0x0], $0xffff;
	v6 =	vor.u32 s8, v41  }
0x4e2: {  	v6 =	vshll.u32 v6, $0x6  }
0x4e3: {  	v7 =	vor.u32 v0, v6;
	_ =	sdelay $0x2  }
0x4e4: {  	[tilespmem:v4+s25+$0x0] =	vst.idx.msk $0xffff, v5;
	v4 =	vor.u32 s8, v36  }
0x4e5: {  	v4 =	vand.u32 $0x78, v4  }
0x4e6: {  	v5 =	vld.idx.msk [tilespmem:v7+s10+$0x0], $0xffff;
	v7 =	vor.u32 v23, v4  }
0x4e7: {  	v8 =	vor.u32 v48, v6;
	_ =	sdelay $0x3  }
0x4e8: {  	[tilespmem:v7+s25+$0x0] =	vst.idx.msk $0xffff, v5  }
0x4e9: {  	v7 =	vor.u32 v24, v4;
	v5 =	vld.idx.msk [tilespmem:v8+s10+$0x0], $0xffff  }
0x4ea: {  	v8 =	vor.u32 v49, v6;
	_ =	sdelay $0x3  }
0x4eb: {  	[tilespmem:v7+s25+$0x0] =	vst.idx.msk $0xffff, v5  }
0x4ec: {  	v7 =	vor.u32 v25, v4;
	v5 =	vld.idx.msk [tilespmem:v8+s10+$0x0], $0xffff  }
0x4ed: {  	v6 =	vor.u32 v50, v6;
	_ =	sdelay $0x3  }
0x4ee: {  	[tilespmem:v7+s25+$0x0] =	vst.idx.msk $0xffff, v5  }
0x4ef: {  	v4 =	vor.u32 v26, v4;
	v5 =	vld.idx.msk [tilespmem:v6+s10+$0x0], $0xffff;
	v6 =	vor.u32 s8, v9  }
0x4f0: {  	v6 =	vshll.u32 v6, $0x6  }
0x4f1: {  	v7 =	vor.u32 v0, v6;
	_ =	sdelay $0x2  }
0x4f2: {  	[tilespmem:v4+s25+$0x0] =	vst.idx.msk $0xffff, v5;
	v4 =	vor.u32 s8, v37  }
0x4f3: {  	v4 =	vand.u32 $0x78, v4  }
0x4f4: {  	v5 =	vld.idx.msk [tilespmem:v7+s10+$0x0], $0xffff;
	v7 =	vor.u32 v27, v4  }
0x4f5: {  	v8 =	vor.u32 v48, v6;
	_ =	sdelay $0x3  }
0x4f6: {  	[tilespmem:v7+s25+$0x0] =	vst.idx.msk $0xffff, v5  }
0x4f7: {  	v7 =	vor.u32 v28, v4;
	v5 =	vld.idx.msk [tilespmem:v8+s10+$0x0], $0xffff  }
0x4f8: {  	v8 =	vor.u32 v49, v6;
	_ =	sdelay $0x3  }
0x4f9: {  	[tilespmem:v7+s25+$0x0] =	vst.idx.msk $0xffff, v5  }
0x4fa: {  	v7 =	vor.u32 v29, v4;
	v5 =	vld.idx.msk [tilespmem:v8+s10+$0x0], $0xffff  }
0x4fb: {  	v6 =	vor.u32 v50, v6;
	_ =	sdelay $0x3  }
0x4fc: {  	[tilespmem:v7+s25+$0x0] =	vst.idx.msk $0xffff, v5  }
0x4fd: {  	v4 =	vor.u32 v30, v4;
	v5 =	vld.idx.msk [tilespmem:v6+s10+$0x0], $0xffff;
	v6 =	vor.u32 s8, v42  }
0x4fe: {  	v6 =	vshll.u32 v6, $0x6  }
0x4ff: {  	v7 =	vor.u32 v0, v6;
	_ =	sdelay $0x2  }
0x500: {  	[tilespmem:v4+s25+$0x0] =	vst.idx.msk $0xffff, v5;
	v4 =	vor.u32 s8, v38  }
0x501: {  	v4 =	vand.u32 $0x78, v4  }
0x502: {  	v5 =	vld.idx.msk [tilespmem:v7+s10+$0x0], $0xffff;
	v7 =	vor.u32 v31, v4  }
0x503: {  	v8 =	vor.u32 v48, v6;
	_ =	sdelay $0x3  }
0x504: {  	[tilespmem:v7+s25+$0x0] =	vst.idx.msk $0xffff, v5  }
0x505: {  	v7 =	vor.u32 v32, v4;
	v5 =	vld.idx.msk [tilespmem:v8+s10+$0x0], $0xffff  }
0x506: {  	v8 =	vor.u32 v49, v6;
	_ =	sdelay $0x3  }
0x507: {  	[tilespmem:v7+s25+$0x0] =	vst.idx.msk $0xffff, v5  }
0x508: {  	v7 =	vor.u32 v33, v4;
	v5 =	vld.idx.msk [tilespmem:v8+s10+$0x0], $0xffff  }
0x509: {  	v6 =	vor.u32 v50, v6;
	_ =	sdelay $0x3  }
0x50a: {  	[tilespmem:v7+s25+$0x0] =	vst.idx.msk $0xffff, v5  }
0x50b: {  	v4 =	vor.u32 v34, v4;
	v5 =	vld.idx.msk [tilespmem:v6+s10+$0x0], $0xffff;
	v6 =	vor.u32 s8, v43  }
0x50c: {  	v6 =	vshll.u32 v6, $0x6  }
0x50d: {  	v7 =	vor.u32 v0, v6;
	_ =	sdelay $0x2  }
0x50e: {  	[tilespmem:v4+s25+$0x0] =	vst.idx.msk $0xffff, v5;
	v4 =	vor.u32 s8, v39  }
0x50f: {  	v4 =	vand.u32 $0x78, v4  }
0x510: {  	v5 =	vld.idx.msk [tilespmem:v7+s10+$0x0], $0xffff;
	v7 =	vor.u32 v51, v4  }
0x511: {  	v8 =	vor.u32 v48, v6;
	_ =	sdelay $0x3  }
0x512: {  	[tilespmem:v7+s25+$0x0] =	vst.idx.msk $0xffff, v5  }
0x513: {  	v7 =	vor.u32 v52, v4;
	v5 =	vld.idx.msk [tilespmem:v8+s10+$0x0], $0xffff  }
0x514: {  	v8 =	vor.u32 v49, v6;
	_ =	sdelay $0x3  }
0x515: {  	[tilespmem:v7+s25+$0x0] =	vst.idx.msk $0xffff, v5  }
0x516: {  	v7 =	vor.u32 v53, v4;
	v5 =	vld.idx.msk [tilespmem:v8+s10+$0x0], $0xffff  }
0x517: {  	v6 =	vor.u32 v50, v6;
	_ =	sdelay $0x3  }
0x518: {  	[tilespmem:v7+s25+$0x0] =	vst.idx.msk $0xffff, v5  }
0x519: {  	v4 =	vor.u32 v54, v4;
	v5 =	vld.idx.msk [tilespmem:v6+s10+$0x0], $0xffff;
	v6 =	vor.u32 s8, v35  }
0x51a: {  	v6 =	vshll.u32 v6, $0x6  }
0x51b: {  	v7 =	vor.u32 v0, v6;
	_ =	sdelay $0x2  }
0x51c: {  	[tilespmem:v4+s25+$0x0] =	vst.idx.msk $0xffff, v5;
	v4 =	vor.u32 s8, v44  }
0x51d: {  	v4 =	vand.u32 $0x78, v4  }
0x51e: {  	v5 =	vld.idx.msk [tilespmem:v7+s10+$0x0], $0xffff;
	v7 =	vor.u32 v55, v4  }
0x51f: {  	v8 =	vor.u32 v48, v6;
	_ =	sdelay $0x3  }
0x520: {  	[tilespmem:v7+s25+$0x0] =	vst.idx.msk $0xffff, v5  }
0x521: {  	v7 =	vor.u32 v56, v4;
	v5 =	vld.idx.msk [tilespmem:v8+s10+$0x0], $0xffff  }
0x522: {  	v8 =	vor.u32 v49, v6;
	_ =	sdelay $0x3  }
0x523: {  	[tilespmem:v7+s25+$0x0] =	vst.idx.msk $0xffff, v5  }
0x524: {  	v7 =	vor.u32 v57, v4;
	v5 =	vld.idx.msk [tilespmem:v8+s10+$0x0], $0xffff  }
0x525: {  	v6 =	vor.u32 v50, v6;
	_ =	sdelay $0x3  }
0x526: {  	[tilespmem:v7+s25+$0x0] =	vst.idx.msk $0xffff, v5  }
0x527: {  	v4 =	vor.u32 v58, v4;
	v5 =	vld.idx.msk [tilespmem:v6+s10+$0x0], $0xffff;
	v6 =	vor.u32 s8, v14  }
0x528: {  	v6 =	vshll.u32 v6, $0x6  }
0x529: {  	v7 =	vor.u32 v0, v6;
	_ =	sdelay $0x2  }
0x52a: {  	[tilespmem:v4+s25+$0x0] =	vst.idx.msk $0xffff, v5;
	v4 =	vor.u32 s8, v45  }
0x52b: {  	v4 =	vand.u32 $0x78, v4  }
0x52c: {  	v5 =	vld.idx.msk [tilespmem:v7+s10+$0x0], $0xffff;
	v7 =	vor.u32 v59, v4  }
0x52d: {  	v8 =	vor.u32 v48, v6;
	_ =	sdelay $0x3  }
0x52e: {  	[tilespmem:v7+s25+$0x0] =	vst.idx.msk $0xffff, v5  }
0x52f: {  	v7 =	vor.u32 v60, v4;
	v5 =	vld.idx.msk [tilespmem:v8+s10+$0x0], $0xffff  }
0x530: {  	v8 =	vor.u32 v49, v6;
	_ =	sdelay $0x3  }
0x531: {  	[tilespmem:v7+s25+$0x0] =	vst.idx.msk $0xffff, v5  }
0x532: {  	v7 =	vor.u32 v61, v4;
	v5 =	vld.idx.msk [tilespmem:v8+s10+$0x0], $0xffff  }
0x533: {  	v6 =	vor.u32 v50, v6;
	_ =	sdelay $0x3  }
0x534: {  	[tilespmem:v7+s25+$0x0] =	vst.idx.msk $0xffff, v5  }
0x535: {  	v4 =	vor.u32 v62, v4;
	v5 =	vld.idx.msk [tilespmem:v6+s10+$0x0], $0xffff;
	v6 =	vor.u32 s8, v15  }
0x536: {  	v6 =	vshll.u32 v6, $0x6  }
0x537: {  	v7 =	vor.u32 v0, v6;
	_ =	sdelay $0x2  }
0x538: {  	[tilespmem:v4+s25+$0x0] =	vst.idx.msk $0xffff, v5;
	v4 =	vor.u32 s8, v46  }
0x539: {  	v4 =	vand.u32 $0x78, v4  }
0x53a: {  	v5 =	vld.idx.msk [tilespmem:v7+s10+$0x0], $0xffff;
	v7 =	vor.u32 v63, v4  }
0x53b: {  	v8 =	vor.u32 v48, v6;
	_ =	sdelay $0x3  }
0x53c: {  	[tilespmem:v7+s25+$0x0] =	vst.idx.msk $0xffff, v5  }
0x53d: {  	v7 =	vor.u32 v16, v4;
	v5 =	vld.idx.msk [tilespmem:v8+s10+$0x0], $0xffff  }
0x53e: {  	v8 =	vor.u32 v49, v6;
	_ =	sdelay $0x3  }
0x53f: {  	[tilespmem:v7+s25+$0x0] =	vst.idx.msk $0xffff, v5  }
0x540: {  	v7 =	vor.u32 v17, v4;
	v5 =	vld.idx.msk [tilespmem:v8+s10+$0x0], $0xffff  }
0x541: {  	v6 =	vor.u32 v50, v6;
	_ =	sdelay $0x3  }
0x542: {  	[tilespmem:v7+s25+$0x0] =	vst.idx.msk $0xffff, v5  }
0x543: {  	v4 =	vor.u32 v18, v4;
	v5 =	vld.idx.msk [tilespmem:v6+s10+$0x0], $0xffff;
	v6 =	vor.u32 s8, v1  }
0x544: {  	v6 =	vshll.u32 v6, $0x6  }
0x545: {  	v7 =	vor.u32 v0, v6;
	_ =	sdelay $0x2  }
0x546: {  	[tilespmem:v4+s25+$0x0] =	vst.idx.msk $0xffff, v5;
	v4 =	vor.u32 s8, v47  }
0x547: {  	v4 =	vand.u32 $0x78, v4  }
0x548: {  	v5 =	vld.idx.msk [tilespmem:v7+s10+$0x0], $0xffff;
	v7 =	vor.u32 v19, v4  }
0x549: {  	v8 =	vor.u32 v48, v6;
	_ =	sdelay $0x3  }
0x54a: {  	[tilespmem:v7+s25+$0x0] =	vst.idx.msk $0xffff, v5  }
0x54b: {  	v7 =	vor.u32 v20, v4;
	v5 =	vld.idx.msk [tilespmem:v8+s10+$0x0], $0xffff  }
0x54c: {  	v8 =	vor.u32 v49, v6;
	_ =	sdelay $0x3  }
0x54d: {  	[tilespmem:v7+s25+$0x0] =	vst.idx.msk $0xffff, v5  }
0x54e: {  	v7 =	vor.u32 v21, v4;
	v5 =	vld.idx.msk [tilespmem:v8+s10+$0x0], $0xffff  }
0x54f: {  	v6 =	vor.u32 v50, v6;
	_ =	sdelay $0x3  }
0x550: {  	[tilespmem:v7+s25+$0x0] =	vst.idx.msk $0xffff, v5  }
0x551: {  	v4 =	vor.u32 v22, v4;
	v5 =	vld.idx.msk [tilespmem:v6+s10+$0x0], $0xffff;
	v6 =	vor.u32 s8, v2  }
0x552: {  	v6 =	vshll.u32 v6, $0x6  }
0x553: {  	v7 =	vor.u32 v0, v6;
	_ =	sdelay $0x2  }
0x554: {  	[tilespmem:v4+s25+$0x0] =	vst.idx.msk $0xffff, v5;
	v4 =	vor.u32 s8, v11  }
0x555: {  	v4 =	vand.u32 $0x78, v4  }
0x556: {  	v5 =	vld.idx.msk [tilespmem:v7+s10+$0x0], $0xffff;
	v7 =	vor.u32 v23, v4  }
0x557: {  	v8 =	vor.u32 v48, v6;
	_ =	sdelay $0x3  }
0x558: {  	[tilespmem:v7+s25+$0x0] =	vst.idx.msk $0xffff, v5  }
0x559: {  	v7 =	vor.u32 v24, v4;
	v5 =	vld.idx.msk [tilespmem:v8+s10+$0x0], $0xffff  }
0x55a: {  	v8 =	vor.u32 v49, v6;
	_ =	sdelay $0x3  }
0x55b: {  	[tilespmem:v7+s25+$0x0] =	vst.idx.msk $0xffff, v5  }
0x55c: {  	v7 =	vor.u32 v25, v4;
	v5 =	vld.idx.msk [tilespmem:v8+s10+$0x0], $0xffff  }
0x55d: {  	v6 =	vor.u32 v50, v6;
	_ =	sdelay $0x3  }
0x55e: {  	[tilespmem:v7+s25+$0x0] =	vst.idx.msk $0xffff, v5  }
0x55f: {  	v4 =	vor.u32 v26, v4;
	v5 =	vld.idx.msk [tilespmem:v6+s10+$0x0], $0xffff;
	v6 =	vor.u32 s8, v3  }
0x560: {  	v6 =	vshll.u32 v6, $0x6  }
0x561: {  	v7 =	vor.u32 v0, v6;
	_ =	sdelay $0x2  }
0x562: {  	[tilespmem:v4+s25+$0x0] =	vst.idx.msk $0xffff, v5;
	v4 =	vor.u32 s8, v12  }
0x563: {  	v4 =	vand.u32 $0x78, v4  }
0x564: {  	v5 =	vld.idx.msk [tilespmem:v7+s10+$0x0], $0xffff;
	v7 =	vor.u32 v27, v4  }
0x565: {  	v8 =	vor.u32 v48, v6;
	_ =	sdelay $0x3  }
0x566: {  	[tilespmem:v7+s25+$0x0] =	vst.idx.msk $0xffff, v5  }
0x567: {  	v7 =	vor.u32 v28, v4;
	v5 =	vld.idx.msk [tilespmem:v8+s10+$0x0], $0xffff  }
0x568: {  	v8 =	vor.u32 v49, v6;
	_ =	sdelay $0x3  }
0x569: {  	[tilespmem:v7+s25+$0x0] =	vst.idx.msk $0xffff, v5  }
0x56a: {  	v7 =	vor.u32 v29, v4;
	v5 =	vld.idx.msk [tilespmem:v8+s10+$0x0], $0xffff  }
0x56b: {  	v6 =	vor.u32 v50, v6;
	_ =	sdelay $0x3  }
0x56c: {  	[tilespmem:v7+s25+$0x0] =	vst.idx.msk $0xffff, v5  }
0x56d: {  	v4 =	vor.u32 v30, v4;
	v5 =	vld.idx.msk [tilespmem:v6+s10+$0x0], $0xffff;
	v6 =	vor.u32 s8, v13  }
0x56e: {  	v6 =	vshll.u32 v6, $0x6  }
0x56f: {  	v7 =	vor.u32 v0, v6;
	_ =	sdelay $0x2  }
0x570: {  	[tilespmem:v4+s25+$0x0] =	vst.idx.msk $0xffff, v5;
	v4 =	vor.u32 s8, v10  }
0x571: {  	v4 =	vand.u32 $0x78, v4  }
0x572: {  	v5 =	vld.idx.msk [tilespmem:v7+s10+$0x0], $0xffff;
	v7 =	vor.u32 v31, v4  }
0x573: {  	v8 =	vor.u32 v48, v6;
	_ =	sdelay $0x3  }
0x574: {  	[tilespmem:v7+s25+$0x0] =	vst.idx.msk $0xffff, v5  }
0x575: {  	v7 =	vor.u32 v32, v4;
	v5 =	vld.idx.msk [tilespmem:v8+s10+$0x0], $0xffff  }
0x576: {  	v8 =	vor.u32 v49, v6;
	_ =	sdelay $0x3  }
0x577: {  	[tilespmem:v7+s25+$0x0] =	vst.idx.msk $0xffff, v5  }
0x578: {  	v7 =	vor.u32 v33, v4;
	v5 =	vld.idx.msk [tilespmem:v8+s10+$0x0], $0xffff  }
0x579: {  	p0 =	sne.s32 s11, $0x70;
	v8 =	vor.u32 v50, v6  }
.Ltmp2:
0x57a: {  	_ = 	snop;
	(pc) =	sbr.rel @p0 .LBB2_6-.Ltmp2, $3  }
0x57b: {  	_ =	sdelay $0x1  }
0x57c: {  	s8 =	smov.u32 s11;
	[tilespmem:v7+s25+$0x0] =	vst.idx.msk $0xffff, v5  }
0x57d: {  	s11 =	sadd.s32 $0x10, s11;
	v6 =	vor.u32 s8, v40;
	v5 =	vld.idx.msk [tilespmem:v8+s10+$0x0], $0xffff  }
0x57e: {  	v6 =	vshll.u32 v6, $0x6;
	v4 =	vor.u32 v34, v4  }
0x57f: {  	v7 =	vor.u32 v0, v6;
	_ =	sdelay $0x2  }
0x580: {  	v8 =	vor.u32 s8, v0  }
0x581: {  	[tilespmem:v4+s25+$0x0] =	vst.idx.msk $0xffff, v5;
	v4 =	vand.u32 $0x78, v8  }
0x582: {  	v5 =	vld.idx.msk [tilespmem:v7+s10+$0x0], $0xffff;
	v7 =	vor.u32 v51, v4  }
0x583: {  	v8 =	vor.u32 v48, v6;
	_ =	sdelay $0x3  }
0x584: {  	[tilespmem:v7+s25+$0x0] =	vst.idx.msk $0xffff, v5  }
0x585: {  	v7 =	vor.u32 v52, v4;
	v5 =	vld.idx.msk [tilespmem:v8+s10+$0x0], $0xffff  }
0x586: {  	v8 =	vor.u32 v49, v6;
	_ =	sdelay $0x3  }
0x587: {  	[tilespmem:v7+s25+$0x0] =	vst.idx.msk $0xffff, v5  }
0x588: {  	v7 =	vor.u32 v53, v4;
	v5 =	vld.idx.msk [tilespmem:v8+s10+$0x0], $0xffff;
	_ =	sdelay $0x4  }
0x589: {  	[tilespmem:v7+s25+$0x0] =	vst.idx.msk $0xffff, v5;
	v5 =	vld [tilespmem:$0x1FD30]  }
0x58a: {  	v6 =	vor.u32 v50, v6;
	_ =	sdelay $0x3  }
0x58b: {  	v8 =	vld [tilespmem:$0x1FFC0];
	v5 =	vor.u32 s8, v5  }
0x58c: {  	v4 =	vor.u32 v54, v4;
	v6 =	vld.idx.msk [tilespmem:v6+s10+$0x0], $0xffff;
	v5 =	vshll.u32 v5, $0x6  }
0x58d: {  	v7 =	vor.u32 v0, v5;
	_ =	sdelay $0x2  }
0x58e: {  	v8 =	vor.u32 s8, v8  }
0x58f: {  	[tilespmem:v4+s25+$0x0] =	vst.idx.msk $0xffff, v6;
	v4 =	vand.u32 $0x78, v8  }
0x590: {  	v6 =	vld.idx.msk [tilespmem:v7+s10+$0x0], $0xffff;
	v7 =	vor.u32 v55, v4  }
0x591: {  	v8 =	vor.u32 v48, v5;
	_ =	sdelay $0x3  }
0x592: {  	[tilespmem:v7+s25+$0x0] =	vst.idx.msk $0xffff, v6  }
0x593: {  	v7 =	vor.u32 v56, v4;
	v6 =	vld.idx.msk [tilespmem:v8+s10+$0x0], $0xffff  }
0x594: {  	v8 =	vor.u32 v49, v5;
	_ =	sdelay $0x3  }
0x595: {  	[tilespmem:v7+s25+$0x0] =	vst.idx.msk $0xffff, v6  }
0x596: {  	v7 =	vor.u32 v57, v4;
	v6 =	vld.idx.msk [tilespmem:v8+s10+$0x0], $0xffff;
	_ =	sdelay $0x4  }
0x597: {  	[tilespmem:v7+s25+$0x0] =	vst.idx.msk $0xffff, v6;
	v6 =	vld [tilespmem:$0x1FD40]  }
0x598: {  	v5 =	vor.u32 v50, v5;
	_ =	sdelay $0x3  }
0x599: {  	v8 =	vld [tilespmem:$0x1FFD0];
	v6 =	vor.u32 s8, v6  }
0x59a: {  	v4 =	vor.u32 v58, v4;
	v5 =	vld.idx.msk [tilespmem:v5+s10+$0x0], $0xffff;
	v6 =	vshll.u32 v6, $0x6  }
0x59b: {  	v7 =	vor.u32 v0, v6;
	_ =	sdelay $0x2  }
0x59c: {  	v8 =	vor.u32 s8, v8  }
0x59d: {  	[tilespmem:v4+s25+$0x0] =	vst.idx.msk $0xffff, v5;
	v4 =	vand.u32 $0x78, v8  }
0x59e: {  	v5 =	vld.idx.msk [tilespmem:v7+s10+$0x0], $0xffff;
	v7 =	vor.u32 v59, v4  }
0x59f: {  	v8 =	vor.u32 v48, v6;
	_ =	sdelay $0x3  }
0x5a0: {  	[tilespmem:v7+s25+$0x0] =	vst.idx.msk $0xffff, v5  }
0x5a1: {  	v7 =	vor.u32 v60, v4;
	v5 =	vld.idx.msk [tilespmem:v8+s10+$0x0], $0xffff  }
0x5a2: {  	v8 =	vor.u32 v49, v6;
	_ =	sdelay $0x3  }
0x5a3: {  	[tilespmem:v7+s25+$0x0] =	vst.idx.msk $0xffff, v5  }
0x5a4: {  	v7 =	vor.u32 v61, v4;
	v5 =	vld.idx.msk [tilespmem:v8+s10+$0x0], $0xffff;
	_ =	sdelay $0x4  }
0x5a5: {  	[tilespmem:v7+s25+$0x0] =	vst.idx.msk $0xffff, v5;
	v5 =	vld [tilespmem:$0x1FD50]  }
0x5a6: {  	v6 =	vor.u32 v50, v6;
	_ =	sdelay $0x3  }
0x5a7: {  	v8 =	vld [tilespmem:$0x1FFE0];
	v5 =	vor.u32 s8, v5  }
0x5a8: {  	v4 =	vor.u32 v62, v4;
	v6 =	vld.idx.msk [tilespmem:v6+s10+$0x0], $0xffff;
	v5 =	vshll.u32 v5, $0x6  }
0x5a9: {  	v7 =	vor.u32 v0, v5;
	_ =	sdelay $0x2  }
0x5aa: {  	v8 =	vor.u32 s8, v8  }
0x5ab: {  	[tilespmem:v4+s25+$0x0] =	vst.idx.msk $0xffff, v6;
	v4 =	vand.u32 $0x78, v8  }
0x5ac: {  	v6 =	vld.idx.msk [tilespmem:v7+s10+$0x0], $0xffff;
	v7 =	vor.u32 v63, v4  }
0x5ad: {  	v8 =	vor.u32 v48, v5;
	_ =	sdelay $0x3  }
0x5ae: {  	[tilespmem:v7+s25+$0x0] =	vst.idx.msk $0xffff, v6  }
0x5af: {  	v7 =	vor.u32 v16, v4;
	v6 =	vld.idx.msk [tilespmem:v8+s10+$0x0], $0xffff  }
0x5b0: {  	v8 =	vor.u32 v49, v5;
	_ =	sdelay $0x3  }
0x5b1: {  	[tilespmem:v7+s25+$0x0] =	vst.idx.msk $0xffff, v6  }
0x5b2: {  	v7 =	vor.u32 v17, v4;
	v6 =	vld.idx.msk [tilespmem:v8+s10+$0x0], $0xffff;
	_ =	sdelay $0x4  }
0x5b3: {  	[tilespmem:v7+s25+$0x0] =	vst.idx.msk $0xffff, v6;
	v6 =	vld [tilespmem:$0x1FD60]  }
0x5b4: {  	v5 =	vor.u32 v50, v5;
	_ =	sdelay $0x3  }
0x5b5: {  	v40 =	vld [tilespmem:$0x1FFF0];
	v6 =	vor.u32 s8, v6  }
0x5b6: {  	v4 =	vor.u32 v18, v4;
	v5 =	vld.idx.msk [tilespmem:v5+s10+$0x0], $0xffff;
	v6 =	vshll.u32 v6, $0x6  }
0x5b7: {  	v7 =	vor.u32 v0, v6;
	_ =	sdelay $0x2  }
0x5b8: {  	v8 =	vor.u32 s8, v40  }
0x5b9: {  	[tilespmem:v4+s25+$0x0] =	vst.idx.msk $0xffff, v5;
	v4 =	vand.u32 $0x78, v8  }
0x5ba: {  	v5 =	vld.idx.msk [tilespmem:v7+s10+$0x0], $0xffff;
	v7 =	vor.u32 v19, v4  }
0x5bb: {  	v8 =	vor.u32 v48, v6;
	_ =	sdelay $0x3  }
0x5bc: {  	[tilespmem:v7+s25+$0x0] =	vst.idx.msk $0xffff, v5  }
0x5bd: {  	v7 =	vor.u32 v20, v4;
	v5 =	vld.idx.msk [tilespmem:v8+s10+$0x0], $0xffff  }
0x5be: {  	v8 =	vor.u32 v49, v6;
	_ =	sdelay $0x3  }
0x5bf: {  	[tilespmem:v7+s25+$0x0] =	vst.idx.msk $0xffff, v5  }
0x5c0: {  	v7 =	vor.u32 v21, v4;
	v5 =	vld.idx.msk [tilespmem:v8+s10+$0x0], $0xffff  }
0x5c1: {  	v6 =	vor.u32 v50, v6;
	_ =	sdelay $0x3  }
0x5c2: {  	[tilespmem:v7+s25+$0x0] =	vst.idx.msk $0xffff, v5;
	v5 =	vor.u32 s8, v41  }
0x5c3: {  	v4 =	vor.u32 v22, v4;
	v6 =	vld.idx.msk [tilespmem:v6+s10+$0x0], $0xffff;
	v5 =	vshll.u32 v5, $0x6  }
0x5c4: {  	v7 =	vor.u32 v0, v5;
	_ =	sdelay $0x2  }
0x5c5: {  	v8 =	vor.u32 s8, v36  }
0x5c6: {  	[tilespmem:v4+s25+$0x0] =	vst.idx.msk $0xffff, v6;
	v4 =	vand.u32 $0x78, v8  }
0x5c7: {  	v6 =	vld.idx.msk [tilespmem:v7+s10+$0x0], $0xffff;
	v7 =	vor.u32 v23, v4  }
0x5c8: {  	v8 =	vor.u32 v48, v5;
	_ =	sdelay $0x3  }
0x5c9: {  	[tilespmem:v7+s25+$0x0] =	vst.idx.msk $0xffff, v6  }
0x5ca: {  	v7 =	vor.u32 v24, v4;
	v6 =	vld.idx.msk [tilespmem:v8+s10+$0x0], $0xffff  }
0x5cb: {  	v8 =	vor.u32 v49, v5;
	_ =	sdelay $0x3  }
0x5cc: {  	[tilespmem:v7+s25+$0x0] =	vst.idx.msk $0xffff, v6  }
0x5cd: {  	v7 =	vor.u32 v25, v4;
	v6 =	vld.idx.msk [tilespmem:v8+s10+$0x0], $0xffff  }
0x5ce: {  	v5 =	vor.u32 v50, v5;
	_ =	sdelay $0x3  }
0x5cf: {  	[tilespmem:v7+s25+$0x0] =	vst.idx.msk $0xffff, v6;
	v6 =	vor.u32 s8, v9  }
0x5d0: {  	v4 =	vor.u32 v26, v4;
	v5 =	vld.idx.msk [tilespmem:v5+s10+$0x0], $0xffff;
	v6 =	vshll.u32 v6, $0x6  }
0x5d1: {  	v7 =	vor.u32 v0, v6;
	_ =	sdelay $0x2  }
0x5d2: {  	v8 =	vor.u32 s8, v37  }
0x5d3: {  	[tilespmem:v4+s25+$0x0] =	vst.idx.msk $0xffff, v5;
	v4 =	vand.u32 $0x78, v8  }
0x5d4: {  	v5 =	vld.idx.msk [tilespmem:v7+s10+$0x0], $0xffff;
	v7 =	vor.u32 v27, v4  }
0x5d5: {  	v8 =	vor.u32 v48, v6;
	_ =	sdelay $0x3  }
0x5d6: {  	[tilespmem:v7+s25+$0x0] =	vst.idx.msk $0xffff, v5  }
0x5d7: {  	v7 =	vor.u32 v28, v4;
	v5 =	vld.idx.msk [tilespmem:v8+s10+$0x0], $0xffff  }
0x5d8: {  	v8 =	vor.u32 v49, v6;
	_ =	sdelay $0x3  }
0x5d9: {  	[tilespmem:v7+s25+$0x0] =	vst.idx.msk $0xffff, v5  }
0x5da: {  	v7 =	vor.u32 v29, v4;
	v5 =	vld.idx.msk [tilespmem:v8+s10+$0x0], $0xffff  }
0x5db: {  	v6 =	vor.u32 v50, v6;
	_ =	sdelay $0x3  }
0x5dc: {  	[tilespmem:v7+s25+$0x0] =	vst.idx.msk $0xffff, v5;
	v5 =	vor.u32 s8, v42  }
0x5dd: {  	v4 =	vor.u32 v30, v4;
	v6 =	vld.idx.msk [tilespmem:v6+s10+$0x0], $0xffff;
	v5 =	vshll.u32 v5, $0x6  }
0x5de: {  	v7 =	vor.u32 v0, v5;
	_ =	sdelay $0x2  }
0x5df: {  	v8 =	vor.u32 s8, v38  }
0x5e0: {  	[tilespmem:v4+s25+$0x0] =	vst.idx.msk $0xffff, v6;
	v4 =	vand.u32 $0x78, v8  }
0x5e1: {  	v6 =	vld.idx.msk [tilespmem:v7+s10+$0x0], $0xffff;
	v7 =	vor.u32 v31, v4  }
0x5e2: {  	v8 =	vor.u32 v48, v5;
	_ =	sdelay $0x3  }
0x5e3: {  	[tilespmem:v7+s25+$0x0] =	vst.idx.msk $0xffff, v6  }
0x5e4: {  	v7 =	vor.u32 v32, v4;
	v6 =	vld.idx.msk [tilespmem:v8+s10+$0x0], $0xffff  }
0x5e5: {  	v8 =	vor.u32 v49, v5;
	_ =	sdelay $0x3  }
0x5e6: {  	[tilespmem:v7+s25+$0x0] =	vst.idx.msk $0xffff, v6  }
0x5e7: {  	v7 =	vor.u32 v33, v4;
	v6 =	vld.idx.msk [tilespmem:v8+s10+$0x0], $0xffff  }
0x5e8: {  	v5 =	vor.u32 v50, v5;
	_ =	sdelay $0x3  }
0x5e9: {  	[tilespmem:v7+s25+$0x0] =	vst.idx.msk $0xffff, v6;
	v6 =	vor.u32 s8, v43  }
0x5ea: {  	v4 =	vor.u32 v34, v4;
	v5 =	vld.idx.msk [tilespmem:v5+s10+$0x0], $0xffff;
	v6 =	vshll.u32 v6, $0x6  }
0x5eb: {  	v7 =	vor.u32 v0, v6;
	_ =	sdelay $0x2  }
0x5ec: {  	v8 =	vor.u32 s8, v39  }
0x5ed: {  	[tilespmem:v4+s25+$0x0] =	vst.idx.msk $0xffff, v5;
	v4 =	vand.u32 $0x78, v8  }
0x5ee: {  	v5 =	vld.idx.msk [tilespmem:v7+s10+$0x0], $0xffff;
	v7 =	vor.u32 v51, v4  }
0x5ef: {  	v8 =	vor.u32 v48, v6;
	_ =	sdelay $0x3  }
0x5f0: {  	[tilespmem:v7+s25+$0x0] =	vst.idx.msk $0xffff, v5  }
0x5f1: {  	v7 =	vor.u32 v52, v4;
	v5 =	vld.idx.msk [tilespmem:v8+s10+$0x0], $0xffff  }
0x5f2: {  	v8 =	vor.u32 v49, v6;
	_ =	sdelay $0x3  }
0x5f3: {  	[tilespmem:v7+s25+$0x0] =	vst.idx.msk $0xffff, v5  }
0x5f4: {  	v7 =	vor.u32 v53, v4;
	v5 =	vld.idx.msk [tilespmem:v8+s10+$0x0], $0xffff  }
0x5f5: {  	v6 =	vor.u32 v50, v6;
	_ =	sdelay $0x3  }
0x5f6: {  	[tilespmem:v7+s25+$0x0] =	vst.idx.msk $0xffff, v5;
	v5 =	vor.u32 s8, v35  }
0x5f7: {  	v4 =	vor.u32 v54, v4;
	v6 =	vld.idx.msk [tilespmem:v6+s10+$0x0], $0xffff;
	v5 =	vshll.u32 v5, $0x6  }
0x5f8: {  	v7 =	vor.u32 v0, v5;
	_ =	sdelay $0x2  }
0x5f9: {  	v8 =	vor.u32 s8, v44  }
0x5fa: {  	[tilespmem:v4+s25+$0x0] =	vst.idx.msk $0xffff, v6;
	v4 =	vand.u32 $0x78, v8  }
0x5fb: {  	v6 =	vld.idx.msk [tilespmem:v7+s10+$0x0], $0xffff;
	v7 =	vor.u32 v55, v4  }
0x5fc: {  	v8 =	vor.u32 v48, v5;
	_ =	sdelay $0x3  }
0x5fd: {  	[tilespmem:v7+s25+$0x0] =	vst.idx.msk $0xffff, v6  }
0x5fe: {  	v7 =	vor.u32 v56, v4;
	v6 =	vld.idx.msk [tilespmem:v8+s10+$0x0], $0xffff  }
0x5ff: {  	v8 =	vor.u32 v49, v5;
	_ =	sdelay $0x3  }
0x600: {  	[tilespmem:v7+s25+$0x0] =	vst.idx.msk $0xffff, v6  }
0x601: {  	v7 =	vor.u32 v57, v4;
	v6 =	vld.idx.msk [tilespmem:v8+s10+$0x0], $0xffff  }
0x602: {  	v5 =	vor.u32 v50, v5;
	_ =	sdelay $0x3  }
0x603: {  	[tilespmem:v7+s25+$0x0] =	vst.idx.msk $0xffff, v6;
	v6 =	vor.u32 s8, v14  }
0x604: {  	v4 =	vor.u32 v58, v4;
	v5 =	vld.idx.msk [tilespmem:v5+s10+$0x0], $0xffff;
	v6 =	vshll.u32 v6, $0x6  }
0x605: {  	v7 =	vor.u32 v0, v6;
	_ =	sdelay $0x2  }
0x606: {  	v8 =	vor.u32 s8, v45  }
0x607: {  	[tilespmem:v4+s25+$0x0] =	vst.idx.msk $0xffff, v5;
	v4 =	vand.u32 $0x78, v8  }
0x608: {  	v5 =	vld.idx.msk [tilespmem:v7+s10+$0x0], $0xffff;
	v7 =	vor.u32 v59, v4  }
0x609: {  	v8 =	vor.u32 v48, v6;
	_ =	sdelay $0x3  }
0x60a: {  	[tilespmem:v7+s25+$0x0] =	vst.idx.msk $0xffff, v5  }
0x60b: {  	v7 =	vor.u32 v60, v4;
	v5 =	vld.idx.msk [tilespmem:v8+s10+$0x0], $0xffff  }
0x60c: {  	v8 =	vor.u32 v49, v6;
	_ =	sdelay $0x3  }
0x60d: {  	[tilespmem:v7+s25+$0x0] =	vst.idx.msk $0xffff, v5  }
0x60e: {  	v7 =	vor.u32 v61, v4;
	v5 =	vld.idx.msk [tilespmem:v8+s10+$0x0], $0xffff  }
0x60f: {  	v6 =	vor.u32 v50, v6;
	_ =	sdelay $0x3  }
0x610: {  	[tilespmem:v7+s25+$0x0] =	vst.idx.msk $0xffff, v5;
	v5 =	vor.u32 s8, v15  }
0x611: {  	v4 =	vor.u32 v62, v4;
	v6 =	vld.idx.msk [tilespmem:v6+s10+$0x0], $0xffff;
	v5 =	vshll.u32 v5, $0x6  }
0x612: {  	v7 =	vor.u32 v0, v5;
	_ =	sdelay $0x2  }
0x613: {  	v8 =	vor.u32 s8, v46  }
0x614: {  	[tilespmem:v4+s25+$0x0] =	vst.idx.msk $0xffff, v6;
	v4 =	vand.u32 $0x78, v8  }
0x615: {  	v6 =	vld.idx.msk [tilespmem:v7+s10+$0x0], $0xffff;
	v7 =	vor.u32 v63, v4  }
0x616: {  	v8 =	vor.u32 v48, v5;
	_ =	sdelay $0x3  }
0x617: {  	[tilespmem:v7+s25+$0x0] =	vst.idx.msk $0xffff, v6  }
0x618: {  	v7 =	vor.u32 v16, v4;
	v6 =	vld.idx.msk [tilespmem:v8+s10+$0x0], $0xffff  }
0x619: {  	v8 =	vor.u32 v49, v5;
	_ =	sdelay $0x3  }
0x61a: {  	[tilespmem:v7+s25+$0x0] =	vst.idx.msk $0xffff, v6  }
0x61b: {  	v7 =	vor.u32 v17, v4;
	v6 =	vld.idx.msk [tilespmem:v8+s10+$0x0], $0xffff  }
0x61c: {  	v5 =	vor.u32 v50, v5;
	_ =	sdelay $0x3  }
0x61d: {  	v1 =	vor.u32 s8, v1;
	[tilespmem:v7+s25+$0x0] =	vst.idx.msk $0xffff, v6  }
0x61e: {  	v1 =	vshll.u32 v1, $0x6;
	v4 =	vor.u32 v18, v4;
	v5 =	vld.idx.msk [tilespmem:v5+s10+$0x0], $0xffff  }
0x61f: {  	v6 =	vor.u32 v0, v1;
	_ =	sdelay $0x2  }
0x620: {  	v7 =	vor.u32 s8, v47  }
0x621: {  	[tilespmem:v4+s25+$0x0] =	vst.idx.msk $0xffff, v5;
	v4 =	vand.u32 $0x78, v7  }
0x622: {  	v5 =	vld.idx.msk [tilespmem:v6+s10+$0x0], $0xffff;
	v6 =	vor.u32 v19, v4  }
0x623: {  	v7 =	vor.u32 v48, v1;
	_ =	sdelay $0x3  }
0x624: {  	[tilespmem:v6+s25+$0x0] =	vst.idx.msk $0xffff, v5  }
0x625: {  	v6 =	vor.u32 v20, v4;
	v5 =	vld.idx.msk [tilespmem:v7+s10+$0x0], $0xffff  }
0x626: {  	v7 =	vor.u32 v49, v1;
	_ =	sdelay $0x3  }
0x627: {  	[tilespmem:v6+s25+$0x0] =	vst.idx.msk $0xffff, v5  }
0x628: {  	v6 =	vor.u32 v21, v4;
	v5 =	vld.idx.msk [tilespmem:v7+s10+$0x0], $0xffff  }
0x629: {  	v1 =	vor.u32 v50, v1;
	_ =	sdelay $0x3  }
0x62a: {  	v2 =	vor.u32 s8, v2;
	[tilespmem:v6+s25+$0x0] =	vst.idx.msk $0xffff, v5  }
0x62b: {  	v2 =	vshll.u32 v2, $0x6;
	v4 =	vor.u32 v22, v4;
	v1 =	vld.idx.msk [tilespmem:v1+s10+$0x0], $0xffff  }
0x62c: {  	v5 =	vor.u32 v0, v2;
	_ =	sdelay $0x2  }
0x62d: {  	v6 =	vor.u32 s8, v11  }
0x62e: {  	[tilespmem:v4+s25+$0x0] =	vst.idx.msk $0xffff, v1;
	v1 =	vand.u32 $0x78, v6  }
0x62f: {  	v4 =	vld.idx.msk [tilespmem:v5+s10+$0x0], $0xffff;
	v5 =	vor.u32 v23, v1  }
0x630: {  	v6 =	vor.u32 v48, v2;
	_ =	sdelay $0x3  }
0x631: {  	[tilespmem:v5+s25+$0x0] =	vst.idx.msk $0xffff, v4  }
0x632: {  	v5 =	vor.u32 v24, v1;
	v4 =	vld.idx.msk [tilespmem:v6+s10+$0x0], $0xffff  }
0x633: {  	v6 =	vor.u32 v49, v2;
	_ =	sdelay $0x3  }
0x634: {  	[tilespmem:v5+s25+$0x0] =	vst.idx.msk $0xffff, v4  }
0x635: {  	v5 =	vor.u32 v25, v1;
	v4 =	vld.idx.msk [tilespmem:v6+s10+$0x0], $0xffff  }
0x636: {  	v2 =	vor.u32 v50, v2;
	_ =	sdelay $0x3  }
0x637: {  	v3 =	vor.u32 s8, v3;
	[tilespmem:v5+s25+$0x0] =	vst.idx.msk $0xffff, v4  }
0x638: {  	v3 =	vshll.u32 v3, $0x6;
	v1 =	vor.u32 v26, v1;
	v2 =	vld.idx.msk [tilespmem:v2+s10+$0x0], $0xffff  }
0x639: {  	v4 =	vor.u32 v0, v3;
	_ =	sdelay $0x2  }
0x63a: {  	v5 =	vor.u32 s8, v12  }
0x63b: {  	[tilespmem:v1+s25+$0x0] =	vst.idx.msk $0xffff, v2;
	v1 =	vand.u32 $0x78, v5  }
0x63c: {  	v2 =	vld.idx.msk [tilespmem:v4+s10+$0x0], $0xffff;
	v4 =	vor.u32 v27, v1  }
0x63d: {  	v5 =	vor.u32 v48, v3;
	_ =	sdelay $0x3  }
0x63e: {  	[tilespmem:v4+s25+$0x0] =	vst.idx.msk $0xffff, v2  }
0x63f: {  	v4 =	vor.u32 v28, v1;
	v2 =	vld.idx.msk [tilespmem:v5+s10+$0x0], $0xffff  }
0x640: {  	v5 =	vor.u32 v49, v3;
	_ =	sdelay $0x3  }
0x641: {  	[tilespmem:v4+s25+$0x0] =	vst.idx.msk $0xffff, v2  }
0x642: {  	v4 =	vor.u32 v29, v1;
	v2 =	vld.idx.msk [tilespmem:v5+s10+$0x0], $0xffff  }
0x643: {  	v3 =	vor.u32 v50, v3;
	_ =	sdelay $0x3  }
0x644: {  	[tilespmem:v4+s25+$0x0] =	vst.idx.msk $0xffff, v2;
	v2 =	vor.u32 s8, v13  }
0x645: {  	v1 =	vor.u32 v30, v1;
	v3 =	vld.idx.msk [tilespmem:v3+s10+$0x0], $0xffff;
	v2 =	vshll.u32 v2, $0x6  }
0x646: {  	v4 =	vor.u32 v0, v2;
	_ =	sdelay $0x2  }
0x647: {  	v5 =	vor.u32 s8, v10  }
0x648: {  	[tilespmem:v1+s25+$0x0] =	vst.idx.msk $0xffff, v3;
	v1 =	vand.u32 $0x78, v5  }
0x649: {  	v3 =	vld.idx.msk [tilespmem:v4+s10+$0x0], $0xffff;
	v4 =	vor.u32 v31, v1  }
0x64a: {  	v5 =	vor.u32 v48, v2;
	_ =	sdelay $0x3  }
0x64b: {  	[tilespmem:v4+s25+$0x0] =	vst.idx.msk $0xffff, v3  }
0x64c: {  	v4 =	vor.u32 v32, v1;
	v3 =	vld.idx.msk [tilespmem:v5+s10+$0x0], $0xffff  }
0x64d: {  	v5 =	vor.u32 v49, v2;
	_ =	sdelay $0x3  }
0x64e: {  	[tilespmem:v4+s25+$0x0] =	vst.idx.msk $0xffff, v3  }
0x64f: {  	v4 =	vor.u32 v33, v1;
	v3 =	vld.idx.msk [tilespmem:v5+s10+$0x0], $0xffff  }
0x650: {  	v2 =	vor.u32 v50, v2;
	_ =	sdelay $0x3  }
0x651: {  	[tilespmem:v4+s25+$0x0] =	vst.idx.msk $0xffff, v3  }
0x652: {  	v1 =	vor.u32 v34, v1;
	v2 =	vld.idx.msk [tilespmem:v2+s10+$0x0], $0xffff;
	_ =	sdelay $0x1  }
0x653: {  	s11 =	sshll.u32 s31, $0xF  }
0x654: {  	s8 =	sadd.s32 s11, s5;
	s11 =	sshll.u32 s31, $0xD;
	s31 =	sadd.s32 $0x1, s31  }
0x655: {  	p0 =	sne.s32 s31, $0x2A  }
.Ltmp3:
0x656: {  	s0 =	sor.u32 $0x11900, s0;
	[tilespmem:v1+s25+$0x0] =	vst.idx.msk $0xffff, v2;
	(pc) =	sbr.rel @p0 .LBB2_5-.Ltmp3, $4  }
0x657: {  	[hbm4b:s8+s26] =	stream.strided.scatter [tilespmem:s0], [sflag:$0x2], $0x2000, s28, s26, $0x38;
	[tilespmem:$0x15900] =	vst v63  }
0x658: {  	s1 =	sand.u32 $0x3FFFFF80, s1;
	v20 =	vld [tilespmem:$0x1FFC0];
	s0 =	sand.u32 $0xE000, s11  }
0x659: {  	s1 =	sadd.s32 $0x400, s1;
	v21 =	vld [tilespmem:$0x1FFD0];
	s0 =	sor.u32 $0x1900, s0  }
0x65a: {  	v8 =	vmovc v10;
	v22 =	vld [tilespmem:$0x1FFE0];
	v23 =	vmov v40;
	v6 =	vmov v12;
	v10 =	vmov v11;
	[tilespmem:s0], [sflag:$0x1] =	stream.indirect.gather [hbm4b:s3+s7], $0x40, s1, s7, $0xb8  }
0x65b: {  	s31 =	simm.s32 $0x2A  }
.LBB2_9:
0x65c: {  	s0 =	sshll.u32 s31, $0x7;
	_ =	swait.ge [sflag:s29], $0x2000  }
0x65d: {  	s8 =	sand.u32 $0x380, s0;
	[sflag:s29] =	ssyncset.done $0x0  }
0x65e: {  	s1 =	simm.s32 $0x0;
	v14 =	vor.u32 s8, v0;
	[sflag:s29] =	ssyncadd.s32 $0xFFFFE000  }
0x65f: {  	v1 =	vor.u32 s1, v14;
	_ =	swait.ge [sflag:s24], $0x2000  }
0x660: {  	v1 =	vshll.u32 v1, $0x6;
	v4 =	vld [tilespmem:$0x1FDC0]  }
0x661: {  	v2 =	vor.u32 v0, v1;
	_ =	sdelay $0x1  }
0x662: {  	s11 =	sand.u32 $0x1, s31  }
0x663: {  	s0 =	sshll.u32 s11, $0xD;
	v3 =	vor.u32 s1, v0;
	[sflag:s24] =	ssyncset.done $0x0  }
0x664: {  	v3 =	vand.u32 $0x78, v3;
	v12 =	vld [tilespmem:$0x1FDD0];
	[sflag:s24] =	ssyncadd.s32 $0xFFFFE000;
	v51 =	vor.u32 s0, v4  }
0x665: {  	v2 =	vld.idx.msk [tilespmem:v2+s10+$0x0], $0xffff;
	v4 =	vor.u32 v51, v3  }
0x666: {  	v5 =	vor.u32 v48, v1;
	_ =	sdelay $0x3  }
0x667: {  	v52 =	vor.u32 s0, v12;
	[tilespmem:v4+s25+$0x0] =	vst.idx.msk $0xffff, v2  }
0x668: {  	v4 =	vor.u32 v52, v3;
	v2 =	vld.idx.msk [tilespmem:v5+s10+$0x0], $0xffff  }
0x669: {  	v12 =	vld [tilespmem:$0x1FDE0];
	v5 =	vor.u32 v49, v1;
	_ =	sdelay $0x3  }
0x66a: {  	[tilespmem:v4+s25+$0x0] =	vst.idx.msk $0xffff, v2  }
0x66b: {  	v53 =	vor.u32 s0, v12;
	v2 =	vld.idx.msk [tilespmem:v5+s10+$0x0], $0xffff  }
0x66c: {  	v4 =	vor.u32 v53, v3;
	v5 =	vld [tilespmem:$0x1FDF0]  }
0x66d: {  	v1 =	vor.u32 v50, v1;
	_ =	sdelay $0x2  }
0x66e: {  	v7 =	vor.u32 s8, v20  }
0x66f: {  	v12 =	vld [tilespmem:$0x1FE00];
	v54 =	vor.u32 s0, v5;
	[tilespmem:v4+s25+$0x0] =	vst.idx.msk $0xffff, v2;
	v2 =	vor.u32 s1, v7  }
0x670: {  	v1 =	vld.idx.msk [tilespmem:v1+s10+$0x0], $0xffff;
	v3 =	vor.u32 v54, v3;
	v2 =	vshll.u32 v2, $0x6  }
0x671: {  	v4 =	vor.u32 v0, v2;
	_ =	sdelay $0x2  }
0x672: {  	v5 =	vor.u32 s1, v20  }
0x673: {  	v55 =	vor.u32 s0, v12;
	v12 =	vld [tilespmem:$0x1FE10];
	[tilespmem:v3+s25+$0x0] =	vst.idx.msk $0xffff, v1;
	v1 =	vand.u32 $0x78, v5  }
0x674: {  	v3 =	vld.idx.msk [tilespmem:v4+s10+$0x0], $0xffff;
	v4 =	vor.u32 v55, v1  }
0x675: {  	v5 =	vor.u32 v48, v2;
	_ =	sdelay $0x3  }
0x676: {  	v56 =	vor.u32 s0, v12;
	[tilespmem:v4+s25+$0x0] =	vst.idx.msk $0xffff, v3  }
0x677: {  	v4 =	vor.u32 v56, v1;
	v3 =	vld.idx.msk [tilespmem:v5+s10+$0x0], $0xffff  }
0x678: {  	v12 =	vld [tilespmem:$0x1FE20];
	v5 =	vor.u32 v49, v2;
	_ =	sdelay $0x3  }
0x679: {  	[tilespmem:v4+s25+$0x0] =	vst.idx.msk $0xffff, v3  }
0x67a: {  	v57 =	vor.u32 s0, v12;
	v3 =	vld.idx.msk [tilespmem:v5+s10+$0x0], $0xffff  }
0x67b: {  	v4 =	vor.u32 v57, v1;
	v5 =	vld [tilespmem:$0x1FE30]  }
0x67c: {  	v2 =	vor.u32 v50, v2;
	_ =	sdelay $0x2  }
0x67d: {  	[tilespmem:$0x1FCF0] =	vst v7;
	v7 =	vor.u32 s8, v21  }
0x67e: {  	v12 =	vld [tilespmem:$0x1FE40];
	v58 =	vor.u32 s0, v5;
	[tilespmem:v4+s25+$0x0] =	vst.idx.msk $0xffff, v3;
	v3 =	vor.u32 s1, v7  }
0x67f: {  	v2 =	vld.idx.msk [tilespmem:v2+s10+$0x0], $0xffff;
	v1 =	vor.u32 v58, v1;
	v3 =	vshll.u32 v3, $0x6  }
0x680: {  	v4 =	vor.u32 v0, v3;
	_ =	sdelay $0x2  }
0x681: {  	v5 =	vor.u32 s1, v21  }
0x682: {  	v59 =	vor.u32 s0, v12;
	v12 =	vld [tilespmem:$0x1FE50];
	[tilespmem:v1+s25+$0x0] =	vst.idx.msk $0xffff, v2;
	v1 =	vand.u32 $0x78, v5  }
0x683: {  	v2 =	vld.idx.msk [tilespmem:v4+s10+$0x0], $0xffff;
	v4 =	vor.u32 v59, v1  }
0x684: {  	v5 =	vor.u32 v48, v3;
	_ =	sdelay $0x3  }
0x685: {  	v60 =	vor.u32 s0, v12;
	[tilespmem:v4+s25+$0x0] =	vst.idx.msk $0xffff, v2  }
0x686: {  	v4 =	vor.u32 v60, v1;
	v2 =	vld.idx.msk [tilespmem:v5+s10+$0x0], $0xffff  }
0x687: {  	v12 =	vld [tilespmem:$0x1FE60];
	v5 =	vor.u32 v49, v3;
	_ =	sdelay $0x3  }
0x688: {  	[tilespmem:v4+s25+$0x0] =	vst.idx.msk $0xffff, v2  }
0x689: {  	v61 =	vor.u32 s0, v12;
	v2 =	vld.idx.msk [tilespmem:v5+s10+$0x0], $0xffff  }
0x68a: {  	v4 =	vor.u32 v61, v1;
	v5 =	vld [tilespmem:$0x1FE70]  }
0x68b: {  	v3 =	vor.u32 v50, v3;
	_ =	sdelay $0x2  }
0x68c: {  	[tilespmem:$0x1FD00] =	vst v7;
	v7 =	vor.u32 s8, v22  }
0x68d: {  	v12 =	vld [tilespmem:$0x1FE80];
	v62 =	vor.u32 s0, v5;
	[tilespmem:v4+s25+$0x0] =	vst.idx.msk $0xffff, v2;
	v2 =	vor.u32 s1, v7  }
0x68e: {  	v3 =	vld.idx.msk [tilespmem:v3+s10+$0x0], $0xffff;
	v1 =	vor.u32 v62, v1;
	v2 =	vshll.u32 v2, $0x6  }
0x68f: {  	v4 =	vor.u32 v0, v2;
	_ =	sdelay $0x2  }
0x690: {  	v5 =	vor.u32 s1, v22  }
0x691: {  	v11 =	vld [tilespmem:$0x1FE90];
	v63 =	vor.u32 s0, v12;
	[tilespmem:v1+s25+$0x0] =	vst.idx.msk $0xffff, v3;
	v1 =	vand.u32 $0x78, v5  }
0x692: {  	v3 =	vld.idx.msk [tilespmem:v4+s10+$0x0], $0xffff;
	v4 =	vor.u32 v63, v1  }
0x693: {  	v5 =	vor.u32 v48, v2;
	_ =	sdelay $0x3  }
0x694: {  	v16 =	vor.u32 s0, v11;
	[tilespmem:v4+s25+$0x0] =	vst.idx.msk $0xffff, v3  }
0x695: {  	v4 =	vor.u32 v16, v1;
	v3 =	vld.idx.msk [tilespmem:v5+s10+$0x0], $0xffff  }
0x696: {  	v13 =	vmov v8;
	v8 =	vmov v6;
	v6 =	vld [tilespmem:$0x1FEA0];
	v5 =	vor.u32 v49, v2;
	_ =	sdelay $0x3  }
0x697: {  	[tilespmem:v4+s25+$0x0] =	vst.idx.msk $0xffff, v3  }
0x698: {  	v17 =	vor.u32 s0, v6;
	v3 =	vld.idx.msk [tilespmem:v5+s10+$0x0], $0xffff  }
0x699: {  	v4 =	vor.u32 v17, v1;
	v5 =	vld [tilespmem:$0x1FEB0]  }
0x69a: {  	v2 =	vor.u32 v50, v2;
	_ =	sdelay $0x1  }
0x69b: {  	v6 =	vor.u32 s8, v23  }
0x69c: {  	[tilespmem:$0x1FD20] =	vst v6  }
0x69d: {  	v18 =	vor.u32 s0, v5;
	[tilespmem:v4+s25+$0x0] =	vst.idx.msk $0xffff, v3;
	v3 =	vor.u32 s1, v6;
	v6 =	vld [tilespmem:$0x1FEC0]  }
0x69e: {  	v2 =	vld.idx.msk [tilespmem:v2+s10+$0x0], $0xffff;
	v1 =	vor.u32 v18, v1;
	v3 =	vshll.u32 v3, $0x6  }
0x69f: {  	v4 =	vor.u32 v0, v3;
	_ =	sdelay $0x2  }
0x6a0: {  	v5 =	vor.u32 s1, v23  }
0x6a1: {  	v19 =	vor.u32 s0, v6;
	v6 =	vld [tilespmem:$0x1FED0];
	[tilespmem:v1+s25+$0x0] =	vst.idx.msk $0xffff, v2;
	v1 =	vand.u32 $0x78, v5  }
0x6a2: {  	v2 =	vld.idx.msk [tilespmem:v4+s10+$0x0], $0xffff;
	v4 =	vor.u32 v19, v1  }
0x6a3: {  	v5 =	vor.u32 v48, v3;
	_ =	sdelay $0x3  }
0x6a4: {  	v20 =	vor.u32 s0, v6;
	[tilespmem:v4+s25+$0x0] =	vst.idx.msk $0xffff, v2  }
0x6a5: {  	v4 =	vor.u32 v20, v1;
	v2 =	vld.idx.msk [tilespmem:v5+s10+$0x0], $0xffff  }
0x6a6: {  	v6 =	vld [tilespmem:$0x1FEE0];
	v5 =	vor.u32 v49, v3;
	_ =	sdelay $0x3  }
0x6a7: {  	[tilespmem:v4+s25+$0x0] =	vst.idx.msk $0xffff, v2  }
0x6a8: {  	v21 =	vor.u32 s0, v6;
	v2 =	vld.idx.msk [tilespmem:v5+s10+$0x0], $0xffff  }
0x6a9: {  	v4 =	vor.u32 v21, v1;
	v5 =	vld [tilespmem:$0x1FEF0]  }
0x6aa: {  	v3 =	vor.u32 v50, v3;
	_ =	sdelay $0x2  }
0x6ab: {  	v6 =	vor.u32 s8, v36  }
0x6ac: {  	v41 =	vmov v6;
	v22 =	vor.u32 s0, v5;
	[tilespmem:v4+s25+$0x0] =	vst.idx.msk $0xffff, v2;
	v2 =	vor.u32 s1, v6;
	v6 =	vld [tilespmem:$0x1FF00]  }
0x6ad: {  	v3 =	vld.idx.msk [tilespmem:v3+s10+$0x0], $0xffff;
	v1 =	vor.u32 v22, v1;
	v2 =	vshll.u32 v2, $0x6  }
0x6ae: {  	v4 =	vor.u32 v0, v2;
	_ =	sdelay $0x2  }
0x6af: {  	v5 =	vor.u32 s1, v36  }
0x6b0: {  	v23 =	vor.u32 s0, v6;
	v6 =	vld [tilespmem:$0x1FF10];
	[tilespmem:v1+s25+$0x0] =	vst.idx.msk $0xffff, v3;
	v1 =	vand.u32 $0x78, v5  }
0x6b1: {  	v3 =	vld.idx.msk [tilespmem:v4+s10+$0x0], $0xffff;
	v4 =	vor.u32 v23, v1  }
0x6b2: {  	v5 =	vor.u32 v48, v2;
	_ =	sdelay $0x3  }
0x6b3: {  	v24 =	vor.u32 s0, v6;
	[tilespmem:v4+s25+$0x0] =	vst.idx.msk $0xffff, v3  }
0x6b4: {  	v4 =	vor.u32 v24, v1;
	v3 =	vld.idx.msk [tilespmem:v5+s10+$0x0], $0xffff  }
0x6b5: {  	v6 =	vld [tilespmem:$0x1FF20];
	v5 =	vor.u32 v49, v2;
	_ =	sdelay $0x3  }
0x6b6: {  	[tilespmem:v4+s25+$0x0] =	vst.idx.msk $0xffff, v3  }
0x6b7: {  	v25 =	vor.u32 s0, v6;
	v3 =	vld.idx.msk [tilespmem:v5+s10+$0x0], $0xffff  }
0x6b8: {  	v4 =	vor.u32 v25, v1;
	v5 =	vld [tilespmem:$0x1FF30]  }
0x6b9: {  	v2 =	vor.u32 v50, v2;
	_ =	sdelay $0x2  }
0x6ba: {  	[tilespmem:$0x1FD10] =	vst v7;
	v7 =	vor.u32 s8, v37  }
0x6bb: {  	v6 =	vld [tilespmem:$0x1FF40];
	v26 =	vor.u32 s0, v5;
	[tilespmem:v4+s25+$0x0] =	vst.idx.msk $0xffff, v3;
	v3 =	vor.u32 s1, v7  }
0x6bc: {  	v2 =	vld.idx.msk [tilespmem:v2+s10+$0x0], $0xffff;
	v1 =	vor.u32 v26, v1;
	v3 =	vshll.u32 v3, $0x6  }
0x6bd: {  	v4 =	vor.u32 v0, v3;
	_ =	sdelay $0x2  }
0x6be: {  	v5 =	vor.u32 s1, v37  }
0x6bf: {  	v27 =	vor.u32 s0, v6;
	v6 =	vld [tilespmem:$0x1FF50];
	[tilespmem:v1+s25+$0x0] =	vst.idx.msk $0xffff, v2;
	v1 =	vand.u32 $0x78, v5  }
0x6c0: {  	v2 =	vld.idx.msk [tilespmem:v4+s10+$0x0], $0xffff;
	v4 =	vor.u32 v27, v1  }
0x6c1: {  	v5 =	vor.u32 v48, v3;
	_ =	sdelay $0x3  }
0x6c2: {  	v28 =	vor.u32 s0, v6;
	[tilespmem:v4+s25+$0x0] =	vst.idx.msk $0xffff, v2  }
0x6c3: {  	v4 =	vor.u32 v28, v1;
	v2 =	vld.idx.msk [tilespmem:v5+s10+$0x0], $0xffff  }
0x6c4: {  	v6 =	vld [tilespmem:$0x1FF60];
	v5 =	vor.u32 v49, v3;
	_ =	sdelay $0x3  }
0x6c5: {  	[tilespmem:v4+s25+$0x0] =	vst.idx.msk $0xffff, v2  }
0x6c6: {  	v29 =	vor.u32 s0, v6;
	v2 =	vld.idx.msk [tilespmem:v5+s10+$0x0], $0xffff  }
0x6c7: {  	v4 =	vor.u32 v29, v1;
	v5 =	vld [tilespmem:$0x1FF70]  }
0x6c8: {  	v3 =	vor.u32 v50, v3;
	_ =	sdelay $0x2  }
0x6c9: {  	v42 =	vor.u32 s8, v38  }
0x6ca: {  	v6 =	vld [tilespmem:$0x1FF80];
	v30 =	vor.u32 s0, v5;
	[tilespmem:v4+s25+$0x0] =	vst.idx.msk $0xffff, v2;
	v2 =	vor.u32 s1, v42  }
0x6cb: {  	v3 =	vld.idx.msk [tilespmem:v3+s10+$0x0], $0xffff;
	v1 =	vor.u32 v30, v1;
	v2 =	vshll.u32 v2, $0x6  }
0x6cc: {  	v4 =	vor.u32 v0, v2;
	_ =	sdelay $0x2  }
0x6cd: {  	v5 =	vor.u32 s1, v38  }
0x6ce: {  	v31 =	vor.u32 s0, v6;
	v6 =	vld [tilespmem:$0x1FF90];
	[tilespmem:v1+s25+$0x0] =	vst.idx.msk $0xffff, v3;
	v1 =	vand.u32 $0x78, v5  }
0x6cf: {  	v3 =	vld.idx.msk [tilespmem:v4+s10+$0x0], $0xffff;
	v4 =	vor.u32 v31, v1  }
0x6d0: {  	v5 =	vor.u32 v48, v2;
	_ =	sdelay $0x3  }
0x6d1: {  	v32 =	vor.u32 s0, v6;
	[tilespmem:v4+s25+$0x0] =	vst.idx.msk $0xffff, v3  }
0x6d2: {  	v4 =	vor.u32 v32, v1;
	v3 =	vld.idx.msk [tilespmem:v5+s10+$0x0], $0xffff  }
0x6d3: {  	v6 =	vld [tilespmem:$0x1FFA0];
	v5 =	vor.u32 v49, v2;
	_ =	sdelay $0x3  }
0x6d4: {  	[tilespmem:v4+s25+$0x0] =	vst.idx.msk $0xffff, v3  }
0x6d5: {  	v33 =	vor.u32 s0, v6;
	v3 =	vld.idx.msk [tilespmem:v5+s10+$0x0], $0xffff  }
0x6d6: {  	v4 =	vor.u32 v33, v1;
	v5 =	vld [tilespmem:$0x1FFB0]  }
0x6d7: {  	v2 =	vor.u32 v50, v2;
	_ =	sdelay $0x2  }
0x6d8: {  	v43 =	vor.u32 s8, v39  }
0x6d9: {  	v34 =	vor.u32 s0, v5;
	[tilespmem:v4+s25+$0x0] =	vst.idx.msk $0xffff, v3;
	v3 =	vor.u32 s1, v43  }
0x6da: {  	v2 =	vld.idx.msk [tilespmem:v2+s10+$0x0], $0xffff;
	v1 =	vor.u32 v34, v1;
	v3 =	vshll.u32 v3, $0x6  }
0x6db: {  	v4 =	vor.u32 v0, v3;
	_ =	sdelay $0x2  }
0x6dc: {  	v5 =	vor.u32 s1, v39  }
0x6dd: {  	[tilespmem:v1+s25+$0x0] =	vst.idx.msk $0xffff, v2;
	v1 =	vand.u32 $0x78, v5  }
0x6de: {  	v2 =	vld.idx.msk [tilespmem:v4+s10+$0x0], $0xffff;
	v4 =	vor.u32 v51, v1  }
0x6df: {  	v5 =	vor.u32 v48, v3;
	_ =	sdelay $0x3  }
0x6e0: {  	[tilespmem:v4+s25+$0x0] =	vst.idx.msk $0xffff, v2  }
0x6e1: {  	v4 =	vor.u32 v52, v1;
	v2 =	vld.idx.msk [tilespmem:v5+s10+$0x0], $0xffff  }
0x6e2: {  	v5 =	vor.u32 v49, v3;
	_ =	sdelay $0x3  }
0x6e3: {  	[tilespmem:v4+s25+$0x0] =	vst.idx.msk $0xffff, v2  }
0x6e4: {  	v4 =	vor.u32 v53, v1;
	v2 =	vld.idx.msk [tilespmem:v5+s10+$0x0], $0xffff  }
0x6e5: {  	v3 =	vor.u32 v50, v3;
	_ =	sdelay $0x2  }
0x6e6: {  	v35 =	vor.u32 s8, v44  }
0x6e7: {  	[tilespmem:v4+s25+$0x0] =	vst.idx.msk $0xffff, v2;
	v2 =	vor.u32 s1, v35  }
0x6e8: {  	v1 =	vor.u32 v54, v1;
	v3 =	vld.idx.msk [tilespmem:v3+s10+$0x0], $0xffff;
	v2 =	vshll.u32 v2, $0x6  }
0x6e9: {  	v4 =	vor.u32 v0, v2;
	_ =	sdelay $0x2  }
0x6ea: {  	v5 =	vor.u32 s1, v44  }
0x6eb: {  	[tilespmem:v1+s25+$0x0] =	vst.idx.msk $0xffff, v3;
	v1 =	vand.u32 $0x78, v5  }
0x6ec: {  	v3 =	vld.idx.msk [tilespmem:v4+s10+$0x0], $0xffff;
	v4 =	vor.u32 v55, v1  }
0x6ed: {  	v5 =	vor.u32 v48, v2;
	_ =	sdelay $0x3  }
0x6ee: {  	[tilespmem:v4+s25+$0x0] =	vst.idx.msk $0xffff, v3  }
0x6ef: {  	v4 =	vor.u32 v56, v1;
	v3 =	vld.idx.msk [tilespmem:v5+s10+$0x0], $0xffff  }
0x6f0: {  	v5 =	vor.u32 v49, v2;
	_ =	sdelay $0x3  }
0x6f1: {  	[tilespmem:v4+s25+$0x0] =	vst.idx.msk $0xffff, v3  }
0x6f2: {  	v4 =	vor.u32 v57, v1;
	v3 =	vld.idx.msk [tilespmem:v5+s10+$0x0], $0xffff  }
0x6f3: {  	v2 =	vor.u32 v50, v2;
	_ =	sdelay $0x2  }
0x6f4: {  	v15 =	vor.u32 s8, v45  }
0x6f5: {  	[tilespmem:v4+s25+$0x0] =	vst.idx.msk $0xffff, v3;
	v3 =	vor.u32 s1, v15  }
0x6f6: {  	v1 =	vor.u32 v58, v1;
	v2 =	vld.idx.msk [tilespmem:v2+s10+$0x0], $0xffff;
	v3 =	vshll.u32 v3, $0x6  }
0x6f7: {  	v4 =	vor.u32 v0, v3;
	_ =	sdelay $0x2  }
0x6f8: {  	v5 =	vor.u32 s1, v45  }
0x6f9: {  	[tilespmem:v1+s25+$0x0] =	vst.idx.msk $0xffff, v2;
	v1 =	vand.u32 $0x78, v5  }
0x6fa: {  	v2 =	vld.idx.msk [tilespmem:v4+s10+$0x0], $0xffff;
	v4 =	vor.u32 v59, v1  }
0x6fb: {  	v5 =	vor.u32 v48, v3;
	_ =	sdelay $0x3  }
0x6fc: {  	[tilespmem:v4+s25+$0x0] =	vst.idx.msk $0xffff, v2  }
0x6fd: {  	v4 =	vor.u32 v60, v1;
	v2 =	vld.idx.msk [tilespmem:v5+s10+$0x0], $0xffff  }
0x6fe: {  	v5 =	vor.u32 v49, v3;
	_ =	sdelay $0x3  }
0x6ff: {  	[tilespmem:v4+s25+$0x0] =	vst.idx.msk $0xffff, v2  }
0x700: {  	v4 =	vor.u32 v61, v1;
	v2 =	vld.idx.msk [tilespmem:v5+s10+$0x0], $0xffff  }
0x701: {  	v3 =	vor.u32 v50, v3;
	_ =	sdelay $0x2  }
0x702: {  	v40 =	vor.u32 s8, v46  }
0x703: {  	[tilespmem:v4+s25+$0x0] =	vst.idx.msk $0xffff, v2;
	v2 =	vor.u32 s1, v40  }
0x704: {  	v1 =	vor.u32 v62, v1;
	v3 =	vld.idx.msk [tilespmem:v3+s10+$0x0], $0xffff;
	v2 =	vshll.u32 v2, $0x6  }
0x705: {  	v4 =	vor.u32 v0, v2;
	_ =	sdelay $0x2  }
0x706: {  	v5 =	vor.u32 s1, v46  }
0x707: {  	[tilespmem:v1+s25+$0x0] =	vst.idx.msk $0xffff, v3;
	v3 =	vand.u32 $0x78, v5  }
0x708: {  	v1 =	vld.idx.msk [tilespmem:v4+s10+$0x0], $0xffff;
	v4 =	vor.u32 v63, v3  }
0x709: {  	v5 =	vor.u32 v48, v2;
	_ =	sdelay $0x3  }
0x70a: {  	[tilespmem:v4+s25+$0x0] =	vst.idx.msk $0xffff, v1  }
0x70b: {  	v4 =	vor.u32 v16, v3;
	v1 =	vld.idx.msk [tilespmem:v5+s10+$0x0], $0xffff  }
0x70c: {  	v5 =	vor.u32 v49, v2;
	_ =	sdelay $0x3  }
0x70d: {  	[tilespmem:v4+s25+$0x0] =	vst.idx.msk $0xffff, v1  }
0x70e: {  	v4 =	vld.idx.msk [tilespmem:v5+s10+$0x0], $0xffff;
	v5 =	vor.u32 v17, v3  }
0x70f: {  	v2 =	vor.u32 v50, v2;
	_ =	sdelay $0x2  }
0x710: {  	v1 =	vor.u32 s8, v47  }
0x711: {  	[tilespmem:v5+s25+$0x0] =	vst.idx.msk $0xffff, v4;
	v4 =	vor.u32 s1, v1  }
0x712: {  	v3 =	vor.u32 v18, v3;
	v2 =	vld.idx.msk [tilespmem:v2+s10+$0x0], $0xffff;
	v4 =	vshll.u32 v4, $0x6  }
0x713: {  	v5 =	vor.u32 v0, v4;
	_ =	sdelay $0x2  }
0x714: {  	v6 =	vor.u32 s1, v47  }
0x715: {  	[tilespmem:v3+s25+$0x0] =	vst.idx.msk $0xffff, v2;
	v3 =	vand.u32 $0x78, v6  }
0x716: {  	v2 =	vld.idx.msk [tilespmem:v5+s10+$0x0], $0xffff;
	v5 =	vor.u32 v19, v3  }
0x717: {  	v6 =	vor.u32 v48, v4;
	_ =	sdelay $0x3  }
0x718: {  	[tilespmem:v5+s25+$0x0] =	vst.idx.msk $0xffff, v2  }
0x719: {  	v5 =	vor.u32 v20, v3;
	v2 =	vld.idx.msk [tilespmem:v6+s10+$0x0], $0xffff  }
0x71a: {  	v6 =	vor.u32 v49, v4;
	_ =	sdelay $0x3  }
0x71b: {  	[tilespmem:v5+s25+$0x0] =	vst.idx.msk $0xffff, v2  }
0x71c: {  	v5 =	vld.idx.msk [tilespmem:v6+s10+$0x0], $0xffff;
	v6 =	vor.u32 v21, v3  }
0x71d: {  	v4 =	vor.u32 v50, v4;
	_ =	sdelay $0x2  }
0x71e: {  	v2 =	vor.u32 s8, v10  }
0x71f: {  	[tilespmem:v6+s25+$0x0] =	vst.idx.msk $0xffff, v5;
	v5 =	vor.u32 s1, v2  }
0x720: {  	v3 =	vor.u32 v22, v3;
	v4 =	vld.idx.msk [tilespmem:v4+s10+$0x0], $0xffff;
	v5 =	vshll.u32 v5, $0x6  }
0x721: {  	v6 =	vor.u32 v0, v5;
	_ =	sdelay $0x2  }
0x722: {  	v9 =	vmov v7;
	v7 =	vor.u32 s1, v10  }
0x723: {  	[tilespmem:v3+s25+$0x0] =	vst.idx.msk $0xffff, v4;
	v4 =	vand.u32 $0x78, v7  }
0x724: {  	v3 =	vld.idx.msk [tilespmem:v6+s10+$0x0], $0xffff;
	v6 =	vor.u32 v23, v4  }
0x725: {  	v7 =	vor.u32 v48, v5;
	_ =	sdelay $0x3  }
0x726: {  	[tilespmem:v6+s25+$0x0] =	vst.idx.msk $0xffff, v3  }
0x727: {  	v6 =	vor.u32 v24, v4;
	v3 =	vld.idx.msk [tilespmem:v7+s10+$0x0], $0xffff  }
0x728: {  	v7 =	vor.u32 v49, v5;
	_ =	sdelay $0x3  }
0x729: {  	[tilespmem:v6+s25+$0x0] =	vst.idx.msk $0xffff, v3  }
0x72a: {  	v6 =	vld.idx.msk [tilespmem:v7+s10+$0x0], $0xffff;
	v7 =	vor.u32 v25, v4  }
0x72b: {  	v5 =	vor.u32 v50, v5;
	_ =	sdelay $0x2  }
0x72c: {  	v3 =	vor.u32 s8, v8  }
0x72d: {  	[tilespmem:v7+s25+$0x0] =	vst.idx.msk $0xffff, v6;
	v6 =	vor.u32 s1, v3  }
0x72e: {  	v4 =	vor.u32 v26, v4;
	v5 =	vld.idx.msk [tilespmem:v5+s10+$0x0], $0xffff;
	v6 =	vshll.u32 v6, $0x6  }
0x72f: {  	v7 =	vor.u32 v0, v6;
	_ =	sdelay $0x2  }
0x730: {  	v12 =	vmov v8;
	v8 =	vor.u32 s1, v8  }
0x731: {  	[tilespmem:v4+s25+$0x0] =	vst.idx.msk $0xffff, v5;
	v4 =	vand.u32 $0x78, v8  }
0x732: {  	v5 =	vld.idx.msk [tilespmem:v7+s10+$0x0], $0xffff;
	v7 =	vor.u32 v27, v4  }
0x733: {  	v8 =	vor.u32 v48, v6;
	_ =	sdelay $0x3  }
0x734: {  	[tilespmem:v7+s25+$0x0] =	vst.idx.msk $0xffff, v5  }
0x735: {  	v7 =	vor.u32 v28, v4;
	v5 =	vld.idx.msk [tilespmem:v8+s10+$0x0], $0xffff  }
0x736: {  	v8 =	vor.u32 v49, v6;
	_ =	sdelay $0x3  }
0x737: {  	[tilespmem:v7+s25+$0x0] =	vst.idx.msk $0xffff, v5  }
0x738: {  	v7 =	vor.u32 v29, v4;
	v5 =	vld.idx.msk [tilespmem:v8+s10+$0x0], $0xffff  }
0x739: {  	v6 =	vor.u32 v50, v6;
	_ =	sdelay $0x2  }
0x73a: {  	v8 =	vmov v13;
	v13 =	vor.u32 s8, v13  }
0x73b: {  	[tilespmem:v7+s25+$0x0] =	vst.idx.msk $0xffff, v5;
	v5 =	vor.u32 s1, v13  }
0x73c: {  	v4 =	vor.u32 v30, v4;
	v6 =	vld.idx.msk [tilespmem:v6+s10+$0x0], $0xffff;
	v5 =	vshll.u32 v5, $0x6  }
0x73d: {  	v7 =	vor.u32 v0, v5;
	_ =	sdelay $0x2  }
0x73e: {  	v11 =	vmov v10;
	v10 =	vmov v8;
	v8 =	vor.u32 s1, v8  }
0x73f: {  	[tilespmem:v4+s25+$0x0] =	vst.idx.msk $0xffff, v6;
	v4 =	vand.u32 $0x78, v8  }
0x740: {  	v6 =	vld.idx.msk [tilespmem:v7+s10+$0x0], $0xffff;
	v7 =	vor.u32 v31, v4  }
0x741: {  	v8 =	vor.u32 v48, v5;
	_ =	sdelay $0x3  }
0x742: {  	[tilespmem:v7+s25+$0x0] =	vst.idx.msk $0xffff, v6  }
0x743: {  	v7 =	vor.u32 v32, v4;
	v6 =	vld.idx.msk [tilespmem:v8+s10+$0x0], $0xffff  }
0x744: {  	v8 =	vor.u32 v49, v5;
	_ =	sdelay $0x3  }
0x745: {  	[tilespmem:v7+s25+$0x0] =	vst.idx.msk $0xffff, v6  }
0x746: {  	v7 =	vor.u32 v33, v4;
	v6 =	vld.idx.msk [tilespmem:v8+s10+$0x0], $0xffff  }
0x747: {  	v5 =	vor.u32 v50, v5;
	_ =	sdelay $0x3  }
0x748: {  	s1 =	simm.s32 $0x10;
	[tilespmem:v7+s25+$0x0] =	vst.idx.msk $0xffff, v6  }
0x749: {  	s8 =	simm.s32 $0x20;
	v6 =	vor.u32 s1, v14;
	v5 =	vld.idx.msk [tilespmem:v5+s10+$0x0], $0xffff  }
.LBB2_10:
0x74a: {  	v6 =	vshll.u32 v6, $0x6;
	v4 =	vor.u32 v34, v4  }
0x74b: {  	v7 =	vor.u32 v0, v6;
	_ =	sdelay $0x2  }
0x74c: {  	v8 =	vor.u32 s1, v0  }
0x74d: {  	[tilespmem:v4+s25+$0x0] =	vst.idx.msk $0xffff, v5;
	v5 =	vand.u32 $0x78, v8  }
0x74e: {  	v4 =	vld.idx.msk [tilespmem:v7+s10+$0x0], $0xffff;
	v7 =	vor.u32 v51, v5  }
0x74f: {  	v8 =	vor.u32 v48, v6;
	_ =	sdelay $0x3  }
0x750: {  	[tilespmem:v7+s25+$0x0] =	vst.idx.msk $0xffff, v4  }
0x751: {  	v7 =	vor.u32 v52, v5;
	v4 =	vld.idx.msk [tilespmem:v8+s10+$0x0], $0xffff  }
0x752: {  	v8 =	vor.u32 v49, v6;
	_ =	sdelay $0x3  }
0x753: {  	[tilespmem:v7+s25+$0x0] =	vst.idx.msk $0xffff, v4  }
0x754: {  	v7 =	vor.u32 v53, v5;
	v4 =	vld.idx.msk [tilespmem:v8+s10+$0x0], $0xffff  }
0x755: {  	v6 =	vor.u32 v50, v6;
	_ =	sdelay $0x3  }
0x756: {  	[tilespmem:v7+s25+$0x0] =	vst.idx.msk $0xffff, v4  }
0x757: {  	v4 =	vld.idx.msk [tilespmem:v6+s10+$0x0], $0xffff  }
0x758: {  	v5 =	vor.u32 v54, v5;
	v6 =	vld [tilespmem:$0x1FCF0];
	_ =	sdelay $0x4  }
0x759: {  	v6 =	vor.u32 s1, v6;
	[tilespmem:v5+s25+$0x0] =	vst.idx.msk $0xffff, v4;
	v4 =	vld [tilespmem:$0x1FFC0]  }
0x75a: {  	v6 =	vshll.u32 v6, $0x6  }
0x75b: {  	v7 =	vor.u32 v0, v6;
	_ =	sdelay $0x2  }
0x75c: {  	v4 =	vor.u32 s1, v4  }
0x75d: {  	v4 =	vand.u32 $0x78, v4  }
0x75e: {  	v5 =	vld.idx.msk [tilespmem:v7+s10+$0x0], $0xffff;
	v7 =	vor.u32 v55, v4  }
0x75f: {  	v8 =	vor.u32 v48, v6;
	_ =	sdelay $0x3  }
0x760: {  	[tilespmem:v7+s25+$0x0] =	vst.idx.msk $0xffff, v5  }
0x761: {  	v7 =	vor.u32 v56, v4;
	v5 =	vld.idx.msk [tilespmem:v8+s10+$0x0], $0xffff  }
0x762: {  	v8 =	vor.u32 v49, v6;
	_ =	sdelay $0x3  }
0x763: {  	[tilespmem:v7+s25+$0x0] =	vst.idx.msk $0xffff, v5  }
0x764: {  	v7 =	vor.u32 v57, v4;
	v5 =	vld.idx.msk [tilespmem:v8+s10+$0x0], $0xffff  }
0x765: {  	v6 =	vor.u32 v50, v6;
	_ =	sdelay $0x3  }
0x766: {  	[tilespmem:v7+s25+$0x0] =	vst.idx.msk $0xffff, v5  }
0x767: {  	v5 =	vld.idx.msk [tilespmem:v6+s10+$0x0], $0xffff  }
0x768: {  	v4 =	vor.u32 v58, v4;
	v6 =	vld [tilespmem:$0x1FD00];
	_ =	sdelay $0x4  }
0x769: {  	v6 =	vor.u32 s1, v6;
	[tilespmem:v4+s25+$0x0] =	vst.idx.msk $0xffff, v5;
	v4 =	vld [tilespmem:$0x1FFD0]  }
0x76a: {  	v6 =	vshll.u32 v6, $0x6  }
0x76b: {  	v7 =	vor.u32 v0, v6;
	_ =	sdelay $0x2  }
0x76c: {  	v4 =	vor.u32 s1, v4  }
0x76d: {  	v4 =	vand.u32 $0x78, v4  }
0x76e: {  	v5 =	vld.idx.msk [tilespmem:v7+s10+$0x0], $0xffff;
	v7 =	vor.u32 v59, v4  }
0x76f: {  	v8 =	vor.u32 v48, v6;
	_ =	sdelay $0x3  }
0x770: {  	[tilespmem:v7+s25+$0x0] =	vst.idx.msk $0xffff, v5  }
0x771: {  	v7 =	vor.u32 v60, v4;
	v5 =	vld.idx.msk [tilespmem:v8+s10+$0x0], $0xffff  }
0x772: {  	v8 =	vor.u32 v49, v6;
	_ =	sdelay $0x3  }
0x773: {  	[tilespmem:v7+s25+$0x0] =	vst.idx.msk $0xffff, v5  }
0x774: {  	v7 =	vor.u32 v61, v4;
	v5 =	vld.idx.msk [tilespmem:v8+s10+$0x0], $0xffff  }
0x775: {  	v6 =	vor.u32 v50, v6;
	_ =	sdelay $0x3  }
0x776: {  	[tilespmem:v7+s25+$0x0] =	vst.idx.msk $0xffff, v5  }
0x777: {  	v5 =	vld.idx.msk [tilespmem:v6+s10+$0x0], $0xffff  }
0x778: {  	v4 =	vor.u32 v62, v4;
	v6 =	vld [tilespmem:$0x1FD10];
	_ =	sdelay $0x4  }
0x779: {  	v6 =	vor.u32 s1, v6;
	[tilespmem:v4+s25+$0x0] =	vst.idx.msk $0xffff, v5;
	v4 =	vld [tilespmem:$0x1FFE0]  }
0x77a: {  	v6 =	vshll.u32 v6, $0x6  }
0x77b: {  	v7 =	vor.u32 v0, v6;
	_ =	sdelay $0x2  }
0x77c: {  	v4 =	vor.u32 s1, v4  }
0x77d: {  	v4 =	vand.u32 $0x78, v4  }
0x77e: {  	v5 =	vld.idx.msk [tilespmem:v7+s10+$0x0], $0xffff;
	v7 =	vor.u32 v63, v4  }
0x77f: {  	v8 =	vor.u32 v48, v6;
	_ =	sdelay $0x3  }
0x780: {  	[tilespmem:v7+s25+$0x0] =	vst.idx.msk $0xffff, v5  }
0x781: {  	v7 =	vor.u32 v16, v4;
	v5 =	vld.idx.msk [tilespmem:v8+s10+$0x0], $0xffff  }
0x782: {  	v8 =	vor.u32 v49, v6;
	_ =	sdelay $0x3  }
0x783: {  	[tilespmem:v7+s25+$0x0] =	vst.idx.msk $0xffff, v5  }
0x784: {  	v7 =	vor.u32 v17, v4;
	v5 =	vld.idx.msk [tilespmem:v8+s10+$0x0], $0xffff  }
0x785: {  	v6 =	vor.u32 v50, v6;
	_ =	sdelay $0x3  }
0x786: {  	[tilespmem:v7+s25+$0x0] =	vst.idx.msk $0xffff, v5  }
0x787: {  	v5 =	vld.idx.msk [tilespmem:v6+s10+$0x0], $0xffff  }
0x788: {  	v4 =	vor.u32 v18, v4;
	v6 =	vld [tilespmem:$0x1FD20];
	_ =	sdelay $0x4  }
0x789: {  	v6 =	vor.u32 s1, v6;
	[tilespmem:v4+s25+$0x0] =	vst.idx.msk $0xffff, v5;
	v4 =	vld [tilespmem:$0x1FFF0]  }
0x78a: {  	v6 =	vshll.u32 v6, $0x6  }
0x78b: {  	v7 =	vor.u32 v0, v6;
	_ =	sdelay $0x2  }
0x78c: {  	v4 =	vor.u32 s1, v4  }
0x78d: {  	v4 =	vand.u32 $0x78, v4  }
0x78e: {  	v5 =	vld.idx.msk [tilespmem:v7+s10+$0x0], $0xffff;
	v7 =	vor.u32 v19, v4  }
0x78f: {  	v8 =	vor.u32 v48, v6;
	_ =	sdelay $0x3  }
0x790: {  	[tilespmem:v7+s25+$0x0] =	vst.idx.msk $0xffff, v5  }
0x791: {  	v7 =	vor.u32 v20, v4;
	v5 =	vld.idx.msk [tilespmem:v8+s10+$0x0], $0xffff  }
0x792: {  	v8 =	vor.u32 v49, v6;
	_ =	sdelay $0x3  }
0x793: {  	[tilespmem:v7+s25+$0x0] =	vst.idx.msk $0xffff, v5  }
0x794: {  	v7 =	vor.u32 v21, v4;
	v5 =	vld.idx.msk [tilespmem:v8+s10+$0x0], $0xffff  }
0x795: {  	v6 =	vor.u32 v50, v6;
	_ =	sdelay $0x3  }
0x796: {  	[tilespmem:v7+s25+$0x0] =	vst.idx.msk $0xffff, v5  }
0x797: {  	v4 =	vor.u32 v22, v4;
	v5 =	vld.idx.msk [tilespmem:v6+s10+$0x0], $0xffff;
	v6 =	vor.u32 s1, v41  }
0x798: {  	v6 =	vshll.u32 v6, $0x6  }
0x799: {  	v7 =	vor.u32 v0, v6;
	_ =	sdelay $0x2  }
0x79a: {  	[tilespmem:v4+s25+$0x0] =	vst.idx.msk $0xffff, v5;
	v4 =	vor.u32 s1, v36  }
0x79b: {  	v4 =	vand.u32 $0x78, v4  }
0x79c: {  	v5 =	vld.idx.msk [tilespmem:v7+s10+$0x0], $0xffff;
	v7 =	vor.u32 v23, v4  }
0x79d: {  	v8 =	vor.u32 v48, v6;
	_ =	sdelay $0x3  }
0x79e: {  	[tilespmem:v7+s25+$0x0] =	vst.idx.msk $0xffff, v5  }
0x79f: {  	v7 =	vor.u32 v24, v4;
	v5 =	vld.idx.msk [tilespmem:v8+s10+$0x0], $0xffff  }
0x7a0: {  	v8 =	vor.u32 v49, v6;
	_ =	sdelay $0x3  }
0x7a1: {  	[tilespmem:v7+s25+$0x0] =	vst.idx.msk $0xffff, v5  }
0x7a2: {  	v7 =	vor.u32 v25, v4;
	v5 =	vld.idx.msk [tilespmem:v8+s10+$0x0], $0xffff  }
0x7a3: {  	v6 =	vor.u32 v50, v6;
	_ =	sdelay $0x3  }
0x7a4: {  	[tilespmem:v7+s25+$0x0] =	vst.idx.msk $0xffff, v5  }
0x7a5: {  	v4 =	vor.u32 v26, v4;
	v5 =	vld.idx.msk [tilespmem:v6+s10+$0x0], $0xffff;
	v6 =	vor.u32 s1, v9  }
0x7a6: {  	v6 =	vshll.u32 v6, $0x6  }
0x7a7: {  	v7 =	vor.u32 v0, v6;
	_ =	sdelay $0x2  }
0x7a8: {  	[tilespmem:v4+s25+$0x0] =	vst.idx.msk $0xffff, v5;
	v4 =	vor.u32 s1, v37  }
0x7a9: {  	v4 =	vand.u32 $0x78, v4  }
0x7aa: {  	v5 =	vld.idx.msk [tilespmem:v7+s10+$0x0], $0xffff;
	v7 =	vor.u32 v27, v4  }
0x7ab: {  	v8 =	vor.u32 v48, v6;
	_ =	sdelay $0x3  }
0x7ac: {  	[tilespmem:v7+s25+$0x0] =	vst.idx.msk $0xffff, v5  }
0x7ad: {  	v7 =	vor.u32 v28, v4;
	v5 =	vld.idx.msk [tilespmem:v8+s10+$0x0], $0xffff  }
0x7ae: {  	v8 =	vor.u32 v49, v6;
	_ =	sdelay $0x3  }
0x7af: {  	[tilespmem:v7+s25+$0x0] =	vst.idx.msk $0xffff, v5  }
0x7b0: {  	v7 =	vor.u32 v29, v4;
	v5 =	vld.idx.msk [tilespmem:v8+s10+$0x0], $0xffff  }
0x7b1: {  	v6 =	vor.u32 v50, v6;
	_ =	sdelay $0x3  }
0x7b2: {  	[tilespmem:v7+s25+$0x0] =	vst.idx.msk $0xffff, v5  }
0x7b3: {  	v4 =	vor.u32 v30, v4;
	v5 =	vld.idx.msk [tilespmem:v6+s10+$0x0], $0xffff;
	v6 =	vor.u32 s1, v42  }
0x7b4: {  	v6 =	vshll.u32 v6, $0x6  }
0x7b5: {  	v7 =	vor.u32 v0, v6;
	_ =	sdelay $0x2  }
0x7b6: {  	[tilespmem:v4+s25+$0x0] =	vst.idx.msk $0xffff, v5;
	v4 =	vor.u32 s1, v38  }
0x7b7: {  	v4 =	vand.u32 $0x78, v4  }
0x7b8: {  	v5 =	vld.idx.msk [tilespmem:v7+s10+$0x0], $0xffff;
	v7 =	vor.u32 v31, v4  }
0x7b9: {  	v8 =	vor.u32 v48, v6;
	_ =	sdelay $0x3  }
0x7ba: {  	[tilespmem:v7+s25+$0x0] =	vst.idx.msk $0xffff, v5  }
0x7bb: {  	v7 =	vor.u32 v32, v4;
	v5 =	vld.idx.msk [tilespmem:v8+s10+$0x0], $0xffff  }
0x7bc: {  	v8 =	vor.u32 v49, v6;
	_ =	sdelay $0x3  }
0x7bd: {  	[tilespmem:v7+s25+$0x0] =	vst.idx.msk $0xffff, v5  }
0x7be: {  	v7 =	vor.u32 v33, v4;
	v5 =	vld.idx.msk [tilespmem:v8+s10+$0x0], $0xffff  }
0x7bf: {  	v6 =	vor.u32 v50, v6;
	_ =	sdelay $0x3  }
0x7c0: {  	[tilespmem:v7+s25+$0x0] =	vst.idx.msk $0xffff, v5  }
0x7c1: {  	v4 =	vor.u32 v34, v4;
	v5 =	vld.idx.msk [tilespmem:v6+s10+$0x0], $0xffff;
	v6 =	vor.u32 s1, v43  }
0x7c2: {  	v6 =	vshll.u32 v6, $0x6  }
0x7c3: {  	v7 =	vor.u32 v0, v6;
	_ =	sdelay $0x2  }
0x7c4: {  	[tilespmem:v4+s25+$0x0] =	vst.idx.msk $0xffff, v5;
	v4 =	vor.u32 s1, v39  }
0x7c5: {  	v4 =	vand.u32 $0x78, v4  }
0x7c6: {  	v5 =	vld.idx.msk [tilespmem:v7+s10+$0x0], $0xffff;
	v7 =	vor.u32 v51, v4  }
0x7c7: {  	v8 =	vor.u32 v48, v6;
	_ =	sdelay $0x3  }
0x7c8: {  	[tilespmem:v7+s25+$0x0] =	vst.idx.msk $0xffff, v5  }
0x7c9: {  	v7 =	vor.u32 v52, v4;
	v5 =	vld.idx.msk [tilespmem:v8+s10+$0x0], $0xffff  }
0x7ca: {  	v8 =	vor.u32 v49, v6;
	_ =	sdelay $0x3  }
0x7cb: {  	[tilespmem:v7+s25+$0x0] =	vst.idx.msk $0xffff, v5  }
0x7cc: {  	v7 =	vor.u32 v53, v4;
	v5 =	vld.idx.msk [tilespmem:v8+s10+$0x0], $0xffff  }
0x7cd: {  	v6 =	vor.u32 v50, v6;
	_ =	sdelay $0x3  }
0x7ce: {  	[tilespmem:v7+s25+$0x0] =	vst.idx.msk $0xffff, v5  }
0x7cf: {  	v4 =	vor.u32 v54, v4;
	v5 =	vld.idx.msk [tilespmem:v6+s10+$0x0], $0xffff;
	v6 =	vor.u32 s1, v35  }
0x7d0: {  	v6 =	vshll.u32 v6, $0x6  }
0x7d1: {  	v7 =	vor.u32 v0, v6;
	_ =	sdelay $0x2  }
0x7d2: {  	[tilespmem:v4+s25+$0x0] =	vst.idx.msk $0xffff, v5;
	v4 =	vor.u32 s1, v44  }
0x7d3: {  	v4 =	vand.u32 $0x78, v4  }
0x7d4: {  	v5 =	vld.idx.msk [tilespmem:v7+s10+$0x0], $0xffff;
	v7 =	vor.u32 v55, v4  }
0x7d5: {  	v8 =	vor.u32 v48, v6;
	_ =	sdelay $0x3  }
0x7d6: {  	[tilespmem:v7+s25+$0x0] =	vst.idx.msk $0xffff, v5  }
0x7d7: {  	v7 =	vor.u32 v56, v4;
	v5 =	vld.idx.msk [tilespmem:v8+s10+$0x0], $0xffff  }
0x7d8: {  	v8 =	vor.u32 v49, v6;
	_ =	sdelay $0x3  }
0x7d9: {  	[tilespmem:v7+s25+$0x0] =	vst.idx.msk $0xffff, v5  }
0x7da: {  	v7 =	vor.u32 v57, v4;
	v5 =	vld.idx.msk [tilespmem:v8+s10+$0x0], $0xffff  }
0x7db: {  	v6 =	vor.u32 v50, v6;
	_ =	sdelay $0x3  }
0x7dc: {  	[tilespmem:v7+s25+$0x0] =	vst.idx.msk $0xffff, v5  }
0x7dd: {  	v4 =	vor.u32 v58, v4;
	v5 =	vld.idx.msk [tilespmem:v6+s10+$0x0], $0xffff;
	v6 =	vor.u32 s1, v15  }
0x7de: {  	v6 =	vshll.u32 v6, $0x6  }
0x7df: {  	v7 =	vor.u32 v0, v6;
	_ =	sdelay $0x2  }
0x7e0: {  	[tilespmem:v4+s25+$0x0] =	vst.idx.msk $0xffff, v5;
	v4 =	vor.u32 s1, v45  }
0x7e1: {  	v4 =	vand.u32 $0x78, v4  }
0x7e2: {  	v5 =	vld.idx.msk [tilespmem:v7+s10+$0x0], $0xffff;
	v7 =	vor.u32 v59, v4  }
0x7e3: {  	v8 =	vor.u32 v48, v6;
	_ =	sdelay $0x3  }
0x7e4: {  	[tilespmem:v7+s25+$0x0] =	vst.idx.msk $0xffff, v5  }
0x7e5: {  	v7 =	vor.u32 v60, v4;
	v5 =	vld.idx.msk [tilespmem:v8+s10+$0x0], $0xffff  }
0x7e6: {  	v8 =	vor.u32 v49, v6;
	_ =	sdelay $0x3  }
0x7e7: {  	[tilespmem:v7+s25+$0x0] =	vst.idx.msk $0xffff, v5  }
0x7e8: {  	v7 =	vor.u32 v61, v4;
	v5 =	vld.idx.msk [tilespmem:v8+s10+$0x0], $0xffff  }
0x7e9: {  	v6 =	vor.u32 v50, v6;
	_ =	sdelay $0x3  }
0x7ea: {  	[tilespmem:v7+s25+$0x0] =	vst.idx.msk $0xffff, v5  }
0x7eb: {  	v4 =	vor.u32 v62, v4;
	v5 =	vld.idx.msk [tilespmem:v6+s10+$0x0], $0xffff;
	v6 =	vor.u32 s1, v40  }
0x7ec: {  	v6 =	vshll.u32 v6, $0x6  }
0x7ed: {  	v7 =	vor.u32 v0, v6;
	_ =	sdelay $0x2  }
0x7ee: {  	[tilespmem:v4+s25+$0x0] =	vst.idx.msk $0xffff, v5;
	v4 =	vor.u32 s1, v46  }
0x7ef: {  	v4 =	vand.u32 $0x78, v4  }
0x7f0: {  	v5 =	vld.idx.msk [tilespmem:v7+s10+$0x0], $0xffff;
	v7 =	vor.u32 v63, v4  }
0x7f1: {  	v8 =	vor.u32 v48, v6;
	_ =	sdelay $0x3  }
0x7f2: {  	[tilespmem:v7+s25+$0x0] =	vst.idx.msk $0xffff, v5  }
0x7f3: {  	v7 =	vor.u32 v16, v4;
	v5 =	vld.idx.msk [tilespmem:v8+s10+$0x0], $0xffff  }
0x7f4: {  	v8 =	vor.u32 v49, v6;
	_ =	sdelay $0x3  }
0x7f5: {  	[tilespmem:v7+s25+$0x0] =	vst.idx.msk $0xffff, v5  }
0x7f6: {  	v7 =	vor.u32 v17, v4;
	v5 =	vld.idx.msk [tilespmem:v8+s10+$0x0], $0xffff  }
0x7f7: {  	v6 =	vor.u32 v50, v6;
	_ =	sdelay $0x3  }
0x7f8: {  	[tilespmem:v7+s25+$0x0] =	vst.idx.msk $0xffff, v5  }
0x7f9: {  	v4 =	vor.u32 v18, v4;
	v5 =	vld.idx.msk [tilespmem:v6+s10+$0x0], $0xffff;
	v6 =	vor.u32 s1, v1  }
0x7fa: {  	v6 =	vshll.u32 v6, $0x6  }
0x7fb: {  	v7 =	vor.u32 v0, v6;
	_ =	sdelay $0x2  }
0x7fc: {  	[tilespmem:v4+s25+$0x0] =	vst.idx.msk $0xffff, v5;
	v4 =	vor.u32 s1, v47  }
0x7fd: {  	v4 =	vand.u32 $0x78, v4  }
0x7fe: {  	v5 =	vld.idx.msk [tilespmem:v7+s10+$0x0], $0xffff;
	v7 =	vor.u32 v19, v4  }
0x7ff: {  	v8 =	vor.u32 v48, v6;
	_ =	sdelay $0x3  }
0x800: {  	[tilespmem:v7+s25+$0x0] =	vst.idx.msk $0xffff, v5  }
0x801: {  	v7 =	vor.u32 v20, v4;
	v5 =	vld.idx.msk [tilespmem:v8+s10+$0x0], $0xffff  }
0x802: {  	v8 =	vor.u32 v49, v6;
	_ =	sdelay $0x3  }
0x803: {  	[tilespmem:v7+s25+$0x0] =	vst.idx.msk $0xffff, v5  }
0x804: {  	v7 =	vor.u32 v21, v4;
	v5 =	vld.idx.msk [tilespmem:v8+s10+$0x0], $0xffff  }
0x805: {  	v6 =	vor.u32 v50, v6;
	_ =	sdelay $0x3  }
0x806: {  	[tilespmem:v7+s25+$0x0] =	vst.idx.msk $0xffff, v5  }
0x807: {  	v4 =	vor.u32 v22, v4;
	v5 =	vld.idx.msk [tilespmem:v6+s10+$0x0], $0xffff;
	v6 =	vor.u32 s1, v2  }
0x808: {  	v6 =	vshll.u32 v6, $0x6  }
0x809: {  	v7 =	vor.u32 v0, v6;
	_ =	sdelay $0x2  }
0x80a: {  	[tilespmem:v4+s25+$0x0] =	vst.idx.msk $0xffff, v5;
	v4 =	vor.u32 s1, v11  }
0x80b: {  	v4 =	vand.u32 $0x78, v4  }
0x80c: {  	v5 =	vld.idx.msk [tilespmem:v7+s10+$0x0], $0xffff;
	v7 =	vor.u32 v23, v4  }
0x80d: {  	v8 =	vor.u32 v48, v6;
	_ =	sdelay $0x3  }
0x80e: {  	[tilespmem:v7+s25+$0x0] =	vst.idx.msk $0xffff, v5  }
0x80f: {  	v7 =	vor.u32 v24, v4;
	v5 =	vld.idx.msk [tilespmem:v8+s10+$0x0], $0xffff  }
0x810: {  	v8 =	vor.u32 v49, v6;
	_ =	sdelay $0x3  }
0x811: {  	[tilespmem:v7+s25+$0x0] =	vst.idx.msk $0xffff, v5  }
0x812: {  	v7 =	vor.u32 v25, v4;
	v5 =	vld.idx.msk [tilespmem:v8+s10+$0x0], $0xffff  }
0x813: {  	v6 =	vor.u32 v50, v6;
	_ =	sdelay $0x3  }
0x814: {  	[tilespmem:v7+s25+$0x0] =	vst.idx.msk $0xffff, v5  }
0x815: {  	v4 =	vor.u32 v26, v4;
	v5 =	vld.idx.msk [tilespmem:v6+s10+$0x0], $0xffff;
	v6 =	vor.u32 s1, v3  }
0x816: {  	v6 =	vshll.u32 v6, $0x6  }
0x817: {  	v7 =	vor.u32 v0, v6;
	_ =	sdelay $0x2  }
0x818: {  	[tilespmem:v4+s25+$0x0] =	vst.idx.msk $0xffff, v5;
	v4 =	vor.u32 s1, v12  }
0x819: {  	v4 =	vand.u32 $0x78, v4  }
0x81a: {  	v5 =	vld.idx.msk [tilespmem:v7+s10+$0x0], $0xffff;
	v7 =	vor.u32 v27, v4  }
0x81b: {  	v8 =	vor.u32 v48, v6;
	_ =	sdelay $0x3  }
0x81c: {  	[tilespmem:v7+s25+$0x0] =	vst.idx.msk $0xffff, v5  }
0x81d: {  	v7 =	vor.u32 v28, v4;
	v5 =	vld.idx.msk [tilespmem:v8+s10+$0x0], $0xffff  }
0x81e: {  	v8 =	vor.u32 v49, v6;
	_ =	sdelay $0x3  }
0x81f: {  	[tilespmem:v7+s25+$0x0] =	vst.idx.msk $0xffff, v5  }
0x820: {  	v7 =	vor.u32 v29, v4;
	v5 =	vld.idx.msk [tilespmem:v8+s10+$0x0], $0xffff  }
0x821: {  	v6 =	vor.u32 v50, v6;
	_ =	sdelay $0x3  }
0x822: {  	[tilespmem:v7+s25+$0x0] =	vst.idx.msk $0xffff, v5  }
0x823: {  	v4 =	vor.u32 v30, v4;
	v5 =	vld.idx.msk [tilespmem:v6+s10+$0x0], $0xffff;
	v6 =	vor.u32 s1, v13  }
0x824: {  	v6 =	vshll.u32 v6, $0x6  }
0x825: {  	v7 =	vor.u32 v0, v6;
	_ =	sdelay $0x2  }
0x826: {  	[tilespmem:v4+s25+$0x0] =	vst.idx.msk $0xffff, v5;
	v4 =	vor.u32 s1, v10  }
0x827: {  	v4 =	vand.u32 $0x78, v4  }
0x828: {  	v5 =	vld.idx.msk [tilespmem:v7+s10+$0x0], $0xffff;
	v7 =	vor.u32 v31, v4  }
0x829: {  	v8 =	vor.u32 v48, v6;
	_ =	sdelay $0x3  }
0x82a: {  	[tilespmem:v7+s25+$0x0] =	vst.idx.msk $0xffff, v5  }
0x82b: {  	v7 =	vor.u32 v32, v4;
	v5 =	vld.idx.msk [tilespmem:v8+s10+$0x0], $0xffff  }
0x82c: {  	v8 =	vor.u32 v49, v6;
	_ =	sdelay $0x3  }
0x82d: {  	[tilespmem:v7+s25+$0x0] =	vst.idx.msk $0xffff, v5  }
0x82e: {  	v7 =	vor.u32 v33, v4;
	v5 =	vld.idx.msk [tilespmem:v8+s10+$0x0], $0xffff  }
0x82f: {  	p0 =	sne.s32 s8, $0x70;
	v8 =	vor.u32 v50, v6  }
.Ltmp4:
0x830: {  	_ = 	snop;
	(pc) =	sbr.rel @p0 .LBB2_10-.Ltmp4, $3  }
0x831: {  	_ =	sdelay $0x1  }
0x832: {  	s1 =	smov.u32 s8;
	[tilespmem:v7+s25+$0x0] =	vst.idx.msk $0xffff, v5  }
0x833: {  	s8 =	sadd.s32 $0x10, s8;
	v6 =	vor.u32 s1, v14;
	v5 =	vld.idx.msk [tilespmem:v8+s10+$0x0], $0xffff  }
0x834: {  	v6 =	vshll.u32 v6, $0x6;
	v4 =	vor.u32 v34, v4  }
0x835: {  	v7 =	vor.u32 v0, v6;
	_ =	sdelay $0x2  }
0x836: {  	v8 =	vor.u32 s1, v0  }
0x837: {  	[tilespmem:v4+s25+$0x0] =	vst.idx.msk $0xffff, v5;
	v4 =	vand.u32 $0x78, v8  }
0x838: {  	v5 =	vld.idx.msk [tilespmem:v7+s10+$0x0], $0xffff;
	v7 =	vor.u32 v51, v4  }
0x839: {  	v8 =	vor.u32 v48, v6;
	_ =	sdelay $0x3  }
0x83a: {  	[tilespmem:v7+s25+$0x0] =	vst.idx.msk $0xffff, v5  }
0x83b: {  	v7 =	vor.u32 v52, v4;
	v5 =	vld.idx.msk [tilespmem:v8+s10+$0x0], $0xffff  }
0x83c: {  	v8 =	vor.u32 v49, v6;
	_ =	sdelay $0x3  }
0x83d: {  	[tilespmem:v7+s25+$0x0] =	vst.idx.msk $0xffff, v5  }
0x83e: {  	v7 =	vor.u32 v53, v4;
	v5 =	vld.idx.msk [tilespmem:v8+s10+$0x0], $0xffff;
	_ =	sdelay $0x4  }
0x83f: {  	[tilespmem:v7+s25+$0x0] =	vst.idx.msk $0xffff, v5;
	v5 =	vld [tilespmem:$0x1FCF0]  }
0x840: {  	v6 =	vor.u32 v50, v6;
	_ =	sdelay $0x3  }
0x841: {  	v8 =	vld [tilespmem:$0x1FFC0];
	v5 =	vor.u32 s1, v5  }
0x842: {  	v4 =	vor.u32 v54, v4;
	v6 =	vld.idx.msk [tilespmem:v6+s10+$0x0], $0xffff;
	v5 =	vshll.u32 v5, $0x6  }
0x843: {  	v7 =	vor.u32 v0, v5;
	_ =	sdelay $0x2  }
0x844: {  	v8 =	vor.u32 s1, v8  }
0x845: {  	[tilespmem:v4+s25+$0x0] =	vst.idx.msk $0xffff, v6;
	v4 =	vand.u32 $0x78, v8  }
0x846: {  	v6 =	vld.idx.msk [tilespmem:v7+s10+$0x0], $0xffff;
	v7 =	vor.u32 v55, v4  }
0x847: {  	v8 =	vor.u32 v48, v5;
	_ =	sdelay $0x3  }
0x848: {  	[tilespmem:v7+s25+$0x0] =	vst.idx.msk $0xffff, v6  }
0x849: {  	v7 =	vor.u32 v56, v4;
	v6 =	vld.idx.msk [tilespmem:v8+s10+$0x0], $0xffff  }
0x84a: {  	v8 =	vor.u32 v49, v5;
	_ =	sdelay $0x3  }
0x84b: {  	[tilespmem:v7+s25+$0x0] =	vst.idx.msk $0xffff, v6  }
0x84c: {  	v7 =	vor.u32 v57, v4;
	v6 =	vld.idx.msk [tilespmem:v8+s10+$0x0], $0xffff;
	_ =	sdelay $0x4  }
0x84d: {  	[tilespmem:v7+s25+$0x0] =	vst.idx.msk $0xffff, v6;
	v6 =	vld [tilespmem:$0x1FD00]  }
0x84e: {  	v5 =	vor.u32 v50, v5;
	_ =	sdelay $0x3  }
0x84f: {  	v8 =	vld [tilespmem:$0x1FFD0];
	v6 =	vor.u32 s1, v6  }
0x850: {  	v4 =	vor.u32 v58, v4;
	v5 =	vld.idx.msk [tilespmem:v5+s10+$0x0], $0xffff;
	v6 =	vshll.u32 v6, $0x6  }
0x851: {  	v7 =	vor.u32 v0, v6;
	_ =	sdelay $0x2  }
0x852: {  	v8 =	vor.u32 s1, v8  }
0x853: {  	[tilespmem:v4+s25+$0x0] =	vst.idx.msk $0xffff, v5;
	v4 =	vand.u32 $0x78, v8  }
0x854: {  	v5 =	vld.idx.msk [tilespmem:v7+s10+$0x0], $0xffff;
	v7 =	vor.u32 v59, v4  }
0x855: {  	v8 =	vor.u32 v48, v6;
	_ =	sdelay $0x3  }
0x856: {  	[tilespmem:v7+s25+$0x0] =	vst.idx.msk $0xffff, v5  }
0x857: {  	v7 =	vor.u32 v60, v4;
	v5 =	vld.idx.msk [tilespmem:v8+s10+$0x0], $0xffff  }
0x858: {  	v8 =	vor.u32 v49, v6;
	_ =	sdelay $0x3  }
0x859: {  	[tilespmem:v7+s25+$0x0] =	vst.idx.msk $0xffff, v5  }
0x85a: {  	v7 =	vor.u32 v61, v4;
	v5 =	vld.idx.msk [tilespmem:v8+s10+$0x0], $0xffff;
	_ =	sdelay $0x4  }
0x85b: {  	[tilespmem:v7+s25+$0x0] =	vst.idx.msk $0xffff, v5;
	v5 =	vld [tilespmem:$0x1FD10]  }
0x85c: {  	v6 =	vor.u32 v50, v6;
	_ =	sdelay $0x3  }
0x85d: {  	v8 =	vld [tilespmem:$0x1FFE0];
	v5 =	vor.u32 s1, v5  }
0x85e: {  	v4 =	vor.u32 v62, v4;
	v6 =	vld.idx.msk [tilespmem:v6+s10+$0x0], $0xffff;
	v5 =	vshll.u32 v5, $0x6  }
0x85f: {  	v7 =	vor.u32 v0, v5;
	_ =	sdelay $0x2  }
0x860: {  	v8 =	vor.u32 s1, v8  }
0x861: {  	[tilespmem:v4+s25+$0x0] =	vst.idx.msk $0xffff, v6;
	v4 =	vand.u32 $0x78, v8  }
0x862: {  	v6 =	vld.idx.msk [tilespmem:v7+s10+$0x0], $0xffff;
	v7 =	vor.u32 v63, v4  }
0x863: {  	v8 =	vor.u32 v48, v5;
	_ =	sdelay $0x3  }
0x864: {  	[tilespmem:v7+s25+$0x0] =	vst.idx.msk $0xffff, v6  }
0x865: {  	v7 =	vor.u32 v16, v4;
	v6 =	vld.idx.msk [tilespmem:v8+s10+$0x0], $0xffff  }
0x866: {  	v8 =	vor.u32 v49, v5;
	_ =	sdelay $0x3  }
0x867: {  	[tilespmem:v7+s25+$0x0] =	vst.idx.msk $0xffff, v6  }
0x868: {  	v7 =	vor.u32 v17, v4;
	v6 =	vld.idx.msk [tilespmem:v8+s10+$0x0], $0xffff;
	_ =	sdelay $0x4  }
0x869: {  	[tilespmem:v7+s25+$0x0] =	vst.idx.msk $0xffff, v6;
	v6 =	vld [tilespmem:$0x1FD20]  }
0x86a: {  	v5 =	vor.u32 v50, v5;
	_ =	sdelay $0x3  }
0x86b: {  	v14 =	vld [tilespmem:$0x1FFF0];
	v6 =	vor.u32 s1, v6  }
0x86c: {  	v4 =	vor.u32 v18, v4;
	v5 =	vld.idx.msk [tilespmem:v5+s10+$0x0], $0xffff;
	v6 =	vshll.u32 v6, $0x6  }
0x86d: {  	v7 =	vor.u32 v0, v6;
	_ =	sdelay $0x2  }
0x86e: {  	v8 =	vor.u32 s1, v14  }
0x86f: {  	[tilespmem:v4+s25+$0x0] =	vst.idx.msk $0xffff, v5;
	v4 =	vand.u32 $0x78, v8  }
0x870: {  	v5 =	vld.idx.msk [tilespmem:v7+s10+$0x0], $0xffff;
	v7 =	vor.u32 v19, v4  }
0x871: {  	v8 =	vor.u32 v48, v6;
	_ =	sdelay $0x3  }
0x872: {  	[tilespmem:v7+s25+$0x0] =	vst.idx.msk $0xffff, v5  }
0x873: {  	v7 =	vor.u32 v20, v4;
	v5 =	vld.idx.msk [tilespmem:v8+s10+$0x0], $0xffff  }
0x874: {  	v8 =	vor.u32 v49, v6;
	_ =	sdelay $0x3  }
0x875: {  	[tilespmem:v7+s25+$0x0] =	vst.idx.msk $0xffff, v5  }
0x876: {  	v7 =	vor.u32 v21, v4;
	v5 =	vld.idx.msk [tilespmem:v8+s10+$0x0], $0xffff  }
0x877: {  	v6 =	vor.u32 v50, v6;
	_ =	sdelay $0x3  }
0x878: {  	[tilespmem:v7+s25+$0x0] =	vst.idx.msk $0xffff, v5;
	v5 =	vor.u32 s1, v41  }
0x879: {  	v4 =	vor.u32 v22, v4;
	v6 =	vld.idx.msk [tilespmem:v6+s10+$0x0], $0xffff;
	v5 =	vshll.u32 v5, $0x6  }
0x87a: {  	v7 =	vor.u32 v0, v5;
	_ =	sdelay $0x2  }
0x87b: {  	v8 =	vor.u32 s1, v36  }
0x87c: {  	[tilespmem:v4+s25+$0x0] =	vst.idx.msk $0xffff, v6;
	v4 =	vand.u32 $0x78, v8  }
0x87d: {  	v6 =	vld.idx.msk [tilespmem:v7+s10+$0x0], $0xffff;
	v7 =	vor.u32 v23, v4  }
0x87e: {  	v8 =	vor.u32 v48, v5;
	_ =	sdelay $0x3  }
0x87f: {  	[tilespmem:v7+s25+$0x0] =	vst.idx.msk $0xffff, v6  }
0x880: {  	v7 =	vor.u32 v24, v4;
	v6 =	vld.idx.msk [tilespmem:v8+s10+$0x0], $0xffff  }
0x881: {  	v8 =	vor.u32 v49, v5;
	_ =	sdelay $0x3  }
0x882: {  	[tilespmem:v7+s25+$0x0] =	vst.idx.msk $0xffff, v6  }
0x883: {  	v7 =	vor.u32 v25, v4;
	v6 =	vld.idx.msk [tilespmem:v8+s10+$0x0], $0xffff  }
0x884: {  	v5 =	vor.u32 v50, v5;
	_ =	sdelay $0x3  }
0x885: {  	[tilespmem:v7+s25+$0x0] =	vst.idx.msk $0xffff, v6;
	v6 =	vor.u32 s1, v9  }
0x886: {  	v4 =	vor.u32 v26, v4;
	v5 =	vld.idx.msk [tilespmem:v5+s10+$0x0], $0xffff;
	v6 =	vshll.u32 v6, $0x6  }
0x887: {  	v7 =	vor.u32 v0, v6;
	_ =	sdelay $0x2  }
0x888: {  	v8 =	vor.u32 s1, v37  }
0x889: {  	[tilespmem:v4+s25+$0x0] =	vst.idx.msk $0xffff, v5;
	v4 =	vand.u32 $0x78, v8  }
0x88a: {  	v5 =	vld.idx.msk [tilespmem:v7+s10+$0x0], $0xffff;
	v7 =	vor.u32 v27, v4  }
0x88b: {  	v8 =	vor.u32 v48, v6;
	_ =	sdelay $0x3  }
0x88c: {  	[tilespmem:v7+s25+$0x0] =	vst.idx.msk $0xffff, v5  }
0x88d: {  	v7 =	vor.u32 v28, v4;
	v5 =	vld.idx.msk [tilespmem:v8+s10+$0x0], $0xffff  }
0x88e: {  	v8 =	vor.u32 v49, v6;
	_ =	sdelay $0x3  }
0x88f: {  	[tilespmem:v7+s25+$0x0] =	vst.idx.msk $0xffff, v5  }
0x890: {  	v7 =	vor.u32 v29, v4;
	v5 =	vld.idx.msk [tilespmem:v8+s10+$0x0], $0xffff  }
0x891: {  	v6 =	vor.u32 v50, v6;
	_ =	sdelay $0x3  }
0x892: {  	[tilespmem:v7+s25+$0x0] =	vst.idx.msk $0xffff, v5;
	v5 =	vor.u32 s1, v42  }
0x893: {  	v4 =	vor.u32 v30, v4;
	v6 =	vld.idx.msk [tilespmem:v6+s10+$0x0], $0xffff;
	v5 =	vshll.u32 v5, $0x6  }
0x894: {  	v7 =	vor.u32 v0, v5;
	_ =	sdelay $0x2  }
0x895: {  	v8 =	vor.u32 s1, v38  }
0x896: {  	[tilespmem:v4+s25+$0x0] =	vst.idx.msk $0xffff, v6;
	v4 =	vand.u32 $0x78, v8  }
0x897: {  	v6 =	vld.idx.msk [tilespmem:v7+s10+$0x0], $0xffff;
	v7 =	vor.u32 v31, v4  }
0x898: {  	v8 =	vor.u32 v48, v5;
	_ =	sdelay $0x3  }
0x899: {  	[tilespmem:v7+s25+$0x0] =	vst.idx.msk $0xffff, v6  }
0x89a: {  	v7 =	vor.u32 v32, v4;
	v6 =	vld.idx.msk [tilespmem:v8+s10+$0x0], $0xffff  }
0x89b: {  	v8 =	vor.u32 v49, v5;
	_ =	sdelay $0x3  }
0x89c: {  	[tilespmem:v7+s25+$0x0] =	vst.idx.msk $0xffff, v6  }
0x89d: {  	v7 =	vor.u32 v33, v4;
	v6 =	vld.idx.msk [tilespmem:v8+s10+$0x0], $0xffff  }
0x89e: {  	v5 =	vor.u32 v50, v5;
	_ =	sdelay $0x3  }
0x89f: {  	[tilespmem:v7+s25+$0x0] =	vst.idx.msk $0xffff, v6;
	v6 =	vor.u32 s1, v43  }
0x8a0: {  	v4 =	vor.u32 v34, v4;
	v5 =	vld.idx.msk [tilespmem:v5+s10+$0x0], $0xffff;
	v6 =	vshll.u32 v6, $0x6  }
0x8a1: {  	v7 =	vor.u32 v0, v6;
	_ =	sdelay $0x2  }
0x8a2: {  	v8 =	vor.u32 s1, v39  }
0x8a3: {  	[tilespmem:v4+s25+$0x0] =	vst.idx.msk $0xffff, v5;
	v4 =	vand.u32 $0x78, v8  }
0x8a4: {  	v5 =	vld.idx.msk [tilespmem:v7+s10+$0x0], $0xffff;
	v7 =	vor.u32 v51, v4  }
0x8a5: {  	v8 =	vor.u32 v48, v6;
	_ =	sdelay $0x3  }
0x8a6: {  	[tilespmem:v7+s25+$0x0] =	vst.idx.msk $0xffff, v5  }
0x8a7: {  	v7 =	vor.u32 v52, v4;
	v5 =	vld.idx.msk [tilespmem:v8+s10+$0x0], $0xffff  }
0x8a8: {  	v8 =	vor.u32 v49, v6;
	_ =	sdelay $0x3  }
0x8a9: {  	[tilespmem:v7+s25+$0x0] =	vst.idx.msk $0xffff, v5  }
0x8aa: {  	v7 =	vor.u32 v53, v4;
	v5 =	vld.idx.msk [tilespmem:v8+s10+$0x0], $0xffff  }
0x8ab: {  	v6 =	vor.u32 v50, v6;
	_ =	sdelay $0x3  }
0x8ac: {  	[tilespmem:v7+s25+$0x0] =	vst.idx.msk $0xffff, v5;
	v5 =	vor.u32 s1, v35  }
0x8ad: {  	v4 =	vor.u32 v54, v4;
	v6 =	vld.idx.msk [tilespmem:v6+s10+$0x0], $0xffff;
	v5 =	vshll.u32 v5, $0x6  }
0x8ae: {  	v7 =	vor.u32 v0, v5;
	_ =	sdelay $0x2  }
0x8af: {  	v8 =	vor.u32 s1, v44  }
0x8b0: {  	[tilespmem:v4+s25+$0x0] =	vst.idx.msk $0xffff, v6;
	v4 =	vand.u32 $0x78, v8  }
0x8b1: {  	v6 =	vld.idx.msk [tilespmem:v7+s10+$0x0], $0xffff;
	v7 =	vor.u32 v55, v4  }
0x8b2: {  	v8 =	vor.u32 v48, v5;
	_ =	sdelay $0x3  }
0x8b3: {  	[tilespmem:v7+s25+$0x0] =	vst.idx.msk $0xffff, v6  }
0x8b4: {  	v7 =	vor.u32 v56, v4;
	v6 =	vld.idx.msk [tilespmem:v8+s10+$0x0], $0xffff  }
0x8b5: {  	v8 =	vor.u32 v49, v5;
	_ =	sdelay $0x3  }
0x8b6: {  	[tilespmem:v7+s25+$0x0] =	vst.idx.msk $0xffff, v6  }
0x8b7: {  	v7 =	vor.u32 v57, v4;
	v6 =	vld.idx.msk [tilespmem:v8+s10+$0x0], $0xffff  }
0x8b8: {  	v5 =	vor.u32 v50, v5;
	_ =	sdelay $0x3  }
0x8b9: {  	[tilespmem:v7+s25+$0x0] =	vst.idx.msk $0xffff, v6;
	v6 =	vor.u32 s1, v15  }
0x8ba: {  	v4 =	vor.u32 v58, v4;
	v5 =	vld.idx.msk [tilespmem:v5+s10+$0x0], $0xffff;
	v6 =	vshll.u32 v6, $0x6  }
0x8bb: {  	v7 =	vor.u32 v0, v6;
	_ =	sdelay $0x2  }
0x8bc: {  	v8 =	vor.u32 s1, v45  }
0x8bd: {  	[tilespmem:v4+s25+$0x0] =	vst.idx.msk $0xffff, v5;
	v4 =	vand.u32 $0x78, v8  }
0x8be: {  	v5 =	vld.idx.msk [tilespmem:v7+s10+$0x0], $0xffff;
	v7 =	vor.u32 v59, v4  }
0x8bf: {  	v8 =	vor.u32 v48, v6;
	_ =	sdelay $0x3  }
0x8c0: {  	[tilespmem:v7+s25+$0x0] =	vst.idx.msk $0xffff, v5  }
0x8c1: {  	v7 =	vor.u32 v60, v4;
	v5 =	vld.idx.msk [tilespmem:v8+s10+$0x0], $0xffff  }
0x8c2: {  	v8 =	vor.u32 v49, v6;
	_ =	sdelay $0x3  }
0x8c3: {  	[tilespmem:v7+s25+$0x0] =	vst.idx.msk $0xffff, v5  }
0x8c4: {  	v7 =	vor.u32 v61, v4;
	v5 =	vld.idx.msk [tilespmem:v8+s10+$0x0], $0xffff  }
0x8c5: {  	v6 =	vor.u32 v50, v6;
	_ =	sdelay $0x3  }
0x8c6: {  	[tilespmem:v7+s25+$0x0] =	vst.idx.msk $0xffff, v5;
	v5 =	vor.u32 s1, v40  }
0x8c7: {  	v4 =	vor.u32 v62, v4;
	v6 =	vld.idx.msk [tilespmem:v6+s10+$0x0], $0xffff;
	v5 =	vshll.u32 v5, $0x6  }
0x8c8: {  	v7 =	vor.u32 v0, v5;
	_ =	sdelay $0x2  }
0x8c9: {  	v8 =	vor.u32 s1, v46  }
0x8ca: {  	[tilespmem:v4+s25+$0x0] =	vst.idx.msk $0xffff, v6;
	v4 =	vand.u32 $0x78, v8  }
0x8cb: {  	v6 =	vld.idx.msk [tilespmem:v7+s10+$0x0], $0xffff;
	v7 =	vor.u32 v63, v4  }
0x8cc: {  	v8 =	vor.u32 v48, v5;
	_ =	sdelay $0x3  }
0x8cd: {  	[tilespmem:v7+s25+$0x0] =	vst.idx.msk $0xffff, v6  }
0x8ce: {  	v7 =	vor.u32 v16, v4;
	v6 =	vld.idx.msk [tilespmem:v8+s10+$0x0], $0xffff  }
0x8cf: {  	v8 =	vor.u32 v49, v5;
	_ =	sdelay $0x3  }
0x8d0: {  	[tilespmem:v7+s25+$0x0] =	vst.idx.msk $0xffff, v6  }
0x8d1: {  	v7 =	vor.u32 v17, v4;
	v6 =	vld.idx.msk [tilespmem:v8+s10+$0x0], $0xffff  }
0x8d2: {  	v5 =	vor.u32 v50, v5;
	_ =	sdelay $0x3  }
0x8d3: {  	v1 =	vor.u32 s1, v1;
	[tilespmem:v7+s25+$0x0] =	vst.idx.msk $0xffff, v6  }
0x8d4: {  	v1 =	vshll.u32 v1, $0x6;
	v4 =	vor.u32 v18, v4;
	v5 =	vld.idx.msk [tilespmem:v5+s10+$0x0], $0xffff  }
0x8d5: {  	v6 =	vor.u32 v0, v1;
	_ =	sdelay $0x2  }
0x8d6: {  	v7 =	vor.u32 s1, v47  }
0x8d7: {  	[tilespmem:v4+s25+$0x0] =	vst.idx.msk $0xffff, v5;
	v4 =	vand.u32 $0x78, v7  }
0x8d8: {  	v5 =	vld.idx.msk [tilespmem:v6+s10+$0x0], $0xffff;
	v6 =	vor.u32 v19, v4  }
0x8d9: {  	v7 =	vor.u32 v48, v1;
	_ =	sdelay $0x3  }
0x8da: {  	[tilespmem:v6+s25+$0x0] =	vst.idx.msk $0xffff, v5  }
0x8db: {  	v6 =	vor.u32 v20, v4;
	v5 =	vld.idx.msk [tilespmem:v7+s10+$0x0], $0xffff  }
0x8dc: {  	v7 =	vor.u32 v49, v1;
	_ =	sdelay $0x3  }
0x8dd: {  	[tilespmem:v6+s25+$0x0] =	vst.idx.msk $0xffff, v5  }
0x8de: {  	v6 =	vor.u32 v21, v4;
	v5 =	vld.idx.msk [tilespmem:v7+s10+$0x0], $0xffff  }
0x8df: {  	v1 =	vor.u32 v50, v1;
	_ =	sdelay $0x3  }
0x8e0: {  	v2 =	vor.u32 s1, v2;
	[tilespmem:v6+s25+$0x0] =	vst.idx.msk $0xffff, v5  }
0x8e1: {  	v2 =	vshll.u32 v2, $0x6;
	v4 =	vor.u32 v22, v4;
	v1 =	vld.idx.msk [tilespmem:v1+s10+$0x0], $0xffff  }
0x8e2: {  	v5 =	vor.u32 v0, v2;
	_ =	sdelay $0x2  }
0x8e3: {  	v6 =	vor.u32 s1, v11  }
0x8e4: {  	[tilespmem:v4+s25+$0x0] =	vst.idx.msk $0xffff, v1;
	v1 =	vand.u32 $0x78, v6  }
0x8e5: {  	v4 =	vld.idx.msk [tilespmem:v5+s10+$0x0], $0xffff;
	v5 =	vor.u32 v23, v1  }
0x8e6: {  	v6 =	vor.u32 v48, v2;
	_ =	sdelay $0x3  }
0x8e7: {  	[tilespmem:v5+s25+$0x0] =	vst.idx.msk $0xffff, v4  }
0x8e8: {  	v5 =	vor.u32 v24, v1;
	v4 =	vld.idx.msk [tilespmem:v6+s10+$0x0], $0xffff  }
0x8e9: {  	v6 =	vor.u32 v49, v2;
	_ =	sdelay $0x3  }
0x8ea: {  	[tilespmem:v5+s25+$0x0] =	vst.idx.msk $0xffff, v4  }
0x8eb: {  	v5 =	vor.u32 v25, v1;
	v4 =	vld.idx.msk [tilespmem:v6+s10+$0x0], $0xffff  }
0x8ec: {  	v2 =	vor.u32 v50, v2;
	_ =	sdelay $0x3  }
0x8ed: {  	v3 =	vor.u32 s1, v3;
	[tilespmem:v5+s25+$0x0] =	vst.idx.msk $0xffff, v4  }
0x8ee: {  	v3 =	vshll.u32 v3, $0x6;
	v1 =	vor.u32 v26, v1;
	v2 =	vld.idx.msk [tilespmem:v2+s10+$0x0], $0xffff  }
0x8ef: {  	v4 =	vor.u32 v0, v3;
	_ =	sdelay $0x2  }
0x8f0: {  	v5 =	vor.u32 s1, v12  }
0x8f1: {  	[tilespmem:v1+s25+$0x0] =	vst.idx.msk $0xffff, v2;
	v1 =	vand.u32 $0x78, v5  }
0x8f2: {  	v2 =	vld.idx.msk [tilespmem:v4+s10+$0x0], $0xffff;
	v4 =	vor.u32 v27, v1  }
0x8f3: {  	v5 =	vor.u32 v48, v3;
	_ =	sdelay $0x3  }
0x8f4: {  	[tilespmem:v4+s25+$0x0] =	vst.idx.msk $0xffff, v2  }
0x8f5: {  	v4 =	vor.u32 v28, v1;
	v2 =	vld.idx.msk [tilespmem:v5+s10+$0x0], $0xffff  }
0x8f6: {  	v5 =	vor.u32 v49, v3;
	_ =	sdelay $0x3  }
0x8f7: {  	[tilespmem:v4+s25+$0x0] =	vst.idx.msk $0xffff, v2  }
0x8f8: {  	v4 =	vor.u32 v29, v1;
	v2 =	vld.idx.msk [tilespmem:v5+s10+$0x0], $0xffff  }
0x8f9: {  	v3 =	vor.u32 v50, v3;
	_ =	sdelay $0x3  }
0x8fa: {  	[tilespmem:v4+s25+$0x0] =	vst.idx.msk $0xffff, v2;
	v2 =	vor.u32 s1, v13  }
0x8fb: {  	v1 =	vor.u32 v30, v1;
	v3 =	vld.idx.msk [tilespmem:v3+s10+$0x0], $0xffff;
	v2 =	vshll.u32 v2, $0x6  }
0x8fc: {  	v4 =	vor.u32 v0, v2;
	_ =	sdelay $0x2  }
0x8fd: {  	v5 =	vor.u32 s1, v10  }
0x8fe: {  	[tilespmem:v1+s25+$0x0] =	vst.idx.msk $0xffff, v3;
	v1 =	vand.u32 $0x78, v5  }
0x8ff: {  	v3 =	vld.idx.msk [tilespmem:v4+s10+$0x0], $0xffff;
	v4 =	vor.u32 v31, v1  }
0x900: {  	v5 =	vor.u32 v48, v2;
	_ =	sdelay $0x3  }
0x901: {  	[tilespmem:v4+s25+$0x0] =	vst.idx.msk $0xffff, v3  }
0x902: {  	v4 =	vor.u32 v32, v1;
	v3 =	vld.idx.msk [tilespmem:v5+s10+$0x0], $0xffff  }
0x903: {  	v5 =	vor.u32 v49, v2;
	_ =	sdelay $0x3  }
0x904: {  	[tilespmem:v4+s25+$0x0] =	vst.idx.msk $0xffff, v3  }
0x905: {  	v4 =	vor.u32 v33, v1;
	v3 =	vld.idx.msk [tilespmem:v5+s10+$0x0], $0xffff  }
0x906: {  	v2 =	vor.u32 v50, v2;
	_ =	sdelay $0x3  }
0x907: {  	[tilespmem:v4+s25+$0x0] =	vst.idx.msk $0xffff, v3  }
0x908: {  	s11 =	sshll.u32 s31, $0xF;
	s31 =	sadd.s32 $0x1, s31;
	v1 =	vor.u32 v34, v1;
	v2 =	vld.idx.msk [tilespmem:v2+s10+$0x0], $0xffff  }
0x909: {  	p0 =	sne.s32 s31, $0x32  }
.Ltmp5:
0x90a: {  	_ = 	snop;
	(pc) =	sbr.rel @p0 .LBB2_9-.Ltmp5, $4  }
0x90b: {  	_ = 	snop  }
0x90c: {  	v20 =	vld [tilespmem:$0x1FFC0]  }
0x90d: {  	s0 =	sor.u32 $0x11900, s0;
	v21 =	vld [tilespmem:$0x1FFD0];
	v7 =	vmov v10;
	s1 =	sadd.s32 s11, s5;
	[tilespmem:v1+s25+$0x0] =	vst.idx.msk $0xffff, v2  }
0x90e: {  	v22 =	vld [tilespmem:$0x1FFE0];
	v8 =	vmovc v7;
	v23 =	vmov v14;
	v6 =	vmov v12;
	v10 =	vmov v11;
	[hbm4b:s1+s26] =	stream.strided.scatter [tilespmem:s0], [sflag:$0x2], $0x2000, s28, s26, $0x38  }
0x90f: {  	s30 =	sadd.s32 $0x1, s30  }
0x910: {  	_ =	swait.ge [sflag:s29], $0x2000;
	p0 =	sne.s32 s30, s6  }
.Ltmp6:
0x911: {  	[sflag:s29] =	ssyncset.done $0x0;
	(pc) =	sbr.rel @p0 .LBB2_1-.Ltmp6, $4  }
0x912: {  	[sflag:s29] =	ssyncadd.s32 $0xFFFFE000  }
0x913: {  	_ =	swait.ge [sflag:s29], $0x2000  }
0x914: {  	[sflag:s29] =	ssyncset.done $0x0  }
0x915: {  	[sflag:s29] =	ssyncadd.s32 $0xFFFFE000  }
0x916: {  	_ =	sfence.sel $0x180000  }
0x917: {  	[bflag:$0x0] =	sbarrier.arrive $0xFFFF  }
0x918: {  	_ =	strace $0x90000047  }
0x919: {  	s0 =	stileid.u32;
	[bflag:$0x2] =	sbarrier.arrive $0xFFFF  }
0x91a: {  	p0 =	sne.s32 s0, $0x0;
	s0 =	rddreg [dreg:$0x2]  }
0x91b: {  	s0 =	sadd.s32 @!p0 $0x100000, s0  }
0x91c: {  	[sflag:s0] =	ssyncadd.tile.s32 @!p0 $0x1;
	_ =	shalt  }
.Lfunc_end2:
_tile_overlayer_lowered:
.L_overlay_start_2:
0x91d: {  	(tag) =	ssettag $0x2  }
0x91e: {  	s0 =	rddreg [dreg:$0x0];
	s2 =	stileid.u32  }
0x91f: {  	s1 =	rddreg [dreg:$0x1];
	p0 =	sne.s32 s2, $0x0  }
0x920: {  	s3 =	rddreg [dreg:$0x2];
	[bflag:$0x3] =	sbarrier.arrive $0xFFFF;
	s2 =	simm.s32 @!p0 $0x1C03  }
0x921: {  	[timem:s3], [sflag:s2] =	dma.local @!p0 [hbm:s0], s1  }
0x922: {  	s0 =	simm.s32 @!p0 $0x3  }
0x923: {  	_ =	swait.ge @!p0 [sflag:s0], s1  }
0x924: {  	s1 =	ssub.s32 @!p0 $0x0, s1;
	[sflag:s0] =	ssyncset.done @!p0 $0x0  }
0x925: {  	[sflag:s0] =	ssyncadd.s32 @!p0 s1  }
0x926: {  	[bflag:$0x3] =	sbarrier.arrive $0xFFFF  }
0x927: {  	_ =	shalt  }

</sc_bundles>
